<compile_context>
chip_gen: v7x
topology: tpu7x:2x2x1
jax: 0.10.2.dev20260603
libtpu: 0.0.44.dev20260713+nightly
codegen_flags: <defaults>
</compile_context>

<pallas_src>
import jax
import jax.numpy as jnp
from jax import lax
from jax.experimental import pallas as pl
from jax.experimental.pallas import tpu as pltpu
from jax.experimental.pallas import tpu_sc as plsc

N = 10000
E = 320000
D = 128
DE = 16
H = 8
DH = 16

HD2 = 64
ACCW = 80
NPAD = 10240
NW = 32
EPW = E // NW
C = 80
NCHUNK = EPW // C
RPS = NPAD // 16



def _split(res):
    return jnp.stack([res[:, :HD2], res[:, HD2:]], axis=0)


def _proj_body(x_ref, qw, qb, kw, kb, vw, vb, q_out, kv_out):
    xb = x_ref[...]
    q_out[...] = _split(
        jnp.dot(xb, qw[...], preferred_element_type=jnp.float32) + qb[...])
    k = jnp.dot(xb, kw[...], preferred_element_type=jnp.float32) + kb[...]
    v = jnp.dot(xb, vw[...], preferred_element_type=jnp.float32) + vb[...]
    kv_out[...] = jnp.stack(
        [jnp.concatenate([k[:, :HD2], v[:, :HD2]], axis=1),
         jnp.concatenate([k[:, HD2:], v[:, HD2:]], axis=1)], axis=0)


def _proj(x, qw, qb, kw, kb, vw, vb):
    blk = 1000
    grid = (N // blk,)
    w_spec = pl.BlockSpec((D, D), lambda i: (0, 0))
    b_spec = pl.BlockSpec((1, D), lambda i: (0, 0))
    x_spec = pl.BlockSpec((blk, D), lambda i: (i, 0))
    o_spec = pl.BlockSpec((2, blk, HD2), lambda i: (0, i, 0))
    kv_spec = pl.BlockSpec((2, blk, D), lambda i: (0, i, 0))
    return pl.pallas_call(
        _proj_body,
        grid=grid,
        in_specs=[x_spec, w_spec, b_spec, w_spec, b_spec, w_spec, b_spec],
        out_specs=[o_spec, kv_spec],
        out_shape=[jax.ShapeDtypeStruct((2, N, HD2), jnp.float32),
                   jax.ShapeDtypeStruct((2, N, D), jnp.float32)],
    )(x, qw, qb, kw, kb, vw, vb)


def _ee_body(ea_ref, w, b, out):
    out[...] = (jnp.dot(ea_ref[...], w[...], preferred_element_type=jnp.float32)
                + b[...]) * 0.25


def _ee(edge_attr, w, b):
    blk = 16000
    grid = (E // blk,)
    return pl.pallas_call(
        _ee_body,
        grid=grid,
        in_specs=[
            pl.BlockSpec((blk, DE), lambda i: (i, 0)),
            pl.BlockSpec((DE, D), lambda i: (0, 0)),
            pl.BlockSpec((1, D), lambda i: (0, 0)),
        ],
        out_specs=pl.BlockSpec((blk, D), lambda i: (i, 0)),
        out_shape=jax.ShapeDtypeStruct((E, D), jnp.float32),
    )(edge_attr, w, b)




def _edge_body(kvh, qh, eeh, eidx, zrows, outh,
               src_all, dst_all, kvb0, qb0, eb0, kvb1, qb1, eb1,
               msg0, msg1, acc, sem0, sem1):
    cid = lax.axis_index("c")
    sid = lax.axis_index("s")
    wid = cid * 16 + sid
    base_e = wid * EPW
    r0 = sid * RPS

    iota16 = lax.iota(jnp.int32, 16)

    pltpu.sync_copy(eidx.at[0].at[pl.ds(base_e, EPW)], src_all)
    pltpu.sync_copy(eidx.at[1].at[pl.ds(base_e, EPW)], dst_all)

    bufs = ((kvb0, qb0, eb0, msg0, sem0),
            (kvb1, qb1, eb1, msg1, sem1))

    for p in range(2):

        def _fire(ci, s):
            kvb, qb, eb, _, sem = bufs[s]
            s_idx = src_all.at[pl.ds(ci * C, C)]
            d_idx = dst_all.at[pl.ds(ci * C, C)]
            pltpu.async_copy(kvh.at[p].at[s_idx], kvb, sem)
            pltpu.async_copy(qh.at[p].at[d_idx], qb, sem)
            pltpu.async_copy(
                eeh.at[pl.ds(base_e + ci * C, C), pl.ds(p * HD2, HD2)],
                eb, sem)

        def _drain(s):
            kvb, qb, eb, _, sem = bufs[s]
            for dst_buf in (kvb, qb, eb):
                pltpu.make_async_copy(
                    eeh.at[pl.ds(0, C), pl.ds(0, HD2)], dst_buf, sem).wait()

        def _compute_scatter(ci, s):
            kvb, qb, eb, msg, _ = bufs[s]

            @plsc.parallel_loop(0, C, step=1, unroll=4)
            def _edge_compute(e):
                svec = jnp.zeros((16,), jnp.float32)
                for h in range(H // 2):
                    ks = kvb[e, pl.ds(h * DH, DH)]
                    qs = qb[e, pl.ds(h * DH, DH)]
                    es = eb[e, pl.ds(h * DH, DH)]
                    sr = jnp.sum(ks * qs * es)
                    sv = jnp.exp(
                        jnp.clip(jnp.broadcast_to(sr, (16,)), -5.0, 5.0))
                    vs = kvb[e, pl.ds(HD2 + h * DH, DH)]
                    msg[e, pl.ds(h * DH, DH)] = vs * sv
                    svec = jnp.where(iota16 == h, sv, svec)
                msg[e, pl.ds(HD2, 16)] = svec

            pltpu.sync_copy(msg, acc.at[dst_all.at[pl.ds(ci * C, C)]],
                            add=True)

        pltpu.sync_copy(zrows, acc.at[pl.ds(r0, RPS)])
        plsc.subcore_barrier()

        _fire(0, 0)

        def _pipe(t, carry):
            c0 = 2 * t
            _fire(c0 + 1, 1)
            _drain(0)
            _compute_scatter(c0, 0)
            _fire(c0 + 2, 0)
            _drain(1)
            _compute_scatter(c0 + 1, 1)
            return carry

        lax.fori_loop(0, (NCHUNK - 1) // 2, _pipe, 0)
        _drain(0)
        _compute_scatter(NCHUNK - 1, 0)

        plsc.subcore_barrier()

        pltpu.sync_copy(acc.at[pl.ds(r0, RPS)],
                        outh.at[cid].at[p].at[pl.ds(r0, RPS), pl.ds(0, ACCW)])


def _edge(kvh, qh, ee, eidx, zrows):
    mesh = plsc.VectorSubcoreMesh(core_axis_name="c", subcore_axis_name="s")
    hbuf = pltpu.VMEM((C, HD2), jnp.float32)
    kvbuf = pltpu.VMEM((C, D), jnp.float32)
    return pl.kernel(
        _edge_body,
        out_type=jax.ShapeDtypeStruct((2, 2, NPAD, D), jnp.float32),
        mesh=mesh,
        scratch_types=[
            pltpu.VMEM((EPW,), jnp.int32),
            pltpu.VMEM((EPW,), jnp.int32),
            kvbuf, hbuf, hbuf, kvbuf, hbuf, hbuf,
            pltpu.VMEM((C, ACCW), jnp.float32),
            pltpu.VMEM((C, ACCW), jnp.float32),
            pltpu.VMEM_SHARED((NPAD, ACCW), jnp.float32),
            pltpu.SemaphoreType.DMA,
            pltpu.SemaphoreType.DMA,
        ],
        compiler_params=pltpu.CompilerParams(
            needs_layout_passes=False, use_tc_tiling_on_sc=False),
    )(kvh, qh, ee, eidx, zrows)




def _final_body(p_ref, out):
    lo = p_ref[0, 0] + p_ref[1, 0]
    hi = p_ref[0, 1] + p_ref[1, 1]
    blk = lo.shape[0]
    wv = jnp.concatenate([lo[:, :HD2], hi[:, :HD2]], axis=1)
    z = jnp.concatenate([lo[:, HD2:HD2 + 4], hi[:, HD2:HD2 + 4]], axis=1)
    zb = jnp.broadcast_to(z.reshape(blk, H, 1), (blk, H, DH)).reshape(blk, D)
    out[...] = wv / (zb + 1e-6)


def _final(parts):
    blk = 1000
    grid = (N // blk,)
    return pl.pallas_call(
        _final_body,
        grid=grid,
        in_specs=[pl.BlockSpec((2, 2, blk, D), lambda i: (0, 0, i, 0))],
        out_specs=pl.BlockSpec((blk, D), lambda i: (i, 0)),
        out_shape=jax.ShapeDtypeStruct((N, D), jnp.float32),
    )(parts)




def kernel(x, edge_index, edge_attr, batch_vec, Q_W, Q_b, K_W, K_b,
           E_W, E_b, V_W, V_b):
    qh, kvh = _proj(x, Q_W, Q_b.reshape(1, D), K_W, K_b.reshape(1, D),
                    V_W, V_b.reshape(1, D))
    ee = _ee(edge_attr, E_W, E_b.reshape(1, D))
    zrows = jnp.zeros((RPS, ACCW), jnp.float32)
    parts = _edge(kvh, qh, ee, edge_index, zrows)
    return _final(parts)

# --- scband reference (transcript-rebuilt; emitter-appended) ---
"""Pipeline reference for scband-exphormer-attention-18786186952962 (READ-ONLY COPY).

The authoritative reference and input builder live on the scoring server;
editing this copy changes nothing except your own understanding.
"""

import jax, jax.numpy as jnp
import numpy as np

N = 10000
E = 320000
D = 128
DE = 16
H = 8
DH = 16

def setup_inputs(seed: int = 0) -> dict:
    key = jax.random.key(seed)
    ks = jax.random.split(key, 12)
    x = jax.random.normal(ks[0], (N, D), dtype=jnp.float32)
    edge_index = jax.random.randint(ks[1], (2, E), 0, N, dtype=jnp.int32)
    edge_attr = jax.random.normal(ks[2], (E, DE), dtype=jnp.float32)
    batch_vec = jnp.zeros((N,), dtype=jnp.int32)
    s = 1.0 / np.sqrt(D)
    se = 1.0 / np.sqrt(DE)
    Q_W = jax.random.normal(ks[3], (D, D), dtype=jnp.float32) * s
    Q_b = jnp.zeros((D,), dtype=jnp.float32)
    K_W = jax.random.normal(ks[4], (D, D), dtype=jnp.float32) * s
    K_b = jnp.zeros((D,), dtype=jnp.float32)
    E_W = jax.random.normal(ks[5], (DE, D), dtype=jnp.float32) * se
    E_b = jnp.zeros((D,), dtype=jnp.float32)
    V_W = jax.random.normal(ks[6], (D, D), dtype=jnp.float32) * s
    V_b = jnp.zeros((D,), dtype=jnp.float32)
    return {"x": x, "edge_index": edge_index, "edge_attr": edge_attr, "batch_vec": batch_vec,
            "Q_W": Q_W, "Q_b": Q_b, "K_W": K_W, "K_b": K_b,
            "E_W": E_W, "E_b": E_b, "V_W": V_W, "V_b": V_b}

def reference(x, edge_index, edge_attr, batch_vec, Q_W, Q_b, K_W, K_b, E_W, E_b, V_W, V_b):
    num_node = batch_vec.shape[0]
    Q_h = (x @ Q_W + Q_b).reshape(-1, H, DH)
    K_h = (x @ K_W + K_b).reshape(-1, H, DH)
    Ee = (edge_attr @ E_W + E_b).reshape(-1, H, DH)
    V_h = (x @ V_W + V_b).reshape(-1, H, DH)
    src_idx = edge_index[0]
    dst_idx = edge_index[1]
    src = jnp.take(K_h, src_idx, axis=0)
    dest = jnp.take(Q_h, dst_idx, axis=0)
    score = src * dest / np.sqrt(DH)
    score = score * Ee
    score = jnp.exp(jnp.clip(jnp.sum(score, axis=-1, keepdims=True), -5.0, 5.0))
    v_src = jnp.take(V_h, src_idx, axis=0)
    msg = v_src * score
    wV = jnp.zeros_like(V_h).at[dst_idx].add(msg)
    Z = jnp.zeros((V_h.shape[0], H, 1), dtype=V_h.dtype).at[dst_idx].add(score)
    h_out = (wV / (Z + 1e-6)).reshape(-1, H * DH)
    return h_out[:num_node]

if __name__ == "__main__":
    import jax
    _d = setup_inputs()
    print(jax.jit(kernel)(*tuple(_d.values())))

</pallas_src>

<mosaic_0001>
#map = affine_map<(d0, d1) -> (0, 0, 0)>
#map1 = affine_map<(d0, d1) -> (0, 0)>
#map2 = affine_map<(d0, d1) -> (0, 0, 0, 0)>
module attributes {stable_mosaic.version = 14 : i64} {
  func.func @_edge_body(%arg0: i32, %arg1: i32, %arg2: memref<2x10000x128xf32, #tpu.memory_space<hbm>>, %arg3: memref<2x10000x64xf32, #tpu.memory_space<hbm>>, %arg4: memref<320000x128xf32, #tpu.memory_space<hbm>>, %arg5: memref<2x320000xi32, #tpu.memory_space<hbm>>, %arg6: memref<640x80xf32, #tpu.memory_space<hbm>>, %arg7: memref<2x2x10240x128xf32, #tpu.memory_space<hbm>>, %arg8: memref<10000xi32, #tpu.memory_space<vmem>>, %arg9: memref<10000xi32, #tpu.memory_space<vmem>>, %arg10: memref<80x128xf32, #tpu.memory_space<vmem>>, %arg11: memref<80x64xf32, #tpu.memory_space<vmem>>, %arg12: memref<80x64xf32, #tpu.memory_space<vmem>>, %arg13: memref<80x128xf32, #tpu.memory_space<vmem>>, %arg14: memref<80x64xf32, #tpu.memory_space<vmem>>, %arg15: memref<80x64xf32, #tpu.memory_space<vmem>>, %arg16: memref<80x80xf32, #tpu.memory_space<vmem>>, %arg17: memref<80x80xf32, #tpu.memory_space<vmem>>, %arg18: memref<10240x80xf32, #tpu.memory_space<vmem_shared>>, %arg19: memref<!tpu.dma_semaphore, #tpu.memory_space<semaphore_mem>>, %arg20: memref<!tpu.dma_semaphore, #tpu.memory_space<semaphore_mem>>) attributes {dimension_semantics = [#tpu.dimension_semantics<core_parallel>, #tpu.dimension_semantics<subcore_parallel>], iteration_bounds = array<i64: 2, 16>, scalar_prefetch = 0 : i64, scratch_operands = 13 : i64, tpu.core_type = #tpu.core_type<sc_vector_subcore>, window_params = [{transform_indices = #map}, {transform_indices = #map}, {transform_indices = #map1}, {transform_indices = #map1}, {transform_indices = #map1}, {transform_indices = #map2}]} {
    %mul3A = arith.constant 16 : i32
    %mul3A_0 = arith.muli %arg0, %mul3A : i32
    %add3A = arith.addi %mul3A_0, %arg1 : i32
    %mul3A_1 = arith.constant 10000 : i32
    %mul3A_2 = arith.muli %add3A, %mul3A_1 : i32
    %mul3A_3 = arith.constant 640 : i32
    %mul3A_4 = arith.muli %arg1, %mul3A_3 : i32
    %iota3A = tpu.iota {dimensions = array<i32: 0>} : vector<16xi32>
    %run_scoped3A = arith.constant 0 : i32
    "tpu.region"() ({
      %run_scoped3A_113 = tpu.sem_alloc : memref<!tpu.dma_semaphore, #tpu.memory_space<semaphore_mem>>
      %dma_start3A_114 = arith.constant 0 : i32
      %dma_start3A_115 = tpu.memref_slice %arg5[%run_scoped3A, %dma_start3A_114] : memref<2x320000xi32, #tpu.memory_space<hbm>> -> memref<1x320000xi32, #tpu.memory_space<hbm>>
      %dma_start3A_116 = tpu.memref_squeeze %dma_start3A_115 : memref<1x320000xi32, #tpu.memory_space<hbm>> -> memref<320000xi32, #tpu.memory_space<hbm>>
      %dma_start3A_117 = tpu.memref_slice %dma_start3A_116[%mul3A_2] : memref<320000xi32, #tpu.memory_space<hbm>> -> memref<10000xi32, #tpu.memory_space<hbm>>
      %dma_start3A_118 = arith.constant 0 : i32
      %dma_start3A_119 = tpu.memref_slice %arg5[%run_scoped3A, %dma_start3A_118] : memref<2x320000xi32, #tpu.memory_space<hbm>> -> memref<1x320000xi32, #tpu.memory_space<hbm>>
      %dma_start3A_120 = tpu.memref_squeeze %dma_start3A_119 : memref<1x320000xi32, #tpu.memory_space<hbm>> -> memref<320000xi32, #tpu.memory_space<hbm>>
      %dma_start3A_121 = tpu.memref_slice %dma_start3A_120[%mul3A_2] : memref<320000xi32, #tpu.memory_space<hbm>> -> memref<10000xi32, #tpu.memory_space<hbm>>
      tpu.enqueue_dma source(%dma_start3A_121 : memref<10000xi32, #tpu.memory_space<hbm>>) target(%arg8 : memref<10000xi32, #tpu.memory_space<vmem>>) target_semaphore(%run_scoped3A_113 : memref<!tpu.dma_semaphore, #tpu.memory_space<semaphore_mem>>)
      %dma_wait3A_122 = arith.constant 0 : i32
      %dma_wait3A_123 = tpu.memref_slice %arg5[%run_scoped3A, %dma_wait3A_122] : memref<2x320000xi32, #tpu.memory_space<hbm>> -> memref<1x320000xi32, #tpu.memory_space<hbm>>
      %dma_wait3A_124 = tpu.memref_squeeze %dma_wait3A_123 : memref<1x320000xi32, #tpu.memory_space<hbm>> -> memref<320000xi32, #tpu.memory_space<hbm>>
      %dma_wait3A_125 = tpu.memref_slice %dma_wait3A_124[%mul3A_2] : memref<320000xi32, #tpu.memory_space<hbm>> -> memref<10000xi32, #tpu.memory_space<hbm>>
      %dma_wait3A_126 = arith.constant 0 : i32
      %dma_wait3A_127 = tpu.memref_slice %arg5[%run_scoped3A, %dma_wait3A_126] : memref<2x320000xi32, #tpu.memory_space<hbm>> -> memref<1x320000xi32, #tpu.memory_space<hbm>>
      %dma_wait3A_128 = tpu.memref_squeeze %dma_wait3A_127 : memref<1x320000xi32, #tpu.memory_space<hbm>> -> memref<320000xi32, #tpu.memory_space<hbm>>
      %dma_wait3A_129 = tpu.memref_slice %dma_wait3A_128[%mul3A_2] : memref<320000xi32, #tpu.memory_space<hbm>> -> memref<10000xi32, #tpu.memory_space<hbm>>
      tpu.wait_dma2 semaphore(%run_scoped3A_113 : memref<!tpu.dma_semaphore, #tpu.memory_space<semaphore_mem>>) src(%dma_wait3A_129 : memref<10000xi32, #tpu.memory_space<hbm>>) dst(%arg8 : memref<10000xi32, #tpu.memory_space<vmem>>)
      tpu.yield
    }) : () -> ()
    %run_scoped3A_5 = arith.constant 1 : i32
    "tpu.region"() ({
      %run_scoped3A_113 = tpu.sem_alloc : memref<!tpu.dma_semaphore, #tpu.memory_space<semaphore_mem>>
      %dma_start3A_114 = arith.constant 0 : i32
      %dma_start3A_115 = tpu.memref_slice %arg5[%run_scoped3A_5, %dma_start3A_114] : memref<2x320000xi32, #tpu.memory_space<hbm>> -> memref<1x320000xi32, #tpu.memory_space<hbm>>
      %dma_start3A_116 = tpu.memref_squeeze %dma_start3A_115 : memref<1x320000xi32, #tpu.memory_space<hbm>> -> memref<320000xi32, #tpu.memory_space<hbm>>
      %dma_start3A_117 = tpu.memref_slice %dma_start3A_116[%mul3A_2] : memref<320000xi32, #tpu.memory_space<hbm>> -> memref<10000xi32, #tpu.memory_space<hbm>>
      %dma_start3A_118 = arith.constant 0 : i32
      %dma_start3A_119 = tpu.memref_slice %arg5[%run_scoped3A_5, %dma_start3A_118] : memref<2x320000xi32, #tpu.memory_space<hbm>> -> memref<1x320000xi32, #tpu.memory_space<hbm>>
      %dma_start3A_120 = tpu.memref_squeeze %dma_start3A_119 : memref<1x320000xi32, #tpu.memory_space<hbm>> -> memref<320000xi32, #tpu.memory_space<hbm>>
      %dma_start3A_121 = tpu.memref_slice %dma_start3A_120[%mul3A_2] : memref<320000xi32, #tpu.memory_space<hbm>> -> memref<10000xi32, #tpu.memory_space<hbm>>
      tpu.enqueue_dma source(%dma_start3A_121 : memref<10000xi32, #tpu.memory_space<hbm>>) target(%arg9 : memref<10000xi32, #tpu.memory_space<vmem>>) target_semaphore(%run_scoped3A_113 : memref<!tpu.dma_semaphore, #tpu.memory_space<semaphore_mem>>)
      %dma_wait3A_122 = arith.constant 0 : i32
      %dma_wait3A_123 = tpu.memref_slice %arg5[%run_scoped3A_5, %dma_wait3A_122] : memref<2x320000xi32, #tpu.memory_space<hbm>> -> memref<1x320000xi32, #tpu.memory_space<hbm>>
      %dma_wait3A_124 = tpu.memref_squeeze %dma_wait3A_123 : memref<1x320000xi32, #tpu.memory_space<hbm>> -> memref<320000xi32, #tpu.memory_space<hbm>>
      %dma_wait3A_125 = tpu.memref_slice %dma_wait3A_124[%mul3A_2] : memref<320000xi32, #tpu.memory_space<hbm>> -> memref<10000xi32, #tpu.memory_space<hbm>>
      %dma_wait3A_126 = arith.constant 0 : i32
      %dma_wait3A_127 = tpu.memref_slice %arg5[%run_scoped3A_5, %dma_wait3A_126] : memref<2x320000xi32, #tpu.memory_space<hbm>> -> memref<1x320000xi32, #tpu.memory_space<hbm>>
      %dma_wait3A_128 = tpu.memref_squeeze %dma_wait3A_127 : memref<1x320000xi32, #tpu.memory_space<hbm>> -> memref<320000xi32, #tpu.memory_space<hbm>>
      %dma_wait3A_129 = tpu.memref_slice %dma_wait3A_128[%mul3A_2] : memref<320000xi32, #tpu.memory_space<hbm>> -> memref<10000xi32, #tpu.memory_space<hbm>>
      tpu.wait_dma2 semaphore(%run_scoped3A_113 : memref<!tpu.dma_semaphore, #tpu.memory_space<semaphore_mem>>) src(%dma_wait3A_129 : memref<10000xi32, #tpu.memory_space<hbm>>) dst(%arg9 : memref<10000xi32, #tpu.memory_space<vmem>>)
      tpu.yield
    }) : () -> ()
    "tpu.region"() ({
      %run_scoped3A_113 = tpu.sem_alloc : memref<!tpu.dma_semaphore, #tpu.memory_space<semaphore_mem>>
      %dma_start3A_114 = arith.constant 0 : i32
      %dma_start3A_115 = tpu.memref_slice %arg18[%mul3A_4, %dma_start3A_114] : memref<10240x80xf32, #tpu.memory_space<vmem_shared>> -> memref<640x80xf32, #tpu.memory_space<vmem_shared>>
      tpu.enqueue_dma source(%arg6 : memref<640x80xf32, #tpu.memory_space<hbm>>) target(%dma_start3A_115 : memref<640x80xf32, #tpu.memory_space<vmem_shared>>) target_semaphore(%run_scoped3A_113 : memref<!tpu.dma_semaphore, #tpu.memory_space<semaphore_mem>>)
      %dma_wait3A_116 = arith.constant 0 : i32
      %dma_wait3A_117 = tpu.memref_slice %arg18[%mul3A_4, %dma_wait3A_116] : memref<10240x80xf32, #tpu.memory_space<vmem_shared>> -> memref<640x80xf32, #tpu.memory_space<vmem_shared>>
      tpu.wait_dma2 semaphore(%run_scoped3A_113 : memref<!tpu.dma_semaphore, #tpu.memory_space<semaphore_mem>>) src(%arg6 : memref<640x80xf32, #tpu.memory_space<hbm>>) dst(%dma_wait3A_117 : memref<640x80xf32, #tpu.memory_space<vmem_shared>>)
      tpu.yield
    }) : () -> ()
    %barrier3A = arith.constant 0 : index
    tpu.barrier barrier_id(%barrier3A)
    %dma_start3A = arith.constant 0 : i32
    %dma_start3A_6 = arith.constant 0 : i32
    %dma_start3A_7 = tpu.memref_slice %arg8[%dma_start3A_6] : memref<10000xi32, #tpu.memory_space<vmem>> -> memref<80xi32, #tpu.memory_space<vmem>>
    %dma_start3A_8 = arith.constant 0 : i32
    %dma_start3A_9 = arith.constant 0 : i32
    %dma_start3A_10 = tpu.memref_slice %arg2[%dma_start3A, %dma_start3A_8, %dma_start3A_9] : memref<2x10000x128xf32, #tpu.memory_space<hbm>> -> memref<1x10000x128xf32, #tpu.memory_space<hbm>>
    %dma_start3A_11 = tpu.memref_squeeze %dma_start3A_10 : memref<1x10000x128xf32, #tpu.memory_space<hbm>> -> memref<10000x128xf32, #tpu.memory_space<hbm>>
    %dma_start3A_12 = arith.constant 0 : i32
    %dma_start3A_13 = arith.constant 0 : i32
    %dma_start3A_14 = tpu.memref_slice %dma_start3A_11[%dma_start3A_12, %dma_start3A_13] : memref<10000x128xf32, #tpu.memory_space<hbm>> -> memref<10000x128xf32, #tpu.memory_space<hbm>>
    tpu.enqueue_indirect_dma source(%dma_start3A_14 : memref<10000x128xf32, #tpu.memory_space<hbm>>) target(%arg10 : memref<80x128xf32, #tpu.memory_space<vmem>>) offsets(%dma_start3A_7 : memref<80xi32, #tpu.memory_space<vmem>>) semaphore(%arg19 : memref<!tpu.dma_semaphore, #tpu.memory_space<semaphore_mem>>)
    %dma_start3A_15 = arith.constant 0 : i32
    %dma_start3A_16 = arith.constant 0 : i32
    %dma_start3A_17 = tpu.memref_slice %arg9[%dma_start3A_16] : memref<10000xi32, #tpu.memory_space<vmem>> -> memref<80xi32, #tpu.memory_space<vmem>>
    %dma_start3A_18 = arith.constant 0 : i32
    %dma_start3A_19 = arith.constant 0 : i32
    %dma_start3A_20 = tpu.memref_slice %arg3[%dma_start3A_15, %dma_start3A_18, %dma_start3A_19] : memref<2x10000x64xf32, #tpu.memory_space<hbm>> -> memref<1x10000x64xf32, #tpu.memory_space<hbm>>
    %dma_start3A_21 = tpu.memref_squeeze %dma_start3A_20 : memref<1x10000x64xf32, #tpu.memory_space<hbm>> -> memref<10000x64xf32, #tpu.memory_space<hbm>>
    %dma_start3A_22 = arith.constant 0 : i32
    %dma_start3A_23 = arith.constant 0 : i32
    %dma_start3A_24 = tpu.memref_slice %dma_start3A_21[%dma_start3A_22, %dma_start3A_23] : memref<10000x64xf32, #tpu.memory_space<hbm>> -> memref<10000x64xf32, #tpu.memory_space<hbm>>
    tpu.enqueue_indirect_dma source(%dma_start3A_24 : memref<10000x64xf32, #tpu.memory_space<hbm>>) target(%arg11 : memref<80x64xf32, #tpu.memory_space<vmem>>) offsets(%dma_start3A_17 : memref<80xi32, #tpu.memory_space<vmem>>) semaphore(%arg19 : memref<!tpu.dma_semaphore, #tpu.memory_space<semaphore_mem>>)
    %add3A_25 = arith.constant 0 : i32
    %add3A_26 = arith.addi %mul3A_2, %add3A_25 : i32
    %dma_start3A_27 = arith.constant 0 : i32
    %dma_start3A_28 = tpu.memref_slice %arg4[%add3A_26, %dma_start3A_27] : memref<320000x128xf32, #tpu.memory_space<hbm>> -> memref<80x64xf32, #tpu.memory_space<hbm>>
    %dma_start3A_29 = arith.constant 0 : i32
    %dma_start3A_30 = tpu.memref_slice %arg4[%add3A_26, %dma_start3A_29] : memref<320000x128xf32, #tpu.memory_space<hbm>> -> memref<80x64xf32, #tpu.memory_space<hbm>>
    tpu.enqueue_dma source(%dma_start3A_30 : memref<80x64xf32, #tpu.memory_space<hbm>>) target(%arg12 : memref<80x64xf32, #tpu.memory_space<vmem>>) target_semaphore(%arg19 : memref<!tpu.dma_semaphore, #tpu.memory_space<semaphore_mem>>)
    %scan3A = arith.constant 0 : i32
    %scan3A_31 = arith.constant 0 : i32
    %scan3A_32 = arith.constant 62 : i32
    %scan3A_33 = arith.addi %scan3A_31, %scan3A_32 : i32
    %scan3A_34 = arith.constant 1 : i32
    scf.for %scan3A_113 = %scan3A_31 to %scan3A_33 step %scan3A_34  : i32 {
      %mul3A_114 = arith.constant 2 : i32
      %mul3A_115 = arith.muli %mul3A_114, %scan3A_113 : i32
      %add3A_116 = arith.constant 1 : i32
      %add3A_117 = arith.addi %mul3A_115, %add3A_116 : i32
      %mul3A_118 = arith.constant 80 : i32
      %mul3A_119 = arith.muli %add3A_117, %mul3A_118 : i32
      %mul3A_120 = arith.constant 80 : i32
      %mul3A_121 = arith.muli %add3A_117, %mul3A_120 : i32
      %dma_start3A_122 = arith.constant 0 : i32
      %dma_start3A_123 = tpu.memref_slice %arg8[%mul3A_119] : memref<10000xi32, #tpu.memory_space<vmem>> -> memref<80xi32, #tpu.memory_space<vmem>>
      %dma_start3A_124 = arith.constant 0 : i32
      %dma_start3A_125 = arith.constant 0 : i32
      %dma_start3A_126 = tpu.memref_slice %arg2[%dma_start3A_122, %dma_start3A_124, %dma_start3A_125] : memref<2x10000x128xf32, #tpu.memory_space<hbm>> -> memref<1x10000x128xf32, #tpu.memory_space<hbm>>
      %dma_start3A_127 = tpu.memref_squeeze %dma_start3A_126 : memref<1x10000x128xf32, #tpu.memory_space<hbm>> -> memref<10000x128xf32, #tpu.memory_space<hbm>>
      %dma_start3A_128 = arith.constant 0 : i32
      %dma_start3A_129 = arith.constant 0 : i32
      %dma_start3A_130 = tpu.memref_slice %dma_start3A_127[%dma_start3A_128, %dma_start3A_129] : memref<10000x128xf32, #tpu.memory_space<hbm>> -> memref<10000x128xf32, #tpu.memory_space<hbm>>
      tpu.enqueue_indirect_dma source(%dma_start3A_130 : memref<10000x128xf32, #tpu.memory_space<hbm>>) target(%arg13 : memref<80x128xf32, #tpu.memory_space<vmem>>) offsets(%dma_start3A_123 : memref<80xi32, #tpu.memory_space<vmem>>) semaphore(%arg20 : memref<!tpu.dma_semaphore, #tpu.memory_space<semaphore_mem>>)
      %dma_start3A_131 = arith.constant 0 : i32
      %dma_start3A_132 = tpu.memref_slice %arg9[%mul3A_121] : memref<10000xi32, #tpu.memory_space<vmem>> -> memref<80xi32, #tpu.memory_space<vmem>>
      %dma_start3A_133 = arith.constant 0 : i32
      %dma_start3A_134 = arith.constant 0 : i32
      %dma_start3A_135 = tpu.memref_slice %arg3[%dma_start3A_131, %dma_start3A_133, %dma_start3A_134] : memref<2x10000x64xf32, #tpu.memory_space<hbm>> -> memref<1x10000x64xf32, #tpu.memory_space<hbm>>
      %dma_start3A_136 = tpu.memref_squeeze %dma_start3A_135 : memref<1x10000x64xf32, #tpu.memory_space<hbm>> -> memref<10000x64xf32, #tpu.memory_space<hbm>>
      %dma_start3A_137 = arith.constant 0 : i32
      %dma_start3A_138 = arith.constant 0 : i32
      %dma_start3A_139 = tpu.memref_slice %dma_start3A_136[%dma_start3A_137, %dma_start3A_138] : memref<10000x64xf32, #tpu.memory_space<hbm>> -> memref<10000x64xf32, #tpu.memory_space<hbm>>
      tpu.enqueue_indirect_dma source(%dma_start3A_139 : memref<10000x64xf32, #tpu.memory_space<hbm>>) target(%arg14 : memref<80x64xf32, #tpu.memory_space<vmem>>) offsets(%dma_start3A_132 : memref<80xi32, #tpu.memory_space<vmem>>) semaphore(%arg20 : memref<!tpu.dma_semaphore, #tpu.memory_space<semaphore_mem>>)
      %mul3A_140 = arith.constant 80 : i32
      %mul3A_141 = arith.muli %add3A_117, %mul3A_140 : i32
      %add3A_142 = arith.addi %mul3A_2, %mul3A_141 : i32
      %dma_start3A_143 = arith.constant 0 : i32
      %dma_start3A_144 = tpu.memref_slice %arg4[%add3A_142, %dma_start3A_143] : memref<320000x128xf32, #tpu.memory_space<hbm>> -> memref<80x64xf32, #tpu.memory_space<hbm>>
      %dma_start3A_145 = arith.constant 0 : i32
      %dma_start3A_146 = tpu.memref_slice %arg4[%add3A_142, %dma_start3A_145] : memref<320000x128xf32, #tpu.memory_space<hbm>> -> memref<80x64xf32, #tpu.memory_space<hbm>>
      tpu.enqueue_dma source(%dma_start3A_146 : memref<80x64xf32, #tpu.memory_space<hbm>>) target(%arg15 : memref<80x64xf32, #tpu.memory_space<vmem>>) target_semaphore(%arg20 : memref<!tpu.dma_semaphore, #tpu.memory_space<semaphore_mem>>)
      %dma_wait3A_147 = arith.constant 0 : i32
      %dma_wait3A_148 = arith.constant 0 : i32
      %dma_wait3A_149 = tpu.memref_slice %arg4[%dma_wait3A_147, %dma_wait3A_148] : memref<320000x128xf32, #tpu.memory_space<hbm>> -> memref<80x64xf32, #tpu.memory_space<hbm>>
      %dma_wait3A_150 = arith.constant 0 : i32
      %dma_wait3A_151 = arith.constant 0 : i32
      %dma_wait3A_152 = tpu.memref_slice %arg4[%dma_wait3A_150, %dma_wait3A_151] : memref<320000x128xf32, #tpu.memory_space<hbm>> -> memref<80x64xf32, #tpu.memory_space<hbm>>
      tpu.wait_dma2 semaphore(%arg19 : memref<!tpu.dma_semaphore, #tpu.memory_space<semaphore_mem>>) src(%dma_wait3A_152 : memref<80x64xf32, #tpu.memory_space<hbm>>) dst(%arg10 : memref<80x128xf32, #tpu.memory_space<vmem>>)
      %dma_wait3A_153 = arith.constant 0 : i32
      %dma_wait3A_154 = arith.constant 0 : i32
      %dma_wait3A_155 = tpu.memref_slice %arg4[%dma_wait3A_153, %dma_wait3A_154] : memref<320000x128xf32, #tpu.memory_space<hbm>> -> memref<80x64xf32, #tpu.memory_space<hbm>>
      %dma_wait3A_156 = arith.constant 0 : i32
      %dma_wait3A_157 = arith.constant 0 : i32
      %dma_wait3A_158 = tpu.memref_slice %arg4[%dma_wait3A_156, %dma_wait3A_157] : memref<320000x128xf32, #tpu.memory_space<hbm>> -> memref<80x64xf32, #tpu.memory_space<hbm>>
      tpu.wait_dma2 semaphore(%arg19 : memref<!tpu.dma_semaphore, #tpu.memory_space<semaphore_mem>>) src(%dma_wait3A_158 : memref<80x64xf32, #tpu.memory_space<hbm>>) dst(%arg11 : memref<80x64xf32, #tpu.memory_space<vmem>>)
      %dma_wait3A_159 = arith.constant 0 : i32
      %dma_wait3A_160 = arith.constant 0 : i32
      %dma_wait3A_161 = tpu.memref_slice %arg4[%dma_wait3A_159, %dma_wait3A_160] : memref<320000x128xf32, #tpu.memory_space<hbm>> -> memref<80x64xf32, #tpu.memory_space<hbm>>
      %dma_wait3A_162 = arith.constant 0 : i32
      %dma_wait3A_163 = arith.constant 0 : i32
      %dma_wait3A_164 = tpu.memref_slice %arg4[%dma_wait3A_162, %dma_wait3A_163] : memref<320000x128xf32, #tpu.memory_space<hbm>> -> memref<80x64xf32, #tpu.memory_space<hbm>>
      tpu.wait_dma2 semaphore(%arg19 : memref<!tpu.dma_semaphore, #tpu.memory_space<semaphore_mem>>) src(%dma_wait3A_164 : memref<80x64xf32, #tpu.memory_space<hbm>>) dst(%arg12 : memref<80x64xf32, #tpu.memory_space<vmem>>)
      %parallel_loop3A_165 = arith.constant 0 : i32
      %parallel_loop3A_166 = arith.constant 80 : i32
      %parallel_loop3A_167 = arith.constant 1 : i32
      scf.for %parallel_loop3A_226 = %parallel_loop3A_165 to %parallel_loop3A_166 step %parallel_loop3A_167  : i32 {
        %parallel_loop3A_227 = arith.constant 0.000000e+00 : f32
        %parallel_loop3A_228 = vector.broadcast %parallel_loop3A_227 : f32 to vector<16xf32>
        %parallel_loop3A_229 = arith.index_cast %parallel_loop3A_226 : i32 to index
        %parallel_loop3A_230 = arith.constant 0 : index
        %parallel_loop3A_231 = tpu.vector_load %arg10[%parallel_loop3A_229, %parallel_loop3A_230] {strides = array<i32>} : memref<80x128xf32, #tpu.memory_space<vmem>>, vector<16xf32>,
        %parallel_loop3A_232 = arith.index_cast %parallel_loop3A_226 : i32 to index
        %parallel_loop3A_233 = arith.constant 0 : index
        %parallel_loop3A_234 = tpu.vector_load %arg11[%parallel_loop3A_232, %parallel_loop3A_233] {strides = array<i32>} : memref<80x64xf32, #tpu.memory_space<vmem>>, vector<16xf32>,
        %parallel_loop3A_235 = arith.index_cast %parallel_loop3A_226 : i32 to index
        %parallel_loop3A_236 = arith.constant 0 : index
        %parallel_loop3A_237 = tpu.vector_load %arg12[%parallel_loop3A_235, %parallel_loop3A_236] {strides = array<i32>} : memref<80x64xf32, #tpu.memory_space<vmem>>, vector<16xf32>,
        %parallel_loop3A_238 = arith.mulf %parallel_loop3A_231, %parallel_loop3A_234 : vector<16xf32>
        %parallel_loop3A_239 = arith.mulf %parallel_loop3A_238, %parallel_loop3A_237 : vector<16xf32>
        %parallel_loop3A_240 = arith.constant true
        %parallel_loop3A_241 = vector.broadcast %parallel_loop3A_240 : i1 to vector<16xi1>
        %parallel_loop3A_242 = tpu.scan <sum>, %parallel_loop3A_239 masked %parallel_loop3A_241 : vector<16xf32>, vector<16xi1> -> vector<16xf32>
        %parallel_loop3A_243 = vector.extract %parallel_loop3A_242[15] : f32 from vector<16xf32>
        %parallel_loop3A_244 = vector.broadcast %parallel_loop3A_243 : f32 to vector<16xf32>
        %parallel_loop3A_245 = arith.constant -5.000000e+00 : f32
        %parallel_loop3A_246 = arith.constant 5.000000e+00 : f32
        %parallel_loop3A_247 = vector.broadcast %parallel_loop3A_245 : f32 to vector<16xf32>
        %parallel_loop3A_248 = arith.maximumf %parallel_loop3A_247, %parallel_loop3A_244 : vector<16xf32>
        %parallel_loop3A_249 = vector.broadcast %parallel_loop3A_246 : f32 to vector<16xf32>
        %parallel_loop3A_250 = arith.minimumf %parallel_loop3A_249, %parallel_loop3A_248 : vector<16xf32>
        %parallel_loop3A_251 = math.exp %parallel_loop3A_250 : vector<16xf32>
        %parallel_loop3A_252 = arith.index_cast %parallel_loop3A_226 : i32 to index
        %parallel_loop3A_253 = arith.constant 64 : index
        %parallel_loop3A_254 = tpu.vector_load %arg10[%parallel_loop3A_252, %parallel_loop3A_253] {strides = array<i32>} : memref<80x128xf32, #tpu.memory_space<vmem>>, vector<16xf32>,
        %parallel_loop3A_255 = arith.mulf %parallel_loop3A_254, %parallel_loop3A_251 : vector<16xf32>
        %parallel_loop3A_256 = arith.index_cast %parallel_loop3A_226 : i32 to index
        %parallel_loop3A_257 = arith.constant 0 : index
        %parallel_loop3A_258 = tpu.vector_load %arg16[%parallel_loop3A_256, %parallel_loop3A_257] {strides = array<i32>} : memref<80x80xf32, #tpu.memory_space<vmem>>, vector<16xf32>,
        tpu.vector_store %arg16[%parallel_loop3A_256, %parallel_loop3A_257], %parallel_loop3A_255 {strides = array<i32>} : memref<80x80xf32, #tpu.memory_space<vmem>>, vector<16xf32>,
        %parallel_loop3A_259 = arith.constant 0 : i32
        %parallel_loop3A_260 = vector.broadcast %parallel_loop3A_259 : i32 to vector<16xi32>
        %parallel_loop3A_261 = arith.cmpi eq, %iota3A, %parallel_loop3A_260 : vector<16xi32>
        %parallel_loop3A_262 = arith.select %parallel_loop3A_261, %parallel_loop3A_251, %parallel_loop3A_228 : vector<16xi1>, vector<16xf32>
        %parallel_loop3A_263 = arith.index_cast %parallel_loop3A_226 : i32 to index
        %parallel_loop3A_264 = arith.constant 16 : index
        %parallel_loop3A_265 = tpu.vector_load %arg10[%parallel_loop3A_263, %parallel_loop3A_264] {strides = array<i32>} : memref<80x128xf32, #tpu.memory_space<vmem>>, vector<16xf32>,
        %parallel_loop3A_266 = arith.index_cast %parallel_loop3A_226 : i32 to index
        %parallel_loop3A_267 = arith.constant 16 : index
        %parallel_loop3A_268 = tpu.vector_load %arg11[%parallel_loop3A_266, %parallel_loop3A_267] {strides = array<i32>} : memref<80x64xf32, #tpu.memory_space<vmem>>, vector<16xf32>,
        %parallel_loop3A_269 = arith.index_cast %parallel_loop3A_226 : i32 to index
        %parallel_loop3A_270 = arith.constant 16 : index
        %parallel_loop3A_271 = tpu.vector_load %arg12[%parallel_loop3A_269, %parallel_loop3A_270] {strides = array<i32>} : memref<80x64xf32, #tpu.memory_space<vmem>>, vector<16xf32>,
        %parallel_loop3A_272 = arith.mulf %parallel_loop3A_265, %parallel_loop3A_268 : vector<16xf32>
        %parallel_loop3A_273 = arith.mulf %parallel_loop3A_272, %parallel_loop3A_271 : vector<16xf32>
        %parallel_loop3A_274 = arith.constant true
        %parallel_loop3A_275 = vector.broadcast %parallel_loop3A_274 : i1 to vector<16xi1>
        %parallel_loop3A_276 = tpu.scan <sum>, %parallel_loop3A_273 masked %parallel_loop3A_275 : vector<16xf32>, vector<16xi1> -> vector<16xf32>
        %parallel_loop3A_277 = vector.extract %parallel_loop3A_276[15] : f32 from vector<16xf32>
        %parallel_loop3A_278 = vector.broadcast %parallel_loop3A_277 : f32 to vector<16xf32>
        %parallel_loop3A_279 = arith.constant -5.000000e+00 : f32
        %parallel_loop3A_280 = arith.constant 5.000000e+00 : f32
        %parallel_loop3A_281 = vector.broadcast %parallel_loop3A_279 : f32 to vector<16xf32>
        %parallel_loop3A_282 = arith.maximumf %parallel_loop3A_281, %parallel_loop3A_278 : vector<16xf32>
        %parallel_loop3A_283 = vector.broadcast %parallel_loop3A_280 : f32 to vector<16xf32>
        %parallel_loop3A_284 = arith.minimumf %parallel_loop3A_283, %parallel_loop3A_282 : vector<16xf32>
        %parallel_loop3A_285 = math.exp %parallel_loop3A_284 : vector<16xf32>
        %parallel_loop3A_286 = arith.index_cast %parallel_loop3A_226 : i32 to index
        %parallel_loop3A_287 = arith.constant 80 : index
        %parallel_loop3A_288 = tpu.vector_load %arg10[%parallel_loop3A_286, %parallel_loop3A_287] {strides = array<i32>} : memref<80x128xf32, #tpu.memory_space<vmem>>, vector<16xf32>,
        %parallel_loop3A_289 = arith.mulf %parallel_loop3A_288, %parallel_loop3A_285 : vector<16xf32>
        %parallel_loop3A_290 = arith.index_cast %parallel_loop3A_226 : i32 to index
        %parallel_loop3A_291 = arith.constant 16 : index
        %parallel_loop3A_292 = tpu.vector_load %arg16[%parallel_loop3A_290, %parallel_loop3A_291] {strides = array<i32>} : memref<80x80xf32, #tpu.memory_space<vmem>>, vector<16xf32>,
        tpu.vector_store %arg16[%parallel_loop3A_290, %parallel_loop3A_291], %parallel_loop3A_289 {strides = array<i32>} : memref<80x80xf32, #tpu.memory_space<vmem>>, vector<16xf32>,
        %parallel_loop3A_293 = arith.constant 1 : i32
        %parallel_loop3A_294 = vector.broadcast %parallel_loop3A_293 : i32 to vector<16xi32>
        %parallel_loop3A_295 = arith.cmpi eq, %iota3A, %parallel_loop3A_294 : vector<16xi32>
        %parallel_loop3A_296 = arith.select %parallel_loop3A_295, %parallel_loop3A_285, %parallel_loop3A_262 : vector<16xi1>, vector<16xf32>
        %parallel_loop3A_297 = arith.index_cast %parallel_loop3A_226 : i32 to index
        %parallel_loop3A_298 = arith.constant 32 : index
        %parallel_loop3A_299 = tpu.vector_load %arg10[%parallel_loop3A_297, %parallel_loop3A_298] {strides = array<i32>} : memref<80x128xf32, #tpu.memory_space<vmem>>, vector<16xf32>,
        %parallel_loop3A_300 = arith.index_cast %parallel_loop3A_226 : i32 to index
        %parallel_loop3A_301 = arith.constant 32 : index
        %parallel_loop3A_302 = tpu.vector_load %arg11[%parallel_loop3A_300, %parallel_loop3A_301] {strides = array<i32>} : memref<80x64xf32, #tpu.memory_space<vmem>>, vector<16xf32>,
        %parallel_loop3A_303 = arith.index_cast %parallel_loop3A_226 : i32 to index
        %parallel_loop3A_304 = arith.constant 32 : index
        %parallel_loop3A_305 = tpu.vector_load %arg12[%parallel_loop3A_303, %parallel_loop3A_304] {strides = array<i32>} : memref<80x64xf32, #tpu.memory_space<vmem>>, vector<16xf32>,
        %parallel_loop3A_306 = arith.mulf %parallel_loop3A_299, %parallel_loop3A_302 : vector<16xf32>
        %parallel_loop3A_307 = arith.mulf %parallel_loop3A_306, %parallel_loop3A_305 : vector<16xf32>
        %parallel_loop3A_308 = arith.constant true
        %parallel_loop3A_309 = vector.broadcast %parallel_loop3A_308 : i1 to vector<16xi1>
        %parallel_loop3A_310 = tpu.scan <sum>, %parallel_loop3A_307 masked %parallel_loop3A_309 : vector<16xf32>, vector<16xi1> -> vector<16xf32>
        %parallel_loop3A_311 = vector.extract %parallel_loop3A_310[15] : f32 from vector<16xf32>
        %parallel_loop3A_312 = vector.broadcast %parallel_loop3A_311 : f32 to vector<16xf32>
        %parallel_loop3A_313 = arith.constant -5.000000e+00 : f32
        %parallel_loop3A_314 = arith.constant 5.000000e+00 : f32
        %parallel_loop3A_315 = vector.broadcast %parallel_loop3A_313 : f32 to vector<16xf32>
        %parallel_loop3A_316 = arith.maximumf %parallel_loop3A_315, %parallel_loop3A_312 : vector<16xf32>
        %parallel_loop3A_317 = vector.broadcast %parallel_loop3A_314 : f32 to vector<16xf32>
        %parallel_loop3A_318 = arith.minimumf %parallel_loop3A_317, %parallel_loop3A_316 : vector<16xf32>
        %parallel_loop3A_319 = math.exp %parallel_loop3A_318 : vector<16xf32>
        %parallel_loop3A_320 = arith.index_cast %parallel_loop3A_226 : i32 to index
        %parallel_loop3A_321 = arith.constant 96 : index
        %parallel_loop3A_322 = tpu.vector_load %arg10[%parallel_loop3A_320, %parallel_loop3A_321] {strides = array<i32>} : memref<80x128xf32, #tpu.memory_space<vmem>>, vector<16xf32>,
        %parallel_loop3A_323 = arith.mulf %parallel_loop3A_322, %parallel_loop3A_319 : vector<16xf32>
        %parallel_loop3A_324 = arith.index_cast %parallel_loop3A_226 : i32 to index
        %parallel_loop3A_325 = arith.constant 32 : index
        %parallel_loop3A_326 = tpu.vector_load %arg16[%parallel_loop3A_324, %parallel_loop3A_325] {strides = array<i32>} : memref<80x80xf32, #tpu.memory_space<vmem>>, vector<16xf32>,
        tpu.vector_store %arg16[%parallel_loop3A_324, %parallel_loop3A_325], %parallel_loop3A_323 {strides = array<i32>} : memref<80x80xf32, #tpu.memory_space<vmem>>, vector<16xf32>,
        %parallel_loop3A_327 = arith.constant 2 : i32
        %parallel_loop3A_328 = vector.broadcast %parallel_loop3A_327 : i32 to vector<16xi32>
        %parallel_loop3A_329 = arith.cmpi eq, %iota3A, %parallel_loop3A_328 : vector<16xi32>
        %parallel_loop3A_330 = arith.select %parallel_loop3A_329, %parallel_loop3A_319, %parallel_loop3A_296 : vector<16xi1>, vector<16xf32>
        %parallel_loop3A_331 = arith.index_cast %parallel_loop3A_226 : i32 to index
        %parallel_loop3A_332 = arith.constant 48 : index
        %parallel_loop3A_333 = tpu.vector_load %arg10[%parallel_loop3A_331, %parallel_loop3A_332] {strides = array<i32>} : memref<80x128xf32, #tpu.memory_space<vmem>>, vector<16xf32>,
        %parallel_loop3A_334 = arith.index_cast %parallel_loop3A_226 : i32 to index
        %parallel_loop3A_335 = arith.constant 48 : index
        %parallel_loop3A_336 = tpu.vector_load %arg11[%parallel_loop3A_334, %parallel_loop3A_335] {strides = array<i32>} : memref<80x64xf32, #tpu.memory_space<vmem>>, vector<16xf32>,
        %parallel_loop3A_337 = arith.index_cast %parallel_loop3A_226 : i32 to index
        %parallel_loop3A_338 = arith.constant 48 : index
        %parallel_loop3A_339 = tpu.vector_load %arg12[%parallel_loop3A_337, %parallel_loop3A_338] {strides = array<i32>} : memref<80x64xf32, #tpu.memory_space<vmem>>, vector<16xf32>,
        %parallel_loop3A_340 = arith.mulf %parallel_loop3A_333, %parallel_loop3A_336 : vector<16xf32>
        %parallel_loop3A_341 = arith.mulf %parallel_loop3A_340, %parallel_loop3A_339 : vector<16xf32>
        %parallel_loop3A_342 = arith.constant true
        %parallel_loop3A_343 = vector.broadcast %parallel_loop3A_342 : i1 to vector<16xi1>
        %parallel_loop3A_344 = tpu.scan <sum>, %parallel_loop3A_341 masked %parallel_loop3A_343 : vector<16xf32>, vector<16xi1> -> vector<16xf32>
        %parallel_loop3A_345 = vector.extract %parallel_loop3A_344[15] : f32 from vector<16xf32>
        %parallel_loop3A_346 = vector.broadcast %parallel_loop3A_345 : f32 to vector<16xf32>
        %parallel_loop3A_347 = arith.constant -5.000000e+00 : f32
        %parallel_loop3A_348 = arith.constant 5.000000e+00 : f32
        %parallel_loop3A_349 = vector.broadcast %parallel_loop3A_347 : f32 to vector<16xf32>
        %parallel_loop3A_350 = arith.maximumf %parallel_loop3A_349, %parallel_loop3A_346 : vector<16xf32>
        %parallel_loop3A_351 = vector.broadcast %parallel_loop3A_348 : f32 to vector<16xf32>
        %parallel_loop3A_352 = arith.minimumf %parallel_loop3A_351, %parallel_loop3A_350 : vector<16xf32>
        %parallel_loop3A_353 = math.exp %parallel_loop3A_352 : vector<16xf32>
        %parallel_loop3A_354 = arith.index_cast %parallel_loop3A_226 : i32 to index
        %parallel_loop3A_355 = arith.constant 112 : index
        %parallel_loop3A_356 = tpu.vector_load %arg10[%parallel_loop3A_354, %parallel_loop3A_355] {strides = array<i32>} : memref<80x128xf32, #tpu.memory_space<vmem>>, vector<16xf32>,
        %parallel_loop3A_357 = arith.mulf %parallel_loop3A_356, %parallel_loop3A_353 : vector<16xf32>
        %parallel_loop3A_358 = arith.index_cast %parallel_loop3A_226 : i32 to index
        %parallel_loop3A_359 = arith.constant 48 : index
        %parallel_loop3A_360 = tpu.vector_load %arg16[%parallel_loop3A_358, %parallel_loop3A_359] {strides = array<i32>} : memref<80x80xf32, #tpu.memory_space<vmem>>, vector<16xf32>,
        tpu.vector_store %arg16[%parallel_loop3A_358, %parallel_loop3A_359], %parallel_loop3A_357 {strides = array<i32>} : memref<80x80xf32, #tpu.memory_space<vmem>>, vector<16xf32>,
        %parallel_loop3A_361 = arith.constant 3 : i32
        %parallel_loop3A_362 = vector.broadcast %parallel_loop3A_361 : i32 to vector<16xi32>
        %parallel_loop3A_363 = arith.cmpi eq, %iota3A, %parallel_loop3A_362 : vector<16xi32>
        %parallel_loop3A_364 = arith.select %parallel_loop3A_363, %parallel_loop3A_353, %parallel_loop3A_330 : vector<16xi1>, vector<16xf32>
        %parallel_loop3A_365 = arith.index_cast %parallel_loop3A_226 : i32 to index
        %parallel_loop3A_366 = arith.constant 64 : index
        %parallel_loop3A_367 = tpu.vector_load %arg16[%parallel_loop3A_365, %parallel_loop3A_366] {strides = array<i32>} : memref<80x80xf32, #tpu.memory_space<vmem>>, vector<16xf32>,
        tpu.vector_store %arg16[%parallel_loop3A_365, %parallel_loop3A_366], %parallel_loop3A_364 {strides = array<i32>} : memref<80x80xf32, #tpu.memory_space<vmem>>, vector<16xf32>,
      } {sc.loop_unroll_factor = 4 : i64, sc.parallel_access}
      %mul3A_168 = arith.constant 80 : i32
      %mul3A_169 = arith.muli %mul3A_115, %mul3A_168 : i32
      "tpu.region"() ({
        %run_scoped3A_226 = tpu.sem_alloc : memref<!tpu.dma_semaphore, #tpu.memory_space<semaphore_mem>>
        %dma_start3A_227 = tpu.memref_slice %arg9[%mul3A_169] : memref<10000xi32, #tpu.memory_space<vmem>> -> memref<80xi32, #tpu.memory_space<vmem>>
        %dma_start3A_228 = arith.constant 0 : i32
        %dma_start3A_229 = arith.constant 0 : i32
        %dma_start3A_230 = tpu.memref_slice %arg18[%dma_start3A_228, %dma_start3A_229] : memref<10240x80xf32, #tpu.memory_space<vmem_shared>> -> memref<10240x80xf32, #tpu.memory_space<vmem_shared>>
        tpu.enqueue_indirect_dma source(%arg16 : memref<80x80xf32, #tpu.memory_space<vmem>>) target(%dma_start3A_230 : memref<10240x80xf32, #tpu.memory_space<vmem_shared>>) offsets(%dma_start3A_227 : memref<80xi32, #tpu.memory_space<vmem>>) semaphore(%run_scoped3A_226 : memref<!tpu.dma_semaphore, #tpu.memory_space<semaphore_mem>>) {add = true}
        %dma_wait3A_231 = tpu.memref_slice %arg9[%mul3A_169] : memref<10000xi32, #tpu.memory_space<vmem>> -> memref<80xi32, #tpu.memory_space<vmem>>
        %dma_wait3A_232 = arith.constant 0 : i32
        %dma_wait3A_233 = arith.constant 0 : i32
        %dma_wait3A_234 = tpu.memref_slice %arg18[%dma_wait3A_232, %dma_wait3A_233] : memref<10240x80xf32, #tpu.memory_space<vmem_shared>> -> memref<10240x80xf32, #tpu.memory_space<vmem_shared>>
        tpu.wait_indirect_dma semaphore(%run_scoped3A_226 : memref<!tpu.dma_semaphore, #tpu.memory_space<semaphore_mem>>) src(%arg16 : memref<80x80xf32, #tpu.memory_space<vmem>>) dst(%dma_wait3A_234 : memref<10240x80xf32, #tpu.memory_space<vmem_shared>>)
        tpu.yield
      }) : () -> ()
      %add3A_170 = arith.constant 2 : i32
      %add3A_171 = arith.addi %mul3A_115, %add3A_170 : i32
      %mul3A_172 = arith.constant 80 : i32
      %mul3A_173 = arith.muli %add3A_171, %mul3A_172 : i32
      %mul3A_174 = arith.constant 80 : i32
      %mul3A_175 = arith.muli %add3A_171, %mul3A_174 : i32
      %dma_start3A_176 = arith.constant 0 : i32
      %dma_start3A_177 = tpu.memref_slice %arg8[%mul3A_173] : memref<10000xi32, #tpu.memory_space<vmem>> -> memref<80xi32, #tpu.memory_space<vmem>>
      %dma_start3A_178 = arith.constant 0 : i32
      %dma_start3A_179 = arith.constant 0 : i32
      %dma_start3A_180 = tpu.memref_slice %arg2[%dma_start3A_176, %dma_start3A_178, %dma_start3A_179] : memref<2x10000x128xf32, #tpu.memory_space<hbm>> -> memref<1x10000x128xf32, #tpu.memory_space<hbm>>
      %dma_start3A_181 = tpu.memref_squeeze %dma_start3A_180 : memref<1x10000x128xf32, #tpu.memory_space<hbm>> -> memref<10000x128xf32, #tpu.memory_space<hbm>>
      %dma_start3A_182 = arith.constant 0 : i32
      %dma_start3A_183 = arith.constant 0 : i32
      %dma_start3A_184 = tpu.memref_slice %dma_start3A_181[%dma_start3A_182, %dma_start3A_183] : memref<10000x128xf32, #tpu.memory_space<hbm>> -> memref<10000x128xf32, #tpu.memory_space<hbm>>
      tpu.enqueue_indirect_dma source(%dma_start3A_184 : memref<10000x128xf32, #tpu.memory_space<hbm>>) target(%arg10 : memref<80x128xf32, #tpu.memory_space<vmem>>) offsets(%dma_start3A_177 : memref<80xi32, #tpu.memory_space<vmem>>) semaphore(%arg19 : memref<!tpu.dma_semaphore, #tpu.memory_space<semaphore_mem>>)
      %dma_start3A_185 = arith.constant 0 : i32
      %dma_start3A_186 = tpu.memref_slice %arg9[%mul3A_175] : memref<10000xi32, #tpu.memory_space<vmem>> -> memref<80xi32, #tpu.memory_space<vmem>>
      %dma_start3A_187 = arith.constant 0 : i32
      %dma_start3A_188 = arith.constant 0 : i32
      %dma_start3A_189 = tpu.memref_slice %arg3[%dma_start3A_185, %dma_start3A_187, %dma_start3A_188] : memref<2x10000x64xf32, #tpu.memory_space<hbm>> -> memref<1x10000x64xf32, #tpu.memory_space<hbm>>
      %dma_start3A_190 = tpu.memref_squeeze %dma_start3A_189 : memref<1x10000x64xf32, #tpu.memory_space<hbm>> -> memref<10000x64xf32, #tpu.memory_space<hbm>>
      %dma_start3A_191 = arith.constant 0 : i32
      %dma_start3A_192 = arith.constant 0 : i32
      %dma_start3A_193 = tpu.memref_slice %dma_start3A_190[%dma_start3A_191, %dma_start3A_192] : memref<10000x64xf32, #tpu.memory_space<hbm>> -> memref<10000x64xf32, #tpu.memory_space<hbm>>
      tpu.enqueue_indirect_dma source(%dma_start3A_193 : memref<10000x64xf32, #tpu.memory_space<hbm>>) target(%arg11 : memref<80x64xf32, #tpu.memory_space<vmem>>) offsets(%dma_start3A_186 : memref<80xi32, #tpu.memory_space<vmem>>) semaphore(%arg19 : memref<!tpu.dma_semaphore, #tpu.memory_space<semaphore_mem>>)
      %mul3A_194 = arith.constant 80 : i32
      %mul3A_195 = arith.muli %add3A_171, %mul3A_194 : i32
      %add3A_196 = arith.addi %mul3A_2, %mul3A_195 : i32
      %dma_start3A_197 = arith.constant 0 : i32
      %dma_start3A_198 = tpu.memref_slice %arg4[%add3A_196, %dma_start3A_197] : memref<320000x128xf32, #tpu.memory_space<hbm>> -> memref<80x64xf32, #tpu.memory_space<hbm>>
      %dma_start3A_199 = arith.constant 0 : i32
      %dma_start3A_200 = tpu.memref_slice %arg4[%add3A_196, %dma_start3A_199] : memref<320000x128xf32, #tpu.memory_space<hbm>> -> memref<80x64xf32, #tpu.memory_space<hbm>>
      tpu.enqueue_dma source(%dma_start3A_200 : memref<80x64xf32, #tpu.memory_space<hbm>>) target(%arg12 : memref<80x64xf32, #tpu.memory_space<vmem>>) target_semaphore(%arg19 : memref<!tpu.dma_semaphore, #tpu.memory_space<semaphore_mem>>)
      %dma_wait3A_201 = arith.constant 0 : i32
      %dma_wait3A_202 = arith.constant 0 : i32
      %dma_wait3A_203 = tpu.memref_slice %arg4[%dma_wait3A_201, %dma_wait3A_202] : memref<320000x128xf32, #tpu.memory_space<hbm>> -> memref<80x64xf32, #tpu.memory_space<hbm>>
      %dma_wait3A_204 = arith.constant 0 : i32
      %dma_wait3A_205 = arith.constant 0 : i32
      %dma_wait3A_206 = tpu.memref_slice %arg4[%dma_wait3A_204, %dma_wait3A_205] : memref<320000x128xf32, #tpu.memory_space<hbm>> -> memref<80x64xf32, #tpu.memory_space<hbm>>
      tpu.wait_dma2 semaphore(%arg20 : memref<!tpu.dma_semaphore, #tpu.memory_space<semaphore_mem>>) src(%dma_wait3A_206 : memref<80x64xf32, #tpu.memory_space<hbm>>) dst(%arg13 : memref<80x128xf32, #tpu.memory_space<vmem>>)
      %dma_wait3A_207 = arith.constant 0 : i32
      %dma_wait3A_208 = arith.constant 0 : i32
      %dma_wait3A_209 = tpu.memref_slice %arg4[%dma_wait3A_207, %dma_wait3A_208] : memref<320000x128xf32, #tpu.memory_space<hbm>> -> memref<80x64xf32, #tpu.memory_space<hbm>>
      %dma_wait3A_210 = arith.constant 0 : i32
      %dma_wait3A_211 = arith.constant 0 : i32
      %dma_wait3A_212 = tpu.memref_slice %arg4[%dma_wait3A_210, %dma_wait3A_211] : memref<320000x128xf32, #tpu.memory_space<hbm>> -> memref<80x64xf32, #tpu.memory_space<hbm>>
      tpu.wait_dma2 semaphore(%arg20 : memref<!tpu.dma_semaphore, #tpu.memory_space<semaphore_mem>>) src(%dma_wait3A_212 : memref<80x64xf32, #tpu.memory_space<hbm>>) dst(%arg14 : memref<80x64xf32, #tpu.memory_space<vmem>>)
      %dma_wait3A_213 = arith.constant 0 : i32
      %dma_wait3A_214 = arith.constant 0 : i32
      %dma_wait3A_215 = tpu.memref_slice %arg4[%dma_wait3A_213, %dma_wait3A_214] : memref<320000x128xf32, #tpu.memory_space<hbm>> -> memref<80x64xf32, #tpu.memory_space<hbm>>
      %dma_wait3A_216 = arith.constant 0 : i32
      %dma_wait3A_217 = arith.constant 0 : i32
      %dma_wait3A_218 = tpu.memref_slice %arg4[%dma_wait3A_216, %dma_wait3A_217] : memref<320000x128xf32, #tpu.memory_space<hbm>> -> memref<80x64xf32, #tpu.memory_space<hbm>>
      tpu.wait_dma2 semaphore(%arg20 : memref<!tpu.dma_semaphore, #tpu.memory_space<semaphore_mem>>) src(%dma_wait3A_218 : memref<80x64xf32, #tpu.memory_space<hbm>>) dst(%arg15 : memref<80x64xf32, #tpu.memory_space<vmem>>)
      %add3A_219 = arith.constant 1 : i32
      %add3A_220 = arith.addi %mul3A_115, %add3A_219 : i32
      %parallel_loop3A_221 = arith.constant 0 : i32
      %parallel_loop3A_222 = arith.constant 80 : i32
      %parallel_loop3A_223 = arith.constant 1 : i32
      scf.for %parallel_loop3A_226 = %parallel_loop3A_221 to %parallel_loop3A_222 step %parallel_loop3A_223  : i32 {
        %parallel_loop3A_227 = arith.constant 0.000000e+00 : f32
        %parallel_loop3A_228 = vector.broadcast %parallel_loop3A_227 : f32 to vector<16xf32>
        %parallel_loop3A_229 = arith.index_cast %parallel_loop3A_226 : i32 to index
        %parallel_loop3A_230 = arith.constant 0 : index
        %parallel_loop3A_231 = tpu.vector_load %arg13[%parallel_loop3A_229, %parallel_loop3A_230] {strides = array<i32>} : memref<80x128xf32, #tpu.memory_space<vmem>>, vector<16xf32>,
        %parallel_loop3A_232 = arith.index_cast %parallel_loop3A_226 : i32 to index
        %parallel_loop3A_233 = arith.constant 0 : index
        %parallel_loop3A_234 = tpu.vector_load %arg14[%parallel_loop3A_232, %parallel_loop3A_233] {strides = array<i32>} : memref<80x64xf32, #tpu.memory_space<vmem>>, vector<16xf32>,
        %parallel_loop3A_235 = arith.index_cast %parallel_loop3A_226 : i32 to index
        %parallel_loop3A_236 = arith.constant 0 : index
        %parallel_loop3A_237 = tpu.vector_load %arg15[%parallel_loop3A_235, %parallel_loop3A_236] {strides = array<i32>} : memref<80x64xf32, #tpu.memory_space<vmem>>, vector<16xf32>,
        %parallel_loop3A_238 = arith.mulf %parallel_loop3A_231, %parallel_loop3A_234 : vector<16xf32>
        %parallel_loop3A_239 = arith.mulf %parallel_loop3A_238, %parallel_loop3A_237 : vector<16xf32>
        %parallel_loop3A_240 = arith.constant true
        %parallel_loop3A_241 = vector.broadcast %parallel_loop3A_240 : i1 to vector<16xi1>
        %parallel_loop3A_242 = tpu.scan <sum>, %parallel_loop3A_239 masked %parallel_loop3A_241 : vector<16xf32>, vector<16xi1> -> vector<16xf32>
        %parallel_loop3A_243 = vector.extract %parallel_loop3A_242[15] : f32 from vector<16xf32>
        %parallel_loop3A_244 = vector.broadcast %parallel_loop3A_243 : f32 to vector<16xf32>
        %parallel_loop3A_245 = arith.constant -5.000000e+00 : f32
        %parallel_loop3A_246 = arith.constant 5.000000e+00 : f32
        %parallel_loop3A_247 = vector.broadcast %parallel_loop3A_245 : f32 to vector<16xf32>
        %parallel_loop3A_248 = arith.maximumf %parallel_loop3A_247, %parallel_loop3A_244 : vector<16xf32>
        %parallel_loop3A_249 = vector.broadcast %parallel_loop3A_246 : f32 to vector<16xf32>
        %parallel_loop3A_250 = arith.minimumf %parallel_loop3A_249, %parallel_loop3A_248 : vector<16xf32>
        %parallel_loop3A_251 = math.exp %parallel_loop3A_250 : vector<16xf32>
        %parallel_loop3A_252 = arith.index_cast %parallel_loop3A_226 : i32 to index
        %parallel_loop3A_253 = arith.constant 64 : index
        %parallel_loop3A_254 = tpu.vector_load %arg13[%parallel_loop3A_252, %parallel_loop3A_253] {strides = array<i32>} : memref<80x128xf32, #tpu.memory_space<vmem>>, vector<16xf32>,
        %parallel_loop3A_255 = arith.mulf %parallel_loop3A_254, %parallel_loop3A_251 : vector<16xf32>
        %parallel_loop3A_256 = arith.index_cast %parallel_loop3A_226 : i32 to index
        %parallel_loop3A_257 = arith.constant 0 : index
        %parallel_loop3A_258 = tpu.vector_load %arg17[%parallel_loop3A_256, %parallel_loop3A_257] {strides = array<i32>} : memref<80x80xf32, #tpu.memory_space<vmem>>, vector<16xf32>,
        tpu.vector_store %arg17[%parallel_loop3A_256, %parallel_loop3A_257], %parallel_loop3A_255 {strides = array<i32>} : memref<80x80xf32, #tpu.memory_space<vmem>>, vector<16xf32>,
        %parallel_loop3A_259 = arith.constant 0 : i32
        %parallel_loop3A_260 = vector.broadcast %parallel_loop3A_259 : i32 to vector<16xi32>
        %parallel_loop3A_261 = arith.cmpi eq, %iota3A, %parallel_loop3A_260 : vector<16xi32>
        %parallel_loop3A_262 = arith.select %parallel_loop3A_261, %parallel_loop3A_251, %parallel_loop3A_228 : vector<16xi1>, vector<16xf32>
        %parallel_loop3A_263 = arith.index_cast %parallel_loop3A_226 : i32 to index
        %parallel_loop3A_264 = arith.constant 16 : index
        %parallel_loop3A_265 = tpu.vector_load %arg13[%parallel_loop3A_263, %parallel_loop3A_264] {strides = array<i32>} : memref<80x128xf32, #tpu.memory_space<vmem>>, vector<16xf32>,
        %parallel_loop3A_266 = arith.index_cast %parallel_loop3A_226 : i32 to index
        %parallel_loop3A_267 = arith.constant 16 : index
        %parallel_loop3A_268 = tpu.vector_load %arg14[%parallel_loop3A_266, %parallel_loop3A_267] {strides = array<i32>} : memref<80x64xf32, #tpu.memory_space<vmem>>, vector<16xf32>,
        %parallel_loop3A_269 = arith.index_cast %parallel_loop3A_226 : i32 to index
        %parallel_loop3A_270 = arith.constant 16 : index
        %parallel_loop3A_271 = tpu.vector_load %arg15[%parallel_loop3A_269, %parallel_loop3A_270] {strides = array<i32>} : memref<80x64xf32, #tpu.memory_space<vmem>>, vector<16xf32>,
        %parallel_loop3A_272 = arith.mulf %parallel_loop3A_265, %parallel_loop3A_268 : vector<16xf32>
        %parallel_loop3A_273 = arith.mulf %parallel_loop3A_272, %parallel_loop3A_271 : vector<16xf32>
        %parallel_loop3A_274 = arith.constant true
        %parallel_loop3A_275 = vector.broadcast %parallel_loop3A_274 : i1 to vector<16xi1>
        %parallel_loop3A_276 = tpu.scan <sum>, %parallel_loop3A_273 masked %parallel_loop3A_275 : vector<16xf32>, vector<16xi1> -> vector<16xf32>
        %parallel_loop3A_277 = vector.extract %parallel_loop3A_276[15] : f32 from vector<16xf32>
        %parallel_loop3A_278 = vector.broadcast %parallel_loop3A_277 : f32 to vector<16xf32>
        %parallel_loop3A_279 = arith.constant -5.000000e+00 : f32
        %parallel_loop3A_280 = arith.constant 5.000000e+00 : f32
        %parallel_loop3A_281 = vector.broadcast %parallel_loop3A_279 : f32 to vector<16xf32>
        %parallel_loop3A_282 = arith.maximumf %parallel_loop3A_281, %parallel_loop3A_278 : vector<16xf32>
        %parallel_loop3A_283 = vector.broadcast %parallel_loop3A_280 : f32 to vector<16xf32>
        %parallel_loop3A_284 = arith.minimumf %parallel_loop3A_283, %parallel_loop3A_282 : vector<16xf32>
        %parallel_loop3A_285 = math.exp %parallel_loop3A_284 : vector<16xf32>
        %parallel_loop3A_286 = arith.index_cast %parallel_loop3A_226 : i32 to index
        %parallel_loop3A_287 = arith.constant 80 : index
        %parallel_loop3A_288 = tpu.vector_load %arg13[%parallel_loop3A_286, %parallel_loop3A_287] {strides = array<i32>} : memref<80x128xf32, #tpu.memory_space<vmem>>, vector<16xf32>,
        %parallel_loop3A_289 = arith.mulf %parallel_loop3A_288, %parallel_loop3A_285 : vector<16xf32>
        %parallel_loop3A_290 = arith.index_cast %parallel_loop3A_226 : i32 to index
        %parallel_loop3A_291 = arith.constant 16 : index
        %parallel_loop3A_292 = tpu.vector_load %arg17[%parallel_loop3A_290, %parallel_loop3A_291] {strides = array<i32>} : memref<80x80xf32, #tpu.memory_space<vmem>>, vector<16xf32>,
        tpu.vector_store %arg17[%parallel_loop3A_290, %parallel_loop3A_291], %parallel_loop3A_289 {strides = array<i32>} : memref<80x80xf32, #tpu.memory_space<vmem>>, vector<16xf32>,
        %parallel_loop3A_293 = arith.constant 1 : i32
        %parallel_loop3A_294 = vector.broadcast %parallel_loop3A_293 : i32 to vector<16xi32>
        %parallel_loop3A_295 = arith.cmpi eq, %iota3A, %parallel_loop3A_294 : vector<16xi32>
        %parallel_loop3A_296 = arith.select %parallel_loop3A_295, %parallel_loop3A_285, %parallel_loop3A_262 : vector<16xi1>, vector<16xf32>
        %parallel_loop3A_297 = arith.index_cast %parallel_loop3A_226 : i32 to index
        %parallel_loop3A_298 = arith.constant 32 : index
        %parallel_loop3A_299 = tpu.vector_load %arg13[%parallel_loop3A_297, %parallel_loop3A_298] {strides = array<i32>} : memref<80x128xf32, #tpu.memory_space<vmem>>, vector<16xf32>,
        %parallel_loop3A_300 = arith.index_cast %parallel_loop3A_226 : i32 to index
        %parallel_loop3A_301 = arith.constant 32 : index
        %parallel_loop3A_302 = tpu.vector_load %arg14[%parallel_loop3A_300, %parallel_loop3A_301] {strides = array<i32>} : memref<80x64xf32, #tpu.memory_space<vmem>>, vector<16xf32>,
        %parallel_loop3A_303 = arith.index_cast %parallel_loop3A_226 : i32 to index
        %parallel_loop3A_304 = arith.constant 32 : index
        %parallel_loop3A_305 = tpu.vector_load %arg15[%parallel_loop3A_303, %parallel_loop3A_304] {strides = array<i32>} : memref<80x64xf32, #tpu.memory_space<vmem>>, vector<16xf32>,
        %parallel_loop3A_306 = arith.mulf %parallel_loop3A_299, %parallel_loop3A_302 : vector<16xf32>
        %parallel_loop3A_307 = arith.mulf %parallel_loop3A_306, %parallel_loop3A_305 : vector<16xf32>
        %parallel_loop3A_308 = arith.constant true
        %parallel_loop3A_309 = vector.broadcast %parallel_loop3A_308 : i1 to vector<16xi1>
        %parallel_loop3A_310 = tpu.scan <sum>, %parallel_loop3A_307 masked %parallel_loop3A_309 : vector<16xf32>, vector<16xi1> -> vector<16xf32>
        %parallel_loop3A_311 = vector.extract %parallel_loop3A_310[15] : f32 from vector<16xf32>
        %parallel_loop3A_312 = vector.broadcast %parallel_loop3A_311 : f32 to vector<16xf32>
        %parallel_loop3A_313 = arith.constant -5.000000e+00 : f32
        %parallel_loop3A_314 = arith.constant 5.000000e+00 : f32
        %parallel_loop3A_315 = vector.broadcast %parallel_loop3A_313 : f32 to vector<16xf32>
        %parallel_loop3A_316 = arith.maximumf %parallel_loop3A_315, %parallel_loop3A_312 : vector<16xf32>
        %parallel_loop3A_317 = vector.broadcast %parallel_loop3A_314 : f32 to vector<16xf32>
        %parallel_loop3A_318 = arith.minimumf %parallel_loop3A_317, %parallel_loop3A_316 : vector<16xf32>
        %parallel_loop3A_319 = math.exp %parallel_loop3A_318 : vector<16xf32>
        %parallel_loop3A_320 = arith.index_cast %parallel_loop3A_226 : i32 to index
        %parallel_loop3A_321 = arith.constant 96 : index
        %parallel_loop3A_322 = tpu.vector_load %arg13[%parallel_loop3A_320, %parallel_loop3A_321] {strides = array<i32>} : memref<80x128xf32, #tpu.memory_space<vmem>>, vector<16xf32>,
        %parallel_loop3A_323 = arith.mulf %parallel_loop3A_322, %parallel_loop3A_319 : vector<16xf32>
        %parallel_loop3A_324 = arith.index_cast %parallel_loop3A_226 : i32 to index
        %parallel_loop3A_325 = arith.constant 32 : index
        %parallel_loop3A_326 = tpu.vector_load %arg17[%parallel_loop3A_324, %parallel_loop3A_325] {strides = array<i32>} : memref<80x80xf32, #tpu.memory_space<vmem>>, vector<16xf32>,
        tpu.vector_store %arg17[%parallel_loop3A_324, %parallel_loop3A_325], %parallel_loop3A_323 {strides = array<i32>} : memref<80x80xf32, #tpu.memory_space<vmem>>, vector<16xf32>,
        %parallel_loop3A_327 = arith.constant 2 : i32
        %parallel_loop3A_328 = vector.broadcast %parallel_loop3A_327 : i32 to vector<16xi32>
        %parallel_loop3A_329 = arith.cmpi eq, %iota3A, %parallel_loop3A_328 : vector<16xi32>
        %parallel_loop3A_330 = arith.select %parallel_loop3A_329, %parallel_loop3A_319, %parallel_loop3A_296 : vector<16xi1>, vector<16xf32>
        %parallel_loop3A_331 = arith.index_cast %parallel_loop3A_226 : i32 to index
        %parallel_loop3A_332 = arith.constant 48 : index
        %parallel_loop3A_333 = tpu.vector_load %arg13[%parallel_loop3A_331, %parallel_loop3A_332] {strides = array<i32>} : memref<80x128xf32, #tpu.memory_space<vmem>>, vector<16xf32>,
        %parallel_loop3A_334 = arith.index_cast %parallel_loop3A_226 : i32 to index
        %parallel_loop3A_335 = arith.constant 48 : index
        %parallel_loop3A_336 = tpu.vector_load %arg14[%parallel_loop3A_334, %parallel_loop3A_335] {strides = array<i32>} : memref<80x64xf32, #tpu.memory_space<vmem>>, vector<16xf32>,
        %parallel_loop3A_337 = arith.index_cast %parallel_loop3A_226 : i32 to index
        %parallel_loop3A_338 = arith.constant 48 : index
        %parallel_loop3A_339 = tpu.vector_load %arg15[%parallel_loop3A_337, %parallel_loop3A_338] {strides = array<i32>} : memref<80x64xf32, #tpu.memory_space<vmem>>, vector<16xf32>,
        %parallel_loop3A_340 = arith.mulf %parallel_loop3A_333, %parallel_loop3A_336 : vector<16xf32>
        %parallel_loop3A_341 = arith.mulf %parallel_loop3A_340, %parallel_loop3A_339 : vector<16xf32>
        %parallel_loop3A_342 = arith.constant true
        %parallel_loop3A_343 = vector.broadcast %parallel_loop3A_342 : i1 to vector<16xi1>
        %parallel_loop3A_344 = tpu.scan <sum>, %parallel_loop3A_341 masked %parallel_loop3A_343 : vector<16xf32>, vector<16xi1> -> vector<16xf32>
        %parallel_loop3A_345 = vector.extract %parallel_loop3A_344[15] : f32 from vector<16xf32>
        %parallel_loop3A_346 = vector.broadcast %parallel_loop3A_345 : f32 to vector<16xf32>
        %parallel_loop3A_347 = arith.constant -5.000000e+00 : f32
        %parallel_loop3A_348 = arith.constant 5.000000e+00 : f32
        %parallel_loop3A_349 = vector.broadcast %parallel_loop3A_347 : f32 to vector<16xf32>
        %parallel_loop3A_350 = arith.maximumf %parallel_loop3A_349, %parallel_loop3A_346 : vector<16xf32>
        %parallel_loop3A_351 = vector.broadcast %parallel_loop3A_348 : f32 to vector<16xf32>
        %parallel_loop3A_352 = arith.minimumf %parallel_loop3A_351, %parallel_loop3A_350 : vector<16xf32>
        %parallel_loop3A_353 = math.exp %parallel_loop3A_352 : vector<16xf32>
        %parallel_loop3A_354 = arith.index_cast %parallel_loop3A_226 : i32 to index
        %parallel_loop3A_355 = arith.constant 112 : index
        %parallel_loop3A_356 = tpu.vector_load %arg13[%parallel_loop3A_354, %parallel_loop3A_355] {strides = array<i32>} : memref<80x128xf32, #tpu.memory_space<vmem>>, vector<16xf32>,
        %parallel_loop3A_357 = arith.mulf %parallel_loop3A_356, %parallel_loop3A_353 : vector<16xf32>
        %parallel_loop3A_358 = arith.index_cast %parallel_loop3A_226 : i32 to index
        %parallel_loop3A_359 = arith.constant 48 : index
        %parallel_loop3A_360 = tpu.vector_load %arg17[%parallel_loop3A_358, %parallel_loop3A_359] {strides = array<i32>} : memref<80x80xf32, #tpu.memory_space<vmem>>, vector<16xf32>,
        tpu.vector_store %arg17[%parallel_loop3A_358, %parallel_loop3A_359], %parallel_loop3A_357 {strides = array<i32>} : memref<80x80xf32, #tpu.memory_space<vmem>>, vector<16xf32>,
        %parallel_loop3A_361 = arith.constant 3 : i32
        %parallel_loop3A_362 = vector.broadcast %parallel_loop3A_361 : i32 to vector<16xi32>
        %parallel_loop3A_363 = arith.cmpi eq, %iota3A, %parallel_loop3A_362 : vector<16xi32>
        %parallel_loop3A_364 = arith.select %parallel_loop3A_363, %parallel_loop3A_353, %parallel_loop3A_330 : vector<16xi1>, vector<16xf32>
        %parallel_loop3A_365 = arith.index_cast %parallel_loop3A_226 : i32 to index
        %parallel_loop3A_366 = arith.constant 64 : index
        %parallel_loop3A_367 = tpu.vector_load %arg17[%parallel_loop3A_365, %parallel_loop3A_366] {strides = array<i32>} : memref<80x80xf32, #tpu.memory_space<vmem>>, vector<16xf32>,
        tpu.vector_store %arg17[%parallel_loop3A_365, %parallel_loop3A_366], %parallel_loop3A_364 {strides = array<i32>} : memref<80x80xf32, #tpu.memory_space<vmem>>, vector<16xf32>,
      } {sc.loop_unroll_factor = 4 : i64, sc.parallel_access}
      %mul3A_224 = arith.constant 80 : i32
      %mul3A_225 = arith.muli %add3A_220, %mul3A_224 : i32
      "tpu.region"() ({
        %run_scoped3A_226 = tpu.sem_alloc : memref<!tpu.dma_semaphore, #tpu.memory_space<semaphore_mem>>
        %dma_start3A_227 = tpu.memref_slice %arg9[%mul3A_225] : memref<10000xi32, #tpu.memory_space<vmem>> -> memref<80xi32, #tpu.memory_space<vmem>>
        %dma_start3A_228 = arith.constant 0 : i32
        %dma_start3A_229 = arith.constant 0 : i32
        %dma_start3A_230 = tpu.memref_slice %arg18[%dma_start3A_228, %dma_start3A_229] : memref<10240x80xf32, #tpu.memory_space<vmem_shared>> -> memref<10240x80xf32, #tpu.memory_space<vmem_shared>>
        tpu.enqueue_indirect_dma source(%arg17 : memref<80x80xf32, #tpu.memory_space<vmem>>) target(%dma_start3A_230 : memref<10240x80xf32, #tpu.memory_space<vmem_shared>>) offsets(%dma_start3A_227 : memref<80xi32, #tpu.memory_space<vmem>>) semaphore(%run_scoped3A_226 : memref<!tpu.dma_semaphore, #tpu.memory_space<semaphore_mem>>) {add = true}
        %dma_wait3A_231 = tpu.memref_slice %arg9[%mul3A_225] : memref<10000xi32, #tpu.memory_space<vmem>> -> memref<80xi32, #tpu.memory_space<vmem>>
        %dma_wait3A_232 = arith.constant 0 : i32
        %dma_wait3A_233 = arith.constant 0 : i32
        %dma_wait3A_234 = tpu.memref_slice %arg18[%dma_wait3A_232, %dma_wait3A_233] : memref<10240x80xf32, #tpu.memory_space<vmem_shared>> -> memref<10240x80xf32, #tpu.memory_space<vmem_shared>>
        tpu.wait_indirect_dma semaphore(%run_scoped3A_226 : memref<!tpu.dma_semaphore, #tpu.memory_space<semaphore_mem>>) src(%arg17 : memref<80x80xf32, #tpu.memory_space<vmem>>) dst(%dma_wait3A_234 : memref<10240x80xf32, #tpu.memory_space<vmem_shared>>)
        tpu.yield
      }) : () -> ()
    }
    %scan3A_35 = arith.constant 62 : i32
    %dma_wait3A = arith.constant 0 : i32
    %dma_wait3A_36 = arith.constant 0 : i32
    %dma_wait3A_37 = tpu.memref_slice %arg4[%dma_wait3A, %dma_wait3A_36] : memref<320000x128xf32, #tpu.memory_space<hbm>> -> memref<80x64xf32, #tpu.memory_space<hbm>>
    %dma_wait3A_38 = arith.constant 0 : i32
    %dma_wait3A_39 = arith.constant 0 : i32
    %dma_wait3A_40 = tpu.memref_slice %arg4[%dma_wait3A_38, %dma_wait3A_39] : memref<320000x128xf32, #tpu.memory_space<hbm>> -> memref<80x64xf32, #tpu.memory_space<hbm>>
    tpu.wait_dma2 semaphore(%arg19 : memref<!tpu.dma_semaphore, #tpu.memory_space<semaphore_mem>>) src(%dma_wait3A_40 : memref<80x64xf32, #tpu.memory_space<hbm>>) dst(%arg10 : memref<80x128xf32, #tpu.memory_space<vmem>>)
    %dma_wait3A_41 = arith.constant 0 : i32
    %dma_wait3A_42 = arith.constant 0 : i32
    %dma_wait3A_43 = tpu.memref_slice %arg4[%dma_wait3A_41, %dma_wait3A_42] : memref<320000x128xf32, #tpu.memory_space<hbm>> -> memref<80x64xf32, #tpu.memory_space<hbm>>
    %dma_wait3A_44 = arith.constant 0 : i32
    %dma_wait3A_45 = arith.constant 0 : i32
    %dma_wait3A_46 = tpu.memref_slice %arg4[%dma_wait3A_44, %dma_wait3A_45] : memref<320000x128xf32, #tpu.memory_space<hbm>> -> memref<80x64xf32, #tpu.memory_space<hbm>>
    tpu.wait_dma2 semaphore(%arg19 : memref<!tpu.dma_semaphore, #tpu.memory_space<semaphore_mem>>) src(%dma_wait3A_46 : memref<80x64xf32, #tpu.memory_space<hbm>>) dst(%arg11 : memref<80x64xf32, #tpu.memory_space<vmem>>)
    %dma_wait3A_47 = arith.constant 0 : i32
    %dma_wait3A_48 = arith.constant 0 : i32
    %dma_wait3A_49 = tpu.memref_slice %arg4[%dma_wait3A_47, %dma_wait3A_48] : memref<320000x128xf32, #tpu.memory_space<hbm>> -> memref<80x64xf32, #tpu.memory_space<hbm>>
    %dma_wait3A_50 = arith.constant 0 : i32
    %dma_wait3A_51 = arith.constant 0 : i32
    %dma_wait3A_52 = tpu.memref_slice %arg4[%dma_wait3A_50, %dma_wait3A_51] : memref<320000x128xf32, #tpu.memory_space<hbm>> -> memref<80x64xf32, #tpu.memory_space<hbm>>
    tpu.wait_dma2 semaphore(%arg19 : memref<!tpu.dma_semaphore, #tpu.memory_space<semaphore_mem>>) src(%dma_wait3A_52 : memref<80x64xf32, #tpu.memory_space<hbm>>) dst(%arg12 : memref<80x64xf32, #tpu.memory_space<vmem>>)
    %parallel_loop3A = arith.constant 0 : i32
    %parallel_loop3A_53 = arith.constant 80 : i32
    %parallel_loop3A_54 = arith.constant 1 : i32
    scf.for %parallel_loop3A_113 = %parallel_loop3A to %parallel_loop3A_53 step %parallel_loop3A_54  : i32 {
      %parallel_loop3A_114 = arith.constant 0.000000e+00 : f32
      %parallel_loop3A_115 = vector.broadcast %parallel_loop3A_114 : f32 to vector<16xf32>
      %parallel_loop3A_116 = arith.index_cast %parallel_loop3A_113 : i32 to index
      %parallel_loop3A_117 = arith.constant 0 : index
      %parallel_loop3A_118 = tpu.vector_load %arg10[%parallel_loop3A_116, %parallel_loop3A_117] {strides = array<i32>} : memref<80x128xf32, #tpu.memory_space<vmem>>, vector<16xf32>,
      %parallel_loop3A_119 = arith.index_cast %parallel_loop3A_113 : i32 to index
      %parallel_loop3A_120 = arith.constant 0 : index
      %parallel_loop3A_121 = tpu.vector_load %arg11[%parallel_loop3A_119, %parallel_loop3A_120] {strides = array<i32>} : memref<80x64xf32, #tpu.memory_space<vmem>>, vector<16xf32>,
      %parallel_loop3A_122 = arith.index_cast %parallel_loop3A_113 : i32 to index
      %parallel_loop3A_123 = arith.constant 0 : index
      %parallel_loop3A_124 = tpu.vector_load %arg12[%parallel_loop3A_122, %parallel_loop3A_123] {strides = array<i32>} : memref<80x64xf32, #tpu.memory_space<vmem>>, vector<16xf32>,
      %parallel_loop3A_125 = arith.mulf %parallel_loop3A_118, %parallel_loop3A_121 : vector<16xf32>
      %parallel_loop3A_126 = arith.mulf %parallel_loop3A_125, %parallel_loop3A_124 : vector<16xf32>
      %parallel_loop3A_127 = arith.constant true
      %parallel_loop3A_128 = vector.broadcast %parallel_loop3A_127 : i1 to vector<16xi1>
      %parallel_loop3A_129 = tpu.scan <sum>, %parallel_loop3A_126 masked %parallel_loop3A_128 : vector<16xf32>, vector<16xi1> -> vector<16xf32>
      %parallel_loop3A_130 = vector.extract %parallel_loop3A_129[15] : f32 from vector<16xf32>
      %parallel_loop3A_131 = vector.broadcast %parallel_loop3A_130 : f32 to vector<16xf32>
      %parallel_loop3A_132 = arith.constant -5.000000e+00 : f32
      %parallel_loop3A_133 = arith.constant 5.000000e+00 : f32
      %parallel_loop3A_134 = vector.broadcast %parallel_loop3A_132 : f32 to vector<16xf32>
      %parallel_loop3A_135 = arith.maximumf %parallel_loop3A_134, %parallel_loop3A_131 : vector<16xf32>
      %parallel_loop3A_136 = vector.broadcast %parallel_loop3A_133 : f32 to vector<16xf32>
      %parallel_loop3A_137 = arith.minimumf %parallel_loop3A_136, %parallel_loop3A_135 : vector<16xf32>
      %parallel_loop3A_138 = math.exp %parallel_loop3A_137 : vector<16xf32>
      %parallel_loop3A_139 = arith.index_cast %parallel_loop3A_113 : i32 to index
      %parallel_loop3A_140 = arith.constant 64 : index
      %parallel_loop3A_141 = tpu.vector_load %arg10[%parallel_loop3A_139, %parallel_loop3A_140] {strides = array<i32>} : memref<80x128xf32, #tpu.memory_space<vmem>>, vector<16xf32>,
      %parallel_loop3A_142 = arith.mulf %parallel_loop3A_141, %parallel_loop3A_138 : vector<16xf32>
      %parallel_loop3A_143 = arith.index_cast %parallel_loop3A_113 : i32 to index
      %parallel_loop3A_144 = arith.constant 0 : index
      %parallel_loop3A_145 = tpu.vector_load %arg16[%parallel_loop3A_143, %parallel_loop3A_144] {strides = array<i32>} : memref<80x80xf32, #tpu.memory_space<vmem>>, vector<16xf32>,
      tpu.vector_store %arg16[%parallel_loop3A_143, %parallel_loop3A_144], %parallel_loop3A_142 {strides = array<i32>} : memref<80x80xf32, #tpu.memory_space<vmem>>, vector<16xf32>,
      %parallel_loop3A_146 = arith.constant 0 : i32
      %parallel_loop3A_147 = vector.broadcast %parallel_loop3A_146 : i32 to vector<16xi32>
      %parallel_loop3A_148 = arith.cmpi eq, %iota3A, %parallel_loop3A_147 : vector<16xi32>
      %parallel_loop3A_149 = arith.select %parallel_loop3A_148, %parallel_loop3A_138, %parallel_loop3A_115 : vector<16xi1>, vector<16xf32>
      %parallel_loop3A_150 = arith.index_cast %parallel_loop3A_113 : i32 to index
      %parallel_loop3A_151 = arith.constant 16 : index
      %parallel_loop3A_152 = tpu.vector_load %arg10[%parallel_loop3A_150, %parallel_loop3A_151] {strides = array<i32>} : memref<80x128xf32, #tpu.memory_space<vmem>>, vector<16xf32>,
      %parallel_loop3A_153 = arith.index_cast %parallel_loop3A_113 : i32 to index
      %parallel_loop3A_154 = arith.constant 16 : index
      %parallel_loop3A_155 = tpu.vector_load %arg11[%parallel_loop3A_153, %parallel_loop3A_154] {strides = array<i32>} : memref<80x64xf32, #tpu.memory_space<vmem>>, vector<16xf32>,
      %parallel_loop3A_156 = arith.index_cast %parallel_loop3A_113 : i32 to index
      %parallel_loop3A_157 = arith.constant 16 : index
      %parallel_loop3A_158 = tpu.vector_load %arg12[%parallel_loop3A_156, %parallel_loop3A_157] {strides = array<i32>} : memref<80x64xf32, #tpu.memory_space<vmem>>, vector<16xf32>,
      %parallel_loop3A_159 = arith.mulf %parallel_loop3A_152, %parallel_loop3A_155 : vector<16xf32>
      %parallel_loop3A_160 = arith.mulf %parallel_loop3A_159, %parallel_loop3A_158 : vector<16xf32>
      %parallel_loop3A_161 = arith.constant true
      %parallel_loop3A_162 = vector.broadcast %parallel_loop3A_161 : i1 to vector<16xi1>
      %parallel_loop3A_163 = tpu.scan <sum>, %parallel_loop3A_160 masked %parallel_loop3A_162 : vector<16xf32>, vector<16xi1> -> vector<16xf32>
      %parallel_loop3A_164 = vector.extract %parallel_loop3A_163[15] : f32 from vector<16xf32>
      %parallel_loop3A_165 = vector.broadcast %parallel_loop3A_164 : f32 to vector<16xf32>
      %parallel_loop3A_166 = arith.constant -5.000000e+00 : f32
      %parallel_loop3A_167 = arith.constant 5.000000e+00 : f32
      %parallel_loop3A_168 = vector.broadcast %parallel_loop3A_166 : f32 to vector<16xf32>
      %parallel_loop3A_169 = arith.maximumf %parallel_loop3A_168, %parallel_loop3A_165 : vector<16xf32>
      %parallel_loop3A_170 = vector.broadcast %parallel_loop3A_167 : f32 to vector<16xf32>
      %parallel_loop3A_171 = arith.minimumf %parallel_loop3A_170, %parallel_loop3A_169 : vector<16xf32>
      %parallel_loop3A_172 = math.exp %parallel_loop3A_171 : vector<16xf32>
      %parallel_loop3A_173 = arith.index_cast %parallel_loop3A_113 : i32 to index
      %parallel_loop3A_174 = arith.constant 80 : index
      %parallel_loop3A_175 = tpu.vector_load %arg10[%parallel_loop3A_173, %parallel_loop3A_174] {strides = array<i32>} : memref<80x128xf32, #tpu.memory_space<vmem>>, vector<16xf32>,
      %parallel_loop3A_176 = arith.mulf %parallel_loop3A_175, %parallel_loop3A_172 : vector<16xf32>
      %parallel_loop3A_177 = arith.index_cast %parallel_loop3A_113 : i32 to index
      %parallel_loop3A_178 = arith.constant 16 : index
      %parallel_loop3A_179 = tpu.vector_load %arg16[%parallel_loop3A_177, %parallel_loop3A_178] {strides = array<i32>} : memref<80x80xf32, #tpu.memory_space<vmem>>, vector<16xf32>,
      tpu.vector_store %arg16[%parallel_loop3A_177, %parallel_loop3A_178], %parallel_loop3A_176 {strides = array<i32>} : memref<80x80xf32, #tpu.memory_space<vmem>>, vector<16xf32>,
      %parallel_loop3A_180 = arith.constant 1 : i32
      %parallel_loop3A_181 = vector.broadcast %parallel_loop3A_180 : i32 to vector<16xi32>
      %parallel_loop3A_182 = arith.cmpi eq, %iota3A, %parallel_loop3A_181 : vector<16xi32>
      %parallel_loop3A_183 = arith.select %parallel_loop3A_182, %parallel_loop3A_172, %parallel_loop3A_149 : vector<16xi1>, vector<16xf32>
      %parallel_loop3A_184 = arith.index_cast %parallel_loop3A_113 : i32 to index
      %parallel_loop3A_185 = arith.constant 32 : index
      %parallel_loop3A_186 = tpu.vector_load %arg10[%parallel_loop3A_184, %parallel_loop3A_185] {strides = array<i32>} : memref<80x128xf32, #tpu.memory_space<vmem>>, vector<16xf32>,
      %parallel_loop3A_187 = arith.index_cast %parallel_loop3A_113 : i32 to index
      %parallel_loop3A_188 = arith.constant 32 : index
      %parallel_loop3A_189 = tpu.vector_load %arg11[%parallel_loop3A_187, %parallel_loop3A_188] {strides = array<i32>} : memref<80x64xf32, #tpu.memory_space<vmem>>, vector<16xf32>,
      %parallel_loop3A_190 = arith.index_cast %parallel_loop3A_113 : i32 to index
      %parallel_loop3A_191 = arith.constant 32 : index
      %parallel_loop3A_192 = tpu.vector_load %arg12[%parallel_loop3A_190, %parallel_loop3A_191] {strides = array<i32>} : memref<80x64xf32, #tpu.memory_space<vmem>>, vector<16xf32>,
      %parallel_loop3A_193 = arith.mulf %parallel_loop3A_186, %parallel_loop3A_189 : vector<16xf32>
      %parallel_loop3A_194 = arith.mulf %parallel_loop3A_193, %parallel_loop3A_192 : vector<16xf32>
      %parallel_loop3A_195 = arith.constant true
      %parallel_loop3A_196 = vector.broadcast %parallel_loop3A_195 : i1 to vector<16xi1>
      %parallel_loop3A_197 = tpu.scan <sum>, %parallel_loop3A_194 masked %parallel_loop3A_196 : vector<16xf32>, vector<16xi1> -> vector<16xf32>
      %parallel_loop3A_198 = vector.extract %parallel_loop3A_197[15] : f32 from vector<16xf32>
      %parallel_loop3A_199 = vector.broadcast %parallel_loop3A_198 : f32 to vector<16xf32>
      %parallel_loop3A_200 = arith.constant -5.000000e+00 : f32
      %parallel_loop3A_201 = arith.constant 5.000000e+00 : f32
      %parallel_loop3A_202 = vector.broadcast %parallel_loop3A_200 : f32 to vector<16xf32>
      %parallel_loop3A_203 = arith.maximumf %parallel_loop3A_202, %parallel_loop3A_199 : vector<16xf32>
      %parallel_loop3A_204 = vector.broadcast %parallel_loop3A_201 : f32 to vector<16xf32>
      %parallel_loop3A_205 = arith.minimumf %parallel_loop3A_204, %parallel_loop3A_203 : vector<16xf32>
      %parallel_loop3A_206 = math.exp %parallel_loop3A_205 : vector<16xf32>
      %parallel_loop3A_207 = arith.index_cast %parallel_loop3A_113 : i32 to index
      %parallel_loop3A_208 = arith.constant 96 : index
      %parallel_loop3A_209 = tpu.vector_load %arg10[%parallel_loop3A_207, %parallel_loop3A_208] {strides = array<i32>} : memref<80x128xf32, #tpu.memory_space<vmem>>, vector<16xf32>,
      %parallel_loop3A_210 = arith.mulf %parallel_loop3A_209, %parallel_loop3A_206 : vector<16xf32>
      %parallel_loop3A_211 = arith.index_cast %parallel_loop3A_113 : i32 to index
      %parallel_loop3A_212 = arith.constant 32 : index
      %parallel_loop3A_213 = tpu.vector_load %arg16[%parallel_loop3A_211, %parallel_loop3A_212] {strides = array<i32>} : memref<80x80xf32, #tpu.memory_space<vmem>>, vector<16xf32>,
      tpu.vector_store %arg16[%parallel_loop3A_211, %parallel_loop3A_212], %parallel_loop3A_210 {strides = array<i32>} : memref<80x80xf32, #tpu.memory_space<vmem>>, vector<16xf32>,
      %parallel_loop3A_214 = arith.constant 2 : i32
      %parallel_loop3A_215 = vector.broadcast %parallel_loop3A_214 : i32 to vector<16xi32>
      %parallel_loop3A_216 = arith.cmpi eq, %iota3A, %parallel_loop3A_215 : vector<16xi32>
      %parallel_loop3A_217 = arith.select %parallel_loop3A_216, %parallel_loop3A_206, %parallel_loop3A_183 : vector<16xi1>, vector<16xf32>
      %parallel_loop3A_218 = arith.index_cast %parallel_loop3A_113 : i32 to index
      %parallel_loop3A_219 = arith.constant 48 : index
      %parallel_loop3A_220 = tpu.vector_load %arg10[%parallel_loop3A_218, %parallel_loop3A_219] {strides = array<i32>} : memref<80x128xf32, #tpu.memory_space<vmem>>, vector<16xf32>,
      %parallel_loop3A_221 = arith.index_cast %parallel_loop3A_113 : i32 to index
      %parallel_loop3A_222 = arith.constant 48 : index
      %parallel_loop3A_223 = tpu.vector_load %arg11[%parallel_loop3A_221, %parallel_loop3A_222] {strides = array<i32>} : memref<80x64xf32, #tpu.memory_space<vmem>>, vector<16xf32>,
      %parallel_loop3A_224 = arith.index_cast %parallel_loop3A_113 : i32 to index
      %parallel_loop3A_225 = arith.constant 48 : index
      %parallel_loop3A_226 = tpu.vector_load %arg12[%parallel_loop3A_224, %parallel_loop3A_225] {strides = array<i32>} : memref<80x64xf32, #tpu.memory_space<vmem>>, vector<16xf32>,
      %parallel_loop3A_227 = arith.mulf %parallel_loop3A_220, %parallel_loop3A_223 : vector<16xf32>
      %parallel_loop3A_228 = arith.mulf %parallel_loop3A_227, %parallel_loop3A_226 : vector<16xf32>
      %parallel_loop3A_229 = arith.constant true
      %parallel_loop3A_230 = vector.broadcast %parallel_loop3A_229 : i1 to vector<16xi1>
      %parallel_loop3A_231 = tpu.scan <sum>, %parallel_loop3A_228 masked %parallel_loop3A_230 : vector<16xf32>, vector<16xi1> -> vector<16xf32>
      %parallel_loop3A_232 = vector.extract %parallel_loop3A_231[15] : f32 from vector<16xf32>
      %parallel_loop3A_233 = vector.broadcast %parallel_loop3A_232 : f32 to vector<16xf32>
      %parallel_loop3A_234 = arith.constant -5.000000e+00 : f32
      %parallel_loop3A_235 = arith.constant 5.000000e+00 : f32
      %parallel_loop3A_236 = vector.broadcast %parallel_loop3A_234 : f32 to vector<16xf32>
      %parallel_loop3A_237 = arith.maximumf %parallel_loop3A_236, %parallel_loop3A_233 : vector<16xf32>
      %parallel_loop3A_238 = vector.broadcast %parallel_loop3A_235 : f32 to vector<16xf32>
      %parallel_loop3A_239 = arith.minimumf %parallel_loop3A_238, %parallel_loop3A_237 : vector<16xf32>
      %parallel_loop3A_240 = math.exp %parallel_loop3A_239 : vector<16xf32>
      %parallel_loop3A_241 = arith.index_cast %parallel_loop3A_113 : i32 to index
      %parallel_loop3A_242 = arith.constant 112 : index
      %parallel_loop3A_243 = tpu.vector_load %arg10[%parallel_loop3A_241, %parallel_loop3A_242] {strides = array<i32>} : memref<80x128xf32, #tpu.memory_space<vmem>>, vector<16xf32>,
      %parallel_loop3A_244 = arith.mulf %parallel_loop3A_243, %parallel_loop3A_240 : vector<16xf32>
      %parallel_loop3A_245 = arith.index_cast %parallel_loop3A_113 : i32 to index
      %parallel_loop3A_246 = arith.constant 48 : index
      %parallel_loop3A_247 = tpu.vector_load %arg16[%parallel_loop3A_245, %parallel_loop3A_246] {strides = array<i32>} : memref<80x80xf32, #tpu.memory_space<vmem>>, vector<16xf32>,
      tpu.vector_store %arg16[%parallel_loop3A_245, %parallel_loop3A_246], %parallel_loop3A_244 {strides = array<i32>} : memref<80x80xf32, #tpu.memory_space<vmem>>, vector<16xf32>,
      %parallel_loop3A_248 = arith.constant 3 : i32
      %parallel_loop3A_249 = vector.broadcast %parallel_loop3A_248 : i32 to vector<16xi32>
      %parallel_loop3A_250 = arith.cmpi eq, %iota3A, %parallel_loop3A_249 : vector<16xi32>
      %parallel_loop3A_251 = arith.select %parallel_loop3A_250, %parallel_loop3A_240, %parallel_loop3A_217 : vector<16xi1>, vector<16xf32>
      %parallel_loop3A_252 = arith.index_cast %parallel_loop3A_113 : i32 to index
      %parallel_loop3A_253 = arith.constant 64 : index
      %parallel_loop3A_254 = tpu.vector_load %arg16[%parallel_loop3A_252, %parallel_loop3A_253] {strides = array<i32>} : memref<80x80xf32, #tpu.memory_space<vmem>>, vector<16xf32>,
      tpu.vector_store %arg16[%parallel_loop3A_252, %parallel_loop3A_253], %parallel_loop3A_251 {strides = array<i32>} : memref<80x80xf32, #tpu.memory_space<vmem>>, vector<16xf32>,
    } {sc.loop_unroll_factor = 4 : i64, sc.parallel_access}
    "tpu.region"() ({
      %run_scoped3A_113 = tpu.sem_alloc : memref<!tpu.dma_semaphore, #tpu.memory_space<semaphore_mem>>
      %dma_start3A_114 = arith.constant 9920 : i32
      %dma_start3A_115 = tpu.memref_slice %arg9[%dma_start3A_114] : memref<10000xi32, #tpu.memory_space<vmem>> -> memref<80xi32, #tpu.memory_space<vmem>>
      %dma_start3A_116 = arith.constant 0 : i32
      %dma_start3A_117 = arith.constant 0 : i32
      %dma_start3A_118 = tpu.memref_slice %arg18[%dma_start3A_116, %dma_start3A_117] : memref<10240x80xf32, #tpu.memory_space<vmem_shared>> -> memref<10240x80xf32, #tpu.memory_space<vmem_shared>>
      tpu.enqueue_indirect_dma source(%arg16 : memref<80x80xf32, #tpu.memory_space<vmem>>) target(%dma_start3A_118 : memref<10240x80xf32, #tpu.memory_space<vmem_shared>>) offsets(%dma_start3A_115 : memref<80xi32, #tpu.memory_space<vmem>>) semaphore(%run_scoped3A_113 : memref<!tpu.dma_semaphore, #tpu.memory_space<semaphore_mem>>) {add = true}
      %dma_wait3A_119 = arith.constant 9920 : i32
      %dma_wait3A_120 = tpu.memref_slice %arg9[%dma_wait3A_119] : memref<10000xi32, #tpu.memory_space<vmem>> -> memref<80xi32, #tpu.memory_space<vmem>>
      %dma_wait3A_121 = arith.constant 0 : i32
      %dma_wait3A_122 = arith.constant 0 : i32
      %dma_wait3A_123 = tpu.memref_slice %arg18[%dma_wait3A_121, %dma_wait3A_122] : memref<10240x80xf32, #tpu.memory_space<vmem_shared>> -> memref<10240x80xf32, #tpu.memory_space<vmem_shared>>
      tpu.wait_indirect_dma semaphore(%run_scoped3A_113 : memref<!tpu.dma_semaphore, #tpu.memory_space<semaphore_mem>>) src(%arg16 : memref<80x80xf32, #tpu.memory_space<vmem>>) dst(%dma_wait3A_123 : memref<10240x80xf32, #tpu.memory_space<vmem_shared>>)
      tpu.yield
    }) : () -> ()
    %barrier3A_55 = arith.constant 0 : index
    tpu.barrier barrier_id(%barrier3A_55)
    %run_scoped3A_56 = arith.constant 0 : i32
    "tpu.region"() ({
      %run_scoped3A_113 = tpu.sem_alloc : memref<!tpu.dma_semaphore, #tpu.memory_space<semaphore_mem>>
      %dma_start3A_114 = arith.constant 0 : i32
      %dma_start3A_115 = arith.constant 0 : i32
      %dma_start3A_116 = arith.constant 0 : i32
      %dma_start3A_117 = tpu.memref_slice %arg7[%arg0, %dma_start3A_114, %dma_start3A_115, %dma_start3A_116] : memref<2x2x10240x128xf32, #tpu.memory_space<hbm>> -> memref<1x2x10240x128xf32, #tpu.memory_space<hbm>>
      %dma_start3A_118 = tpu.memref_squeeze %dma_start3A_117 : memref<1x2x10240x128xf32, #tpu.memory_space<hbm>> -> memref<2x10240x128xf32, #tpu.memory_space<hbm>>
      %dma_start3A_119 = arith.constant 0 : i32
      %dma_start3A_120 = arith.constant 0 : i32
      %dma_start3A_121 = tpu.memref_slice %dma_start3A_118[%run_scoped3A_56, %dma_start3A_119, %dma_start3A_120] : memref<2x10240x128xf32, #tpu.memory_space<hbm>> -> memref<1x10240x128xf32, #tpu.memory_space<hbm>>
      %dma_start3A_122 = tpu.memref_squeeze %dma_start3A_121 : memref<1x10240x128xf32, #tpu.memory_space<hbm>> -> memref<10240x128xf32, #tpu.memory_space<hbm>>
      %dma_start3A_123 = arith.constant 0 : i32
      %dma_start3A_124 = tpu.memref_slice %dma_start3A_122[%mul3A_4, %dma_start3A_123] : memref<10240x128xf32, #tpu.memory_space<hbm>> -> memref<640x80xf32, #tpu.memory_space<hbm>>
      %dma_start3A_125 = arith.constant 0 : i32
      %dma_start3A_126 = tpu.memref_slice %arg18[%mul3A_4, %dma_start3A_125] : memref<10240x80xf32, #tpu.memory_space<vmem_shared>> -> memref<640x80xf32, #tpu.memory_space<vmem_shared>>
      tpu.enqueue_dma source(%dma_start3A_126 : memref<640x80xf32, #tpu.memory_space<vmem_shared>>) target(%dma_start3A_124 : memref<640x80xf32, #tpu.memory_space<hbm>>) target_semaphore(%run_scoped3A_113 : memref<!tpu.dma_semaphore, #tpu.memory_space<semaphore_mem>>)
      %dma_wait3A_127 = arith.constant 0 : i32
      %dma_wait3A_128 = arith.constant 0 : i32
      %dma_wait3A_129 = arith.constant 0 : i32
      %dma_wait3A_130 = tpu.memref_slice %arg7[%arg0, %dma_wait3A_127, %dma_wait3A_128, %dma_wait3A_129] : memref<2x2x10240x128xf32, #tpu.memory_space<hbm>> -> memref<1x2x10240x128xf32, #tpu.memory_space<hbm>>
      %dma_wait3A_131 = tpu.memref_squeeze %dma_wait3A_130 : memref<1x2x10240x128xf32, #tpu.memory_space<hbm>> -> memref<2x10240x128xf32, #tpu.memory_space<hbm>>
      %dma_wait3A_132 = arith.constant 0 : i32
      %dma_wait3A_133 = arith.constant 0 : i32
      %dma_wait3A_134 = tpu.memref_slice %dma_wait3A_131[%run_scoped3A_56, %dma_wait3A_132, %dma_wait3A_133] : memref<2x10240x128xf32, #tpu.memory_space<hbm>> -> memref<1x10240x128xf32, #tpu.memory_space<hbm>>
      %dma_wait3A_135 = tpu.memref_squeeze %dma_wait3A_134 : memref<1x10240x128xf32, #tpu.memory_space<hbm>> -> memref<10240x128xf32, #tpu.memory_space<hbm>>
      %dma_wait3A_136 = arith.constant 0 : i32
      %dma_wait3A_137 = tpu.memref_slice %dma_wait3A_135[%mul3A_4, %dma_wait3A_136] : memref<10240x128xf32, #tpu.memory_space<hbm>> -> memref<640x80xf32, #tpu.memory_space<hbm>>
      %dma_wait3A_138 = arith.constant 0 : i32
      %dma_wait3A_139 = tpu.memref_slice %arg18[%mul3A_4, %dma_wait3A_138] : memref<10240x80xf32, #tpu.memory_space<vmem_shared>> -> memref<640x80xf32, #tpu.memory_space<vmem_shared>>
      tpu.wait_dma2 semaphore(%run_scoped3A_113 : memref<!tpu.dma_semaphore, #tpu.memory_space<semaphore_mem>>) src(%dma_wait3A_139 : memref<640x80xf32, #tpu.memory_space<vmem_shared>>) dst(%dma_wait3A_137 : memref<640x80xf32, #tpu.memory_space<hbm>>)
      tpu.yield
    }) : () -> ()
    "tpu.region"() ({
      %run_scoped3A_113 = tpu.sem_alloc : memref<!tpu.dma_semaphore, #tpu.memory_space<semaphore_mem>>
      %dma_start3A_114 = arith.constant 0 : i32
      %dma_start3A_115 = tpu.memref_slice %arg18[%mul3A_4, %dma_start3A_114] : memref<10240x80xf32, #tpu.memory_space<vmem_shared>> -> memref<640x80xf32, #tpu.memory_space<vmem_shared>>
      tpu.enqueue_dma source(%arg6 : memref<640x80xf32, #tpu.memory_space<hbm>>) target(%dma_start3A_115 : memref<640x80xf32, #tpu.memory_space<vmem_shared>>) target_semaphore(%run_scoped3A_113 : memref<!tpu.dma_semaphore, #tpu.memory_space<semaphore_mem>>)
      %dma_wait3A_116 = arith.constant 0 : i32
      %dma_wait3A_117 = tpu.memref_slice %arg18[%mul3A_4, %dma_wait3A_116] : memref<10240x80xf32, #tpu.memory_space<vmem_shared>> -> memref<640x80xf32, #tpu.memory_space<vmem_shared>>
      tpu.wait_dma2 semaphore(%run_scoped3A_113 : memref<!tpu.dma_semaphore, #tpu.memory_space<semaphore_mem>>) src(%arg6 : memref<640x80xf32, #tpu.memory_space<hbm>>) dst(%dma_wait3A_117 : memref<640x80xf32, #tpu.memory_space<vmem_shared>>)
      tpu.yield
    }) : () -> ()
    %barrier3A_57 = arith.constant 0 : index
    tpu.barrier barrier_id(%barrier3A_57)
    %dma_start3A_58 = arith.constant 1 : i32
    %dma_start3A_59 = arith.constant 0 : i32
    %dma_start3A_60 = tpu.memref_slice %arg8[%dma_start3A_59] : memref<10000xi32, #tpu.memory_space<vmem>> -> memref<80xi32, #tpu.memory_space<vmem>>
    %dma_start3A_61 = arith.constant 0 : i32
    %dma_start3A_62 = arith.constant 0 : i32
    %dma_start3A_63 = tpu.memref_slice %arg2[%dma_start3A_58, %dma_start3A_61, %dma_start3A_62] : memref<2x10000x128xf32, #tpu.memory_space<hbm>> -> memref<1x10000x128xf32, #tpu.memory_space<hbm>>
    %dma_start3A_64 = tpu.memref_squeeze %dma_start3A_63 : memref<1x10000x128xf32, #tpu.memory_space<hbm>> -> memref<10000x128xf32, #tpu.memory_space<hbm>>
    %dma_start3A_65 = arith.constant 0 : i32
    %dma_start3A_66 = arith.constant 0 : i32
    %dma_start3A_67 = tpu.memref_slice %dma_start3A_64[%dma_start3A_65, %dma_start3A_66] : memref<10000x128xf32, #tpu.memory_space<hbm>> -> memref<10000x128xf32, #tpu.memory_space<hbm>>
    tpu.enqueue_indirect_dma source(%dma_start3A_67 : memref<10000x128xf32, #tpu.memory_space<hbm>>) target(%arg10 : memref<80x128xf32, #tpu.memory_space<vmem>>) offsets(%dma_start3A_60 : memref<80xi32, #tpu.memory_space<vmem>>) semaphore(%arg19 : memref<!tpu.dma_semaphore, #tpu.memory_space<semaphore_mem>>)
    %dma_start3A_68 = arith.constant 1 : i32
    %dma_start3A_69 = arith.constant 0 : i32
    %dma_start3A_70 = tpu.memref_slice %arg9[%dma_start3A_69] : memref<10000xi32, #tpu.memory_space<vmem>> -> memref<80xi32, #tpu.memory_space<vmem>>
    %dma_start3A_71 = arith.constant 0 : i32
    %dma_start3A_72 = arith.constant 0 : i32
    %dma_start3A_73 = tpu.memref_slice %arg3[%dma_start3A_68, %dma_start3A_71, %dma_start3A_72] : memref<2x10000x64xf32, #tpu.memory_space<hbm>> -> memref<1x10000x64xf32, #tpu.memory_space<hbm>>
    %dma_start3A_74 = tpu.memref_squeeze %dma_start3A_73 : memref<1x10000x64xf32, #tpu.memory_space<hbm>> -> memref<10000x64xf32, #tpu.memory_space<hbm>>
    %dma_start3A_75 = arith.constant 0 : i32
    %dma_start3A_76 = arith.constant 0 : i32
    %dma_start3A_77 = tpu.memref_slice %dma_start3A_74[%dma_start3A_75, %dma_start3A_76] : memref<10000x64xf32, #tpu.memory_space<hbm>> -> memref<10000x64xf32, #tpu.memory_space<hbm>>
    tpu.enqueue_indirect_dma source(%dma_start3A_77 : memref<10000x64xf32, #tpu.memory_space<hbm>>) target(%arg11 : memref<80x64xf32, #tpu.memory_space<vmem>>) offsets(%dma_start3A_70 : memref<80xi32, #tpu.memory_space<vmem>>) semaphore(%arg19 : memref<!tpu.dma_semaphore, #tpu.memory_space<semaphore_mem>>)
    %add3A_78 = arith.constant 0 : i32
    %add3A_79 = arith.addi %mul3A_2, %add3A_78 : i32
    %dma_start3A_80 = arith.constant 64 : i32
    %dma_start3A_81 = tpu.memref_slice %arg4[%add3A_79, %dma_start3A_80] : memref<320000x128xf32, #tpu.memory_space<hbm>> -> memref<80x64xf32, #tpu.memory_space<hbm>>
    %dma_start3A_82 = arith.constant 64 : i32
    %dma_start3A_83 = tpu.memref_slice %arg4[%add3A_79, %dma_start3A_82] : memref<320000x128xf32, #tpu.memory_space<hbm>> -> memref<80x64xf32, #tpu.memory_space<hbm>>
    tpu.enqueue_dma source(%dma_start3A_83 : memref<80x64xf32, #tpu.memory_space<hbm>>) target(%arg12 : memref<80x64xf32, #tpu.memory_space<vmem>>) target_semaphore(%arg19 : memref<!tpu.dma_semaphore, #tpu.memory_space<semaphore_mem>>)
    %scan3A_84 = arith.constant 0 : i32
    %scan3A_85 = arith.constant 0 : i32
    %scan3A_86 = arith.constant 62 : i32
    %scan3A_87 = arith.addi %scan3A_85, %scan3A_86 : i32
    %scan3A_88 = arith.constant 1 : i32
    scf.for %scan3A_113 = %scan3A_85 to %scan3A_87 step %scan3A_88  : i32 {
      %mul3A_114 = arith.constant 2 : i32
      %mul3A_115 = arith.muli %mul3A_114, %scan3A_113 : i32
      %add3A_116 = arith.constant 1 : i32
      %add3A_117 = arith.addi %mul3A_115, %add3A_116 : i32
      %mul3A_118 = arith.constant 80 : i32
      %mul3A_119 = arith.muli %add3A_117, %mul3A_118 : i32
      %mul3A_120 = arith.constant 80 : i32
      %mul3A_121 = arith.muli %add3A_117, %mul3A_120 : i32
      %dma_start3A_122 = arith.constant 1 : i32
      %dma_start3A_123 = tpu.memref_slice %arg8[%mul3A_119] : memref<10000xi32, #tpu.memory_space<vmem>> -> memref<80xi32, #tpu.memory_space<vmem>>
      %dma_start3A_124 = arith.constant 0 : i32
      %dma_start3A_125 = arith.constant 0 : i32
      %dma_start3A_126 = tpu.memref_slice %arg2[%dma_start3A_122, %dma_start3A_124, %dma_start3A_125] : memref<2x10000x128xf32, #tpu.memory_space<hbm>> -> memref<1x10000x128xf32, #tpu.memory_space<hbm>>
      %dma_start3A_127 = tpu.memref_squeeze %dma_start3A_126 : memref<1x10000x128xf32, #tpu.memory_space<hbm>> -> memref<10000x128xf32, #tpu.memory_space<hbm>>
      %dma_start3A_128 = arith.constant 0 : i32
      %dma_start3A_129 = arith.constant 0 : i32
      %dma_start3A_130 = tpu.memref_slice %dma_start3A_127[%dma_start3A_128, %dma_start3A_129] : memref<10000x128xf32, #tpu.memory_space<hbm>> -> memref<10000x128xf32, #tpu.memory_space<hbm>>
      tpu.enqueue_indirect_dma source(%dma_start3A_130 : memref<10000x128xf32, #tpu.memory_space<hbm>>) target(%arg13 : memref<80x128xf32, #tpu.memory_space<vmem>>) offsets(%dma_start3A_123 : memref<80xi32, #tpu.memory_space<vmem>>) semaphore(%arg20 : memref<!tpu.dma_semaphore, #tpu.memory_space<semaphore_mem>>)
      %dma_start3A_131 = arith.constant 1 : i32
      %dma_start3A_132 = tpu.memref_slice %arg9[%mul3A_121] : memref<10000xi32, #tpu.memory_space<vmem>> -> memref<80xi32, #tpu.memory_space<vmem>>
      %dma_start3A_133 = arith.constant 0 : i32
      %dma_start3A_134 = arith.constant 0 : i32
      %dma_start3A_135 = tpu.memref_slice %arg3[%dma_start3A_131, %dma_start3A_133, %dma_start3A_134] : memref<2x10000x64xf32, #tpu.memory_space<hbm>> -> memref<1x10000x64xf32, #tpu.memory_space<hbm>>
      %dma_start3A_136 = tpu.memref_squeeze %dma_start3A_135 : memref<1x10000x64xf32, #tpu.memory_space<hbm>> -> memref<10000x64xf32, #tpu.memory_space<hbm>>
      %dma_start3A_137 = arith.constant 0 : i32
      %dma_start3A_138 = arith.constant 0 : i32
      %dma_start3A_139 = tpu.memref_slice %dma_start3A_136[%dma_start3A_137, %dma_start3A_138] : memref<10000x64xf32, #tpu.memory_space<hbm>> -> memref<10000x64xf32, #tpu.memory_space<hbm>>
      tpu.enqueue_indirect_dma source(%dma_start3A_139 : memref<10000x64xf32, #tpu.memory_space<hbm>>) target(%arg14 : memref<80x64xf32, #tpu.memory_space<vmem>>) offsets(%dma_start3A_132 : memref<80xi32, #tpu.memory_space<vmem>>) semaphore(%arg20 : memref<!tpu.dma_semaphore, #tpu.memory_space<semaphore_mem>>)
      %mul3A_140 = arith.constant 80 : i32
      %mul3A_141 = arith.muli %add3A_117, %mul3A_140 : i32
      %add3A_142 = arith.addi %mul3A_2, %mul3A_141 : i32
      %dma_start3A_143 = arith.constant 64 : i32
      %dma_start3A_144 = tpu.memref_slice %arg4[%add3A_142, %dma_start3A_143] : memref<320000x128xf32, #tpu.memory_space<hbm>> -> memref<80x64xf32, #tpu.memory_space<hbm>>
      %dma_start3A_145 = arith.constant 64 : i32
      %dma_start3A_146 = tpu.memref_slice %arg4[%add3A_142, %dma_start3A_145] : memref<320000x128xf32, #tpu.memory_space<hbm>> -> memref<80x64xf32, #tpu.memory_space<hbm>>
      tpu.enqueue_dma source(%dma_start3A_146 : memref<80x64xf32, #tpu.memory_space<hbm>>) target(%arg15 : memref<80x64xf32, #tpu.memory_space<vmem>>) target_semaphore(%arg20 : memref<!tpu.dma_semaphore, #tpu.memory_space<semaphore_mem>>)
      %dma_wait3A_147 = arith.constant 0 : i32
      %dma_wait3A_148 = arith.constant 0 : i32
      %dma_wait3A_149 = tpu.memref_slice %arg4[%dma_wait3A_147, %dma_wait3A_148] : memref<320000x128xf32, #tpu.memory_space<hbm>> -> memref<80x64xf32, #tpu.memory_space<hbm>>
      %dma_wait3A_150 = arith.constant 0 : i32
      %dma_wait3A_151 = arith.constant 0 : i32
      %dma_wait3A_152 = tpu.memref_slice %arg4[%dma_wait3A_150, %dma_wait3A_151] : memref<320000x128xf32, #tpu.memory_space<hbm>> -> memref<80x64xf32, #tpu.memory_space<hbm>>
      tpu.wait_dma2 semaphore(%arg19 : memref<!tpu.dma_semaphore, #tpu.memory_space<semaphore_mem>>) src(%dma_wait3A_152 : memref<80x64xf32, #tpu.memory_space<hbm>>) dst(%arg10 : memref<80x128xf32, #tpu.memory_space<vmem>>)
      %dma_wait3A_153 = arith.constant 0 : i32
      %dma_wait3A_154 = arith.constant 0 : i32
      %dma_wait3A_155 = tpu.memref_slice %arg4[%dma_wait3A_153, %dma_wait3A_154] : memref<320000x128xf32, #tpu.memory_space<hbm>> -> memref<80x64xf32, #tpu.memory_space<hbm>>
      %dma_wait3A_156 = arith.constant 0 : i32
      %dma_wait3A_157 = arith.constant 0 : i32
      %dma_wait3A_158 = tpu.memref_slice %arg4[%dma_wait3A_156, %dma_wait3A_157] : memref<320000x128xf32, #tpu.memory_space<hbm>> -> memref<80x64xf32, #tpu.memory_space<hbm>>
      tpu.wait_dma2 semaphore(%arg19 : memref<!tpu.dma_semaphore, #tpu.memory_space<semaphore_mem>>) src(%dma_wait3A_158 : memref<80x64xf32, #tpu.memory_space<hbm>>) dst(%arg11 : memref<80x64xf32, #tpu.memory_space<vmem>>)
      %dma_wait3A_159 = arith.constant 0 : i32
      %dma_wait3A_160 = arith.constant 0 : i32
      %dma_wait3A_161 = tpu.memref_slice %arg4[%dma_wait3A_159, %dma_wait3A_160] : memref<320000x128xf32, #tpu.memory_space<hbm>> -> memref<80x64xf32, #tpu.memory_space<hbm>>
      %dma_wait3A_162 = arith.constant 0 : i32
      %dma_wait3A_163 = arith.constant 0 : i32
      %dma_wait3A_164 = tpu.memref_slice %arg4[%dma_wait3A_162, %dma_wait3A_163] : memref<320000x128xf32, #tpu.memory_space<hbm>> -> memref<80x64xf32, #tpu.memory_space<hbm>>
      tpu.wait_dma2 semaphore(%arg19 : memref<!tpu.dma_semaphore, #tpu.memory_space<semaphore_mem>>) src(%dma_wait3A_164 : memref<80x64xf32, #tpu.memory_space<hbm>>) dst(%arg12 : memref<80x64xf32, #tpu.memory_space<vmem>>)
      %parallel_loop3A_165 = arith.constant 0 : i32
      %parallel_loop3A_166 = arith.constant 80 : i32
      %parallel_loop3A_167 = arith.constant 1 : i32
      scf.for %parallel_loop3A_226 = %parallel_loop3A_165 to %parallel_loop3A_166 step %parallel_loop3A_167  : i32 {
        %parallel_loop3A_227 = arith.constant 0.000000e+00 : f32
        %parallel_loop3A_228 = vector.broadcast %parallel_loop3A_227 : f32 to vector<16xf32>
        %parallel_loop3A_229 = arith.index_cast %parallel_loop3A_226 : i32 to index
        %parallel_loop3A_230 = arith.constant 0 : index
        %parallel_loop3A_231 = tpu.vector_load %arg10[%parallel_loop3A_229, %parallel_loop3A_230] {strides = array<i32>} : memref<80x128xf32, #tpu.memory_space<vmem>>, vector<16xf32>,
        %parallel_loop3A_232 = arith.index_cast %parallel_loop3A_226 : i32 to index
        %parallel_loop3A_233 = arith.constant 0 : index
        %parallel_loop3A_234 = tpu.vector_load %arg11[%parallel_loop3A_232, %parallel_loop3A_233] {strides = array<i32>} : memref<80x64xf32, #tpu.memory_space<vmem>>, vector<16xf32>,
        %parallel_loop3A_235 = arith.index_cast %parallel_loop3A_226 : i32 to index
        %parallel_loop3A_236 = arith.constant 0 : index
        %parallel_loop3A_237 = tpu.vector_load %arg12[%parallel_loop3A_235, %parallel_loop3A_236] {strides = array<i32>} : memref<80x64xf32, #tpu.memory_space<vmem>>, vector<16xf32>,
        %parallel_loop3A_238 = arith.mulf %parallel_loop3A_231, %parallel_loop3A_234 : vector<16xf32>
        %parallel_loop3A_239 = arith.mulf %parallel_loop3A_238, %parallel_loop3A_237 : vector<16xf32>
        %parallel_loop3A_240 = arith.constant true
        %parallel_loop3A_241 = vector.broadcast %parallel_loop3A_240 : i1 to vector<16xi1>
        %parallel_loop3A_242 = tpu.scan <sum>, %parallel_loop3A_239 masked %parallel_loop3A_241 : vector<16xf32>, vector<16xi1> -> vector<16xf32>
        %parallel_loop3A_243 = vector.extract %parallel_loop3A_242[15] : f32 from vector<16xf32>
        %parallel_loop3A_244 = vector.broadcast %parallel_loop3A_243 : f32 to vector<16xf32>
        %parallel_loop3A_245 = arith.constant -5.000000e+00 : f32
        %parallel_loop3A_246 = arith.constant 5.000000e+00 : f32
        %parallel_loop3A_247 = vector.broadcast %parallel_loop3A_245 : f32 to vector<16xf32>
        %parallel_loop3A_248 = arith.maximumf %parallel_loop3A_247, %parallel_loop3A_244 : vector<16xf32>
        %parallel_loop3A_249 = vector.broadcast %parallel_loop3A_246 : f32 to vector<16xf32>
        %parallel_loop3A_250 = arith.minimumf %parallel_loop3A_249, %parallel_loop3A_248 : vector<16xf32>
        %parallel_loop3A_251 = math.exp %parallel_loop3A_250 : vector<16xf32>
        %parallel_loop3A_252 = arith.index_cast %parallel_loop3A_226 : i32 to index
        %parallel_loop3A_253 = arith.constant 64 : index
        %parallel_loop3A_254 = tpu.vector_load %arg10[%parallel_loop3A_252, %parallel_loop3A_253] {strides = array<i32>} : memref<80x128xf32, #tpu.memory_space<vmem>>, vector<16xf32>,
        %parallel_loop3A_255 = arith.mulf %parallel_loop3A_254, %parallel_loop3A_251 : vector<16xf32>
        %parallel_loop3A_256 = arith.index_cast %parallel_loop3A_226 : i32 to index
        %parallel_loop3A_257 = arith.constant 0 : index
        %parallel_loop3A_258 = tpu.vector_load %arg16[%parallel_loop3A_256, %parallel_loop3A_257] {strides = array<i32>} : memref<80x80xf32, #tpu.memory_space<vmem>>, vector<16xf32>,
        tpu.vector_store %arg16[%parallel_loop3A_256, %parallel_loop3A_257], %parallel_loop3A_255 {strides = array<i32>} : memref<80x80xf32, #tpu.memory_space<vmem>>, vector<16xf32>,
        %parallel_loop3A_259 = arith.constant 0 : i32
        %parallel_loop3A_260 = vector.broadcast %parallel_loop3A_259 : i32 to vector<16xi32>
        %parallel_loop3A_261 = arith.cmpi eq, %iota3A, %parallel_loop3A_260 : vector<16xi32>
        %parallel_loop3A_262 = arith.select %parallel_loop3A_261, %parallel_loop3A_251, %parallel_loop3A_228 : vector<16xi1>, vector<16xf32>
        %parallel_loop3A_263 = arith.index_cast %parallel_loop3A_226 : i32 to index
        %parallel_loop3A_264 = arith.constant 16 : index
        %parallel_loop3A_265 = tpu.vector_load %arg10[%parallel_loop3A_263, %parallel_loop3A_264] {strides = array<i32>} : memref<80x128xf32, #tpu.memory_space<vmem>>, vector<16xf32>,
        %parallel_loop3A_266 = arith.index_cast %parallel_loop3A_226 : i32 to index
        %parallel_loop3A_267 = arith.constant 16 : index
        %parallel_loop3A_268 = tpu.vector_load %arg11[%parallel_loop3A_266, %parallel_loop3A_267] {strides = array<i32>} : memref<80x64xf32, #tpu.memory_space<vmem>>, vector<16xf32>,
        %parallel_loop3A_269 = arith.index_cast %parallel_loop3A_226 : i32 to index
        %parallel_loop3A_270 = arith.constant 16 : index
        %parallel_loop3A_271 = tpu.vector_load %arg12[%parallel_loop3A_269, %parallel_loop3A_270] {strides = array<i32>} : memref<80x64xf32, #tpu.memory_space<vmem>>, vector<16xf32>,
        %parallel_loop3A_272 = arith.mulf %parallel_loop3A_265, %parallel_loop3A_268 : vector<16xf32>
        %parallel_loop3A_273 = arith.mulf %parallel_loop3A_272, %parallel_loop3A_271 : vector<16xf32>
        %parallel_loop3A_274 = arith.constant true
        %parallel_loop3A_275 = vector.broadcast %parallel_loop3A_274 : i1 to vector<16xi1>
        %parallel_loop3A_276 = tpu.scan <sum>, %parallel_loop3A_273 masked %parallel_loop3A_275 : vector<16xf32>, vector<16xi1> -> vector<16xf32>
        %parallel_loop3A_277 = vector.extract %parallel_loop3A_276[15] : f32 from vector<16xf32>
        %parallel_loop3A_278 = vector.broadcast %parallel_loop3A_277 : f32 to vector<16xf32>
        %parallel_loop3A_279 = arith.constant -5.000000e+00 : f32
        %parallel_loop3A_280 = arith.constant 5.000000e+00 : f32
        %parallel_loop3A_281 = vector.broadcast %parallel_loop3A_279 : f32 to vector<16xf32>
        %parallel_loop3A_282 = arith.maximumf %parallel_loop3A_281, %parallel_loop3A_278 : vector<16xf32>
        %parallel_loop3A_283 = vector.broadcast %parallel_loop3A_280 : f32 to vector<16xf32>
        %parallel_loop3A_284 = arith.minimumf %parallel_loop3A_283, %parallel_loop3A_282 : vector<16xf32>
        %parallel_loop3A_285 = math.exp %parallel_loop3A_284 : vector<16xf32>
        %parallel_loop3A_286 = arith.index_cast %parallel_loop3A_226 : i32 to index
        %parallel_loop3A_287 = arith.constant 80 : index
        %parallel_loop3A_288 = tpu.vector_load %arg10[%parallel_loop3A_286, %parallel_loop3A_287] {strides = array<i32>} : memref<80x128xf32, #tpu.memory_space<vmem>>, vector<16xf32>,
        %parallel_loop3A_289 = arith.mulf %parallel_loop3A_288, %parallel_loop3A_285 : vector<16xf32>
        %parallel_loop3A_290 = arith.index_cast %parallel_loop3A_226 : i32 to index
        %parallel_loop3A_291 = arith.constant 16 : index
        %parallel_loop3A_292 = tpu.vector_load %arg16[%parallel_loop3A_290, %parallel_loop3A_291] {strides = array<i32>} : memref<80x80xf32, #tpu.memory_space<vmem>>, vector<16xf32>,
        tpu.vector_store %arg16[%parallel_loop3A_290, %parallel_loop3A_291], %parallel_loop3A_289 {strides = array<i32>} : memref<80x80xf32, #tpu.memory_space<vmem>>, vector<16xf32>,
        %parallel_loop3A_293 = arith.constant 1 : i32
        %parallel_loop3A_294 = vector.broadcast %parallel_loop3A_293 : i32 to vector<16xi32>
        %parallel_loop3A_295 = arith.cmpi eq, %iota3A, %parallel_loop3A_294 : vector<16xi32>
        %parallel_loop3A_296 = arith.select %parallel_loop3A_295, %parallel_loop3A_285, %parallel_loop3A_262 : vector<16xi1>, vector<16xf32>
        %parallel_loop3A_297 = arith.index_cast %parallel_loop3A_226 : i32 to index
        %parallel_loop3A_298 = arith.constant 32 : index
        %parallel_loop3A_299 = tpu.vector_load %arg10[%parallel_loop3A_297, %parallel_loop3A_298] {strides = array<i32>} : memref<80x128xf32, #tpu.memory_space<vmem>>, vector<16xf32>,
        %parallel_loop3A_300 = arith.index_cast %parallel_loop3A_226 : i32 to index
        %parallel_loop3A_301 = arith.constant 32 : index
        %parallel_loop3A_302 = tpu.vector_load %arg11[%parallel_loop3A_300, %parallel_loop3A_301] {strides = array<i32>} : memref<80x64xf32, #tpu.memory_space<vmem>>, vector<16xf32>,
        %parallel_loop3A_303 = arith.index_cast %parallel_loop3A_226 : i32 to index
        %parallel_loop3A_304 = arith.constant 32 : index
        %parallel_loop3A_305 = tpu.vector_load %arg12[%parallel_loop3A_303, %parallel_loop3A_304] {strides = array<i32>} : memref<80x64xf32, #tpu.memory_space<vmem>>, vector<16xf32>,
        %parallel_loop3A_306 = arith.mulf %parallel_loop3A_299, %parallel_loop3A_302 : vector<16xf32>
        %parallel_loop3A_307 = arith.mulf %parallel_loop3A_306, %parallel_loop3A_305 : vector<16xf32>
        %parallel_loop3A_308 = arith.constant true
        %parallel_loop3A_309 = vector.broadcast %parallel_loop3A_308 : i1 to vector<16xi1>
        %parallel_loop3A_310 = tpu.scan <sum>, %parallel_loop3A_307 masked %parallel_loop3A_309 : vector<16xf32>, vector<16xi1> -> vector<16xf32>
        %parallel_loop3A_311 = vector.extract %parallel_loop3A_310[15] : f32 from vector<16xf32>
        %parallel_loop3A_312 = vector.broadcast %parallel_loop3A_311 : f32 to vector<16xf32>
        %parallel_loop3A_313 = arith.constant -5.000000e+00 : f32
        %parallel_loop3A_314 = arith.constant 5.000000e+00 : f32
        %parallel_loop3A_315 = vector.broadcast %parallel_loop3A_313 : f32 to vector<16xf32>
        %parallel_loop3A_316 = arith.maximumf %parallel_loop3A_315, %parallel_loop3A_312 : vector<16xf32>
        %parallel_loop3A_317 = vector.broadcast %parallel_loop3A_314 : f32 to vector<16xf32>
        %parallel_loop3A_318 = arith.minimumf %parallel_loop3A_317, %parallel_loop3A_316 : vector<16xf32>
        %parallel_loop3A_319 = math.exp %parallel_loop3A_318 : vector<16xf32>
        %parallel_loop3A_320 = arith.index_cast %parallel_loop3A_226 : i32 to index
        %parallel_loop3A_321 = arith.constant 96 : index
        %parallel_loop3A_322 = tpu.vector_load %arg10[%parallel_loop3A_320, %parallel_loop3A_321] {strides = array<i32>} : memref<80x128xf32, #tpu.memory_space<vmem>>, vector<16xf32>,
        %parallel_loop3A_323 = arith.mulf %parallel_loop3A_322, %parallel_loop3A_319 : vector<16xf32>
        %parallel_loop3A_324 = arith.index_cast %parallel_loop3A_226 : i32 to index
        %parallel_loop3A_325 = arith.constant 32 : index
        %parallel_loop3A_326 = tpu.vector_load %arg16[%parallel_loop3A_324, %parallel_loop3A_325] {strides = array<i32>} : memref<80x80xf32, #tpu.memory_space<vmem>>, vector<16xf32>,
        tpu.vector_store %arg16[%parallel_loop3A_324, %parallel_loop3A_325], %parallel_loop3A_323 {strides = array<i32>} : memref<80x80xf32, #tpu.memory_space<vmem>>, vector<16xf32>,
        %parallel_loop3A_327 = arith.constant 2 : i32
        %parallel_loop3A_328 = vector.broadcast %parallel_loop3A_327 : i32 to vector<16xi32>
        %parallel_loop3A_329 = arith.cmpi eq, %iota3A, %parallel_loop3A_328 : vector<16xi32>
        %parallel_loop3A_330 = arith.select %parallel_loop3A_329, %parallel_loop3A_319, %parallel_loop3A_296 : vector<16xi1>, vector<16xf32>
        %parallel_loop3A_331 = arith.index_cast %parallel_loop3A_226 : i32 to index
        %parallel_loop3A_332 = arith.constant 48 : index
        %parallel_loop3A_333 = tpu.vector_load %arg10[%parallel_loop3A_331, %parallel_loop3A_332] {strides = array<i32>} : memref<80x128xf32, #tpu.memory_space<vmem>>, vector<16xf32>,
        %parallel_loop3A_334 = arith.index_cast %parallel_loop3A_226 : i32 to index
        %parallel_loop3A_335 = arith.constant 48 : index
        %parallel_loop3A_336 = tpu.vector_load %arg11[%parallel_loop3A_334, %parallel_loop3A_335] {strides = array<i32>} : memref<80x64xf32, #tpu.memory_space<vmem>>, vector<16xf32>,
        %parallel_loop3A_337 = arith.index_cast %parallel_loop3A_226 : i32 to index
        %parallel_loop3A_338 = arith.constant 48 : index
        %parallel_loop3A_339 = tpu.vector_load %arg12[%parallel_loop3A_337, %parallel_loop3A_338] {strides = array<i32>} : memref<80x64xf32, #tpu.memory_space<vmem>>, vector<16xf32>,
        %parallel_loop3A_340 = arith.mulf %parallel_loop3A_333, %parallel_loop3A_336 : vector<16xf32>
        %parallel_loop3A_341 = arith.mulf %parallel_loop3A_340, %parallel_loop3A_339 : vector<16xf32>
        %parallel_loop3A_342 = arith.constant true
        %parallel_loop3A_343 = vector.broadcast %parallel_loop3A_342 : i1 to vector<16xi1>
        %parallel_loop3A_344 = tpu.scan <sum>, %parallel_loop3A_341 masked %parallel_loop3A_343 : vector<16xf32>, vector<16xi1> -> vector<16xf32>
        %parallel_loop3A_345 = vector.extract %parallel_loop3A_344[15] : f32 from vector<16xf32>
        %parallel_loop3A_346 = vector.broadcast %parallel_loop3A_345 : f32 to vector<16xf32>
        %parallel_loop3A_347 = arith.constant -5.000000e+00 : f32
        %parallel_loop3A_348 = arith.constant 5.000000e+00 : f32
        %parallel_loop3A_349 = vector.broadcast %parallel_loop3A_347 : f32 to vector<16xf32>
        %parallel_loop3A_350 = arith.maximumf %parallel_loop3A_349, %parallel_loop3A_346 : vector<16xf32>
        %parallel_loop3A_351 = vector.broadcast %parallel_loop3A_348 : f32 to vector<16xf32>
        %parallel_loop3A_352 = arith.minimumf %parallel_loop3A_351, %parallel_loop3A_350 : vector<16xf32>
        %parallel_loop3A_353 = math.exp %parallel_loop3A_352 : vector<16xf32>
        %parallel_loop3A_354 = arith.index_cast %parallel_loop3A_226 : i32 to index
        %parallel_loop3A_355 = arith.constant 112 : index
        %parallel_loop3A_356 = tpu.vector_load %arg10[%parallel_loop3A_354, %parallel_loop3A_355] {strides = array<i32>} : memref<80x128xf32, #tpu.memory_space<vmem>>, vector<16xf32>,
        %parallel_loop3A_357 = arith.mulf %parallel_loop3A_356, %parallel_loop3A_353 : vector<16xf32>
        %parallel_loop3A_358 = arith.index_cast %parallel_loop3A_226 : i32 to index
        %parallel_loop3A_359 = arith.constant 48 : index
        %parallel_loop3A_360 = tpu.vector_load %arg16[%parallel_loop3A_358, %parallel_loop3A_359] {strides = array<i32>} : memref<80x80xf32, #tpu.memory_space<vmem>>, vector<16xf32>,
        tpu.vector_store %arg16[%parallel_loop3A_358, %parallel_loop3A_359], %parallel_loop3A_357 {strides = array<i32>} : memref<80x80xf32, #tpu.memory_space<vmem>>, vector<16xf32>,
        %parallel_loop3A_361 = arith.constant 3 : i32
        %parallel_loop3A_362 = vector.broadcast %parallel_loop3A_361 : i32 to vector<16xi32>
        %parallel_loop3A_363 = arith.cmpi eq, %iota3A, %parallel_loop3A_362 : vector<16xi32>
        %parallel_loop3A_364 = arith.select %parallel_loop3A_363, %parallel_loop3A_353, %parallel_loop3A_330 : vector<16xi1>, vector<16xf32>
        %parallel_loop3A_365 = arith.index_cast %parallel_loop3A_226 : i32 to index
        %parallel_loop3A_366 = arith.constant 64 : index
        %parallel_loop3A_367 = tpu.vector_load %arg16[%parallel_loop3A_365, %parallel_loop3A_366] {strides = array<i32>} : memref<80x80xf32, #tpu.memory_space<vmem>>, vector<16xf32>,
        tpu.vector_store %arg16[%parallel_loop3A_365, %parallel_loop3A_366], %parallel_loop3A_364 {strides = array<i32>} : memref<80x80xf32, #tpu.memory_space<vmem>>, vector<16xf32>,
      } {sc.loop_unroll_factor = 4 : i64, sc.parallel_access}
      %mul3A_168 = arith.constant 80 : i32
      %mul3A_169 = arith.muli %mul3A_115, %mul3A_168 : i32
      "tpu.region"() ({
        %run_scoped3A_226 = tpu.sem_alloc : memref<!tpu.dma_semaphore, #tpu.memory_space<semaphore_mem>>
        %dma_start3A_227 = tpu.memref_slice %arg9[%mul3A_169] : memref<10000xi32, #tpu.memory_space<vmem>> -> memref<80xi32, #tpu.memory_space<vmem>>
        %dma_start3A_228 = arith.constant 0 : i32
        %dma_start3A_229 = arith.constant 0 : i32
        %dma_start3A_230 = tpu.memref_slice %arg18[%dma_start3A_228, %dma_start3A_229] : memref<10240x80xf32, #tpu.memory_space<vmem_shared>> -> memref<10240x80xf32, #tpu.memory_space<vmem_shared>>
        tpu.enqueue_indirect_dma source(%arg16 : memref<80x80xf32, #tpu.memory_space<vmem>>) target(%dma_start3A_230 : memref<10240x80xf32, #tpu.memory_space<vmem_shared>>) offsets(%dma_start3A_227 : memref<80xi32, #tpu.memory_space<vmem>>) semaphore(%run_scoped3A_226 : memref<!tpu.dma_semaphore, #tpu.memory_space<semaphore_mem>>) {add = true}
        %dma_wait3A_231 = tpu.memref_slice %arg9[%mul3A_169] : memref<10000xi32, #tpu.memory_space<vmem>> -> memref<80xi32, #tpu.memory_space<vmem>>
        %dma_wait3A_232 = arith.constant 0 : i32
        %dma_wait3A_233 = arith.constant 0 : i32
        %dma_wait3A_234 = tpu.memref_slice %arg18[%dma_wait3A_232, %dma_wait3A_233] : memref<10240x80xf32, #tpu.memory_space<vmem_shared>> -> memref<10240x80xf32, #tpu.memory_space<vmem_shared>>
        tpu.wait_indirect_dma semaphore(%run_scoped3A_226 : memref<!tpu.dma_semaphore, #tpu.memory_space<semaphore_mem>>) src(%arg16 : memref<80x80xf32, #tpu.memory_space<vmem>>) dst(%dma_wait3A_234 : memref<10240x80xf32, #tpu.memory_space<vmem_shared>>)
        tpu.yield
      }) : () -> ()
      %add3A_170 = arith.constant 2 : i32
      %add3A_171 = arith.addi %mul3A_115, %add3A_170 : i32
      %mul3A_172 = arith.constant 80 : i32
      %mul3A_173 = arith.muli %add3A_171, %mul3A_172 : i32
      %mul3A_174 = arith.constant 80 : i32
      %mul3A_175 = arith.muli %add3A_171, %mul3A_174 : i32
      %dma_start3A_176 = arith.constant 1 : i32
      %dma_start3A_177 = tpu.memref_slice %arg8[%mul3A_173] : memref<10000xi32, #tpu.memory_space<vmem>> -> memref<80xi32, #tpu.memory_space<vmem>>
      %dma_start3A_178 = arith.constant 0 : i32
      %dma_start3A_179 = arith.constant 0 : i32
      %dma_start3A_180 = tpu.memref_slice %arg2[%dma_start3A_176, %dma_start3A_178, %dma_start3A_179] : memref<2x10000x128xf32, #tpu.memory_space<hbm>> -> memref<1x10000x128xf32, #tpu.memory_space<hbm>>
      %dma_start3A_181 = tpu.memref_squeeze %dma_start3A_180 : memref<1x10000x128xf32, #tpu.memory_space<hbm>> -> memref<10000x128xf32, #tpu.memory_space<hbm>>
      %dma_start3A_182 = arith.constant 0 : i32
      %dma_start3A_183 = arith.constant 0 : i32
      %dma_start3A_184 = tpu.memref_slice %dma_start3A_181[%dma_start3A_182, %dma_start3A_183] : memref<10000x128xf32, #tpu.memory_space<hbm>> -> memref<10000x128xf32, #tpu.memory_space<hbm>>
      tpu.enqueue_indirect_dma source(%dma_start3A_184 : memref<10000x128xf32, #tpu.memory_space<hbm>>) target(%arg10 : memref<80x128xf32, #tpu.memory_space<vmem>>) offsets(%dma_start3A_177 : memref<80xi32, #tpu.memory_space<vmem>>) semaphore(%arg19 : memref<!tpu.dma_semaphore, #tpu.memory_space<semaphore_mem>>)
      %dma_start3A_185 = arith.constant 1 : i32
      %dma_start3A_186 = tpu.memref_slice %arg9[%mul3A_175] : memref<10000xi32, #tpu.memory_space<vmem>> -> memref<80xi32, #tpu.memory_space<vmem>>
      %dma_start3A_187 = arith.constant 0 : i32
      %dma_start3A_188 = arith.constant 0 : i32
      %dma_start3A_189 = tpu.memref_slice %arg3[%dma_start3A_185, %dma_start3A_187, %dma_start3A_188] : memref<2x10000x64xf32, #tpu.memory_space<hbm>> -> memref<1x10000x64xf32, #tpu.memory_space<hbm>>
      %dma_start3A_190 = tpu.memref_squeeze %dma_start3A_189 : memref<1x10000x64xf32, #tpu.memory_space<hbm>> -> memref<10000x64xf32, #tpu.memory_space<hbm>>
      %dma_start3A_191 = arith.constant 0 : i32
      %dma_start3A_192 = arith.constant 0 : i32
      %dma_start3A_193 = tpu.memref_slice %dma_start3A_190[%dma_start3A_191, %dma_start3A_192] : memref<10000x64xf32, #tpu.memory_space<hbm>> -> memref<10000x64xf32, #tpu.memory_space<hbm>>
      tpu.enqueue_indirect_dma source(%dma_start3A_193 : memref<10000x64xf32, #tpu.memory_space<hbm>>) target(%arg11 : memref<80x64xf32, #tpu.memory_space<vmem>>) offsets(%dma_start3A_186 : memref<80xi32, #tpu.memory_space<vmem>>) semaphore(%arg19 : memref<!tpu.dma_semaphore, #tpu.memory_space<semaphore_mem>>)
      %mul3A_194 = arith.constant 80 : i32
      %mul3A_195 = arith.muli %add3A_171, %mul3A_194 : i32
      %add3A_196 = arith.addi %mul3A_2, %mul3A_195 : i32
      %dma_start3A_197 = arith.constant 64 : i32
      %dma_start3A_198 = tpu.memref_slice %arg4[%add3A_196, %dma_start3A_197] : memref<320000x128xf32, #tpu.memory_space<hbm>> -> memref<80x64xf32, #tpu.memory_space<hbm>>
      %dma_start3A_199 = arith.constant 64 : i32
      %dma_start3A_200 = tpu.memref_slice %arg4[%add3A_196, %dma_start3A_199] : memref<320000x128xf32, #tpu.memory_space<hbm>> -> memref<80x64xf32, #tpu.memory_space<hbm>>
      tpu.enqueue_dma source(%dma_start3A_200 : memref<80x64xf32, #tpu.memory_space<hbm>>) target(%arg12 : memref<80x64xf32, #tpu.memory_space<vmem>>) target_semaphore(%arg19 : memref<!tpu.dma_semaphore, #tpu.memory_space<semaphore_mem>>)
      %dma_wait3A_201 = arith.constant 0 : i32
      %dma_wait3A_202 = arith.constant 0 : i32
      %dma_wait3A_203 = tpu.memref_slice %arg4[%dma_wait3A_201, %dma_wait3A_202] : memref<320000x128xf32, #tpu.memory_space<hbm>> -> memref<80x64xf32, #tpu.memory_space<hbm>>
      %dma_wait3A_204 = arith.constant 0 : i32
      %dma_wait3A_205 = arith.constant 0 : i32
      %dma_wait3A_206 = tpu.memref_slice %arg4[%dma_wait3A_204, %dma_wait3A_205] : memref<320000x128xf32, #tpu.memory_space<hbm>> -> memref<80x64xf32, #tpu.memory_space<hbm>>
      tpu.wait_dma2 semaphore(%arg20 : memref<!tpu.dma_semaphore, #tpu.memory_space<semaphore_mem>>) src(%dma_wait3A_206 : memref<80x64xf32, #tpu.memory_space<hbm>>) dst(%arg13 : memref<80x128xf32, #tpu.memory_space<vmem>>)
      %dma_wait3A_207 = arith.constant 0 : i32
      %dma_wait3A_208 = arith.constant 0 : i32
      %dma_wait3A_209 = tpu.memref_slice %arg4[%dma_wait3A_207, %dma_wait3A_208] : memref<320000x128xf32, #tpu.memory_space<hbm>> -> memref<80x64xf32, #tpu.memory_space<hbm>>
      %dma_wait3A_210 = arith.constant 0 : i32
      %dma_wait3A_211 = arith.constant 0 : i32
      %dma_wait3A_212 = tpu.memref_slice %arg4[%dma_wait3A_210, %dma_wait3A_211] : memref<320000x128xf32, #tpu.memory_space<hbm>> -> memref<80x64xf32, #tpu.memory_space<hbm>>
      tpu.wait_dma2 semaphore(%arg20 : memref<!tpu.dma_semaphore, #tpu.memory_space<semaphore_mem>>) src(%dma_wait3A_212 : memref<80x64xf32, #tpu.memory_space<hbm>>) dst(%arg14 : memref<80x64xf32, #tpu.memory_space<vmem>>)
      %dma_wait3A_213 = arith.constant 0 : i32
      %dma_wait3A_214 = arith.constant 0 : i32
      %dma_wait3A_215 = tpu.memref_slice %arg4[%dma_wait3A_213, %dma_wait3A_214] : memref<320000x128xf32, #tpu.memory_space<hbm>> -> memref<80x64xf32, #tpu.memory_space<hbm>>
      %dma_wait3A_216 = arith.constant 0 : i32
      %dma_wait3A_217 = arith.constant 0 : i32
      %dma_wait3A_218 = tpu.memref_slice %arg4[%dma_wait3A_216, %dma_wait3A_217] : memref<320000x128xf32, #tpu.memory_space<hbm>> -> memref<80x64xf32, #tpu.memory_space<hbm>>
      tpu.wait_dma2 semaphore(%arg20 : memref<!tpu.dma_semaphore, #tpu.memory_space<semaphore_mem>>) src(%dma_wait3A_218 : memref<80x64xf32, #tpu.memory_space<hbm>>) dst(%arg15 : memref<80x64xf32, #tpu.memory_space<vmem>>)
      %add3A_219 = arith.constant 1 : i32
      %add3A_220 = arith.addi %mul3A_115, %add3A_219 : i32
      %parallel_loop3A_221 = arith.constant 0 : i32
      %parallel_loop3A_222 = arith.constant 80 : i32
      %parallel_loop3A_223 = arith.constant 1 : i32
      scf.for %parallel_loop3A_226 = %parallel_loop3A_221 to %parallel_loop3A_222 step %parallel_loop3A_223  : i32 {
        %parallel_loop3A_227 = arith.constant 0.000000e+00 : f32
        %parallel_loop3A_228 = vector.broadcast %parallel_loop3A_227 : f32 to vector<16xf32>
        %parallel_loop3A_229 = arith.index_cast %parallel_loop3A_226 : i32 to index
        %parallel_loop3A_230 = arith.constant 0 : index
        %parallel_loop3A_231 = tpu.vector_load %arg13[%parallel_loop3A_229, %parallel_loop3A_230] {strides = array<i32>} : memref<80x128xf32, #tpu.memory_space<vmem>>, vector<16xf32>,
        %parallel_loop3A_232 = arith.index_cast %parallel_loop3A_226 : i32 to index
        %parallel_loop3A_233 = arith.constant 0 : index
        %parallel_loop3A_234 = tpu.vector_load %arg14[%parallel_loop3A_232, %parallel_loop3A_233] {strides = array<i32>} : memref<80x64xf32, #tpu.memory_space<vmem>>, vector<16xf32>,
        %parallel_loop3A_235 = arith.index_cast %parallel_loop3A_226 : i32 to index
        %parallel_loop3A_236 = arith.constant 0 : index
        %parallel_loop3A_237 = tpu.vector_load %arg15[%parallel_loop3A_235, %parallel_loop3A_236] {strides = array<i32>} : memref<80x64xf32, #tpu.memory_space<vmem>>, vector<16xf32>,
        %parallel_loop3A_238 = arith.mulf %parallel_loop3A_231, %parallel_loop3A_234 : vector<16xf32>
        %parallel_loop3A_239 = arith.mulf %parallel_loop3A_238, %parallel_loop3A_237 : vector<16xf32>
        %parallel_loop3A_240 = arith.constant true
        %parallel_loop3A_241 = vector.broadcast %parallel_loop3A_240 : i1 to vector<16xi1>
        %parallel_loop3A_242 = tpu.scan <sum>, %parallel_loop3A_239 masked %parallel_loop3A_241 : vector<16xf32>, vector<16xi1> -> vector<16xf32>
        %parallel_loop3A_243 = vector.extract %parallel_loop3A_242[15] : f32 from vector<16xf32>
        %parallel_loop3A_244 = vector.broadcast %parallel_loop3A_243 : f32 to vector<16xf32>
        %parallel_loop3A_245 = arith.constant -5.000000e+00 : f32
        %parallel_loop3A_246 = arith.constant 5.000000e+00 : f32
        %parallel_loop3A_247 = vector.broadcast %parallel_loop3A_245 : f32 to vector<16xf32>
        %parallel_loop3A_248 = arith.maximumf %parallel_loop3A_247, %parallel_loop3A_244 : vector<16xf32>
        %parallel_loop3A_249 = vector.broadcast %parallel_loop3A_246 : f32 to vector<16xf32>
        %parallel_loop3A_250 = arith.minimumf %parallel_loop3A_249, %parallel_loop3A_248 : vector<16xf32>
        %parallel_loop3A_251 = math.exp %parallel_loop3A_250 : vector<16xf32>
        %parallel_loop3A_252 = arith.index_cast %parallel_loop3A_226 : i32 to index
        %parallel_loop3A_253 = arith.constant 64 : index
        %parallel_loop3A_254 = tpu.vector_load %arg13[%parallel_loop3A_252, %parallel_loop3A_253] {strides = array<i32>} : memref<80x128xf32, #tpu.memory_space<vmem>>, vector<16xf32>,
        %parallel_loop3A_255 = arith.mulf %parallel_loop3A_254, %parallel_loop3A_251 : vector<16xf32>
        %parallel_loop3A_256 = arith.index_cast %parallel_loop3A_226 : i32 to index
        %parallel_loop3A_257 = arith.constant 0 : index
        %parallel_loop3A_258 = tpu.vector_load %arg17[%parallel_loop3A_256, %parallel_loop3A_257] {strides = array<i32>} : memref<80x80xf32, #tpu.memory_space<vmem>>, vector<16xf32>,
        tpu.vector_store %arg17[%parallel_loop3A_256, %parallel_loop3A_257], %parallel_loop3A_255 {strides = array<i32>} : memref<80x80xf32, #tpu.memory_space<vmem>>, vector<16xf32>,
        %parallel_loop3A_259 = arith.constant 0 : i32
        %parallel_loop3A_260 = vector.broadcast %parallel_loop3A_259 : i32 to vector<16xi32>
        %parallel_loop3A_261 = arith.cmpi eq, %iota3A, %parallel_loop3A_260 : vector<16xi32>
        %parallel_loop3A_262 = arith.select %parallel_loop3A_261, %parallel_loop3A_251, %parallel_loop3A_228 : vector<16xi1>, vector<16xf32>
        %parallel_loop3A_263 = arith.index_cast %parallel_loop3A_226 : i32 to index
        %parallel_loop3A_264 = arith.constant 16 : index
        %parallel_loop3A_265 = tpu.vector_load %arg13[%parallel_loop3A_263, %parallel_loop3A_264] {strides = array<i32>} : memref<80x128xf32, #tpu.memory_space<vmem>>, vector<16xf32>,
        %parallel_loop3A_266 = arith.index_cast %parallel_loop3A_226 : i32 to index
        %parallel_loop3A_267 = arith.constant 16 : index
        %parallel_loop3A_268 = tpu.vector_load %arg14[%parallel_loop3A_266, %parallel_loop3A_267] {strides = array<i32>} : memref<80x64xf32, #tpu.memory_space<vmem>>, vector<16xf32>,
        %parallel_loop3A_269 = arith.index_cast %parallel_loop3A_226 : i32 to index
        %parallel_loop3A_270 = arith.constant 16 : index
        %parallel_loop3A_271 = tpu.vector_load %arg15[%parallel_loop3A_269, %parallel_loop3A_270] {strides = array<i32>} : memref<80x64xf32, #tpu.memory_space<vmem>>, vector<16xf32>,
        %parallel_loop3A_272 = arith.mulf %parallel_loop3A_265, %parallel_loop3A_268 : vector<16xf32>
        %parallel_loop3A_273 = arith.mulf %parallel_loop3A_272, %parallel_loop3A_271 : vector<16xf32>
        %parallel_loop3A_274 = arith.constant true
        %parallel_loop3A_275 = vector.broadcast %parallel_loop3A_274 : i1 to vector<16xi1>
        %parallel_loop3A_276 = tpu.scan <sum>, %parallel_loop3A_273 masked %parallel_loop3A_275 : vector<16xf32>, vector<16xi1> -> vector<16xf32>
        %parallel_loop3A_277 = vector.extract %parallel_loop3A_276[15] : f32 from vector<16xf32>
        %parallel_loop3A_278 = vector.broadcast %parallel_loop3A_277 : f32 to vector<16xf32>
        %parallel_loop3A_279 = arith.constant -5.000000e+00 : f32
        %parallel_loop3A_280 = arith.constant 5.000000e+00 : f32
        %parallel_loop3A_281 = vector.broadcast %parallel_loop3A_279 : f32 to vector<16xf32>
        %parallel_loop3A_282 = arith.maximumf %parallel_loop3A_281, %parallel_loop3A_278 : vector<16xf32>
        %parallel_loop3A_283 = vector.broadcast %parallel_loop3A_280 : f32 to vector<16xf32>
        %parallel_loop3A_284 = arith.minimumf %parallel_loop3A_283, %parallel_loop3A_282 : vector<16xf32>
        %parallel_loop3A_285 = math.exp %parallel_loop3A_284 : vector<16xf32>
        %parallel_loop3A_286 = arith.index_cast %parallel_loop3A_226 : i32 to index
        %parallel_loop3A_287 = arith.constant 80 : index
        %parallel_loop3A_288 = tpu.vector_load %arg13[%parallel_loop3A_286, %parallel_loop3A_287] {strides = array<i32>} : memref<80x128xf32, #tpu.memory_space<vmem>>, vector<16xf32>,
        %parallel_loop3A_289 = arith.mulf %parallel_loop3A_288, %parallel_loop3A_285 : vector<16xf32>
        %parallel_loop3A_290 = arith.index_cast %parallel_loop3A_226 : i32 to index
        %parallel_loop3A_291 = arith.constant 16 : index
        %parallel_loop3A_292 = tpu.vector_load %arg17[%parallel_loop3A_290, %parallel_loop3A_291] {strides = array<i32>} : memref<80x80xf32, #tpu.memory_space<vmem>>, vector<16xf32>,
        tpu.vector_store %arg17[%parallel_loop3A_290, %parallel_loop3A_291], %parallel_loop3A_289 {strides = array<i32>} : memref<80x80xf32, #tpu.memory_space<vmem>>, vector<16xf32>,
        %parallel_loop3A_293 = arith.constant 1 : i32
        %parallel_loop3A_294 = vector.broadcast %parallel_loop3A_293 : i32 to vector<16xi32>
        %parallel_loop3A_295 = arith.cmpi eq, %iota3A, %parallel_loop3A_294 : vector<16xi32>
        %parallel_loop3A_296 = arith.select %parallel_loop3A_295, %parallel_loop3A_285, %parallel_loop3A_262 : vector<16xi1>, vector<16xf32>
        %parallel_loop3A_297 = arith.index_cast %parallel_loop3A_226 : i32 to index
        %parallel_loop3A_298 = arith.constant 32 : index
        %parallel_loop3A_299 = tpu.vector_load %arg13[%parallel_loop3A_297, %parallel_loop3A_298] {strides = array<i32>} : memref<80x128xf32, #tpu.memory_space<vmem>>, vector<16xf32>,
        %parallel_loop3A_300 = arith.index_cast %parallel_loop3A_226 : i32 to index
        %parallel_loop3A_301 = arith.constant 32 : index
        %parallel_loop3A_302 = tpu.vector_load %arg14[%parallel_loop3A_300, %parallel_loop3A_301] {strides = array<i32>} : memref<80x64xf32, #tpu.memory_space<vmem>>, vector<16xf32>,
        %parallel_loop3A_303 = arith.index_cast %parallel_loop3A_226 : i32 to index
        %parallel_loop3A_304 = arith.constant 32 : index
        %parallel_loop3A_305 = tpu.vector_load %arg15[%parallel_loop3A_303, %parallel_loop3A_304] {strides = array<i32>} : memref<80x64xf32, #tpu.memory_space<vmem>>, vector<16xf32>,
        %parallel_loop3A_306 = arith.mulf %parallel_loop3A_299, %parallel_loop3A_302 : vector<16xf32>
        %parallel_loop3A_307 = arith.mulf %parallel_loop3A_306, %parallel_loop3A_305 : vector<16xf32>
        %parallel_loop3A_308 = arith.constant true
        %parallel_loop3A_309 = vector.broadcast %parallel_loop3A_308 : i1 to vector<16xi1>
        %parallel_loop3A_310 = tpu.scan <sum>, %parallel_loop3A_307 masked %parallel_loop3A_309 : vector<16xf32>, vector<16xi1> -> vector<16xf32>
        %parallel_loop3A_311 = vector.extract %parallel_loop3A_310[15] : f32 from vector<16xf32>
        %parallel_loop3A_312 = vector.broadcast %parallel_loop3A_311 : f32 to vector<16xf32>
        %parallel_loop3A_313 = arith.constant -5.000000e+00 : f32
        %parallel_loop3A_314 = arith.constant 5.000000e+00 : f32
        %parallel_loop3A_315 = vector.broadcast %parallel_loop3A_313 : f32 to vector<16xf32>
        %parallel_loop3A_316 = arith.maximumf %parallel_loop3A_315, %parallel_loop3A_312 : vector<16xf32>
        %parallel_loop3A_317 = vector.broadcast %parallel_loop3A_314 : f32 to vector<16xf32>
        %parallel_loop3A_318 = arith.minimumf %parallel_loop3A_317, %parallel_loop3A_316 : vector<16xf32>
        %parallel_loop3A_319 = math.exp %parallel_loop3A_318 : vector<16xf32>
        %parallel_loop3A_320 = arith.index_cast %parallel_loop3A_226 : i32 to index
        %parallel_loop3A_321 = arith.constant 96 : index
        %parallel_loop3A_322 = tpu.vector_load %arg13[%parallel_loop3A_320, %parallel_loop3A_321] {strides = array<i32>} : memref<80x128xf32, #tpu.memory_space<vmem>>, vector<16xf32>,
        %parallel_loop3A_323 = arith.mulf %parallel_loop3A_322, %parallel_loop3A_319 : vector<16xf32>
        %parallel_loop3A_324 = arith.index_cast %parallel_loop3A_226 : i32 to index
        %parallel_loop3A_325 = arith.constant 32 : index
        %parallel_loop3A_326 = tpu.vector_load %arg17[%parallel_loop3A_324, %parallel_loop3A_325] {strides = array<i32>} : memref<80x80xf32, #tpu.memory_space<vmem>>, vector<16xf32>,
        tpu.vector_store %arg17[%parallel_loop3A_324, %parallel_loop3A_325], %parallel_loop3A_323 {strides = array<i32>} : memref<80x80xf32, #tpu.memory_space<vmem>>, vector<16xf32>,
        %parallel_loop3A_327 = arith.constant 2 : i32
        %parallel_loop3A_328 = vector.broadcast %parallel_loop3A_327 : i32 to vector<16xi32>
        %parallel_loop3A_329 = arith.cmpi eq, %iota3A, %parallel_loop3A_328 : vector<16xi32>
        %parallel_loop3A_330 = arith.select %parallel_loop3A_329, %parallel_loop3A_319, %parallel_loop3A_296 : vector<16xi1>, vector<16xf32>
        %parallel_loop3A_331 = arith.index_cast %parallel_loop3A_226 : i32 to index
        %parallel_loop3A_332 = arith.constant 48 : index
        %parallel_loop3A_333 = tpu.vector_load %arg13[%parallel_loop3A_331, %parallel_loop3A_332] {strides = array<i32>} : memref<80x128xf32, #tpu.memory_space<vmem>>, vector<16xf32>,
        %parallel_loop3A_334 = arith.index_cast %parallel_loop3A_226 : i32 to index
        %parallel_loop3A_335 = arith.constant 48 : index
        %parallel_loop3A_336 = tpu.vector_load %arg14[%parallel_loop3A_334, %parallel_loop3A_335] {strides = array<i32>} : memref<80x64xf32, #tpu.memory_space<vmem>>, vector<16xf32>,
        %parallel_loop3A_337 = arith.index_cast %parallel_loop3A_226 : i32 to index
        %parallel_loop3A_338 = arith.constant 48 : index
        %parallel_loop3A_339 = tpu.vector_load %arg15[%parallel_loop3A_337, %parallel_loop3A_338] {strides = array<i32>} : memref<80x64xf32, #tpu.memory_space<vmem>>, vector<16xf32>,
        %parallel_loop3A_340 = arith.mulf %parallel_loop3A_333, %parallel_loop3A_336 : vector<16xf32>
        %parallel_loop3A_341 = arith.mulf %parallel_loop3A_340, %parallel_loop3A_339 : vector<16xf32>
        %parallel_loop3A_342 = arith.constant true
        %parallel_loop3A_343 = vector.broadcast %parallel_loop3A_342 : i1 to vector<16xi1>
        %parallel_loop3A_344 = tpu.scan <sum>, %parallel_loop3A_341 masked %parallel_loop3A_343 : vector<16xf32>, vector<16xi1> -> vector<16xf32>
        %parallel_loop3A_345 = vector.extract %parallel_loop3A_344[15] : f32 from vector<16xf32>
        %parallel_loop3A_346 = vector.broadcast %parallel_loop3A_345 : f32 to vector<16xf32>
        %parallel_loop3A_347 = arith.constant -5.000000e+00 : f32
        %parallel_loop3A_348 = arith.constant 5.000000e+00 : f32
        %parallel_loop3A_349 = vector.broadcast %parallel_loop3A_347 : f32 to vector<16xf32>
        %parallel_loop3A_350 = arith.maximumf %parallel_loop3A_349, %parallel_loop3A_346 : vector<16xf32>
        %parallel_loop3A_351 = vector.broadcast %parallel_loop3A_348 : f32 to vector<16xf32>
        %parallel_loop3A_352 = arith.minimumf %parallel_loop3A_351, %parallel_loop3A_350 : vector<16xf32>
        %parallel_loop3A_353 = math.exp %parallel_loop3A_352 : vector<16xf32>
        %parallel_loop3A_354 = arith.index_cast %parallel_loop3A_226 : i32 to index
        %parallel_loop3A_355 = arith.constant 112 : index
        %parallel_loop3A_356 = tpu.vector_load %arg13[%parallel_loop3A_354, %parallel_loop3A_355] {strides = array<i32>} : memref<80x128xf32, #tpu.memory_space<vmem>>, vector<16xf32>,
        %parallel_loop3A_357 = arith.mulf %parallel_loop3A_356, %parallel_loop3A_353 : vector<16xf32>
        %parallel_loop3A_358 = arith.index_cast %parallel_loop3A_226 : i32 to index
        %parallel_loop3A_359 = arith.constant 48 : index
        %parallel_loop3A_360 = tpu.vector_load %arg17[%parallel_loop3A_358, %parallel_loop3A_359] {strides = array<i32>} : memref<80x80xf32, #tpu.memory_space<vmem>>, vector<16xf32>,
        tpu.vector_store %arg17[%parallel_loop3A_358, %parallel_loop3A_359], %parallel_loop3A_357 {strides = array<i32>} : memref<80x80xf32, #tpu.memory_space<vmem>>, vector<16xf32>,
        %parallel_loop3A_361 = arith.constant 3 : i32
        %parallel_loop3A_362 = vector.broadcast %parallel_loop3A_361 : i32 to vector<16xi32>
        %parallel_loop3A_363 = arith.cmpi eq, %iota3A, %parallel_loop3A_362 : vector<16xi32>
        %parallel_loop3A_364 = arith.select %parallel_loop3A_363, %parallel_loop3A_353, %parallel_loop3A_330 : vector<16xi1>, vector<16xf32>
        %parallel_loop3A_365 = arith.index_cast %parallel_loop3A_226 : i32 to index
        %parallel_loop3A_366 = arith.constant 64 : index
        %parallel_loop3A_367 = tpu.vector_load %arg17[%parallel_loop3A_365, %parallel_loop3A_366] {strides = array<i32>} : memref<80x80xf32, #tpu.memory_space<vmem>>, vector<16xf32>,
        tpu.vector_store %arg17[%parallel_loop3A_365, %parallel_loop3A_366], %parallel_loop3A_364 {strides = array<i32>} : memref<80x80xf32, #tpu.memory_space<vmem>>, vector<16xf32>,
      } {sc.loop_unroll_factor = 4 : i64, sc.parallel_access}
      %mul3A_224 = arith.constant 80 : i32
      %mul3A_225 = arith.muli %add3A_220, %mul3A_224 : i32
      "tpu.region"() ({
        %run_scoped3A_226 = tpu.sem_alloc : memref<!tpu.dma_semaphore, #tpu.memory_space<semaphore_mem>>
        %dma_start3A_227 = tpu.memref_slice %arg9[%mul3A_225] : memref<10000xi32, #tpu.memory_space<vmem>> -> memref<80xi32, #tpu.memory_space<vmem>>
        %dma_start3A_228 = arith.constant 0 : i32
        %dma_start3A_229 = arith.constant 0 : i32
        %dma_start3A_230 = tpu.memref_slice %arg18[%dma_start3A_228, %dma_start3A_229] : memref<10240x80xf32, #tpu.memory_space<vmem_shared>> -> memref<10240x80xf32, #tpu.memory_space<vmem_shared>>
        tpu.enqueue_indirect_dma source(%arg17 : memref<80x80xf32, #tpu.memory_space<vmem>>) target(%dma_start3A_230 : memref<10240x80xf32, #tpu.memory_space<vmem_shared>>) offsets(%dma_start3A_227 : memref<80xi32, #tpu.memory_space<vmem>>) semaphore(%run_scoped3A_226 : memref<!tpu.dma_semaphore, #tpu.memory_space<semaphore_mem>>) {add = true}
        %dma_wait3A_231 = tpu.memref_slice %arg9[%mul3A_225] : memref<10000xi32, #tpu.memory_space<vmem>> -> memref<80xi32, #tpu.memory_space<vmem>>
        %dma_wait3A_232 = arith.constant 0 : i32
        %dma_wait3A_233 = arith.constant 0 : i32
        %dma_wait3A_234 = tpu.memref_slice %arg18[%dma_wait3A_232, %dma_wait3A_233] : memref<10240x80xf32, #tpu.memory_space<vmem_shared>> -> memref<10240x80xf32, #tpu.memory_space<vmem_shared>>
        tpu.wait_indirect_dma semaphore(%run_scoped3A_226 : memref<!tpu.dma_semaphore, #tpu.memory_space<semaphore_mem>>) src(%arg17 : memref<80x80xf32, #tpu.memory_space<vmem>>) dst(%dma_wait3A_234 : memref<10240x80xf32, #tpu.memory_space<vmem_shared>>)
        tpu.yield
      }) : () -> ()
    }
    %scan3A_89 = arith.constant 62 : i32
    %dma_wait3A_90 = arith.constant 0 : i32
    %dma_wait3A_91 = arith.constant 0 : i32
    %dma_wait3A_92 = tpu.memref_slice %arg4[%dma_wait3A_90, %dma_wait3A_91] : memref<320000x128xf32, #tpu.memory_space<hbm>> -> memref<80x64xf32, #tpu.memory_space<hbm>>
    %dma_wait3A_93 = arith.constant 0 : i32
    %dma_wait3A_94 = arith.constant 0 : i32
    %dma_wait3A_95 = tpu.memref_slice %arg4[%dma_wait3A_93, %dma_wait3A_94] : memref<320000x128xf32, #tpu.memory_space<hbm>> -> memref<80x64xf32, #tpu.memory_space<hbm>>
    tpu.wait_dma2 semaphore(%arg19 : memref<!tpu.dma_semaphore, #tpu.memory_space<semaphore_mem>>) src(%dma_wait3A_95 : memref<80x64xf32, #tpu.memory_space<hbm>>) dst(%arg10 : memref<80x128xf32, #tpu.memory_space<vmem>>)
    %dma_wait3A_96 = arith.constant 0 : i32
    %dma_wait3A_97 = arith.constant 0 : i32
    %dma_wait3A_98 = tpu.memref_slice %arg4[%dma_wait3A_96, %dma_wait3A_97] : memref<320000x128xf32, #tpu.memory_space<hbm>> -> memref<80x64xf32, #tpu.memory_space<hbm>>
    %dma_wait3A_99 = arith.constant 0 : i32
    %dma_wait3A_100 = arith.constant 0 : i32
    %dma_wait3A_101 = tpu.memref_slice %arg4[%dma_wait3A_99, %dma_wait3A_100] : memref<320000x128xf32, #tpu.memory_space<hbm>> -> memref<80x64xf32, #tpu.memory_space<hbm>>
    tpu.wait_dma2 semaphore(%arg19 : memref<!tpu.dma_semaphore, #tpu.memory_space<semaphore_mem>>) src(%dma_wait3A_101 : memref<80x64xf32, #tpu.memory_space<hbm>>) dst(%arg11 : memref<80x64xf32, #tpu.memory_space<vmem>>)
    %dma_wait3A_102 = arith.constant 0 : i32
    %dma_wait3A_103 = arith.constant 0 : i32
    %dma_wait3A_104 = tpu.memref_slice %arg4[%dma_wait3A_102, %dma_wait3A_103] : memref<320000x128xf32, #tpu.memory_space<hbm>> -> memref<80x64xf32, #tpu.memory_space<hbm>>
    %dma_wait3A_105 = arith.constant 0 : i32
    %dma_wait3A_106 = arith.constant 0 : i32
    %dma_wait3A_107 = tpu.memref_slice %arg4[%dma_wait3A_105, %dma_wait3A_106] : memref<320000x128xf32, #tpu.memory_space<hbm>> -> memref<80x64xf32, #tpu.memory_space<hbm>>
    tpu.wait_dma2 semaphore(%arg19 : memref<!tpu.dma_semaphore, #tpu.memory_space<semaphore_mem>>) src(%dma_wait3A_107 : memref<80x64xf32, #tpu.memory_space<hbm>>) dst(%arg12 : memref<80x64xf32, #tpu.memory_space<vmem>>)
    %parallel_loop3A_108 = arith.constant 0 : i32
    %parallel_loop3A_109 = arith.constant 80 : i32
    %parallel_loop3A_110 = arith.constant 1 : i32
    scf.for %parallel_loop3A_113 = %parallel_loop3A_108 to %parallel_loop3A_109 step %parallel_loop3A_110  : i32 {
      %parallel_loop3A_114 = arith.constant 0.000000e+00 : f32
      %parallel_loop3A_115 = vector.broadcast %parallel_loop3A_114 : f32 to vector<16xf32>
      %parallel_loop3A_116 = arith.index_cast %parallel_loop3A_113 : i32 to index
      %parallel_loop3A_117 = arith.constant 0 : index
      %parallel_loop3A_118 = tpu.vector_load %arg10[%parallel_loop3A_116, %parallel_loop3A_117] {strides = array<i32>} : memref<80x128xf32, #tpu.memory_space<vmem>>, vector<16xf32>,
      %parallel_loop3A_119 = arith.index_cast %parallel_loop3A_113 : i32 to index
      %parallel_loop3A_120 = arith.constant 0 : index
      %parallel_loop3A_121 = tpu.vector_load %arg11[%parallel_loop3A_119, %parallel_loop3A_120] {strides = array<i32>} : memref<80x64xf32, #tpu.memory_space<vmem>>, vector<16xf32>,
      %parallel_loop3A_122 = arith.index_cast %parallel_loop3A_113 : i32 to index
      %parallel_loop3A_123 = arith.constant 0 : index
      %parallel_loop3A_124 = tpu.vector_load %arg12[%parallel_loop3A_122, %parallel_loop3A_123] {strides = array<i32>} : memref<80x64xf32, #tpu.memory_space<vmem>>, vector<16xf32>,
      %parallel_loop3A_125 = arith.mulf %parallel_loop3A_118, %parallel_loop3A_121 : vector<16xf32>
      %parallel_loop3A_126 = arith.mulf %parallel_loop3A_125, %parallel_loop3A_124 : vector<16xf32>
      %parallel_loop3A_127 = arith.constant true
      %parallel_loop3A_128 = vector.broadcast %parallel_loop3A_127 : i1 to vector<16xi1>
      %parallel_loop3A_129 = tpu.scan <sum>, %parallel_loop3A_126 masked %parallel_loop3A_128 : vector<16xf32>, vector<16xi1> -> vector<16xf32>
      %parallel_loop3A_130 = vector.extract %parallel_loop3A_129[15] : f32 from vector<16xf32>
      %parallel_loop3A_131 = vector.broadcast %parallel_loop3A_130 : f32 to vector<16xf32>
      %parallel_loop3A_132 = arith.constant -5.000000e+00 : f32
      %parallel_loop3A_133 = arith.constant 5.000000e+00 : f32
      %parallel_loop3A_134 = vector.broadcast %parallel_loop3A_132 : f32 to vector<16xf32>
      %parallel_loop3A_135 = arith.maximumf %parallel_loop3A_134, %parallel_loop3A_131 : vector<16xf32>
      %parallel_loop3A_136 = vector.broadcast %parallel_loop3A_133 : f32 to vector<16xf32>
      %parallel_loop3A_137 = arith.minimumf %parallel_loop3A_136, %parallel_loop3A_135 : vector<16xf32>
      %parallel_loop3A_138 = math.exp %parallel_loop3A_137 : vector<16xf32>
      %parallel_loop3A_139 = arith.index_cast %parallel_loop3A_113 : i32 to index
      %parallel_loop3A_140 = arith.constant 64 : index
      %parallel_loop3A_141 = tpu.vector_load %arg10[%parallel_loop3A_139, %parallel_loop3A_140] {strides = array<i32>} : memref<80x128xf32, #tpu.memory_space<vmem>>, vector<16xf32>,
      %parallel_loop3A_142 = arith.mulf %parallel_loop3A_141, %parallel_loop3A_138 : vector<16xf32>
      %parallel_loop3A_143 = arith.index_cast %parallel_loop3A_113 : i32 to index
      %parallel_loop3A_144 = arith.constant 0 : index
      %parallel_loop3A_145 = tpu.vector_load %arg16[%parallel_loop3A_143, %parallel_loop3A_144] {strides = array<i32>} : memref<80x80xf32, #tpu.memory_space<vmem>>, vector<16xf32>,
      tpu.vector_store %arg16[%parallel_loop3A_143, %parallel_loop3A_144], %parallel_loop3A_142 {strides = array<i32>} : memref<80x80xf32, #tpu.memory_space<vmem>>, vector<16xf32>,
      %parallel_loop3A_146 = arith.constant 0 : i32
      %parallel_loop3A_147 = vector.broadcast %parallel_loop3A_146 : i32 to vector<16xi32>
      %parallel_loop3A_148 = arith.cmpi eq, %iota3A, %parallel_loop3A_147 : vector<16xi32>
      %parallel_loop3A_149 = arith.select %parallel_loop3A_148, %parallel_loop3A_138, %parallel_loop3A_115 : vector<16xi1>, vector<16xf32>
      %parallel_loop3A_150 = arith.index_cast %parallel_loop3A_113 : i32 to index
      %parallel_loop3A_151 = arith.constant 16 : index
      %parallel_loop3A_152 = tpu.vector_load %arg10[%parallel_loop3A_150, %parallel_loop3A_151] {strides = array<i32>} : memref<80x128xf32, #tpu.memory_space<vmem>>, vector<16xf32>,
      %parallel_loop3A_153 = arith.index_cast %parallel_loop3A_113 : i32 to index
      %parallel_loop3A_154 = arith.constant 16 : index
      %parallel_loop3A_155 = tpu.vector_load %arg11[%parallel_loop3A_153, %parallel_loop3A_154] {strides = array<i32>} : memref<80x64xf32, #tpu.memory_space<vmem>>, vector<16xf32>,
      %parallel_loop3A_156 = arith.index_cast %parallel_loop3A_113 : i32 to index
      %parallel_loop3A_157 = arith.constant 16 : index
      %parallel_loop3A_158 = tpu.vector_load %arg12[%parallel_loop3A_156, %parallel_loop3A_157] {strides = array<i32>} : memref<80x64xf32, #tpu.memory_space<vmem>>, vector<16xf32>,
      %parallel_loop3A_159 = arith.mulf %parallel_loop3A_152, %parallel_loop3A_155 : vector<16xf32>
      %parallel_loop3A_160 = arith.mulf %parallel_loop3A_159, %parallel_loop3A_158 : vector<16xf32>
      %parallel_loop3A_161 = arith.constant true
      %parallel_loop3A_162 = vector.broadcast %parallel_loop3A_161 : i1 to vector<16xi1>
      %parallel_loop3A_163 = tpu.scan <sum>, %parallel_loop3A_160 masked %parallel_loop3A_162 : vector<16xf32>, vector<16xi1> -> vector<16xf32>
      %parallel_loop3A_164 = vector.extract %parallel_loop3A_163[15] : f32 from vector<16xf32>
      %parallel_loop3A_165 = vector.broadcast %parallel_loop3A_164 : f32 to vector<16xf32>
      %parallel_loop3A_166 = arith.constant -5.000000e+00 : f32
      %parallel_loop3A_167 = arith.constant 5.000000e+00 : f32
      %parallel_loop3A_168 = vector.broadcast %parallel_loop3A_166 : f32 to vector<16xf32>
      %parallel_loop3A_169 = arith.maximumf %parallel_loop3A_168, %parallel_loop3A_165 : vector<16xf32>
      %parallel_loop3A_170 = vector.broadcast %parallel_loop3A_167 : f32 to vector<16xf32>
      %parallel_loop3A_171 = arith.minimumf %parallel_loop3A_170, %parallel_loop3A_169 : vector<16xf32>
      %parallel_loop3A_172 = math.exp %parallel_loop3A_171 : vector<16xf32>
      %parallel_loop3A_173 = arith.index_cast %parallel_loop3A_113 : i32 to index
      %parallel_loop3A_174 = arith.constant 80 : index
      %parallel_loop3A_175 = tpu.vector_load %arg10[%parallel_loop3A_173, %parallel_loop3A_174] {strides = array<i32>} : memref<80x128xf32, #tpu.memory_space<vmem>>, vector<16xf32>,
      %parallel_loop3A_176 = arith.mulf %parallel_loop3A_175, %parallel_loop3A_172 : vector<16xf32>
      %parallel_loop3A_177 = arith.index_cast %parallel_loop3A_113 : i32 to index
      %parallel_loop3A_178 = arith.constant 16 : index
      %parallel_loop3A_179 = tpu.vector_load %arg16[%parallel_loop3A_177, %parallel_loop3A_178] {strides = array<i32>} : memref<80x80xf32, #tpu.memory_space<vmem>>, vector<16xf32>,
      tpu.vector_store %arg16[%parallel_loop3A_177, %parallel_loop3A_178], %parallel_loop3A_176 {strides = array<i32>} : memref<80x80xf32, #tpu.memory_space<vmem>>, vector<16xf32>,
      %parallel_loop3A_180 = arith.constant 1 : i32
      %parallel_loop3A_181 = vector.broadcast %parallel_loop3A_180 : i32 to vector<16xi32>
      %parallel_loop3A_182 = arith.cmpi eq, %iota3A, %parallel_loop3A_181 : vector<16xi32>
      %parallel_loop3A_183 = arith.select %parallel_loop3A_182, %parallel_loop3A_172, %parallel_loop3A_149 : vector<16xi1>, vector<16xf32>
      %parallel_loop3A_184 = arith.index_cast %parallel_loop3A_113 : i32 to index
      %parallel_loop3A_185 = arith.constant 32 : index
      %parallel_loop3A_186 = tpu.vector_load %arg10[%parallel_loop3A_184, %parallel_loop3A_185] {strides = array<i32>} : memref<80x128xf32, #tpu.memory_space<vmem>>, vector<16xf32>,
      %parallel_loop3A_187 = arith.index_cast %parallel_loop3A_113 : i32 to index
      %parallel_loop3A_188 = arith.constant 32 : index
      %parallel_loop3A_189 = tpu.vector_load %arg11[%parallel_loop3A_187, %parallel_loop3A_188] {strides = array<i32>} : memref<80x64xf32, #tpu.memory_space<vmem>>, vector<16xf32>,
      %parallel_loop3A_190 = arith.index_cast %parallel_loop3A_113 : i32 to index
      %parallel_loop3A_191 = arith.constant 32 : index
      %parallel_loop3A_192 = tpu.vector_load %arg12[%parallel_loop3A_190, %parallel_loop3A_191] {strides = array<i32>} : memref<80x64xf32, #tpu.memory_space<vmem>>, vector<16xf32>,
      %parallel_loop3A_193 = arith.mulf %parallel_loop3A_186, %parallel_loop3A_189 : vector<16xf32>
      %parallel_loop3A_194 = arith.mulf %parallel_loop3A_193, %parallel_loop3A_192 : vector<16xf32>
      %parallel_loop3A_195 = arith.constant true
      %parallel_loop3A_196 = vector.broadcast %parallel_loop3A_195 : i1 to vector<16xi1>
      %parallel_loop3A_197 = tpu.scan <sum>, %parallel_loop3A_194 masked %parallel_loop3A_196 : vector<16xf32>, vector<16xi1> -> vector<16xf32>
      %parallel_loop3A_198 = vector.extract %parallel_loop3A_197[15] : f32 from vector<16xf32>
      %parallel_loop3A_199 = vector.broadcast %parallel_loop3A_198 : f32 to vector<16xf32>
      %parallel_loop3A_200 = arith.constant -5.000000e+00 : f32
      %parallel_loop3A_201 = arith.constant 5.000000e+00 : f32
      %parallel_loop3A_202 = vector.broadcast %parallel_loop3A_200 : f32 to vector<16xf32>
      %parallel_loop3A_203 = arith.maximumf %parallel_loop3A_202, %parallel_loop3A_199 : vector<16xf32>
      %parallel_loop3A_204 = vector.broadcast %parallel_loop3A_201 : f32 to vector<16xf32>
      %parallel_loop3A_205 = arith.minimumf %parallel_loop3A_204, %parallel_loop3A_203 : vector<16xf32>
      %parallel_loop3A_206 = math.exp %parallel_loop3A_205 : vector<16xf32>
      %parallel_loop3A_207 = arith.index_cast %parallel_loop3A_113 : i32 to index
      %parallel_loop3A_208 = arith.constant 96 : index
      %parallel_loop3A_209 = tpu.vector_load %arg10[%parallel_loop3A_207, %parallel_loop3A_208] {strides = array<i32>} : memref<80x128xf32, #tpu.memory_space<vmem>>, vector<16xf32>,
      %parallel_loop3A_210 = arith.mulf %parallel_loop3A_209, %parallel_loop3A_206 : vector<16xf32>
      %parallel_loop3A_211 = arith.index_cast %parallel_loop3A_113 : i32 to index
      %parallel_loop3A_212 = arith.constant 32 : index
      %parallel_loop3A_213 = tpu.vector_load %arg16[%parallel_loop3A_211, %parallel_loop3A_212] {strides = array<i32>} : memref<80x80xf32, #tpu.memory_space<vmem>>, vector<16xf32>,
      tpu.vector_store %arg16[%parallel_loop3A_211, %parallel_loop3A_212], %parallel_loop3A_210 {strides = array<i32>} : memref<80x80xf32, #tpu.memory_space<vmem>>, vector<16xf32>,
      %parallel_loop3A_214 = arith.constant 2 : i32
      %parallel_loop3A_215 = vector.broadcast %parallel_loop3A_214 : i32 to vector<16xi32>
      %parallel_loop3A_216 = arith.cmpi eq, %iota3A, %parallel_loop3A_215 : vector<16xi32>
      %parallel_loop3A_217 = arith.select %parallel_loop3A_216, %parallel_loop3A_206, %parallel_loop3A_183 : vector<16xi1>, vector<16xf32>
      %parallel_loop3A_218 = arith.index_cast %parallel_loop3A_113 : i32 to index
      %parallel_loop3A_219 = arith.constant 48 : index
      %parallel_loop3A_220 = tpu.vector_load %arg10[%parallel_loop3A_218, %parallel_loop3A_219] {strides = array<i32>} : memref<80x128xf32, #tpu.memory_space<vmem>>, vector<16xf32>,
      %parallel_loop3A_221 = arith.index_cast %parallel_loop3A_113 : i32 to index
      %parallel_loop3A_222 = arith.constant 48 : index
      %parallel_loop3A_223 = tpu.vector_load %arg11[%parallel_loop3A_221, %parallel_loop3A_222] {strides = array<i32>} : memref<80x64xf32, #tpu.memory_space<vmem>>, vector<16xf32>,
      %parallel_loop3A_224 = arith.index_cast %parallel_loop3A_113 : i32 to index
      %parallel_loop3A_225 = arith.constant 48 : index
      %parallel_loop3A_226 = tpu.vector_load %arg12[%parallel_loop3A_224, %parallel_loop3A_225] {strides = array<i32>} : memref<80x64xf32, #tpu.memory_space<vmem>>, vector<16xf32>,
      %parallel_loop3A_227 = arith.mulf %parallel_loop3A_220, %parallel_loop3A_223 : vector<16xf32>
      %parallel_loop3A_228 = arith.mulf %parallel_loop3A_227, %parallel_loop3A_226 : vector<16xf32>
      %parallel_loop3A_229 = arith.constant true
      %parallel_loop3A_230 = vector.broadcast %parallel_loop3A_229 : i1 to vector<16xi1>
      %parallel_loop3A_231 = tpu.scan <sum>, %parallel_loop3A_228 masked %parallel_loop3A_230 : vector<16xf32>, vector<16xi1> -> vector<16xf32>
      %parallel_loop3A_232 = vector.extract %parallel_loop3A_231[15] : f32 from vector<16xf32>
      %parallel_loop3A_233 = vector.broadcast %parallel_loop3A_232 : f32 to vector<16xf32>
      %parallel_loop3A_234 = arith.constant -5.000000e+00 : f32
      %parallel_loop3A_235 = arith.constant 5.000000e+00 : f32
      %parallel_loop3A_236 = vector.broadcast %parallel_loop3A_234 : f32 to vector<16xf32>
      %parallel_loop3A_237 = arith.maximumf %parallel_loop3A_236, %parallel_loop3A_233 : vector<16xf32>
      %parallel_loop3A_238 = vector.broadcast %parallel_loop3A_235 : f32 to vector<16xf32>
      %parallel_loop3A_239 = arith.minimumf %parallel_loop3A_238, %parallel_loop3A_237 : vector<16xf32>
      %parallel_loop3A_240 = math.exp %parallel_loop3A_239 : vector<16xf32>
      %parallel_loop3A_241 = arith.index_cast %parallel_loop3A_113 : i32 to index
      %parallel_loop3A_242 = arith.constant 112 : index
      %parallel_loop3A_243 = tpu.vector_load %arg10[%parallel_loop3A_241, %parallel_loop3A_242] {strides = array<i32>} : memref<80x128xf32, #tpu.memory_space<vmem>>, vector<16xf32>,
      %parallel_loop3A_244 = arith.mulf %parallel_loop3A_243, %parallel_loop3A_240 : vector<16xf32>
      %parallel_loop3A_245 = arith.index_cast %parallel_loop3A_113 : i32 to index
      %parallel_loop3A_246 = arith.constant 48 : index
      %parallel_loop3A_247 = tpu.vector_load %arg16[%parallel_loop3A_245, %parallel_loop3A_246] {strides = array<i32>} : memref<80x80xf32, #tpu.memory_space<vmem>>, vector<16xf32>,
      tpu.vector_store %arg16[%parallel_loop3A_245, %parallel_loop3A_246], %parallel_loop3A_244 {strides = array<i32>} : memref<80x80xf32, #tpu.memory_space<vmem>>, vector<16xf32>,
      %parallel_loop3A_248 = arith.constant 3 : i32
      %parallel_loop3A_249 = vector.broadcast %parallel_loop3A_248 : i32 to vector<16xi32>
      %parallel_loop3A_250 = arith.cmpi eq, %iota3A, %parallel_loop3A_249 : vector<16xi32>
      %parallel_loop3A_251 = arith.select %parallel_loop3A_250, %parallel_loop3A_240, %parallel_loop3A_217 : vector<16xi1>, vector<16xf32>
      %parallel_loop3A_252 = arith.index_cast %parallel_loop3A_113 : i32 to index
      %parallel_loop3A_253 = arith.constant 64 : index
      %parallel_loop3A_254 = tpu.vector_load %arg16[%parallel_loop3A_252, %parallel_loop3A_253] {strides = array<i32>} : memref<80x80xf32, #tpu.memory_space<vmem>>, vector<16xf32>,
      tpu.vector_store %arg16[%parallel_loop3A_252, %parallel_loop3A_253], %parallel_loop3A_251 {strides = array<i32>} : memref<80x80xf32, #tpu.memory_space<vmem>>, vector<16xf32>,
    } {sc.loop_unroll_factor = 4 : i64, sc.parallel_access}
    "tpu.region"() ({
      %run_scoped3A_113 = tpu.sem_alloc : memref<!tpu.dma_semaphore, #tpu.memory_space<semaphore_mem>>
      %dma_start3A_114 = arith.constant 9920 : i32
      %dma_start3A_115 = tpu.memref_slice %arg9[%dma_start3A_114] : memref<10000xi32, #tpu.memory_space<vmem>> -> memref<80xi32, #tpu.memory_space<vmem>>
      %dma_start3A_116 = arith.constant 0 : i32
      %dma_start3A_117 = arith.constant 0 : i32
      %dma_start3A_118 = tpu.memref_slice %arg18[%dma_start3A_116, %dma_start3A_117] : memref<10240x80xf32, #tpu.memory_space<vmem_shared>> -> memref<10240x80xf32, #tpu.memory_space<vmem_shared>>
      tpu.enqueue_indirect_dma source(%arg16 : memref<80x80xf32, #tpu.memory_space<vmem>>) target(%dma_start3A_118 : memref<10240x80xf32, #tpu.memory_space<vmem_shared>>) offsets(%dma_start3A_115 : memref<80xi32, #tpu.memory_space<vmem>>) semaphore(%run_scoped3A_113 : memref<!tpu.dma_semaphore, #tpu.memory_space<semaphore_mem>>) {add = true}
      %dma_wait3A_119 = arith.constant 9920 : i32
      %dma_wait3A_120 = tpu.memref_slice %arg9[%dma_wait3A_119] : memref<10000xi32, #tpu.memory_space<vmem>> -> memref<80xi32, #tpu.memory_space<vmem>>
      %dma_wait3A_121 = arith.constant 0 : i32
      %dma_wait3A_122 = arith.constant 0 : i32
      %dma_wait3A_123 = tpu.memref_slice %arg18[%dma_wait3A_121, %dma_wait3A_122] : memref<10240x80xf32, #tpu.memory_space<vmem_shared>> -> memref<10240x80xf32, #tpu.memory_space<vmem_shared>>
      tpu.wait_indirect_dma semaphore(%run_scoped3A_113 : memref<!tpu.dma_semaphore, #tpu.memory_space<semaphore_mem>>) src(%arg16 : memref<80x80xf32, #tpu.memory_space<vmem>>) dst(%dma_wait3A_123 : memref<10240x80xf32, #tpu.memory_space<vmem_shared>>)
      tpu.yield
    }) : () -> ()
    %barrier3A_111 = arith.constant 0 : index
    tpu.barrier barrier_id(%barrier3A_111)
    %run_scoped3A_112 = arith.constant 1 : i32
    "tpu.region"() ({
      %run_scoped3A_113 = tpu.sem_alloc : memref<!tpu.dma_semaphore, #tpu.memory_space<semaphore_mem>>
      %dma_start3A_114 = arith.constant 0 : i32
      %dma_start3A_115 = arith.constant 0 : i32
      %dma_start3A_116 = arith.constant 0 : i32
      %dma_start3A_117 = tpu.memref_slice %arg7[%arg0, %dma_start3A_114, %dma_start3A_115, %dma_start3A_116] : memref<2x2x10240x128xf32, #tpu.memory_space<hbm>> -> memref<1x2x10240x128xf32, #tpu.memory_space<hbm>>
      %dma_start3A_118 = tpu.memref_squeeze %dma_start3A_117 : memref<1x2x10240x128xf32, #tpu.memory_space<hbm>> -> memref<2x10240x128xf32, #tpu.memory_space<hbm>>
      %dma_start3A_119 = arith.constant 0 : i32
      %dma_start3A_120 = arith.constant 0 : i32
      %dma_start3A_121 = tpu.memref_slice %dma_start3A_118[%run_scoped3A_112, %dma_start3A_119, %dma_start3A_120] : memref<2x10240x128xf32, #tpu.memory_space<hbm>> -> memref<1x10240x128xf32, #tpu.memory_space<hbm>>
      %dma_start3A_122 = tpu.memref_squeeze %dma_start3A_121 : memref<1x10240x128xf32, #tpu.memory_space<hbm>> -> memref<10240x128xf32, #tpu.memory_space<hbm>>
      %dma_start3A_123 = arith.constant 0 : i32
      %dma_start3A_124 = tpu.memref_slice %dma_start3A_122[%mul3A_4, %dma_start3A_123] : memref<10240x128xf32, #tpu.memory_space<hbm>> -> memref<640x80xf32, #tpu.memory_space<hbm>>
      %dma_start3A_125 = arith.constant 0 : i32
      %dma_start3A_126 = tpu.memref_slice %arg18[%mul3A_4, %dma_start3A_125] : memref<10240x80xf32, #tpu.memory_space<vmem_shared>> -> memref<640x80xf32, #tpu.memory_space<vmem_shared>>
      tpu.enqueue_dma source(%dma_start3A_126 : memref<640x80xf32, #tpu.memory_space<vmem_shared>>) target(%dma_start3A_124 : memref<640x80xf32, #tpu.memory_space<hbm>>) target_semaphore(%run_scoped3A_113 : memref<!tpu.dma_semaphore, #tpu.memory_space<semaphore_mem>>)
      %dma_wait3A_127 = arith.constant 0 : i32
      %dma_wait3A_128 = arith.constant 0 : i32
      %dma_wait3A_129 = arith.constant 0 : i32
      %dma_wait3A_130 = tpu.memref_slice %arg7[%arg0, %dma_wait3A_127, %dma_wait3A_128, %dma_wait3A_129] : memref<2x2x10240x128xf32, #tpu.memory_space<hbm>> -> memref<1x2x10240x128xf32, #tpu.memory_space<hbm>>
      %dma_wait3A_131 = tpu.memref_squeeze %dma_wait3A_130 : memref<1x2x10240x128xf32, #tpu.memory_space<hbm>> -> memref<2x10240x128xf32, #tpu.memory_space<hbm>>
      %dma_wait3A_132 = arith.constant 0 : i32
      %dma_wait3A_133 = arith.constant 0 : i32
      %dma_wait3A_134 = tpu.memref_slice %dma_wait3A_131[%run_scoped3A_112, %dma_wait3A_132, %dma_wait3A_133] : memref<2x10240x128xf32, #tpu.memory_space<hbm>> -> memref<1x10240x128xf32, #tpu.memory_space<hbm>>
      %dma_wait3A_135 = tpu.memref_squeeze %dma_wait3A_134 : memref<1x10240x128xf32, #tpu.memory_space<hbm>> -> memref<10240x128xf32, #tpu.memory_space<hbm>>
      %dma_wait3A_136 = arith.constant 0 : i32
      %dma_wait3A_137 = tpu.memref_slice %dma_wait3A_135[%mul3A_4, %dma_wait3A_136] : memref<10240x128xf32, #tpu.memory_space<hbm>> -> memref<640x80xf32, #tpu.memory_space<hbm>>
      %dma_wait3A_138 = arith.constant 0 : i32
      %dma_wait3A_139 = tpu.memref_slice %arg18[%mul3A_4, %dma_wait3A_138] : memref<10240x80xf32, #tpu.memory_space<vmem_shared>> -> memref<640x80xf32, #tpu.memory_space<vmem_shared>>
      tpu.wait_dma2 semaphore(%run_scoped3A_113 : memref<!tpu.dma_semaphore, #tpu.memory_space<semaphore_mem>>) src(%dma_wait3A_139 : memref<640x80xf32, #tpu.memory_space<vmem_shared>>) dst(%dma_wait3A_137 : memref<640x80xf32, #tpu.memory_space<hbm>>)
      tpu.yield
    }) : () -> ()
    return
  }
}

module attributes {stable_mosaic.version = 14 : i64} {
  func.func @_proj_body(%arg0: i32, %arg1: memref<1000x128xf32, #tpu.memory_space<vmem>>, %arg2: memref<128x128xf32, #tpu.memory_space<vmem>>, %arg3: memref<1x128xf32, #tpu.memory_space<vmem>>, %arg4: memref<128x128xf32, #tpu.memory_space<vmem>>, %arg5: memref<1x128xf32, #tpu.memory_space<vmem>>, %arg6: memref<128x128xf32, #tpu.memory_space<vmem>>, %arg7: memref<1x128xf32, #tpu.memory_space<vmem>>, %arg8: memref<2x1000x64xf32, #tpu.memory_space<vmem>>, %arg9: memref<2x1000x128xf32, #tpu.memory_space<vmem>>) attributes {dimension_semantics = [#tpu.dimension_semantics<arbitrary>], iteration_bounds = array<i64: 10>, scalar_prefetch = 0 : i64, scratch_operands = 0 : i64, tpu.core_type = #tpu.core_type<tc>, window_params = [{transform_indices = @transform_0, window_bounds = array<i64: 1000, 128>}, {pipeline_mode = #tpu.pipeline_mode<synchronous>, transform_indices = @transform_1, window_bounds = array<i64: 128, 128>}, {pipeline_mode = #tpu.pipeline_mode<synchronous>, transform_indices = @transform_2, window_bounds = array<i64: 1, 128>}, {pipeline_mode = #tpu.pipeline_mode<synchronous>, transform_indices = @transform_3, window_bounds = array<i64: 128, 128>}, {pipeline_mode = #tpu.pipeline_mode<synchronous>, transform_indices = @transform_4, window_bounds = array<i64: 1, 128>}, {pipeline_mode = #tpu.pipeline_mode<synchronous>, transform_indices = @transform_5, window_bounds = array<i64: 128, 128>}, {pipeline_mode = #tpu.pipeline_mode<synchronous>, transform_indices = @transform_6, window_bounds = array<i64: 1, 128>}, {transform_indices = @transform_7, window_bounds = array<i64: 2, 1000, 64>}, {transform_indices = @transform_8, window_bounds = array<i64: 2, 1000, 128>}]} {
    %get3A = arith.constant 0 : index
    %get3A_0 = arith.constant 0 : index
    %get3A_1 = vector.load %arg1[%get3A, %get3A_0] : memref<1000x128xf32, #tpu.memory_space<vmem>>, vector<1000x128xf32>
    %get3A_2 = arith.constant 0 : index
    %get3A_3 = arith.constant 0 : index
    %get3A_4 = vector.load %arg2[%get3A_2, %get3A_3] : memref<128x128xf32, #tpu.memory_space<vmem>>, vector<128x128xf32>
    %dot_general3A = arith.constant dense<0.000000e+00> : vector<1000x128xf32>
    %dot_general3A_5 = tpu.matmul %get3A_1, %get3A_4, %dot_general3A {dimension_numbers = #tpu.dot_dimension_numbers<[1], [0], [0], [1], [0, 0, 1, 1], [], []>, transpose_lhs_hint = false} : vector<1000x128xf32>, vector<128x128xf32>, vector<1000x128xf32> -> vector<1000x128xf32>
    %get3A_6 = arith.constant 0 : index
    %get3A_7 = arith.constant 0 : index
    %get3A_8 = vector.load %arg3[%get3A_6, %get3A_7] : memref<1x128xf32, #tpu.memory_space<vmem>>, vector<1x128xf32>
    %add3A = vector.broadcast %get3A_8 : vector<1x128xf32> to vector<1000x128xf32>
    %add3A_9 = arith.addf %dot_general3A_5, %add3A : vector<1000x128xf32>
    %slice3A = vector.extract_strided_slice %add3A_9 {offsets = [0, 0], sizes = [1000, 64], strides = [1, 1]} : vector<1000x128xf32> to vector<1000x64xf32>
    %slice3A_10 = vector.extract_strided_slice %add3A_9 {offsets = [0, 64], sizes = [1000, 64], strides = [1, 1]} : vector<1000x128xf32> to vector<1000x64xf32>
    %stack3A = vector.shape_cast %slice3A : vector<1000x64xf32> to vector<1x1000x64xf32>
    %stack3A_11 = vector.shape_cast %slice3A_10 : vector<1000x64xf32> to vector<1x1000x64xf32>
    %stack3A_12 = tpu.concatenate %stack3A, %stack3A_11 in 0 : vector<1x1000x64xf32>, vector<1x1000x64xf32> -> vector<2x1000x64xf32>
    %swap3A = arith.constant 0 : index
    %swap3A_13 = arith.constant 0 : index
    %swap3A_14 = arith.constant 0 : index
    %swap3A_15 = vector.load %arg8[%swap3A, %swap3A_13, %swap3A_14] : memref<2x1000x64xf32, #tpu.memory_space<vmem>>, vector<2x1000x64xf32>
    tpu.vector_store %arg8[%swap3A, %swap3A_13, %swap3A_14], %stack3A_12 {strides = array<i32>} : memref<2x1000x64xf32, #tpu.memory_space<vmem>>, vector<2x1000x64xf32>,
    %get3A_16 = arith.constant 0 : index
    %get3A_17 = arith.constant 0 : index
    %get3A_18 = vector.load %arg4[%get3A_16, %get3A_17] : memref<128x128xf32, #tpu.memory_space<vmem>>, vector<128x128xf32>
    %dot_general3A_19 = arith.constant dense<0.000000e+00> : vector<1000x128xf32>
    %dot_general3A_20 = tpu.matmul %get3A_1, %get3A_18, %dot_general3A_19 {dimension_numbers = #tpu.dot_dimension_numbers<[1], [0], [0], [1], [0, 0, 1, 1], [], []>, transpose_lhs_hint = false} : vector<1000x128xf32>, vector<128x128xf32>, vector<1000x128xf32> -> vector<1000x128xf32>
    %get3A_21 = arith.constant 0 : index
    %get3A_22 = arith.constant 0 : index
    %get3A_23 = vector.load %arg5[%get3A_21, %get3A_22] : memref<1x128xf32, #tpu.memory_space<vmem>>, vector<1x128xf32>
    %add3A_24 = vector.broadcast %get3A_23 : vector<1x128xf32> to vector<1000x128xf32>
    %add3A_25 = arith.addf %dot_general3A_20, %add3A_24 : vector<1000x128xf32>
    %get3A_26 = arith.constant 0 : index
    %get3A_27 = arith.constant 0 : index
    %get3A_28 = vector.load %arg6[%get3A_26, %get3A_27] : memref<128x128xf32, #tpu.memory_space<vmem>>, vector<128x128xf32>
    %dot_general3A_29 = arith.constant dense<0.000000e+00> : vector<1000x128xf32>
    %dot_general3A_30 = tpu.matmul %get3A_1, %get3A_28, %dot_general3A_29 {dimension_numbers = #tpu.dot_dimension_numbers<[1], [0], [0], [1], [0, 0, 1, 1], [], []>, transpose_lhs_hint = false} : vector<1000x128xf32>, vector<128x128xf32>, vector<1000x128xf32> -> vector<1000x128xf32>
    %get3A_31 = arith.constant 0 : index
    %get3A_32 = arith.constant 0 : index
    %get3A_33 = vector.load %arg7[%get3A_31, %get3A_32] : memref<1x128xf32, #tpu.memory_space<vmem>>, vector<1x128xf32>
    %add3A_34 = vector.broadcast %get3A_33 : vector<1x128xf32> to vector<1000x128xf32>
    %add3A_35 = arith.addf %dot_general3A_30, %add3A_34 : vector<1000x128xf32>
    %slice3A_36 = vector.extract_strided_slice %add3A_25 {offsets = [0, 0], sizes = [1000, 64], strides = [1, 1]} : vector<1000x128xf32> to vector<1000x64xf32>
    %slice3A_37 = vector.extract_strided_slice %add3A_35 {offsets = [0, 0], sizes = [1000, 64], strides = [1, 1]} : vector<1000x128xf32> to vector<1000x64xf32>
    %concatenate3A = tpu.concatenate %slice3A_36, %slice3A_37 in 1 : vector<1000x64xf32>, vector<1000x64xf32> -> vector<1000x128xf32>
    %slice3A_38 = vector.extract_strided_slice %add3A_25 {offsets = [0, 64], sizes = [1000, 64], strides = [1, 1]} : vector<1000x128xf32> to vector<1000x64xf32>
    %slice3A_39 = vector.extract_strided_slice %add3A_35 {offsets = [0, 64], sizes = [1000, 64], strides = [1, 1]} : vector<1000x128xf32> to vector<1000x64xf32>
    %concatenate3A_40 = tpu.concatenate %slice3A_38, %slice3A_39 in 1 : vector<1000x64xf32>, vector<1000x64xf32> -> vector<1000x128xf32>
    %stack3A_41 = vector.shape_cast %concatenate3A : vector<1000x128xf32> to vector<1x1000x128xf32>
    %stack3A_42 = vector.shape_cast %concatenate3A_40 : vector<1000x128xf32> to vector<1x1000x128xf32>
    %stack3A_43 = tpu.concatenate %stack3A_41, %stack3A_42 in 0 : vector<1x1000x128xf32>, vector<1x1000x128xf32> -> vector<2x1000x128xf32>
    %swap3A_44 = arith.constant 0 : index
    %swap3A_45 = arith.constant 0 : index
    %swap3A_46 = arith.constant 0 : index
    %swap3A_47 = vector.load %arg9[%swap3A_44, %swap3A_45, %swap3A_46] : memref<2x1000x128xf32, #tpu.memory_space<vmem>>, vector<2x1000x128xf32>
    tpu.vector_store %arg9[%swap3A_44, %swap3A_45, %swap3A_46], %stack3A_43 {strides = array<i32>} : memref<2x1000x128xf32, #tpu.memory_space<vmem>>, vector<2x1000x128xf32>,
    return
  }
  func.func @transform_0(%arg0: i32) -> (i32, i32) {
    %c0_i32 = arith.constant 0 : i32
    %c0_i32_0 = arith.constant 0 : i32
    return %arg0, %c0_i32 : i32, i32
  }
  func.func @transform_1(%arg0: i32) -> (i32, i32) {
    %c0_i32 = arith.constant 0 : i32
    %c0_i32_0 = arith.constant 0 : i32
    %c0_i32_1 = arith.constant 0 : i32
    return %c0_i32, %c0_i32_0 : i32, i32
  }
  func.func @transform_2(%arg0: i32) -> (i32, i32) {
    %c0_i32 = arith.constant 0 : i32
    %c0_i32_0 = arith.constant 0 : i32
    %c0_i32_1 = arith.constant 0 : i32
    return %c0_i32, %c0_i32_0 : i32, i32
  }
  func.func @transform_3(%arg0: i32) -> (i32, i32) {
    %c0_i32 = arith.constant 0 : i32
    %c0_i32_0 = arith.constant 0 : i32
    %c0_i32_1 = arith.constant 0 : i32
    return %c0_i32, %c0_i32_0 : i32, i32
  }
  func.func @transform_4(%arg0: i32) -> (i32, i32) {
    %c0_i32 = arith.constant 0 : i32
    %c0_i32_0 = arith.constant 0 : i32
    %c0_i32_1 = arith.constant 0 : i32
    return %c0_i32, %c0_i32_0 : i32, i32
  }
  func.func @transform_5(%arg0: i32) -> (i32, i32) {
    %c0_i32 = arith.constant 0 : i32
    %c0_i32_0 = arith.constant 0 : i32
    %c0_i32_1 = arith.constant 0 : i32
    return %c0_i32, %c0_i32_0 : i32, i32
  }
  func.func @transform_6(%arg0: i32) -> (i32, i32) {
    %c0_i32 = arith.constant 0 : i32
    %c0_i32_0 = arith.constant 0 : i32
    %c0_i32_1 = arith.constant 0 : i32
    return %c0_i32, %c0_i32_0 : i32, i32
  }
  func.func @transform_7(%arg0: i32) -> (i32, i32, i32) {
    %c0_i32 = arith.constant 0 : i32
    %c0_i32_0 = arith.constant 0 : i32
    %c0_i32_1 = arith.constant 0 : i32
    return %c0_i32, %arg0, %c0_i32_0 : i32, i32, i32
  }
  func.func @transform_8(%arg0: i32) -> (i32, i32, i32) {
    %c0_i32 = arith.constant 0 : i32
    %c0_i32_0 = arith.constant 0 : i32
    %c0_i32_1 = arith.constant 0 : i32
    return %c0_i32, %arg0, %c0_i32_0 : i32, i32, i32
  }
}

module attributes {stable_mosaic.version = 14 : i64} {
  func.func @_ee_body(%arg0: i32, %arg1: memref<16000x16xf32, #tpu.memory_space<vmem>>, %arg2: memref<16x128xf32, #tpu.memory_space<vmem>>, %arg3: memref<1x128xf32, #tpu.memory_space<vmem>>, %arg4: memref<16000x128xf32, #tpu.memory_space<vmem>>) attributes {dimension_semantics = [#tpu.dimension_semantics<arbitrary>], iteration_bounds = array<i64: 20>, scalar_prefetch = 0 : i64, scratch_operands = 0 : i64, tpu.core_type = #tpu.core_type<tc>, window_params = [{transform_indices = @transform_0, window_bounds = array<i64: 16000, 16>}, {pipeline_mode = #tpu.pipeline_mode<synchronous>, transform_indices = @transform_1, window_bounds = array<i64: 16, 128>}, {pipeline_mode = #tpu.pipeline_mode<synchronous>, transform_indices = @transform_2, window_bounds = array<i64: 1, 128>}, {transform_indices = @transform_3, window_bounds = array<i64: 16000, 128>}]} {
    %get3A = arith.constant 0 : index
    %get3A_0 = arith.constant 0 : index
    %get3A_1 = vector.load %arg1[%get3A, %get3A_0] : memref<16000x16xf32, #tpu.memory_space<vmem>>, vector<16000x16xf32>
    %get3A_2 = arith.constant 0 : index
    %get3A_3 = arith.constant 0 : index
    %get3A_4 = vector.load %arg2[%get3A_2, %get3A_3] : memref<16x128xf32, #tpu.memory_space<vmem>>, vector<16x128xf32>
    %dot_general3A = arith.constant dense<0.000000e+00> : vector<16000x128xf32>
    %dot_general3A_5 = tpu.matmul %get3A_1, %get3A_4, %dot_general3A {dimension_numbers = #tpu.dot_dimension_numbers<[1], [0], [0], [1], [0, 0, 1, 1], [], []>, transpose_lhs_hint = false} : vector<16000x16xf32>, vector<16x128xf32>, vector<16000x128xf32> -> vector<16000x128xf32>
    %get3A_6 = arith.constant 0 : index
    %get3A_7 = arith.constant 0 : index
    %get3A_8 = vector.load %arg3[%get3A_6, %get3A_7] : memref<1x128xf32, #tpu.memory_space<vmem>>, vector<1x128xf32>
    %add3A = vector.broadcast %get3A_8 : vector<1x128xf32> to vector<16000x128xf32>
    %add3A_9 = arith.addf %dot_general3A_5, %add3A : vector<16000x128xf32>
    %mul3A = arith.constant 2.500000e-01 : f32
    %mul3A_10 = vector.broadcast %mul3A : f32 to vector<16000x128xf32>
    %mul3A_11 = arith.mulf %add3A_9, %mul3A_10 : vector<16000x128xf32>
    %swap3A = arith.constant 0 : index
    %swap3A_12 = arith.constant 0 : index
    %swap3A_13 = vector.load %arg4[%swap3A, %swap3A_12] : memref<16000x128xf32, #tpu.memory_space<vmem>>, vector<16000x128xf32>
    tpu.vector_store %arg4[%swap3A, %swap3A_12], %mul3A_11 {strides = array<i32>} : memref<16000x128xf32, #tpu.memory_space<vmem>>, vector<16000x128xf32>,
    return
  }
  func.func @transform_0(%arg0: i32) -> (i32, i32) {
    %c0_i32 = arith.constant 0 : i32
    %c0_i32_0 = arith.constant 0 : i32
    return %arg0, %c0_i32 : i32, i32
  }
  func.func @transform_1(%arg0: i32) -> (i32, i32) {
    %c0_i32 = arith.constant 0 : i32
    %c0_i32_0 = arith.constant 0 : i32
    %c0_i32_1 = arith.constant 0 : i32
    return %c0_i32, %c0_i32_0 : i32, i32
  }
  func.func @transform_2(%arg0: i32) -> (i32, i32) {
    %c0_i32 = arith.constant 0 : i32
    %c0_i32_0 = arith.constant 0 : i32
    %c0_i32_1 = arith.constant 0 : i32
    return %c0_i32, %c0_i32_0 : i32, i32
  }
  func.func @transform_3(%arg0: i32) -> (i32, i32) {
    %c0_i32 = arith.constant 0 : i32
    %c0_i32_0 = arith.constant 0 : i32
    return %arg0, %c0_i32 : i32, i32
  }
}

module attributes {stable_mosaic.version = 14 : i64} {
  func.func @_final_body(%arg0: i32, %arg1: memref<2x2x1000x128xf32, #tpu.memory_space<vmem>>, %arg2: memref<1000x128xf32, #tpu.memory_space<vmem>>) attributes {dimension_semantics = [#tpu.dimension_semantics<arbitrary>], iteration_bounds = array<i64: 10>, scalar_prefetch = 0 : i64, scratch_operands = 0 : i64, tpu.core_type = #tpu.core_type<tc>, window_params = [{transform_indices = @transform_0, window_bounds = array<i64: 2, 2, 1000, 128>}, {transform_indices = @transform_1, window_bounds = array<i64: 1000, 128>}]} {
    %get3A = arith.constant 0 : index
    %get3A_0 = arith.constant 0 : index
    %get3A_1 = arith.constant 0 : index
    %get3A_2 = arith.constant 0 : index
    %get3A_3 = vector.load %arg1[%get3A, %get3A_0, %get3A_1, %get3A_2] : memref<2x2x1000x128xf32, #tpu.memory_space<vmem>>, vector<1x1x1000x128xf32>
    %get3A_4 = vector.shape_cast %get3A_3 : vector<1x1x1000x128xf32> to vector<1000x128xf32>
    %get3A_5 = arith.constant 1 : index
    %get3A_6 = arith.constant 0 : index
    %get3A_7 = arith.constant 0 : index
    %get3A_8 = arith.constant 0 : index
    %get3A_9 = vector.load %arg1[%get3A_5, %get3A_6, %get3A_7, %get3A_8] : memref<2x2x1000x128xf32, #tpu.memory_space<vmem>>, vector<1x1x1000x128xf32>
    %get3A_10 = vector.shape_cast %get3A_9 : vector<1x1x1000x128xf32> to vector<1000x128xf32>
    %add3A = arith.addf %get3A_4, %get3A_10 : vector<1000x128xf32>
    %get3A_11 = arith.constant 0 : index
    %get3A_12 = arith.constant 1 : index
    %get3A_13 = arith.constant 0 : index
    %get3A_14 = arith.constant 0 : index
    %get3A_15 = vector.load %arg1[%get3A_11, %get3A_12, %get3A_13, %get3A_14] : memref<2x2x1000x128xf32, #tpu.memory_space<vmem>>, vector<1x1x1000x128xf32>
    %get3A_16 = vector.shape_cast %get3A_15 : vector<1x1x1000x128xf32> to vector<1000x128xf32>
    %get3A_17 = arith.constant 1 : index
    %get3A_18 = arith.constant 1 : index
    %get3A_19 = arith.constant 0 : index
    %get3A_20 = arith.constant 0 : index
    %get3A_21 = vector.load %arg1[%get3A_17, %get3A_18, %get3A_19, %get3A_20] : memref<2x2x1000x128xf32, #tpu.memory_space<vmem>>, vector<1x1x1000x128xf32>
    %get3A_22 = vector.shape_cast %get3A_21 : vector<1x1x1000x128xf32> to vector<1000x128xf32>
    %add3A_23 = arith.addf %get3A_16, %get3A_22 : vector<1000x128xf32>
    %slice3A = vector.extract_strided_slice %add3A {offsets = [0, 0], sizes = [1000, 64], strides = [1, 1]} : vector<1000x128xf32> to vector<1000x64xf32>
    %slice3A_24 = vector.extract_strided_slice %add3A_23 {offsets = [0, 0], sizes = [1000, 64], strides = [1, 1]} : vector<1000x128xf32> to vector<1000x64xf32>
    %concatenate3A = tpu.concatenate %slice3A, %slice3A_24 in 1 : vector<1000x64xf32>, vector<1000x64xf32> -> vector<1000x128xf32>
    %slice3A_25 = vector.extract_strided_slice %add3A {offsets = [0, 64], sizes = [1000, 4], strides = [1, 1]} : vector<1000x128xf32> to vector<1000x4xf32>
    %slice3A_26 = vector.extract_strided_slice %add3A_23 {offsets = [0, 64], sizes = [1000, 4], strides = [1, 1]} : vector<1000x128xf32> to vector<1000x4xf32>
    %concatenate3A_27 = tpu.concatenate %slice3A_25, %slice3A_26 in 1 : vector<1000x4xf32>, vector<1000x4xf32> -> vector<1000x8xf32>
    %reshape3A = vector.shape_cast %concatenate3A_27 : vector<1000x8xf32> to vector<1000x8x1xf32>
    %broadcast_in_dim3A = vector.shape_cast %reshape3A : vector<1000x8x1xf32> to vector<1000x8x1xf32>
    %broadcast_in_dim3A_28 = vector.broadcast %broadcast_in_dim3A : vector<1000x8x1xf32> to vector<1000x8x16xf32>
    %reshape3A_29 = vector.shape_cast %broadcast_in_dim3A_28 : vector<1000x8x16xf32> to vector<1000x128xf32>
    %add3A_30 = arith.constant 9.99999997E-7 : f32
    %add3A_31 = vector.broadcast %add3A_30 : f32 to vector<1000x128xf32>
    %add3A_32 = arith.addf %reshape3A_29, %add3A_31 : vector<1000x128xf32>
    %div3A = arith.divf %concatenate3A, %add3A_32 : vector<1000x128xf32>
    %swap3A = arith.constant 0 : index
    %swap3A_33 = arith.constant 0 : index
    %swap3A_34 = vector.load %arg2[%swap3A, %swap3A_33] : memref<1000x128xf32, #tpu.memory_space<vmem>>, vector<1000x128xf32>
    tpu.vector_store %arg2[%swap3A, %swap3A_33], %div3A {strides = array<i32>} : memref<1000x128xf32, #tpu.memory_space<vmem>>, vector<1000x128xf32>,
    return
  }
  func.func @transform_0(%arg0: i32) -> (i32, i32, i32, i32) {
    %c0_i32 = arith.constant 0 : i32
    %c0_i32_0 = arith.constant 0 : i32
    %c0_i32_1 = arith.constant 0 : i32
    %c0_i32_2 = arith.constant 0 : i32
    return %c0_i32, %c0_i32_0, %arg0, %c0_i32_1 : i32, i32, i32, i32
  }
  func.func @transform_1(%arg0: i32) -> (i32, i32) {
    %c0_i32 = arith.constant 0 : i32
    %c0_i32_0 = arith.constant 0 : i32
    return %arg0, %c0_i32 : i32, i32
  }
}

</mosaic_0001>

<sc_bundles>
// kernel: kernel.6.cloned.1.call-start
scs
__scs_entry_jumppad:
0x0: {  	(pc) =	sbr.rel $0x88, $3  }
0x1: {  	(tag) =	ssettag $0x0;
	lr =	simm.s32 $0x1  }
0x2: {  	[smem:$0x3F96] =	sst lr;
	_ =	strace $0xD0000000  }
0x3: {  	_ = 	snop  }
0x4: {  	_ = 	snop  }
0x5: {  	_ = 	snop  }
0x6: {  	_ = 	snop  }
0x7: {  	_ = 	snop  }
__scs_overlays_trampoline_lowered:
0x8: {  	[smem:$0x3FA5] =	sst s0  }
0x9: {  	[smem:$0x3FA6] =	sst s1  }
0xa: {  	[smem:$0x3FA7] =	sst s2  }
0xb: {  	[smem:$0x3FA8] =	sst s3  }
0xc: {  	[smem:$0x3FA9] =	sst s4  }
0xd: {  	[smem:$0x3FAA] =	sst s5  }
0xe: {  	[smem:$0x3FAB] =	sst s6  }
0xf: {  	[smem:$0x3FAC] =	sst s7  }
0x10: {  	[smem:$0x3FAD] =	sst s8  }
0x11: {  	[smem:$0x3FAE] =	sst s9;
	s0 =	simm.s32 @!p0 $0x0  }
0x12: {  	s1 =	sld [smem:$0x3F94];
	s0 =	simm.s32 @p0 $0x1  }
0x13: {  	[smem:$0x3FAF] =	sst s0;
	s0 =	simm.s32 @!p1 $0x0  }
0x14: {  	s2 =	sld [smem:$0x3F93];
	s0 =	simm.s32 @p1 $0x1  }
0x15: {  	[smem:$0x3FB0] =	sst s0;
	s0 =	simm.s32 @!p2 $0x0  }
0x16: {  	s3 =	sld [smem:$0x3FDB];
	s0 =	simm.s32 @p2 $0x1  }
0x17: {  	s4 =	simm.s32 $0x1BF5;
	[smem:$0x3FB2] =	sst s0  }
0x18: {  	s0 =	sld [smem:$0x3F95];
	_ =	swait.ge [sflag:s4], $0x0  }
0x19: {  	s7 =	sld [smem:$0x3F96]  }
0x1a: {  	s8 =	sadd.s32 $0xFFFFE003, lr  }
0x1b: {  	s9 =	sadd.s32 $0xFFFFFEF7, lr;
	s5 =	simm.s32 $0xFFFFFFFF;
	p2 =	slt.u32 s8, $0xFFFFF086  }
0x1c: {  	p1 =	slt.u32 s9, $0xF7A;
	s5 =	simm.s32 @!p2 $0x0  }
0x1d: {  	s5 =	simm.s32 @p1 $0x1;
	p0 =	seq.s32 s7, s2  }
0x1e: {  	s7 =	smul.u32 @!p0 $0xF7A, s2;
	p2 =	seq.s32 @!p0 s5, $0x0  }
0x1f: {  	s9 =	smul.u32 $0xF7A, s1;
	s8 =	simm.s32 @!p0 $0x1BF5;
	p2 =	por !p2, p0  }
0x20: {  	[sflag:s8] =	ssyncset.s32 @!p0 $0xFFFFF086;
	s6 =	sadd.s32 @!p0 s3, s7;
	s7 =	simm.s32 @!p0 $0x108  }
0x21: {  	s3 =	sadd.s32 s3, s9;
	s6 =	sadd.s32 @!p0 $0x88, s6;
	s7 =	simm.s32 @p2 $0x1082  }
0x22: {  	[simem:s7], [sflag:s8] =	dma.local @!p0 [hbm:s6], $0xF7A  }
0x23: {  	s9 =	sor.u32 $0xD0000000, s2;
	s6 =	simm.s32 $0x108;
	_ =	swait.ge @!p0 [sflag:s8], $0x0  }
0x24: {  	s3 =	sadd.s32 $0x88, s3;
	s6 =	simm.s32 @!p1 $0x1082;
	[sflag:s4] =	ssyncset.s32 $0xFFFFF086  }
0x25: {  	[simem:s6], [sflag:s4] =	dma.local [hbm:s3], $0xF7A  }
0x26: {  	[smem:$0x3F96] =	sst s1;
	(tag) =	ssettag s2;
	_ =	strace s9  }
0x27: {  	s1 =	sld [smem:$0x3FA6]  }
0x28: {  	s2 =	sld [smem:$0x3FA7]  }
0x29: {  	s4 =	sld [smem:$0x3FA9]  }
0x2a: {  	p0 =	seq.s32 s5, $0x0;
	s5 =	sld [smem:$0x3FAA]  }
0x2b: {  	s6 =	sld [smem:$0x3FAB]  }
0x2c: {  	s7 =	sld [smem:$0x3FAC]  }
0x2d: {  	s3 =	simm.s32 $0x108;
	s8 =	sld [smem:$0x3FAD]  }
0x2e: {  	s3 =	simm.s32 @!p0 $0x1082;
	s9 =	sld [smem:$0x3FAE]  }
0x2f: {  	lr =	sadd.s32 s0, s3;
	s0 =	sld [smem:$0x3FA5]  }
0x30: {  	s3 =	sld [smem:$0x3FA8]  }
0x31: {  	[smem:$0x3FB1] =	sst s10  }
0x32: {  	s10 =	sld [smem:$0x3FAF];
	_ =	sdelay $0x3  }
0x33: {  	p0 =	seq.s32 s10, $0x1;
	s10 =	sld [smem:$0x3FB1];
	_ =	sdelay $0x3  }
0x34: {  	[smem:$0x3FB1] =	sst s10  }
0x35: {  	s10 =	sld [smem:$0x3FB0];
	_ =	sdelay $0x3  }
0x36: {  	p1 =	seq.s32 s10, $0x1;
	s10 =	sld [smem:$0x3FB1];
	_ =	sdelay $0x3  }
0x37: {  	[smem:$0x3FB1] =	sst s10  }
0x38: {  	s10 =	sld [smem:$0x3FB2]  }
0x39: {  	_ = 	snop;
	(pc) =	sbr.ind lr, $3  }
0x3a: {  	_ = 	snop  }
0x3b: {  	_ = 	snop  }
0x3c: {  	p2 =	seq.s32 s10, $0x1;
	s10 =	sld [smem:$0x3FB1]  }
0x3d: {  	_ =	shalt  }
0x3e: {  	_ =	shalt  }
0x3f: {  	_ =	shalt  }
0x40: {  	_ =	shalt  }
0x41: {  	_ =	shalt  }
0x42: {  	_ =	shalt  }
0x43: {  	_ =	shalt  }
0x44: {  	_ =	shalt  }
0x45: {  	_ =	shalt  }
0x46: {  	_ =	shalt  }
0x47: {  	_ =	shalt  }
0x48: {  	_ =	shalt  }
0x49: {  	_ =	shalt  }
0x4a: {  	_ =	shalt  }
0x4b: {  	_ =	shalt  }
0x4c: {  	_ =	shalt  }
0x4d: {  	_ =	shalt  }
0x4e: {  	_ =	shalt  }
0x4f: {  	_ =	shalt  }
0x50: {  	_ =	shalt  }
0x51: {  	_ =	shalt  }
0x52: {  	_ =	shalt  }
0x53: {  	_ =	shalt  }
0x54: {  	_ =	shalt  }
0x55: {  	_ =	shalt  }
0x56: {  	_ =	shalt  }
0x57: {  	_ =	shalt  }
0x58: {  	_ =	shalt  }
0x59: {  	_ =	shalt  }
0x5a: {  	_ =	shalt  }
0x5b: {  	_ =	shalt  }
0x5c: {  	_ =	shalt  }
0x5d: {  	_ =	shalt  }
0x5e: {  	_ =	shalt  }
0x5f: {  	_ =	shalt  }
0x60: {  	_ =	shalt  }
0x61: {  	_ =	shalt  }
0x62: {  	_ =	shalt  }
0x63: {  	_ =	shalt  }
0x64: {  	_ =	shalt  }
0x65: {  	_ =	shalt  }
0x66: {  	_ =	shalt  }
0x67: {  	_ =	shalt  }
0x68: {  	_ =	shalt  }
0x69: {  	_ =	shalt  }
0x6a: {  	_ =	shalt  }
0x6b: {  	_ =	shalt  }
0x6c: {  	_ =	shalt  }
0x6d: {  	_ =	shalt  }
0x6e: {  	_ =	shalt  }
0x6f: {  	_ =	shalt  }
0x70: {  	_ =	shalt  }
0x71: {  	_ =	shalt  }
0x72: {  	_ =	shalt  }
0x73: {  	_ =	shalt  }
0x74: {  	_ =	shalt  }
0x75: {  	_ =	shalt  }
0x76: {  	_ =	shalt  }
0x77: {  	_ =	shalt  }
0x78: {  	_ =	shalt  }
0x79: {  	_ =	shalt  }
0x7a: {  	_ =	shalt  }
0x7b: {  	_ =	shalt  }
0x7c: {  	_ =	shalt  }
0x7d: {  	_ =	shalt  }
0x7e: {  	_ =	shalt  }
0x7f: {  	_ =	shalt  }
0x80: {  	_ =	shalt  }
0x81: {  	_ =	shalt  }
0x82: {  	_ =	shalt  }
0x83: {  	_ =	shalt  }
0x84: {  	_ =	shalt  }
0x85: {  	_ =	shalt  }
0x86: {  	_ =	shalt  }
0x87: {  	_ =	shalt  }
.Lfunc_end0:
.L_simem_size_0:
called_computation_lowered:
.L_overlay_start_0:
0x88: {  	s2 =	sld [smem:$0x3FD9]  }
0x89: {  	s3 =	sld [smem:$0x3FFE];
	_ =	sdelay $0x1  }
0x8a: {  	s1 =	srdreg.scid  }
0x8b: {  	s0 =	sand.u32 $0x1, s1  }
0x8c: {  	s17 =	sshll.u32 s0, $0xA;
	s2 =	sadd.s32 s3, s2  }
0x8d: {  	s2 =	sadd.s32 s2, s17  }
0x8e: {  	[smem:$0x3FBD] =	sst s2  }
0x8f: {  	_ = 	snop  }
0x90: {  	s2 =	sld [smem:$0x3FD0];
	(tm) =	ssettm $0x1  }
0x91: {  	s18 =	sld [smem:$0x3FFB];
	_ =	sdelay $0x3  }
0x92: {  	_ =	strace s18  }
0x93: {  	s3 =	sld [smem:$0x3FFC];
	_ =	sdelay $0x3  }
0x94: {  	_ =	strace s3  }
0x95: {  	s3 =	sld [smem:$0x3FFD];
	_ =	sdelay $0x3  }
0x96: {  	_ =	strace s3  }
0x97: {  	_ =	strace $0x8FFFFFFF  }
0x98: {  	s19 =	sld [smem:$0x3FDB];
	_ =	sdelay $0x1  }
0x99: {  	s4 =	simm.s32 $_scs_section_size  }
0x9a: {  	s5 =	simm.s32 $_size__tile_overlayer_lowered;
	s6 =	simm.s32 $_tile_overlayer_lowered  }
0x9b: {  	s22 =	simm.s32 $0x1BFF;
	s21 =	sshll.u32 s6, $0x1;
	s3 =	sadd.s32 s4, s19  }
0x9c: {  	s7 =	simm.s32 $0x0;
	s20 =	sshll.u32 s5, $0x1;
	s5 =	sadd.s32 s21, s3  }
0x9d: {  	[timem:s7], [sflag:s22] =	dma.local [hbm:s5], s20  }
0x9e: {  	_ =	swait.ge [sflag:s22], s20  }
0x9f: {  	s4 =	ssub.s32 $0x0, s20;
	[sflag:s22] =	ssyncset.done $0x0  }
0xa0: {  	[sflag:s22] =	ssyncadd.s32 s4;
	_ =	sdelay $0x1  }
0xa1: {  	s23 =	simm.s32 $0x1B8B  }
0xa2: {  	_ =	swait.ge [sflag:s23], $0x1  }
0xa3: {  	[sflag:s23] =	ssyncset.done $0x0  }
0xa4: {  	s25 =	simm.s32 $0x1B8E;
	s24 =	sld [smem:$0x3FFE];
	[sflag:s23] =	ssyncadd.s32 $0xFFFFFFFF  }
0xa5: {  	s26 =	simm.s32 $execute0_lowered;
	[smem:$0x3FD2] =	sst s25  }
0xa6: {  	s5 =	sshll.u32 s26, $0x1;
	_ =	strace $0x80000046;
	[dreg:$0x1] =	wrdreg $0xFFFFFFFF  }
0xa7: {  	s28 =	simm.s32 $_size_execute0_lowered;
	s3 =	sadd.s32 s3, s5;
	[dreg:$0x0] =	wrdreg $0x0  }
0xa8: {  	s5 =	sshll.u32 s28, $0x1;
	[dreg:$0x2] =	wrdreg s3  }
0xa9: {  	[dreg:$0x3] =	wrdreg s5  }
0xaa: {  	[dreg:$0x4] =	wrdreg $0xC0  }
0xab: {  	_ =	task [dreg:s7], $0x5FFFF  }
0xac: {  	[dreg:$0x1] =	wrdreg $0xFFFFFFFF  }
0xad: {  	[dreg:$0x0] =	wrdreg $0x60  }
0xae: {  	[dreg:$0x2] =	wrdreg s24  }
0xaf: {  	[dreg:$0x3] =	wrdreg s2  }
0xb0: {  	[dreg:$0x4] =	wrdreg $0x120200  }
0xb1: {  	[dreg:$0x5] =	wrdreg $0x9  }
0xb2: {  	_ =	task.clear_ibuf [dreg:s7], $0x6FFFF;
	_ =	strace $0x90000046  }
0xb3: {  	s29 =	simm.s32 $0x9;
	_ =	strace $0x80000048  }
0xb4: {  	_ =	swait.ge [sflag:s29], $0x1  }
0xb5: {  	[sflag:s29] =	ssyncadd.s32 $0xFFFFFFFF  }
0xb6: {  	_ =	strace $0x90000048  }
0xb7: {  	_ =	sfence  }
0xb8: {  	s30 =	sld [smem:$0x0];
	_ =	sdelay $0x2  }
0xb9: {  	s31 =	sshll.u32 s1, $0xD;
	s1 =	sshrl.u32 s1, $0x2  }
0xba: {  	s3 =	sand.u32 $0x4000, s31;
	s1 =	sadd.s32 s1, s30  }
0xbb: {  	s0 =	sor.u32 s3, s0;
	s1 =	sshll.u32 s1, $0x11  }
0xbc: {  	s0 =	sor.u32 s1, s0  }
0xbd: {  	s0 =	sadd.s32 $0x8F2B, s0  }
0xbe: {  	[sflag:s0] =	ssyncadd.remote.s32 $0x1  }
0xbf: {  	_ =	sfence.sel $0xFFFF  }
0xc0: {  	[dreg:$0x0] =	wrdreg $0xFFFFFFFF;
	(pc) =	sbr.abs _section_cstart, $3  }
0xc1: {  	[dreg:$0x1] =	wrdreg $0xFFFFFFFF  }
0xc2: {  	_ =	task.clear_ibuf [dreg:s7], $0x2FFFF;
	_ =	strace $0x9FFFFFFF  }
0xc3: {  	(tm) =	ssettm $0x7FFFFFFF  }
tec
execute0_lowered:
.L_overlay_start_1:
0x0: {  	(tag) =	ssettag $0x1  }
0x1: {  	s0 =	srdreg.scid;
	s1 =	rddreg [dreg:$0x0]  }
0x2: {  	s15 =	rddreg [dreg:$0x1];
	s12 =	stileid.u32  }
0x3: {  	s3 =	rddreg [dreg:$0x2];
	s4 =	simm.s32 $0x0;
	s18 =	simm.s32 $0x3  }
0x4: {  	s28 =	simm.s32 $0x80;
	s0 =	sand.u32 $0x1, s0;
	[smem:$0x7FF] =	sst s4  }
0x5: {  	s6 =	sadd.s32 $0x1C00, s1;
	s7 =	sadd.s32 $0x545800, s1;
	s22 =	smul.u32 $0x32000, s12  }
0x6: {  	s10 =	sadd.s32 $0x4FE00, s1;
	s24 =	sadd.s32 $0x53BA40, s1;
	s26 =	smul.u32 $0x2800, s12  }
0x7: {  	s13 =	sadd.s32 $0x545808, s1;
	s14 =	sadd.s32 $0x28D00, s1;
	s15 =	sadd.s32 $0x13880, s15  }
0x8: {  	s30 =	sshll.u32 s12, $0x6;
	s2 =	sshll.u32 s0, $0x4;
	_ =	strace $0x80000047  }
0x9: {  	s9 =	smul.u32 $0x50000, s0;
	[dreg:$0x4] =	wrdreg s10;
	s0 =	ssub.s32 $0x2, s0  }
0xa: {  	s10 =	simm.s32 $0x2;
	s2 =	sor.u32 s12, s2;
	s11 =	sshrl.u32 s0, $0x1  }
0xb: {  	s23 =	sshrl.u32 s22, $0x2;
	[dreg:$0x8] =	wrdreg s26;
	s5 =	smul.u32 $0x2710, s2  }
0xc: {  	s9 =	sadd.s32 s9, s1;
	s0 =	ssub.s32 s0, s11;
	s11 =	sor.u32 $0x1C03, s30  }
0xd: {  	s2 =	smul.u32 $0x27100, s2;
	s9 =	sadd.s32 $0x51800, s9;
	[dreg:$0xc] =	wrdreg s11  }
0xe: {  	s26 =	simm.s32 $0x40;
	s0 =	smax.u32 s0, $0x1;
	[dreg:$0x7] =	wrdreg s9  }
0xf: {  	s21 =	sshrl.u32 s5, $0x3;
	s25 =	sadd.s32 s7, s2;
	[dreg:$0xa] =	wrdreg s0  }
0x10: {  	s29 =	sadd.s32 s2, s13;
	s8 =	sadd.s32 s21, s1;
	[dreg:$0x6] =	wrdreg s25  }
0x11: {  	s0 =	simm.s32 $0x1;
	[dreg:$0x9] =	wrdreg s29;
	s8 =	sadd.s32 $0x531E00, s8  }
0x12: {  	s31 =	sadd.s32 s21, s24;
	[dreg:$0x5] =	wrdreg s8;
	s8 =	sadd.s32 s23, s3  }
0x13: {  	vm0 =	vmmov $0x1;
	s9 =	simm.s32 $0xEE20;
	[dreg:$0xb] =	wrdreg s31;
	s8 =	sshrl.u32 s8, $0x3  }
0x14: {  	vm1 =	vcmask $0x310;
	vm2 =	vcmask $0x710;
	vm3 =	vcmask $0xB10;
	s2 =	simm.s32 $0x0;
	s23 =	simm.s32 $0x50;
	[dreg:$0xd] =	wrdreg s8  }
.LBB2_1:
0x15: {  	[dreg:$0xe] =	wrdreg s2  }
0x16: {  	s1 =	simm.s32 $0x0;
	s20 =	rddreg [dreg:$0x5]  }
0x17: {  	[tilespmem:s1], [sflag:$0x3] =	stream.linear.gather [hbm4b:s20+s1], $0x2710, $0x38;
	[tilespmem:$0x1E820] =	vst v63  }
0x18: {  	_ =	swait.ge [sflag:s18], $0x2710  }
0x19: {  	[sflag:s18] =	ssyncset.done $0x0  }
0x1a: {  	s4 =	simm.s32 $0x2710;
	s21 =	rddreg [dreg:$0xb];
	[sflag:s18] =	ssyncadd.s32 $0xFFFFD8F0  }
0x1b: {  	[tilespmem:s4], [sflag:$0x3] =	stream.linear.gather [hbm4b:s21+s1], $0x2710, $0x38;
	[tilespmem:$0x1E820] =	vst v63  }
0x1c: {  	_ =	swait.ge [sflag:s18], $0x2710  }
0x1d: {  	[sflag:s18] =	ssyncset.done $0x0  }
0x1e: {  	s22 =	rddreg [dreg:$0x4];
	[sflag:s18] =	ssyncadd.s32 $0xFFFFD8F0  }
0x1f: {  	[spmem:s8], [sflag:s11] =	dma.local [hbm:s22], $0x1900  }
0x20: {  	_ =	swait.ge [sflag:s18], $0x1900  }
0x21: {  	[sflag:s18] =	ssyncset.done $0x0  }
0x22: {  	[sflag:s18] =	ssyncadd.s32 $0xFFFFE700  }
0x23: {  	s24 =	simm.s32 $0x4E20;
	[bflag:$0x0] =	sbarrier.arrive $0xFFFF  }
0x24: {  	[tilespmem:s24], [sflag:$0x1] =	stream.indirect.gather [hbm4b:s6+s23], $0x80, s1, s23, $0xb8;
	[tilespmem:$0x1E820] =	vst v63  }
0x25: {  	s29 =	simm.s32 $0x7620;
	s25 =	rddreg [dreg:$0x1]  }
0x26: {  	[tilespmem:s29], [sflag:$0x1] =	stream.indirect.gather [hbm4b:s25+s23], $0x40, s4, s23, $0xb8;
	[tilespmem:$0x1E820] =	vst v63  }
0x27: {  	s31 =	simm.s32 $0x8A20;
	s16 =	simm.s32 $0x0;
	s30 =	rddreg [dreg:$0x6]  }
0x28: {  	[tilespmem:s31], [sflag:$0x1] =	stream.strided.gather [hbm4b:s30+s26], $0x1400, s28, s26, $0x38;
	[tilespmem:$0x1E820] =	vst v63  }
.LBB2_2:
0x29: {  	s19 =	smul.u32 $0xA0, s16;
	_ =	sdelay $0x1  }
0x2a: {  	s2 =	simm.s32 $0x9E20;
	s1 =	sadd.s32 $0x50, s19  }
0x2b: {  	[tilespmem:s2], [sflag:$0x2] =	stream.indirect.gather [hbm4b:s6+s23], $0x80, s1, s23, $0xb8;
	[tilespmem:$0x1E820] =	vst v63  }
0x2c: {  	s22 =	rddreg [dreg:$0x1];
	s1 =	sadd.s32 s5, s1  }
0x2d: {  	s4 =	simm.s32 $0xC620;
	s17 =	sadd.s32 $0x2760, s19;
	s1 =	sshll.u32 s1, $0x4  }
0x2e: {  	[tilespmem:s4], [sflag:$0x2] =	stream.indirect.gather [hbm4b:s22+s23], $0x40, s17, s23, $0xb8;
	[tilespmem:$0x1E820] =	vst v63  }
0x2f: {  	s1 =	sand.u32 $0x1FFFFF00, s1  }
0x30: {  	s24 =	simm.s32 $0xDA20;
	s1 =	sadd.s32 s7, s1  }
0x31: {  	[tilespmem:s24], [sflag:$0x2] =	stream.strided.gather [hbm4b:s1+s26], $0x1400, s28, s26, $0x38;
	[tilespmem:$0x1E820] =	vst v63  }
0x32: {  	_ =	swait.ge [sflag:s0], $0x2800  }
0x33: {  	[sflag:s0] =	ssyncset.done $0x0  }
0x34: {  	[sflag:s0] =	ssyncadd.s32 $0xFFFFD800  }
0x35: {  	_ =	swait.ge [sflag:s0], $0x1400  }
0x36: {  	[sflag:s0] =	ssyncset.done $0x0  }
0x37: {  	[sflag:s0] =	ssyncadd.s32 $0xFFFFEC00  }
0x38: {  	_ =	swait.ge [sflag:s0], $0x1400  }
0x39: {  	[sflag:s0] =	ssyncset.done $0x0  }
0x3a: {  	s30 =	simm.s32 $0x4F20;
	[sflag:s0] =	ssyncadd.s32 $0xFFFFEC00  }
0x3b: {  	s11 =	simm.s32 $0x76A0;
	v0 =	vld [tilespmem:s30+$0x80]  }
0x3c: {  	v1 =	vld [tilespmem:s11+$0x40]  }
0x3d: {  	s25 =	simm.s32 $0x8AA0  }
0x3e: {  	v2 =	vld [tilespmem:s25+$0x40];
	_ =	sdelay $0x2  }
0x3f: {  	v0 =	vmul.f32 v1, v0;
	_ =	sdelay $0x1  }
0x40: {  	v0 =	vmul.f32 v2, v0;
	_ =	sdelay $0x1  }
0x41: {  	(xrf2) =	vadd.scan.msk.f32 $0xffff, v0;
	_ =	sdelay $0x2  }
0x42: {  	v1 =	vld [tilespmem:s30+$0xFFFFFF00]  }
0x43: {  	v0 =	vld [tilespmem:s11+$0xFFFFFF80];
	_ =	sdelay $0x1  }
0x44: {  	v2 =	vld [tilespmem:s25+$0xFFFFFF80]  }
0x45: {  	v3 =	vld [tilespmem:s30+$0xFFFFFF80]  }
0x46: {  	v4 =	vld [tilespmem:s11+$0xFFFFFFC0]  }
0x47: {  	v0 =	vmul.f32 v0, v1  }
0x48: {  	v7 =	vld [tilespmem:s25+$0xFFFFFFC0];
	v6, _, _ =	vpop (xrf2)  }
0x49: {  	v5 =	vld [tilespmem:s30+$0x0];
	v0 =	vmul.f32 v2, v0;
	v2 =	vmax.f32 v6, $-5.000000000e+00  }
0x4a: {  	v1 =	vld [tilespmem:s11+$0x0];
	v2 =	vmin.f32 v2, $5.000000000e+00  }
0x4b: {  	(xrf2) =	vadd.scan.msk.f32 $0xffff, v0;
	v0 =	vmul.f32 $1.442695020e+00, v2;
	v2 =	vmul.f32 v4, v3  }
0x4c: {  	v6 =	vld [tilespmem:s25+$0x0]  }
0x4d: {  	v0 =	vbroadcast v0, $0xF;
	v2 =	vmul.f32 v7, v2;
	_ =	sdelay $0x1  }
0x4e: {  	v1 =	vmul.f32 v1, v5;
	(erf) = vpow2.f32 v0;
	(xrf2) =	vadd.scan.msk.f32 $0xffff, v2;
	_ =	sdelay $0x1  }
0x4f: {  	v0 =	vmul.f32 v6, v1;
	_ =	sdelay $0x1  }
0x50: {  	(xrf2) =	vadd.scan.msk.f32 $0xffff, v0  }
0x51: {  	v0 =	vld [tilespmem:s30+$0xC0]  }
0x52: {  	v1, _, _ =	vpop (xrf2)  }
0x53: {  	v1 =	vmax.f32 v1, $-5.000000000e+00  }
0x54: {  	v1 =	vmin.f32 v1, $5.000000000e+00  }
0x55: {  	v1 =	vmul.f32 $1.442695020e+00, v1;
	v2 =	vpop (erf)  }
0x56: {  	v0 =	vmul.f32 v2, v0;
	v3, _, _ =	vpop (xrf2)  }
0x57: {  	s20 =	simm.s32 $0xEEC0;
	v1 =	vbroadcast v1, $0xF;
	v3 =	vmax.f32 v3, $-5.000000000e+00  }
0x58: {  	[tilespmem:s20+$0x50] =	vst v0  }
0x59: {  	(erf) = vpow2.f32 v1;
	v0 =	vmin.f32 v3, $5.000000000e+00;
	v1 =	vld [tilespmem:s30+$0x90]  }
0x5a: {  	v0 =	vmul.f32 $1.442695020e+00, v0;
	v4 =	vld [tilespmem:s11+$0x50];
	v3, _, _ =	vpop (xrf2)  }
0x5b: {  	v3 =	vmax.f32 v3, $-5.000000000e+00  }
0x5c: {  	v5 =	vld [tilespmem:s25+$0x50];
	v0 =	vbroadcast v0, $0xF;
	v3 =	vmin.f32 v3, $5.000000000e+00  }
0x5d: {  	v3 =	vmul.f32 $1.442695020e+00, v3  }
0x5e: {  	v6 =	vld [tilespmem:s30+$0xFFFFFF40];
	(erf) = vpow2.f32 v0  }
0x5f: {  	v1 =	vmul.f32 v4, v1;
	v0 =	vbroadcast v3, $0xF;
	_ =	sdelay $0x1  }
0x60: {  	(erf) = vpow2.f32 v0;
	v0 =	vmul.f32 v5, v1  }
0x61: {  	v3 =	vpop (erf)  }
0x62: {  	v4 =	vmul.f32 v3, v6;
	(xrf2) =	vadd.scan.msk.f32 $0xffff, v0  }
0x63: {  	v1 =	vld [tilespmem:s30+$0xFFFFFFC0]  }
0x64: {  	v5 =	vld [tilespmem:s30+$0x40];
	[tilespmem:s20+$0xFFFFFF60] =	vst v4  }
0x65: {  	v4 =	vld [tilespmem:s30+$0xFFFFFF10]  }
0x66: {  	v6 =	vld [tilespmem:s11+$0xFFFFFF90]  }
0x67: {  	v0 =	vpop (erf)  }
0x68: {  	v8 =	vld [tilespmem:s25+$0xFFFFFF90];
	v7 =	vmul.f32 v0, v1  }
0x69: {  	v1 =	vpop (erf)  }
0x6a: {  	[tilespmem:s20+$0xFFFFFFB0] =	vst v7;
	v5 =	vmul.f32 v1, v5  }
0x6b: {  	v7 =	vld [tilespmem:s30+$0xFFFFFF90];
	v4 =	vmul.f32 v6, v4  }
0x6c: {  	v9 =	vld [tilespmem:s11+$0xFFFFFFD0];
	[tilespmem:s20+$0x0] =	vst v5;
	v6, _, _ =	vpop (xrf2)  }
0x6d: {  	v4 =	vmul.f32 v8, v4;
	v5 =	vld [tilespmem:s30+$0x10];
	v6 =	vmax.f32 v6, $-5.000000000e+00  }
0x6e: {  	v8 =	vld [tilespmem:s11+$0x10];
	v6 =	vmin.f32 v6, $5.000000000e+00  }
0x6f: {  	v10 =	vld [tilespmem:s25+$0xFFFFFFD0];
	(xrf2) =	vadd.scan.msk.f32 $0xffff, v4;
	v4 =	vmul.f32 $1.442695020e+00, v6  }
0x70: {  	s21 =	simm.s32 $0x77A0;
	v11 =	vld [tilespmem:s25+$0x10]  }
0x71: {  	s4 =	simm.s32 $0x5120;
	v7 =	vmul.f32 v9, v7;
	v9 =	vld [tilespmem:s21+$0x40];
	v4 =	vbroadcast v4, $0xF  }
0x72: {  	v6 =	vld [tilespmem:s4+$0x80]  }
0x73: {  	s22 =	simm.s32 $0x8BA0;
	(erf) = vpow2.f32 v4;
	v4 =	vmul.f32 v8, v5  }
0x74: {  	v7 =	vmul.f32 v10, v7;
	v10 =	vld [tilespmem:s22+$0x40]  }
0x75: {  	v4 =	vmul.f32 v11, v4  }
0x76: {  	(xrf2) =	vadd.scan.msk.f32 $0xffff, v7;
	v7 =	vld [tilespmem:s4+$0xFFFFFF80]  }
0x77: {  	v5 =	vld [tilespmem:s21+$0xFFFFFF80];
	v6 =	vmul.f32 v9, v6  }
0x78: {  	v8 =	vld [tilespmem:s4+$0xFFFFFF00]  }
0x79: {  	v9 =	vld [tilespmem:s30+$0xD0];
	v6 =	vmul.f32 v10, v6;
	(xrf2) =	vadd.scan.msk.f32 $0xffff, v4;
	v4, _, _ =	vpop (xrf2)  }
0x7a: {  	v10 =	vld [tilespmem:s22+$0xFFFFFF80];
	v4 =	vmax.f32 v4, $-5.000000000e+00  }
0x7b: {  	(xrf2) =	vadd.scan.msk.f32 $0xffff, v6;
	v6 =	vld [tilespmem:s21+$0xFFFFFFC0];
	v4 =	vmin.f32 v4, $5.000000000e+00;
	_ =	sdelay $0x1  }
0x7c: {  	v13 =	vld [tilespmem:s22+$0xFFFFFFC0]  }
0x7d: {  	v11 =	vld [tilespmem:s4+$0x0];
	v5 =	vmul.f32 v5, v8;
	v12 =	vmul.f32 $1.442695020e+00, v4;
	v4 =	vpop (erf)  }
0x7e: {  	v8 =	vld [tilespmem:s21+$0x0];
	v9 =	vmul.f32 v4, v9  }
0x7f: {  	v5 =	vmul.f32 v10, v5;
	v6 =	vmul.f32 v6, v7  }
0x80: {  	v14, _, _ =	vpop (xrf2);
	v7 =	vld [tilespmem:s22+$0x0];
	v12 =	vbroadcast v12, $0xF;
	[tilespmem:s20+$0x60] =	vst v9  }
0x81: {  	v10 =	vmax.f32 v14, $-5.000000000e+00;
	(xrf2) =	vadd.scan.msk.f32 $0xffff, v5;
	v6 =	vmul.f32 v13, v6;
	v5 =	vld [tilespmem:s30+$0xA0]  }
0x82: {  	(erf) = vpow2.f32 v12;
	v9 =	vmin.f32 v10, $5.000000000e+00;
	v10 =	vld [tilespmem:s11+$0x60]  }
0x83: {  	v8 =	vmul.f32 v8, v11;
	v11, _, _ =	vpop (xrf2);
	v9 =	vmul.f32 $1.442695020e+00, v9  }
0x84: {  	v11 =	vmax.f32 v11, $-5.000000000e+00  }
0x85: {  	(xrf2) =	vadd.scan.msk.f32 $0xffff, v6;
	v7 =	vmul.f32 v7, v8;
	v6, _, _ =	vpop (xrf2);
	v8 =	vmin.f32 v11, $5.000000000e+00;
	v9 =	vbroadcast v9, $0xF  }
0x86: {  	v12 =	vld [tilespmem:s25+$0x60];
	v6 =	vmax.f32 v6, $-5.000000000e+00;
	v8 =	vmul.f32 $1.442695020e+00, v8  }
0x87: {  	v6 =	vmin.f32 v6, $5.000000000e+00;
	(erf) = vpow2.f32 v9;
	v9 =	vld [tilespmem:s30+$0xFFFFFF50];
	v5 =	vmul.f32 v10, v5  }
0x88: {  	(xrf2) =	vadd.scan.msk.f32 $0xffff, v7;
	v6 =	vmul.f32 $1.442695020e+00, v6  }
0x89: {  	v7 =	vbroadcast v8, $0xF  }
0x8a: {  	v6 =	vbroadcast v6, $0xF  }
0x8b: {  	(erf) = vpow2.f32 v7;
	v8 =	vmul.f32 v12, v5;
	v5 =	vpop (erf)  }
0x8c: {  	v10 =	vld [tilespmem:s30+$0xFFFFFFD0];
	(erf) = vpow2.f32 v6;
	v6 =	vmul.f32 v5, v9  }
0x8d: {  	v7, _, _ =	vpop (xrf2)  }
0x8e: {  	v7 =	vmax.f32 v7, $-5.000000000e+00  }
0x8f: {  	(xrf2) =	vadd.scan.msk.f32 $0xffff, v8;
	v7 =	vmin.f32 v7, $5.000000000e+00;
	v9, _, _ =	vpop (xrf2)  }
0x90: {  	v7 =	vmul.f32 $1.442695020e+00, v7;
	v9 =	vmax.f32 v9, $-5.000000000e+00;
	[tilespmem:s20+$0xFFFFFF70] =	vst v6;
	v6 =	vpop (erf)  }
0x91: {  	v9 =	vmin.f32 v9, $5.000000000e+00;
	v10 =	vmul.f32 v6, v10  }
0x92: {  	v13 =	vld [tilespmem:s4+$0xC0];
	v14, _, _ =	vpop (xrf2);
	v7 =	vbroadcast v7, $0xF;
	v9 =	vmul.f32 $1.442695020e+00, v9  }
0x93: {  	v11 =	vld [tilespmem:s30+$0x50];
	[tilespmem:s20+$0xFFFFFFC0] =	vst v10;
	v10 =	vmax.f32 v14, $-5.000000000e+00  }
0x94: {  	v12 =	vld [tilespmem:s30+$0xFFFFFF20];
	(erf) = vpow2.f32 v7;
	v7 =	vmin.f32 v10, $5.000000000e+00  }
0x95: {  	v15 =	vld [tilespmem:s11+$0xFFFFFFA0];
	v14 =	vbroadcast v9, $0xF  }
0x96: {  	v9 =	vpop (erf)  }
0x97: {  	v8 =	vld [tilespmem:s4+$0xFFFFFF40];
	v20 =	vmul.f32 $1.442695020e+00, v7;
	v7 =	vpop (erf)  }
0x98: {  	v18 =	vld [tilespmem:s25+$0xFFFFFFA0];
	v13 =	vmul.f32 v7, v13  }
0x99: {  	s8 =	simm.s32 $0xF000;
	v19 =	vld [tilespmem:s30+$0xFFFFFFA0];
	v11 =	vmul.f32 v9, v11;
	(erf) = vpow2.f32 v14;
	v14, _, _ =	vpop (xrf2)  }
0x9a: {  	v10 =	vld [tilespmem:s11+$0xFFFFFFE0];
	v12 =	vmul.f32 v15, v12;
	v20 =	vbroadcast v20, $0xF;
	v23 =	vmax.f32 v14, $-5.000000000e+00;
	[tilespmem:s8+$0x50] =	vst v13  }
0x9b: {  	v13 =	vmin.f32 v23, $5.000000000e+00;
	v23 =	vld [tilespmem:s4+$0x90]  }
0x9c: {  	[tilespmem:s20+$0x10] =	vst v11;
	(erf) = vpow2.f32 v20;
	v11 =	vld [tilespmem:s21+$0x50]  }
0x9d: {  	v16 =	vld [tilespmem:s4+$0xFFFFFFC0];
	v13 =	vmul.f32 $1.442695020e+00, v13  }
0x9e: {  	v21 =	vld [tilespmem:s25+$0xFFFFFFE0];
	v15 =	vmul.f32 v18, v12;
	v12 =	vpop (erf)  }
0x9f: {  	v17 =	vld [tilespmem:s4+$0x40];
	v8 =	vmul.f32 v12, v8;
	v13 =	vbroadcast v13, $0xF  }
0xa0: {  	v10 =	vmul.f32 v10, v19;
	v18 =	vld [tilespmem:s22+$0x50]  }
0xa1: {  	v20 =	vld [tilespmem:s30+$0x20];
	[tilespmem:s8+$0xFFFFFF60] =	vst v8;
	(erf) = vpow2.f32 v13;
	v8 =	vmul.f32 v11, v23  }
0xa2: {  	v19 =	vld [tilespmem:s11+$0x20]  }
0xa3: {  	(xrf2) =	vadd.scan.msk.f32 $0xffff, v15;
	v10 =	vmul.f32 v21, v10;
	v13 =	vpop (erf)  }
0xa4: {  	v21 =	vld [tilespmem:s25+$0x20];
	v11 =	vmul.f32 v13, v16  }
0xa5: {  	(xrf2) =	vadd.scan.msk.f32 $0xffff, v10;
	v10 =	vld [tilespmem:s4+$0xFFFFFF10];
	v18 =	vmul.f32 v18, v8;
	v8 =	vpop (erf)  }
0xa6: {  	v23 =	vld [tilespmem:s30+$0xE0];
	[tilespmem:s8+$0xFFFFFFB0] =	vst v11;
	v11 =	vmul.f32 v8, v17  }
0xa7: {  	v16 =	vld [tilespmem:s21+$0xFFFFFF90];
	v17 =	vmul.f32 v19, v20  }
0xa8: {  	(xrf2) =	vadd.scan.msk.f32 $0xffff, v18;
	v24 =	vld [tilespmem:s4+$0xFFFFFF90]  }
0xa9: {  	v18 =	vld [tilespmem:s21+$0xFFFFFFD0];
	v17 =	vmul.f32 v21, v17  }
0xaa: {  	[tilespmem:s8+$0x0] =	vst v11;
	v11 =	vpop (erf)  }
0xab: {  	v19 =	vld [tilespmem:s22+$0xFFFFFF90];
	v23 =	vmul.f32 v11, v23  }
0xac: {  	v10 =	vmul.f32 v16, v10;
	v16 =	vld [tilespmem:s22+$0xFFFFFFD0];
	(xrf2) =	vadd.scan.msk.f32 $0xffff, v17  }
0xad: {  	v17, _, _ =	vpop (xrf2)  }
0xae: {  	v20 =	vld [tilespmem:s4+$0x10];
	v18 =	vmul.f32 v18, v24;
	v17 =	vmax.f32 v17, $-5.000000000e+00  }
0xaf: {  	v21 =	vld [tilespmem:s21+$0x10];
	[tilespmem:s20+$0x70] =	vst v23;
	v17 =	vmin.f32 v17, $5.000000000e+00;
	v23, _, _ =	vpop (xrf2)  }
0xb0: {  	v10 =	vmul.f32 v19, v10;
	v19 =	vld [tilespmem:s30+$0xB0];
	v17 =	vmul.f32 $1.442695020e+00, v17;
	v23 =	vmax.f32 v23, $-5.000000000e+00  }
0xb1: {  	v16 =	vmul.f32 v16, v18;
	v24 =	vld [tilespmem:s11+$0x70];
	v23 =	vmin.f32 v23, $5.000000000e+00  }
0xb2: {  	v25 =	vld [tilespmem:s22+$0x10];
	(xrf2) =	vadd.scan.msk.f32 $0xffff, v10;
	v18, _, _ =	vpop (xrf2);
	v17 =	vbroadcast v17, $0xF;
	v10 =	vmul.f32 $1.442695020e+00, v23  }
0xb3: {  	s31 =	simm.s32 $0x78A0;
	v18 =	vmax.f32 v18, $-5.000000000e+00;
	v23 =	vld [tilespmem:s25+$0x70]  }
0xb4: {  	s12 =	simm.s32 $0x5320;
	v29 =	vld [tilespmem:s31+$0x0];
	(erf) = vpow2.f32 v17;
	v28 =	vbroadcast v10, $0xF;
	v10 =	vmin.f32 v18, $5.000000000e+00  }
0xb5: {  	(xrf2) =	vadd.scan.msk.f32 $0xffff, v16;
	v16 =	vld [tilespmem:s12+$0x80];
	v17 =	vmul.f32 v21, v20;
	v18 =	vmul.f32 $1.442695020e+00, v10  }
0xb6: {  	v19 =	vmul.f32 v24, v19;
	v24 =	vld [tilespmem:s31+$0x40];
	v20, _, _ =	vpop (xrf2)  }
0xb7: {  	s1 =	simm.s32 $0x8CA0;
	v30 =	vld [tilespmem:s12+$0xFFFFFF00];
	v20 =	vmax.f32 v20, $-5.000000000e+00;
	v17 =	vmul.f32 v25, v17;
	v18 =	vbroadcast v18, $0xF  }
0xb8: {  	v21 =	vld [tilespmem:s1+$0x40];
	(erf) = vpow2.f32 v28;
	v20 =	vmin.f32 v20, $5.000000000e+00;
	v19 =	vmul.f32 v23, v19  }
0xb9: {  	v32 =	vld [tilespmem:s1+$0xFFFFFF80];
	(erf) = vpow2.f32 v18;
	v18 =	vmul.f32 $1.442695020e+00, v20  }
0xba: {  	v33 =	vld [tilespmem:s1+$0xFFFFFFC0];
	(xrf2) =	vadd.scan.msk.f32 $0xffff, v19  }
0xbb: {  	v25 =	vld [tilespmem:s12+$0xFFFFFF80];
	v16 =	vmul.f32 v24, v16;
	(xrf2) =	vadd.scan.msk.f32 $0xffff, v17;
	v18 =	vbroadcast v18, $0xF  }
0xbc: {  	v28 =	vld [tilespmem:s31+$0xFFFFFFC0];
	v19, _, _ =	vpop (xrf2)  }
0xbd: {  	v22 =	vld [tilespmem:s30+$0xFFFFFF60];
	v16 =	vmul.f32 v21, v16;
	v19 =	vmax.f32 v19, $-5.000000000e+00  }
0xbe: {  	v23 =	vld [tilespmem:s31+$0xFFFFFF80];
	v17 =	vmin.f32 v19, $5.000000000e+00  }
0xbf: {  	v14 =	vld [tilespmem:s30+$0xFFFFFFE0];
	(xrf2) =	vadd.scan.msk.f32 $0xffff, v16;
	(erf) = vpow2.f32 v18;
	v17 =	vmul.f32 $1.442695020e+00, v17;
	v18, _, _ =	vpop (xrf2)  }
0xc0: {  	v31 =	vld [tilespmem:s4+$0xD0];
	v16 =	vmax.f32 v18, $-5.000000000e+00  }
0xc1: {  	v34 =	vld [tilespmem:s1+$0x0];
	v25 =	vmul.f32 v28, v25;
	v19 =	vpop (erf);
	v17 =	vbroadcast v17, $0xF;
	v16 =	vmin.f32 v16, $5.000000000e+00  }
0xc2: {  	v24 =	vld [tilespmem:s12+$0x0];
	v22 =	vmul.f32 v19, v22;
	v20 =	vpop (erf);
	v16 =	vmul.f32 $1.442695020e+00, v16  }
0xc3: {  	v37 =	vld [tilespmem:s12+$0xC0];
	(erf) = vpow2.f32 v17;
	v21 =	vpop (erf);
	v17 =	vmul.f32 v23, v30  }
0xc4: {  	v15 =	vld [tilespmem:s30+$0x60];
	v14 =	vmul.f32 v20, v14;
	v44, _, _ =	vpop (xrf2);
	v16 =	vbroadcast v16, $0xF  }
0xc5: {  	v26 =	vld [tilespmem:s4+$0xFFFFFF50];
	[tilespmem:s20+$0xFFFFFF80] =	vst v22;
	v31 =	vmul.f32 v21, v31;
	v22 =	vmax.f32 v44, $-5.000000000e+00;
	v45 =	vmul.f32 v32, v17;
	v28, _, _ =	vpop (xrf2)  }
0xc6: {  	v27 =	vld [tilespmem:s4+$0xFFFFFFD0];
	[tilespmem:s20+$0xFFFFFFD0] =	vst v14;
	v28 =	vmax.f32 v28, $-5.000000000e+00;
	(erf) = vpow2.f32 v16;
	v16 =	vmin.f32 v22, $5.000000000e+00  }
0xc7: {  	v10 =	vld [tilespmem:s4+$0x50];
	v14 =	vmul.f32 v29, v24;
	[tilespmem:s8+$0x60] =	vst v31;
	v24 =	vmin.f32 v28, $5.000000000e+00;
	v16 =	vmul.f32 $1.442695020e+00, v16  }
0xc8: {  	(xrf2) =	vadd.scan.msk.f32 $0xffff, v45;
	v46 =	vld [tilespmem:s4+$0xA0];
	v47 =	vpop (erf);
	v24 =	vmul.f32 $1.442695020e+00, v24  }
0xc9: {  	v25 =	vmul.f32 v33, v25;
	v48 =	vld [tilespmem:s21+$0x60];
	v29, _, _ =	vpop (xrf2);
	v16 =	vbroadcast v16, $0xF  }
0xca: {  	v18 =	vld [tilespmem:s12+$0xFFFFFFC0];
	v15 =	vmul.f32 v47, v15;
	v29 =	vmax.f32 v29, $-5.000000000e+00  }
0xcb: {  	v14 =	vmul.f32 v34, v14;
	(xrf2) =	vadd.scan.msk.f32 $0xffff, v25;
	v25 =	vld [tilespmem:s22+$0x60];
	(erf) = vpow2.f32 v16;
	v16 =	vmin.f32 v29, $5.000000000e+00  }
0xcc: {  	v23 =	vld [tilespmem:s12+$0xFFFFFF40];
	[tilespmem:s20+$0x20] =	vst v15;
	v15 =	vbroadcast v24, $0xF;
	v24 =	vpop (erf);
	v16 =	vmul.f32 $1.442695020e+00, v16  }
0xcd: {  	v55 =	vld [tilespmem:s25+$0xFFFFFFB0];
	v26 =	vmul.f32 v24, v26  }
0xce: {  	v17 =	vld [tilespmem:s12+$0x40];
	(xrf2) =	vadd.scan.msk.f32 $0xffff, v14;
	v14 =	vmul.f32 v48, v46;
	v16 =	vbroadcast v16, $0xF  }
0xcf: {  	v49 =	vld [tilespmem:s30+$0xFFFFFFB0]  }
0xd0: {  	v57 =	vld [tilespmem:s25+$0xFFFFFFF0];
	(erf) = vpow2.f32 v15;
	v14 =	vmul.f32 v25, v14  }
0xd1: {  	v22 =	vld [tilespmem:s30+$0xFFFFFF30];
	[tilespmem:s8+$0xFFFFFF70] =	vst v26;
	v26 =	vpop (erf);
	(erf) = vpow2.f32 v16  }
0xd2: {  	v15 =	vld [tilespmem:s4+$0xFFFFFF20];
	(xrf2) =	vadd.scan.msk.f32 $0xffff, v14;
	v16, _, _ =	vpop (xrf2)  }
0xd3: {  	v52 =	vld [tilespmem:s21+$0xFFFFFFA0];
	v27 =	vmul.f32 v26, v27;
	v14 =	vmax.f32 v16, $-5.000000000e+00  }
0xd4: {  	v28 =	vld [tilespmem:s11+$0xFFFFFFB0];
	v14 =	vmin.f32 v14, $5.000000000e+00  }
0xd5: {  	v50 =	vld [tilespmem:s30+$0x30];
	[tilespmem:s8+$0xFFFFFFC0] =	vst v27;
	v14 =	vmul.f32 $1.442695020e+00, v14  }
0xd6: {  	v16, _, _ =	vpop (xrf2);
	v27 =	vld [tilespmem:s4+$0xFFFFFFA0]  }
0xd7: {  	v2 =	vnsel vm0, $0x0, v2;
	v36 =	vld [tilespmem:s21+$0xFFFFFFE0];
	v38 =	vpop (erf);
	v14 =	vbroadcast v14, $0xF  }
0xd8: {  	v3 =	vnsel vm0, $0x0, v3;
	v35 =	vld [tilespmem:s22+$0xFFFFFFA0];
	v16 =	vmax.f32 v16, $-5.000000000e+00;
	v34 =	vmul.f32 v52, v15;
	v15, _, _ =	vpop (xrf2)  }
0xd9: {  	v39 =	vld [tilespmem:s22+$0xFFFFFFE0];
	v16 =	vmin.f32 v16, $5.000000000e+00;
	v41 =	vmax.f32 v15, $-5.000000000e+00;
	v42 =	vpop (erf);
	(erf) = vpow2.f32 v14  }
0xda: {  	v51 =	vld [tilespmem:s11+$0x30];
	v40 =	vmul.f32 $1.442695020e+00, v16;
	v54 =	vmin.f32 v41, $5.000000000e+00;
	v43 =	vmul.f32 v42, v10;
	v56 =	vpop (erf)  }
0xdb: {  	v2 =	vsel vm1, v2, v4;
	v59 =	vld [tilespmem:s25+$0x30];
	v4 =	vmul.f32 $1.442695020e+00, v54;
	v37 =	vmul.f32 v56, v37  }
0xdc: {  	v3 =	vsel vm1, v3, v5;
	v29 =	vld [tilespmem:s11+$0xFFFFFFF0];
	s11 =	simm.s32 $0xF140;
	v53 =	vbroadcast v40, $0xF;
	v27 =	vmul.f32 v36, v27;
	v58, _, _ =	vpop (xrf2)  }
0xdd: {  	v25 =	vld [tilespmem:s30+$0xF0];
	v14 =	vmul.f32 v35, v34;
	v4 =	vbroadcast v4, $0xF;
	v34 =	vmax.f32 v58, $-5.000000000e+00;
	[tilespmem:s11+$0x50] =	vst v37  }
0xde: {  	(erf) = vpow2.f32 v53;
	v5 =	vmul.f32 v39, v27;
	v27 =	vmin.f32 v34, $5.000000000e+00;
	v60 =	vld [tilespmem:s12+$0x90]  }
0xdf: {  	[tilespmem:s8+$0x10] =	vst v43;
	(xrf2) =	vadd.scan.msk.f32 $0xffff, v14;
	(erf) = vpow2.f32 v4;
	v4 =	vmul.f32 $1.442695020e+00, v27;
	v14 =	vld [tilespmem:s31+$0x50]  }
0xe0: {  	v0 =	vnsel vm0, $0x0, v0;
	v1 =	vnsel vm0, $0x0, v1;
	v27 =	vld [tilespmem:s21+$0x20]  }
0xe1: {  	v0 =	vsel vm1, v0, v6;
	v6 =	vsel vm1, v1, v9;
	(xrf2) =	vadd.scan.msk.f32 $0xffff, v5;
	v1 =	vbroadcast v4, $0xF;
	v4 =	vld [tilespmem:s1+$0x50]  }
0xe2: {  	v9 =	vsel vm2, v2, v11;
	v22 =	vmul.f32 v28, v22;
	v11 =	vmul.f32 v29, v49;
	v5 =	vld [tilespmem:s4+$0x20];
	v28 =	vpop (erf)  }
0xe3: {  	v2 =	vsel vm2, v3, v19;
	v15 =	vld [tilespmem:s4+$0xFFFFFFE0];
	(erf) = vpow2.f32 v1;
	v3 =	vmul.f32 v28, v23  }
0xe4: {  	v16 =	vld [tilespmem:s4+$0xFFFFFF60];
	v1 =	vsel vm2, v0, v20;
	v0 =	vnsel vm0, $0x0, v7;
	v7 =	vmul.f32 v14, v60  }
0xe5: {  	v22 =	vmul.f32 v55, v22;
	v10 =	vld [tilespmem:s30+$0xFFFFFF70]  }
0xe6: {  	v19 =	vld [tilespmem:s22+$0x20];
	v20 =	vsel vm1, v0, v21;
	v21 =	vmul.f32 v57, v11;
	v7 =	vmul.f32 v4, v7;
	[tilespmem:s11+$0xFFFFFF60] =	vst v3  }
0xe7: {  	v12 =	vnsel vm0, $0x0, v12;
	v8 =	vnsel vm0, $0x0, v8;
	(xrf2) =	vadd.scan.msk.f32 $0xffff, v22;
	v5 =	vmul.f32 v27, v5;
	v22 =	vld [tilespmem:s12+$0xFFFFFF10];
	v3 =	vpop (erf)  }
0xe8: {  	v0 =	vsel vm2, v6, v47;
	v6 =	vnsel vm0, $0x0, v13;
	(xrf2) =	vadd.scan.msk.f32 $0xffff, v21;
	v21 =	vld [tilespmem:s31+$0xFFFFFF90];
	v18 =	vmul.f32 v3, v18  }
0xe9: {  	v13 =	vld [tilespmem:s4+$0xE0];
	v4 =	vsel vm1, v12, v24;
	v12 =	vmul.f32 v51, v50;
	v6 =	vsel vm1, v6, v26;
	v27 =	vpop (erf)  }
0xea: {  	(xrf2) =	vadd.scan.msk.f32 $0xffff, v7;
	v7, _, _ =	vpop (xrf2);
	v17 =	vmul.f32 v27, v17;
	[tilespmem:s11+$0xFFFFFFB0] =	vst v18;
	v18 =	vmul.f32 v38, v25;
	v25 =	vld [tilespmem:s1+$0xFFFFFF90]  }
0xeb: {  	v24 =	vsel vm3, v9, v38;
	v5 =	vmul.f32 v19, v5;
	v7 =	vmax.f32 v7, $-5.000000000e+00;
	v9, _, _ =	vpop (xrf2);
	v23 =	vld [tilespmem:s12+$0xFFFFFF90]  }
0xec: {  	v7 =	vmin.f32 v7, $5.000000000e+00;
	v9 =	vmax.f32 v9, $-5.000000000e+00;
	v19 =	vld [tilespmem:s31+$0xFFFFFFD0];
	[tilespmem:s11+$0x0] =	vst v17;
	v17 =	vmul.f32 v59, v12  }
0xed: {  	v7 =	vmul.f32 $1.442695020e+00, v7;
	v9 =	vmin.f32 v9, $5.000000000e+00;
	v26 =	vpop (erf);
	v21 =	vmul.f32 v21, v22;
	v22 =	vld [tilespmem:s1+$0xFFFFFFD0]  }
0xee: {  	(xrf2) =	vadd.scan.msk.f32 $0xffff, v5;
	v5 =	vsel vm1, v8, v42;
	v12 =	vld [tilespmem:s12+$0x10];
	v8 =	vmul.f32 $1.442695020e+00, v9;
	v61 =	vmul.f32 v26, v13  }
0xef: {  	v29 =	vld [tilespmem:s31+$0x10];
	v62 =	vbroadcast v7, $0xF  }
0xf0: {  	v13 =	vsel vm2, v20, v26;
	v26 =	vld [tilespmem:s1+$0x10];
	v8 =	vbroadcast v8, $0xF;
	[tilespmem:s8+$0x70] =	vst v61  }
0xf1: {  	v7 =	vnsel vm0, $0x0, v28;
	(erf) = vpow2.f32 v62;
	v28 =	vld [tilespmem:s4+$0xB0]  }
0xf2: {  	v20, _, _ =	vpop (xrf2);
	v25 =	vmul.f32 v25, v21;
	v30 =	vld [tilespmem:s21+$0x70]  }
0xf3: {  	v14 =	vld [tilespmem:s4+$0x60];
	v20 =	vmax.f32 v20, $-5.000000000e+00;
	v19 =	vmul.f32 v19, v23;
	(erf) = vpow2.f32 v8  }
0xf4: {  	v11 =	vld [tilespmem:s30+$0xFFFFFFF0];
	[tilespmem:s20+$0x80] =	vst v18;
	v20 =	vmin.f32 v20, $5.000000000e+00;
	v12 =	vmul.f32 v29, v12;
	v8, _, _ =	vpop (xrf2)  }
0xf5: {  	v18 =	vld [tilespmem:s12+$0x50];
	v63 =	vmul.f32 $1.442695020e+00, v20;
	(xrf2) =	vadd.scan.msk.f32 $0xffff, v25;
	v22 =	vmul.f32 v22, v19;
	v8 =	vmax.f32 v8, $-5.000000000e+00;
	v21, _, _ =	vpop (xrf2)  }
0xf6: {  	[tilespmem:s20+$0x90] =	vst v24;
	v23 =	vld [tilespmem:s22+$0x70];
	v8 =	vmin.f32 v8, $5.000000000e+00;
	v24 =	vmax.f32 v21, $-5.000000000e+00;
	v21 =	vmul.f32 v26, v12  }
0xf7: {  	v9 =	vnsel vm0, $0x0, v56;
	v20 =	vld [tilespmem:s12+$0xFFFFFF50];
	v26 =	vmul.f32 v30, v28;
	v29 =	vmul.f32 $1.442695020e+00, v8  }
0xf8: {  	s29 =	simm.s32 $0x5520;
	s2 =	simm.s32 $0x8CA0;
	v19 =	vld [tilespmem:s12+$0xFFFFFFD0];
	(xrf2) =	vadd.scan.msk.f32 $0xffff, v22;
	v12 =	vmin.f32 v24, $5.000000000e+00;
	v8 =	vnsel vm0, $0x0, v3;
	v24 =	vbroadcast v63, $0xF  }
0xf9: {  	s24 =	simm.s32 $0x78A0;
	s25 =	simm.s32 $0x8;
	v3 =	vnsel vm0, $0x0, v27;
	v27, _, _ =	vpop (xrf2);
	v25 =	vmul.f32 $1.442695020e+00, v12;
	v12 =	vld [tilespmem:s30+$0x70];
	s30 =	simm.s32 $0xF140;
	v22 =	vbroadcast v29, $0xF  }
.LBB2_3:
0xfa: {  	v28 =	vld [tilespmem:s29+$0x80];
	s31 =	sadd.s32 $0x100, s31;
	v27 =	vmax.f32 v27, $-5.000000000e+00;
	v29 =	vpop (erf);
	(erf) = vpow2.f32 v24  }
0xfb: {  	v24 =	vld [tilespmem:s31+$0x40];
	v25 =	vbroadcast v25, $0xF;
	v27 =	vmin.f32 v27, $5.000000000e+00;
	v23 =	vmul.f32 v23, v26  }
0xfc: {  	s1 =	sadd.s32 $0x100, s1;
	v16 =	vmul.f32 v29, v16;
	v4 =	vsel vm2, v4, v29;
	v26 =	vld [tilespmem:s31+$0xFFFFFF80];
	v31 =	vmul.f32 $1.442695020e+00, v27;
	v29 =	vpop (erf)  }
0xfd: {  	v30 =	vld [tilespmem:s1+$0x40];
	(erf) = vpow2.f32 v25;
	v15 =	vmul.f32 v29, v15;
	v6 =	vsel vm2, v6, v29;
	(xrf2) =	vadd.scan.msk.f32 $0xffff, v23  }
0xfe: {  	v23 =	vld [tilespmem:s29+$0xFFFFFF80];
	[tilespmem:s8+$0xFFFFFF80] =	vst v16;
	v16 =	vbroadcast v31, $0xF  }
0xff: {  	s25 =	sadd.s32 $0x4, s25;
	v25 =	vld [tilespmem:s31+$0xFFFFFFC0];
	v27, _, _ =	vpop (xrf2);
	[tilespmem:s8+$0xFFFFFFD0] =	vst v15;
	(erf) = vpow2.f32 v22  }
0x100: {  	p0 =	slt.u32 s25, $0x4C;
	v15 =	vld [tilespmem:s29+$0x0];
	v22 =	vmul.f32 v24, v28;
	v24 =	vmax.f32 v27, $-5.000000000e+00;
	(xrf2) =	vadd.scan.msk.f32 $0xffff, v21;
	(erf) = vpow2.f32 v16  }
0x101: {  	v16 =	vld [tilespmem:s31+$0x0];
	v21 =	vmin.f32 v24, $5.000000000e+00  }
0x102: {  	v24 =	vld [tilespmem:s29+$0xFFFFFF00];
	v22 =	vmul.f32 v30, v22;
	v21 =	vmul.f32 $1.442695020e+00, v21;
	v27, _, _ =	vpop (xrf2)  }
0x103: {  	v27 =	vmax.f32 v27, $-5.000000000e+00;
	v28 =	vld [tilespmem:s12+$0xD0];
	v29 =	vpop (erf)  }
0x104: {  	v30 =	vld [tilespmem:s1+$0xFFFFFF80];
	v25 =	vmul.f32 v25, v23;
	(xrf2) =	vadd.scan.msk.f32 $0xffff, v22;
	v21 =	vbroadcast v21, $0xF;
	v22 =	vmin.f32 v27, $5.000000000e+00  }
0x105: {  	v31 =	vmul.f32 v29, v10;
	v23 =	vsel vm3, v2, v29;
	v2 =	vmovc v4;
	v27 =	vld [tilespmem:s1+$0xFFFFFFC0];
	v22 =	vmul.f32 $1.442695020e+00, v22  }
0x106: {  	v4 =	vld [tilespmem:s1+$0x0];
	v15 =	vmul.f32 v16, v15;
	(erf) = vpow2.f32 v21;
	v16 =	vpop (erf);
	[tilespmem:s20+$0xFFFFFFA0] =	vst v23  }
0x107: {  	v32 =	vmul.f32 v26, v24;
	v24 =	vld [tilespmem:s29+$0xFFFFFF40];
	v29 =	vbroadcast v22, $0xF;
	v21 =	vsel vm1, v9, v16;
	v9, _, _ =	vpop (xrf2);
	(xrf2) =	vadd.scan.msk.f32 $0xffff, v17  }
0x108: {  	v23 =	vld [tilespmem:s29+$0xFFFFFFC0];
	v28 =	vmul.f32 v16, v28;
	v9 =	vmax.f32 v9, $-5.000000000e+00;
	[tilespmem:s20+$0xFFFFFF90] =	vst v31;
	v10 =	vpop (erf)  }
0x109: {  	v17 =	vmul.f32 v30, v32;
	v22 =	vld [tilespmem:s29+$0x40];
	(erf) = vpow2.f32 v29;
	v9 =	vmin.f32 v9, $5.000000000e+00;
	v26 =	vpop (erf)  }
0x10a: {  	v27 =	vmul.f32 v27, v25;
	[tilespmem:s11+$0x60] =	vst v28;
	v16, _, _ =	vpop (xrf2);
	v28 =	vld [tilespmem:s4+$0xFFFFFF30];
	v25 =	vsel vm2, v5, v26;
	v5 =	vmul.f32 $1.442695020e+00, v9  }
0x10b: {  	v14 =	vmul.f32 v26, v14;
	v9 =	vmul.f32 v4, v15;
	(xrf2) =	vadd.scan.msk.f32 $0xffff, v17;
	v4 =	vmax.f32 v16, $-5.000000000e+00;
	v15 =	vld [tilespmem:s12+$0xA0]  }
0x10c: {  	v11 =	vmul.f32 v10, v11;
	v4 =	vmin.f32 v4, $5.000000000e+00;
	v16 =	vld [tilespmem:s24+$0x60];
	v5 =	vbroadcast v5, $0xF  }
0x10d: {  	v10 =	vsel vm3, v1, v10;
	v1 =	vmov v6;
	v26 =	vmul.f32 $1.442695020e+00, v4;
	v17 =	vld [tilespmem:s21+$0xFFFFFFB0];
	[tilespmem:s8+$0x20] =	vst v14  }
0x10e: {  	(xrf2) =	vadd.scan.msk.f32 $0xffff, v27;
	v6, _, _ =	vpop (xrf2);
	v14 =	vld [tilespmem:s2+$0x60];
	(erf) = vpow2.f32 v5;
	[tilespmem:s20+$0xFFFFFFE0] =	vst v11  }
0x10f: {  	v5 =	vmax.f32 v6, $-5.000000000e+00;
	v11 =	vbroadcast v26, $0xF;
	v4 =	vpop (erf);
	v26 =	vld [tilespmem:s4+$0xFFFFFFB0];
	[tilespmem:s20+$0xFFFFFFF0] =	vst v10  }
0x110: {  	v5 =	vmin.f32 v5, $5.000000000e+00;
	v20 =	vmul.f32 v4, v20;
	v4 =	vsel vm1, v7, v4;
	v7 =	vld [tilespmem:s21+$0xFFFFFFF0]  }
0x111: {  	v5 =	vmul.f32 $1.442695020e+00, v5;
	(xrf2) =	vadd.scan.msk.f32 $0xffff, v9;
	v9 =	vmul.f32 v16, v15;
	v10 =	vld [tilespmem:s4+$0x30];
	v15, _, _ =	vpop (xrf2)  }
0x112: {  	[tilespmem:s11+$0xFFFFFF70] =	vst v20;
	v6 =	vpop (erf);
	v17 =	vmul.f32 v17, v28;
	v16 =	vld [tilespmem:s21+$0x30];
	v15 =	vmax.f32 v15, $-5.000000000e+00;
	s21 =	smov.u32 s24;
	s24 =	smov.u32 s31  }
0x113: {  	v5 =	vbroadcast v5, $0xF;
	v9 =	vmul.f32 v14, v9;
	v14 =	vld [tilespmem:s4+$0xF0];
	v15 =	vmin.f32 v15, $5.000000000e+00  }
0x114: {  	v19 =	vmul.f32 v6, v19;
	v6 =	vsel vm1, v8, v6;
	v20 =	vld [tilespmem:s12+$0xFFFFFF20];
	(erf) = vpow2.f32 v11  }
0x115: {  	v8, _, _ =	vpop (xrf2);
	(erf) = vpow2.f32 v5;
	v5 =	vld [tilespmem:s21+$0xFFFFFFA0];
	(xrf2) =	vadd.scan.msk.f32 $0xffff, v9;
	v7 =	vmul.f32 v7, v26  }
0x116: {  	v11 =	vmul.f32 $1.442695020e+00, v15;
	v8 =	vmax.f32 v8, $-5.000000000e+00;
	v9 =	vld [tilespmem:s2+$0xFFFFFFA0];
	[tilespmem:s11+$0xFFFFFFC0] =	vst v19  }
0x117: {  	v8 =	vmin.f32 v8, $5.000000000e+00;
	v19 =	vld [tilespmem:s12+$0xFFFFFFA0];
	v26 =	vmul.f32 v16, v10;
	v10 =	vpop (erf)  }
0x118: {  	v8 =	vmul.f32 $1.442695020e+00, v8;
	v15, _, _ =	vpop (xrf2);
	v27 =	vld [tilespmem:s21+$0xFFFFFFE0];
	v16 =	vmul.f32 v10, v14;
	v10 =	vsel vm3, v13, v10  }
0x119: {  	v13 =	vmax.f32 v15, $-5.000000000e+00;
	v28 =	vld [tilespmem:s2+$0xFFFFFFE0];
	[tilespmem:s8+$0x90] =	vst v10;
	v10 =	vbroadcast v11, $0xF  }
0x11a: {  	v8 =	vbroadcast v8, $0xF;
	v11 =	vmin.f32 v13, $5.000000000e+00;
	v13 =	vld [tilespmem:s29+$0xC0];
	v5 =	vmul.f32 v5, v20;
	[tilespmem:s8+$0x80] =	vst v16  }
0x11b: {  	v11 =	vmul.f32 $1.442695020e+00, v11;
	v14, _, _ =	vpop (xrf2);
	v16 =	vld [tilespmem:s12+$0xFFFFFF60];
	(erf) = vpow2.f32 v10  }
0x11c: {  	v10 =	vmax.f32 v14, $-5.000000000e+00;
	(erf) = vpow2.f32 v8;
	v29 =	vmul.f32 v9, v5;
	v15 =	vld [tilespmem:s12+$0xFFFFFFE0]  }
0x11d: {  	v11 =	vbroadcast v11, $0xF;
	v5 =	vmin.f32 v10, $5.000000000e+00;
	v10 =	vmul.f32 v27, v19;
	v9 =	vpop (erf);
	v14 =	vld [tilespmem:s22+$0xFFFFFFB0]  }
0x11e: {  	v19 =	vmul.f32 $1.442695020e+00, v5;
	v20 =	vpop (erf);
	v18 =	vmul.f32 v9, v18;
	v5 =	vsel vm1, v3, v9;
	v3 =	vld [tilespmem:s22+$0xFFFFFFF0]  }
0x11f: {  	v13 =	vmul.f32 v20, v13;
	v9 =	vnsel vm0, $0x0, v20;
	(erf) = vpow2.f32 v11;
	(xrf2) =	vadd.scan.msk.f32 $0xffff, v29;
	v8, _, _ =	vpop (xrf2);
	v11 =	vld [tilespmem:s22+$0x30];
	s22 =	smov.u32 s2;
	s2 =	smov.u32 s1  }
0x120: {  	s11 =	sadd.s32 $0x140, s11;
	v20 =	vmul.f32 v28, v10;
	v19 =	vbroadcast v19, $0xF;
	[tilespmem:s30+$0x10] =	vst v18;
	v8 =	vmax.f32 v8, $-5.000000000e+00;
	v10 =	vld [tilespmem:s4+$0xFFFFFF70]  }
0x121: {  	[tilespmem:s11+$0x50] =	vst v13;
	v13 =	vld [tilespmem:s12+$0x20];
	v8 =	vmin.f32 v8, $5.000000000e+00  }
0x122: {  	v18 =	vld [tilespmem:s29+$0x90];
	(erf) = vpow2.f32 v19;
	v8 =	vmul.f32 $1.442695020e+00, v8;
	(xrf2) =	vadd.scan.msk.f32 $0xffff, v20  }
0x123: {  	v14 =	vmul.f32 v14, v17;
	v19 =	vld [tilespmem:s31+$0x50];
	v3 =	vmul.f32 v3, v7  }
0x124: {  	v20 =	vld [tilespmem:s21+$0x20];
	v8 =	vbroadcast v8, $0xF;
	v17 =	vmul.f32 v11, v26;
	v7 =	vpop (erf)  }
0x125: {  	v26 =	vld [tilespmem:s1+$0x50];
	v11 =	vpop (erf);
	v12 =	vmul.f32 v7, v12;
	v27 =	vsel vm3, v0, v7;
	v0 =	vmov v25  }
0x126: {  	v24 =	vmul.f32 v11, v24;
	v7 =	vnsel vm0, $0x0, v11;
	v25 =	vld [tilespmem:s22+$0x20];
	(erf) = vpow2.f32 v8;
	(xrf2) =	vadd.scan.msk.f32 $0xffff, v14  }
0x127: {  	v14 =	vld [tilespmem:s12+$0x60];
	[tilespmem:s20+$0x30] =	vst v12  }
0x128: {  	[tilespmem:s11+$0xFFFFFF60] =	vst v24;
	v12 =	vmul.f32 v19, v18;
	v8 =	vpop (erf);
	v11 =	vld [tilespmem:s4+$0xFFFFFFF0]  }
0x129: {  	v18 =	vld [tilespmem:s29+$0xFFFFFF10];
	v24 =	vmul.f32 v8, v23;
	v8 =	vnsel vm0, $0x0, v8;
	v13 =	vmul.f32 v20, v13;
	v20, _, _ =	vpop (xrf2);
	(xrf2) =	vadd.scan.msk.f32 $0xffff, v3  }
0x12a: {  	v23 =	vld [tilespmem:s31+$0xFFFFFF90];
	v12 =	vmul.f32 v26, v12;
	v3 =	vmax.f32 v20, $-5.000000000e+00;
	[tilespmem:s20+$0x40] =	vst v27;
	s20 =	smov.u32 s8;
	s8 =	smov.u32 s30;
	s30 =	smov.u32 s11  }
0x12b: {  	[tilespmem:s11+$0xFFFFFFB0] =	vst v24;
	v19 =	vpop (erf);
	v20 =	vmin.f32 v3, $5.000000000e+00;
	v13 =	vmul.f32 v25, v13;
	v24 =	vld [tilespmem:s12+$0xE0]  }
0x12c: {  	v25 =	vld [tilespmem:s29+$0xFFFFFF90];
	v22 =	vmul.f32 v19, v22;
	v3 =	vnsel vm0, $0x0, v19;
	(xrf2) =	vadd.scan.msk.f32 $0xffff, v12;
	v12 =	vmul.f32 $1.442695020e+00, v20;
	v19, _, _ =	vpop (xrf2)  }
0x12d: {  	v20 =	vld [tilespmem:s31+$0xFFFFFFD0];
	v19 =	vmax.f32 v19, $-5.000000000e+00  }
0x12e: {  	v26 =	vld [tilespmem:s1+$0xFFFFFF90];
	[tilespmem:s11+$0x0] =	vst v22;
	v12 =	vbroadcast v12, $0xF;
	v19 =	vmin.f32 v19, $5.000000000e+00  }
0x12f: {  	v18 =	vmul.f32 v23, v18;
	v22 =	vld [tilespmem:s29+$0x10];
	v19 =	vmul.f32 $1.442695020e+00, v19;
	(xrf2) =	vadd.scan.msk.f32 $0xffff, v13;
	v13 =	vpop (erf)  }
0x130: {  	v23 =	vld [tilespmem:s31+$0x10];
	v24 =	vmul.f32 v13, v24;
	v13 =	vsel vm2, v21, v13;
	v21, _, _ =	vpop (xrf2)  }
0x131: {  	v27 =	vld [tilespmem:s1+$0xFFFFFFD0];
	v28 =	vbroadcast v19, $0xF;
	(erf) = vpow2.f32 v12;
	v12 =	vmax.f32 v21, $-5.000000000e+00  }
0x132: {  	v21 =	vmul.f32 v20, v25;
	v25 =	vld [tilespmem:s1+$0x10];
	[tilespmem:s8+$0x70] =	vst v24;
	v12 =	vmin.f32 v12, $5.000000000e+00  }
0x133: {  	v18 =	vmul.f32 v26, v18;
	v26 =	vld [tilespmem:s12+$0xB0];
	(erf) = vpow2.f32 v28;
	v19, _, _ =	vpop (xrf2)  }
0x134: {  	v12 =	vmul.f32 $1.442695020e+00, v12;
	v28 =	vld [tilespmem:s21+$0x70];
	v19 =	vmax.f32 v19, $-5.000000000e+00  }
.Ltmp0:
0x135: {  	v20 =	vld [tilespmem:s29+$0xFFFFFF50];
	v22 =	vmul.f32 v23, v22;
	(xrf2) =	vadd.scan.msk.f32 $0xffff, v18;
	v18 =	vmin.f32 v19, $5.000000000e+00;
	(pc) =	sbr.rel @p0 .LBB2_3-.Ltmp0, $4  }
0x136: {  	v30 =	vmul.f32 v27, v21;
	v24, _, _ =	vpop (xrf2);
	v23 =	vld [tilespmem:s22+$0x70];
	v29 =	vmul.f32 $1.442695020e+00, v18  }
0x137: {  	v19 =	vld [tilespmem:s29+$0xFFFFFFD0];
	v21 =	vmul.f32 v25, v22;
	v22 =	vmax.f32 v24, $-5.000000000e+00;
	v24 =	vbroadcast v12, $0xF  }
0x138: {  	v18 =	vld [tilespmem:s29+$0x50];
	v12 =	vmin.f32 v22, $5.000000000e+00;
	(xrf2) =	vadd.scan.msk.f32 $0xffff, v30;
	v22 =	vbroadcast v29, $0xF  }
0x139: {  	v25 =	vmul.f32 $1.442695020e+00, v12;
	v26 =	vmul.f32 v28, v26;
	v27, _, _ =	vpop (xrf2);
	v12 =	vld [tilespmem:s4+$0x70];
	s4 =	smov.u32 s12;
	s12 =	smov.u32 s29;
	s29 =	sadd.s32 $0x200, s29  }
0x13a: {  	_ = 	snop  }
0x13b: {  	v23 =	vmul.f32 v23, v26;
	_ =	sdelay $0x1  }
0x13c: {  	(xrf2) =	vadd.scan.msk.f32 $0xffff, v23;
	_ =	sdelay $0x1  }
0x13d: {  	v23 =	vmax.f32 v27, $-5.000000000e+00;
	(xrf2) =	vadd.scan.msk.f32 $0xffff, v21  }
0x13e: {  	v21 =	vbroadcast v25, $0xF;
	v23 =	vmin.f32 v23, $5.000000000e+00  }
0x13f: {  	(erf) = vpow2.f32 v24;
	v24, _, _ =	vpop (xrf2);
	v23 =	vmul.f32 $1.442695020e+00, v23  }
0x140: {  	(erf) = vpow2.f32 v21;
	v21 =	vmax.f32 v24, $-5.000000000e+00  }
0x141: {  	v21 =	vmin.f32 v21, $5.000000000e+00;
	v23 =	vbroadcast v23, $0xF  }
0x142: {  	v24, _, _ =	vpop (xrf2);
	v21 =	vmul.f32 $1.442695020e+00, v21  }
0x143: {  	v24 =	vmax.f32 v24, $-5.000000000e+00  }
0x144: {  	(erf) = vpow2.f32 v22;
	v22 =	vpop (erf);
	v24 =	vmin.f32 v24, $5.000000000e+00;
	v21 =	vbroadcast v21, $0xF  }
0x145: {  	(erf) = vpow2.f32 v23;
	v24 =	vmul.f32 $1.442695020e+00, v24;
	v23, _, _ =	vpop (xrf2)  }
0x146: {  	v26 =	vld [tilespmem:s12+$0xD0];
	v23 =	vmax.f32 v23, $-5.000000000e+00  }
0x147: {  	v24 =	vbroadcast v24, $0xF;
	v25, _, _ =	vpop (xrf2);
	v23 =	vmin.f32 v23, $5.000000000e+00  }
0x148: {  	(erf) = vpow2.f32 v21;
	v21 =	vpop (erf);
	v27 =	vmax.f32 v25, $-5.000000000e+00  }
0x149: {  	v16 =	vmul.f32 v22, v16;
	v25 =	vpop (erf);
	(erf) = vpow2.f32 v24;
	v27 =	vmin.f32 v27, $5.000000000e+00  }
0x14a: {  	v24 =	vmul.f32 $1.442695020e+00, v23;
	v27 =	vmul.f32 $1.442695020e+00, v27;
	v23 =	vpop (erf)  }
0x14b: {  	v26 =	vmul.f32 v23, v26  }
0x14c: {  	[tilespmem:s8+$0xFFFFFF80] =	vst v16;
	v24 =	vbroadcast v24, $0xF;
	v16 =	vbroadcast v27, $0xF;
	_ =	sdelay $0x1  }
0x14d: {  	v15 =	vmul.f32 v21, v15;
	(erf) = vpow2.f32 v24  }
0x14e: {  	v30 =	vld [tilespmem:s21+$0xFFFFFFB0];
	[tilespmem:s11+$0x60] =	vst v26;
	(erf) = vpow2.f32 v16;
	v26 =	vpop (erf)  }
0x14f: {  	v39 =	vld [tilespmem:s22+$0xFFFFFFB0];
	[tilespmem:s8+$0xFFFFFFD0] =	vst v15;
	v16 =	vpop (erf)  }
0x150: {  	v32 =	vld [tilespmem:s4+$0xFFFFFFB0];
	v24 =	vpop (erf)  }
0x151: {  	v28 =	vld [tilespmem:s12+$0xA0];
	v20 =	vmul.f32 v24, v20  }
0x152: {  	v29 =	vld [tilespmem:s24+$0x60];
	v15 =	vpop (erf)  }
0x153: {  	v31 =	vld [tilespmem:s2+$0x60];
	v19 =	vmul.f32 v15, v19;
	[tilespmem:s11+$0xFFFFFF70] =	vst v20  }
0x154: {  	v34 =	vld [tilespmem:s12+$0xFFFFFF20]  }
0x155: {  	v35 =	vld [tilespmem:s24+$0xFFFFFFA0];
	[tilespmem:s11+$0xFFFFFFC0] =	vst v19  }
0x156: {  	v36 =	vld [tilespmem:s12+$0xFFFFFFA0];
	v20 =	vpop (erf)  }
0x157: {  	v37 =	vld [tilespmem:s24+$0xFFFFFFE0];
	v19 =	vpop (erf)  }
0x158: {  	v38 =	vld [tilespmem:s2+$0xFFFFFFA0];
	v18 =	vmul.f32 v19, v18  }
0x159: {  	v28 =	vmul.f32 v29, v28;
	v29 =	vld [tilespmem:s2+$0xFFFFFFE0]  }
0x15a: {  	v27 =	vld [tilespmem:s4+$0xFFFFFF30];
	[tilespmem:s30+$0x10] =	vst v18  }
0x15b: {  	v18 =	vmul.f32 v31, v28;
	v28 =	vmul.f32 v35, v34;
	v49 =	vld [tilespmem:s12+$0x20]  }
0x15c: {  	(xrf2) =	vadd.scan.msk.f32 $0xffff, v17;
	v17 =	vmul.f32 v37, v36;
	v50 =	vld [tilespmem:s24+$0x20]  }
0x15d: {  	v33 =	vld [tilespmem:s21+$0xFFFFFFF0];
	(xrf2) =	vadd.scan.msk.f32 $0xffff, v18;
	v18 =	vmul.f32 v38, v28  }
0x15e: {  	v17 =	vmul.f32 v29, v17;
	v29 =	vld [tilespmem:s2+$0x20]  }
0x15f: {  	v27 =	vmul.f32 v30, v27;
	v28 =	vld [tilespmem:s22+$0xFFFFFFF0];
	(xrf2) =	vadd.scan.msk.f32 $0xffff, v18  }
0x160: {  	(xrf2) =	vadd.scan.msk.f32 $0xffff, v17  }
0x161: {  	v17 =	vmul.f32 v39, v27;
	v27 =	vmul.f32 v50, v49  }
0x162: {  	v18 =	vmul.f32 v33, v32  }
0x163: {  	(xrf2) =	vadd.scan.msk.f32 $0xffff, v17;
	v17 =	vmul.f32 v29, v27  }
0x164: {  	v18 =	vmul.f32 v28, v18;
	_ =	sdelay $0x1  }
0x165: {  	(xrf2) =	vadd.scan.msk.f32 $0xffff, v18  }
0x166: {  	(xrf2) =	vadd.scan.msk.f32 $0xffff, v17;
	v17, _, _ =	vpop (xrf2)  }
0x167: {  	v18, _, _ =	vpop (xrf2)  }
0x168: {  	v17 =	vmax.f32 v17, $-5.000000000e+00;
	v27, _, _ =	vpop (xrf2)  }
0x169: {  	v17 =	vmin.f32 v17, $5.000000000e+00;
	v18 =	vmax.f32 v18, $-5.000000000e+00;
	v28, _, _ =	vpop (xrf2)  }
0x16a: {  	v17 =	vmul.f32 $1.442695020e+00, v17;
	v18 =	vmin.f32 v18, $5.000000000e+00;
	v28 =	vmax.f32 v28, $-5.000000000e+00  }
0x16b: {  	v27 =	vmax.f32 v27, $-5.000000000e+00;
	v18 =	vmul.f32 $1.442695020e+00, v18;
	v28 =	vmin.f32 v28, $5.000000000e+00  }
0x16c: {  	v27 =	vmin.f32 v27, $5.000000000e+00;
	v17 =	vbroadcast v17, $0xF  }
0x16d: {  	v27 =	vmul.f32 $1.442695020e+00, v27;
	v18 =	vbroadcast v18, $0xF  }
0x16e: {  	(erf) = vpow2.f32 v17;
	v17 =	vmul.f32 $1.442695020e+00, v28;
	v28, _, _ =	vpop (xrf2)  }
0x16f: {  	(erf) = vpow2.f32 v18;
	v18 =	vbroadcast v27, $0xF;
	v27 =	vmax.f32 v28, $-5.000000000e+00;
	v28, _, _ =	vpop (xrf2)  }
0x170: {  	v28 =	vmax.f32 v28, $-5.000000000e+00  }
0x171: {  	v17 =	vbroadcast v17, $0xF;
	v28 =	vmin.f32 v28, $5.000000000e+00  }
0x172: {  	v27 =	vmin.f32 v27, $5.000000000e+00;
	v29, _, _ =	vpop (xrf2);
	(erf) = vpow2.f32 v18;
	v18 =	vmul.f32 $1.442695020e+00, v28  }
0x173: {  	v27 =	vmul.f32 $1.442695020e+00, v27;
	v29 =	vmax.f32 v29, $-5.000000000e+00  }
0x174: {  	(erf) = vpow2.f32 v17;
	v28 =	vmin.f32 v29, $5.000000000e+00;
	v17 =	vbroadcast v18, $0xF  }
0x175: {  	v27 =	vbroadcast v27, $0xF;
	v28 =	vmul.f32 $1.442695020e+00, v28;
	v18 =	vld [tilespmem:s12+$0xE0];
	_ =	sdelay $0x1  }
0x176: {  	(erf) = vpow2.f32 v27  }
0x177: {  	v27 =	vbroadcast v28, $0xF;
	(erf) = vpow2.f32 v17;
	v17 =	vpop (erf)  }
0x178: {  	v14 =	vmul.f32 v16, v14;
	v28 =	vpop (erf)  }
0x179: {  	(erf) = vpow2.f32 v27;
	v27 =	vld [tilespmem:s12+$0xFFFFFF60];
	v18 =	vmul.f32 v28, v18  }
0x17a: {  	[tilespmem:s8+$0x20] =	vst v14  }
0x17b: {  	v14 =	vld [tilespmem:s4+$0x30]  }
0x17c: {  	v51 =	vld [tilespmem:s12+$0xFFFFFFE0]  }
0x17d: {  	v53 =	vld [tilespmem:s12+$0x60];
	[tilespmem:s30+$0x70] =	vst v18;
	v18 =	vpop (erf)  }
0x17e: {  	v29 =	vld [tilespmem:s21+$0x30];
	v27 =	vmul.f32 v18, v27  }
0x17f: {  	v54 =	vld [tilespmem:s12+$0xB0]  }
0x180: {  	v56 =	vld [tilespmem:s24+$0x70];
	v55 =	vpop (erf)  }
0x181: {  	v52 =	vld [tilespmem:s22+$0x30];
	v57 =	vpop (erf)  }
0x182: {  	v58 =	vld [tilespmem:s2+$0x70];
	[tilespmem:s30+$0xFFFFFF80] =	vst v27;
	v27 =	vpop (erf)  }
0x183: {  	v30 =	vmul.f32 v55, v51;
	v60 =	vld [tilespmem:s12+$0xFFFFFF30];
	v59 =	vpop (erf)  }
0x184: {  	v62 =	vld [tilespmem:s24+$0xFFFFFFB0];
	v61 =	vmul.f32 v59, v53  }
0x185: {  	v14 =	vmul.f32 v29, v14;
	[tilespmem:s30+$0xFFFFFFD0] =	vst v30;
	v33 =	vmul.f32 v56, v54;
	v29 =	vld [tilespmem:s2+$0xFFFFFFB0]  }
0x186: {  	v40 =	vld [tilespmem:s12+$0xFFFFFFB0];
	[tilespmem:s30+$0x20] =	vst v61  }
0x187: {  	v33 =	vmul.f32 v58, v33;
	v41 =	vld [tilespmem:s12+$0x30]  }
0x188: {  	v14 =	vmul.f32 v52, v14;
	v44 =	vld [tilespmem:s24+$0x30]  }
0x189: {  	v63 =	vld [tilespmem:s24+$0xFFFFFFF0];
	(xrf2) =	vadd.scan.msk.f32 $0xffff, v33  }
0x18a: {  	(xrf2) =	vadd.scan.msk.f32 $0xffff, v14;
	v47 =	vld [tilespmem:s2+$0x30]  }
0x18b: {  	v45 =	vld [tilespmem:s2+$0xFFFFFFF0];
	v46 =	vmul.f32 v62, v60;
	_ =	sdelay $0x1  }
0x18c: {  	v29 =	vmul.f32 v29, v46;
	v48 =	vmul.f32 v44, v41  }
0x18d: {  	v14 =	vmul.f32 v63, v40  }
0x18e: {  	(xrf2) =	vadd.scan.msk.f32 $0xffff, v29;
	v29 =	vmul.f32 v47, v48  }
0x18f: {  	v14 =	vmul.f32 v45, v14;
	_ =	sdelay $0x1  }
0x190: {  	(xrf2) =	vadd.scan.msk.f32 $0xffff, v14  }
0x191: {  	(xrf2) =	vadd.scan.msk.f32 $0xffff, v29;
	v29, _, _ =	vpop (xrf2)  }
0x192: {  	v10 =	vmul.f32 v25, v10;
	v29 =	vmax.f32 v29, $-5.000000000e+00;
	v49, _, _ =	vpop (xrf2)  }
0x193: {  	v2 =	vsel vm3, v2, v25;
	v14 =	vld [tilespmem:s4+$0xF0];
	v25 =	vmin.f32 v29, $5.000000000e+00;
	v29 =	vmax.f32 v49, $-5.000000000e+00  }
0x194: {  	v29 =	vmin.f32 v29, $5.000000000e+00;
	_ =	sdelay $0x1  }
0x195: {  	v11 =	vmul.f32 v26, v11;
	v25 =	vmul.f32 $1.442695020e+00, v25  }
0x196: {  	v1 =	vsel vm3, v1, v26;
	v13 =	vsel vm3, v13, v20;
	v26 =	vmul.f32 $1.442695020e+00, v29;
	v29, _, _ =	vpop (xrf2)  }
0x197: {  	v14 =	vmul.f32 v20, v14;
	v20 =	vbroadcast v25, $0xF;
	v25 =	vmax.f32 v29, $-5.000000000e+00  }
0x198: {  	v25 =	vmin.f32 v25, $5.000000000e+00  }
0x199: {  	v29, _, _ =	vpop (xrf2)  }
0x19a: {  	[tilespmem:s20+$0xFFFFFFA0] =	vst v2;
	v2 =	vbroadcast v26, $0xF;
	v26 =	vmax.f32 v29, $-5.000000000e+00  }
0x19b: {  	[tilespmem:s20+$0xFFFFFF90] =	vst v10;
	(erf) = vpow2.f32 v20;
	v10 =	vmul.f32 $1.442695020e+00, v25;
	v20 =	vmin.f32 v26, $5.000000000e+00;
	v25, _, _ =	vpop (xrf2)  }
0x19c: {  	(erf) = vpow2.f32 v2;
	v2 =	vmul.f32 $1.442695020e+00, v20;
	v20 =	vmax.f32 v25, $-5.000000000e+00  }
0x19d: {  	v10 =	vbroadcast v10, $0xF;
	v20 =	vmin.f32 v20, $5.000000000e+00  }
0x19e: {  	[tilespmem:s8+$0x90] =	vst v13;
	v2 =	vbroadcast v2, $0xF;
	v13 =	vmul.f32 $1.442695020e+00, v20  }
0x19f: {  	[tilespmem:s20+$0xFFFFFFF0] =	vst v1;
	v1 =	vmul.f32 v17, v12;
	(erf) = vpow2.f32 v10  }
0x1a0: {  	v12 =	vld [tilespmem:s4+$0xFFFFFFF0];
	(erf) = vpow2.f32 v2;
	v2 =	vbroadcast v13, $0xF  }
0x1a1: {  	v0 =	vsel vm3, v0, v17  }
0x1a2: {  	[tilespmem:s20+$0x40] =	vst v0;
	v0 =	vld [tilespmem:s4+$0x70];
	(erf) = vpow2.f32 v2;
	v2 =	vsel vm2, v6, v21;
	v6 =	vsel vm1, v9, v23  }
0x1a3: {  	v4 =	vsel vm2, v4, v22;
	[tilespmem:s20+$0x30] =	vst v1;
	v1 =	vld [tilespmem:s12+$0xF0];
	v6 =	vsel vm2, v6, v28  }
0x1a4: {  	[tilespmem:s20+$0xFFFFFFE0] =	vst v11;
	v4 =	vsel vm3, v4, v57  }
0x1a5: {  	v11 =	vld [tilespmem:s4+$0xFFFFFF70];
	[tilespmem:s8+$0xFFFFFFA0] =	vst v4;
	v4 =	vmul.f32 v27, v12;
	v9 =	vpop (erf);
	v2 =	vsel vm3, v2, v27  }
0x1a6: {  	[tilespmem:s8+$0xFFFFFFF0] =	vst v2;
	v2 =	vsel vm3, v6, v9;
	v6 =	vpop (erf)  }
0x1a7: {  	[tilespmem:s8+$0xFFFFFFE0] =	vst v4;
	v4 =	vld [tilespmem:s12+$0xFFFFFF70];
	v0 =	vmul.f32 v6, v0  }
0x1a8: {  	v1 =	vmul.f32 v9, v1  }
0x1a9: {  	[tilespmem:s30+$0x90] =	vst v2  }
0x1aa: {  	v9 =	vld [tilespmem:s12+$0xFFFFFFF0];
	v2 =	vsel vm2, v5, v16;
	[tilespmem:s30+$0x80] =	vst v1  }
0x1ab: {  	v2 =	vsel vm3, v2, v6;
	[tilespmem:s8+$0x30] =	vst v0;
	v0 =	vpop (erf)  }
0x1ac: {  	v10 =	vmul.f32 v57, v11;
	v5 =	vsel vm1, v7, v24;
	v1 =	vld [tilespmem:s12+$0x70];
	[tilespmem:s8+$0x40] =	vst v2;
	v2 =	vmul.f32 v0, v4  }
0x1ad: {  	[tilespmem:s8+$0x80] =	vst v14;
	v5 =	vsel vm2, v5, v18  }
0x1ae: {  	[tilespmem:s8+$0xFFFFFF90] =	vst v10;
	v0 =	vsel vm3, v5, v0;
	v4 =	vpop (erf)  }
0x1af: {  	v5 =	vsel vm1, v8, v15;
	[tilespmem:s30+$0xFFFFFFA0] =	vst v0;
	v0 =	vmul.f32 v4, v9  }
0x1b0: {  	v5 =	vsel vm2, v5, v55;
	[tilespmem:s30+$0xFFFFFF90] =	vst v2;
	v2 =	vpop (erf)  }
0x1b1: {  	s1 =	smul.u32 $0x280, s16;
	v3 =	vsel vm1, v3, v19;
	v4 =	vsel vm3, v5, v4;
	[tilespmem:s30+$0xFFFFFFE0] =	vst v0;
	v0 =	vmul.f32 v2, v1  }
0x1b2: {  	[tilespmem:s30+$0xFFFFFFF0] =	vst v4;
	v1 =	vsel vm2, v3, v59  }
0x1b3: {  	s1 =	sshra.s32 s1, $0x2;
	v1 =	vsel vm3, v1, v2;
	[tilespmem:s30+$0x30] =	vst v0  }
0x1b4: {  	s1 =	sadd.s32 $0x2710, s1;
	[tilespmem:s30+$0x40] =	vst v1  }
0x1b5: {  	[spmem:s3] =	stream.indirect.scatter.add.f32 [tilespmem:s9], [sflag:$0x3], $0x50, s1, s23, $0xb8;
	[tilespmem:$0x1E820] =	vst v63  }
0x1b6: {  	s11 =	sadd.s32 $0xA0, s19;
	_ =	swait.ge [sflag:s18], $0x1900  }
0x1b7: {  	s19 =	sadd.s32 $0x27B0, s19;
	s1 =	sadd.s32 s5, s11;
	[sflag:s18] =	ssyncset.done $0x0  }
0x1b8: {  	s12 =	simm.s32 $0x4E20;
	s1 =	sshll.u32 s1, $0x4;
	[sflag:s18] =	ssyncadd.s32 $0xFFFFE700  }
0x1b9: {  	[tilespmem:s12], [sflag:$0x1] =	stream.indirect.gather [hbm4b:s6+s23], $0x80, s11, s23, $0xb8;
	[tilespmem:$0x1E820] =	vst v63  }
0x1ba: {  	s21 =	simm.s32 $0x7620;
	s1 =	sand.u32 $0x1FFFFF00, s1;
	s20 =	rddreg [dreg:$0x1]  }
0x1bb: {  	[tilespmem:s21], [sflag:$0x1] =	stream.indirect.gather [hbm4b:s20+s23], $0x40, s19, s23, $0xb8;
	[tilespmem:$0x1E820] =	vst v63  }
0x1bc: {  	s22 =	simm.s32 $0x8A20;
	s1 =	sadd.s32 s7, s1  }
0x1bd: {  	[tilespmem:s22], [sflag:$0x1] =	stream.strided.gather [hbm4b:s1+s26], $0x1400, s28, s26, $0x38;
	[tilespmem:$0x1E820] =	vst v63  }
0x1be: {  	_ =	swait.ge [sflag:s10], $0x2800  }
0x1bf: {  	[sflag:s10] =	ssyncset.done $0x0  }
0x1c0: {  	[sflag:s10] =	ssyncadd.s32 $0xFFFFD800  }
0x1c1: {  	_ =	swait.ge [sflag:s10], $0x1400  }
0x1c2: {  	[sflag:s10] =	ssyncset.done $0x0  }
0x1c3: {  	[sflag:s10] =	ssyncadd.s32 $0xFFFFEC00  }
0x1c4: {  	_ =	swait.ge [sflag:s10], $0x1400  }
0x1c5: {  	[sflag:s10] =	ssyncset.done $0x0  }
0x1c6: {  	s24 =	simm.s32 $0x9F20;
	[sflag:s10] =	ssyncadd.s32 $0xFFFFEC00  }
0x1c7: {  	s25 =	simm.s32 $0xC6A0;
	v0 =	vld [tilespmem:s24+$0x80]  }
0x1c8: {  	v1 =	vld [tilespmem:s25+$0x40]  }
0x1c9: {  	s31 =	simm.s32 $0xDAA0  }
0x1ca: {  	v2 =	vld [tilespmem:s31+$0x40];
	_ =	sdelay $0x2  }
0x1cb: {  	v0 =	vmul.f32 v1, v0;
	_ =	sdelay $0x1  }
0x1cc: {  	v0 =	vmul.f32 v2, v0;
	_ =	sdelay $0x1  }
0x1cd: {  	(xrf2) =	vadd.scan.msk.f32 $0xffff, v0;
	_ =	sdelay $0x2  }
0x1ce: {  	v1 =	vld [tilespmem:s24+$0xFFFFFF00]  }
0x1cf: {  	v0 =	vld [tilespmem:s25+$0xFFFFFF80];
	_ =	sdelay $0x1  }
0x1d0: {  	v2 =	vld [tilespmem:s31+$0xFFFFFF80]  }
0x1d1: {  	v3 =	vld [tilespmem:s24+$0xFFFFFF80]  }
0x1d2: {  	v4 =	vld [tilespmem:s25+$0xFFFFFFC0]  }
0x1d3: {  	v0 =	vmul.f32 v0, v1  }
0x1d4: {  	v7 =	vld [tilespmem:s31+$0xFFFFFFC0];
	v6, _, _ =	vpop (xrf2)  }
0x1d5: {  	v5 =	vld [tilespmem:s24+$0x0];
	v0 =	vmul.f32 v2, v0;
	v2 =	vmax.f32 v6, $-5.000000000e+00  }
0x1d6: {  	v1 =	vld [tilespmem:s25+$0x0];
	v2 =	vmin.f32 v2, $5.000000000e+00  }
0x1d7: {  	(xrf2) =	vadd.scan.msk.f32 $0xffff, v0;
	v0 =	vmul.f32 $1.442695020e+00, v2;
	v2 =	vmul.f32 v4, v3  }
0x1d8: {  	v6 =	vld [tilespmem:s31+$0x0]  }
0x1d9: {  	v0 =	vbroadcast v0, $0xF;
	v2 =	vmul.f32 v7, v2;
	_ =	sdelay $0x1  }
0x1da: {  	v1 =	vmul.f32 v1, v5;
	(erf) = vpow2.f32 v0;
	(xrf2) =	vadd.scan.msk.f32 $0xffff, v2;
	_ =	sdelay $0x1  }
0x1db: {  	v0 =	vmul.f32 v6, v1;
	_ =	sdelay $0x1  }
0x1dc: {  	(xrf2) =	vadd.scan.msk.f32 $0xffff, v0  }
0x1dd: {  	v0 =	vld [tilespmem:s24+$0xC0]  }
0x1de: {  	v1, _, _ =	vpop (xrf2)  }
0x1df: {  	v1 =	vmax.f32 v1, $-5.000000000e+00  }
0x1e0: {  	v1 =	vmin.f32 v1, $5.000000000e+00  }
0x1e1: {  	v1 =	vmul.f32 $1.442695020e+00, v1;
	v2 =	vpop (erf)  }
0x1e2: {  	v0 =	vmul.f32 v2, v0;
	v3, _, _ =	vpop (xrf2)  }
0x1e3: {  	s19 =	simm.s32 $0x107C0;
	v1 =	vbroadcast v1, $0xF;
	v3 =	vmax.f32 v3, $-5.000000000e+00  }
0x1e4: {  	[tilespmem:s19+$0x50] =	vst v0  }
0x1e5: {  	(erf) = vpow2.f32 v1;
	v0 =	vmin.f32 v3, $5.000000000e+00;
	v1 =	vld [tilespmem:s24+$0x90]  }
0x1e6: {  	v0 =	vmul.f32 $1.442695020e+00, v0;
	v4 =	vld [tilespmem:s25+$0x50];
	v3, _, _ =	vpop (xrf2)  }
0x1e7: {  	v3 =	vmax.f32 v3, $-5.000000000e+00  }
0x1e8: {  	v5 =	vld [tilespmem:s31+$0x50];
	v0 =	vbroadcast v0, $0xF;
	v3 =	vmin.f32 v3, $5.000000000e+00  }
0x1e9: {  	v3 =	vmul.f32 $1.442695020e+00, v3  }
0x1ea: {  	v6 =	vld [tilespmem:s24+$0xFFFFFF40];
	(erf) = vpow2.f32 v0  }
0x1eb: {  	v1 =	vmul.f32 v4, v1;
	v0 =	vbroadcast v3, $0xF;
	_ =	sdelay $0x1  }
0x1ec: {  	(erf) = vpow2.f32 v0;
	v0 =	vmul.f32 v5, v1  }
0x1ed: {  	v3 =	vpop (erf)  }
0x1ee: {  	v4 =	vmul.f32 v3, v6;
	(xrf2) =	vadd.scan.msk.f32 $0xffff, v0  }
0x1ef: {  	v1 =	vld [tilespmem:s24+$0xFFFFFFC0]  }
0x1f0: {  	v5 =	vld [tilespmem:s24+$0x40];
	[tilespmem:s19+$0xFFFFFF60] =	vst v4  }
0x1f1: {  	v4 =	vld [tilespmem:s24+$0xFFFFFF10]  }
0x1f2: {  	v6 =	vld [tilespmem:s25+$0xFFFFFF90]  }
0x1f3: {  	v0 =	vpop (erf)  }
0x1f4: {  	v8 =	vld [tilespmem:s31+$0xFFFFFF90];
	v7 =	vmul.f32 v0, v1  }
0x1f5: {  	v1 =	vpop (erf)  }
0x1f6: {  	[tilespmem:s19+$0xFFFFFFB0] =	vst v7;
	v5 =	vmul.f32 v1, v5  }
0x1f7: {  	v7 =	vld [tilespmem:s24+$0xFFFFFF90];
	v4 =	vmul.f32 v6, v4  }
0x1f8: {  	v9 =	vld [tilespmem:s25+$0xFFFFFFD0];
	[tilespmem:s19+$0x0] =	vst v5;
	v6, _, _ =	vpop (xrf2)  }
0x1f9: {  	v4 =	vmul.f32 v8, v4;
	v5 =	vld [tilespmem:s24+$0x10];
	v6 =	vmax.f32 v6, $-5.000000000e+00  }
0x1fa: {  	v8 =	vld [tilespmem:s25+$0x10];
	v6 =	vmin.f32 v6, $5.000000000e+00  }
0x1fb: {  	v10 =	vld [tilespmem:s31+$0xFFFFFFD0];
	(xrf2) =	vadd.scan.msk.f32 $0xffff, v4;
	v4 =	vmul.f32 $1.442695020e+00, v6  }
0x1fc: {  	s20 =	simm.s32 $0xC7A0;
	v11 =	vld [tilespmem:s31+$0x10]  }
0x1fd: {  	s4 =	simm.s32 $0xA120;
	v7 =	vmul.f32 v9, v7;
	v9 =	vld [tilespmem:s20+$0x40];
	v4 =	vbroadcast v4, $0xF  }
0x1fe: {  	v6 =	vld [tilespmem:s4+$0x80]  }
0x1ff: {  	s21 =	simm.s32 $0xDBA0;
	(erf) = vpow2.f32 v4;
	v4 =	vmul.f32 v8, v5  }
0x200: {  	v7 =	vmul.f32 v10, v7;
	v10 =	vld [tilespmem:s21+$0x40]  }
0x201: {  	v4 =	vmul.f32 v11, v4  }
0x202: {  	(xrf2) =	vadd.scan.msk.f32 $0xffff, v7;
	v7 =	vld [tilespmem:s4+$0xFFFFFF80]  }
0x203: {  	v5 =	vld [tilespmem:s20+$0xFFFFFF80];
	v6 =	vmul.f32 v9, v6  }
0x204: {  	v8 =	vld [tilespmem:s4+$0xFFFFFF00]  }
0x205: {  	v9 =	vld [tilespmem:s24+$0xD0];
	v6 =	vmul.f32 v10, v6;
	(xrf2) =	vadd.scan.msk.f32 $0xffff, v4;
	v4, _, _ =	vpop (xrf2)  }
0x206: {  	v10 =	vld [tilespmem:s21+$0xFFFFFF80];
	v4 =	vmax.f32 v4, $-5.000000000e+00  }
0x207: {  	(xrf2) =	vadd.scan.msk.f32 $0xffff, v6;
	v6 =	vld [tilespmem:s20+$0xFFFFFFC0];
	v4 =	vmin.f32 v4, $5.000000000e+00;
	_ =	sdelay $0x1  }
0x208: {  	v13 =	vld [tilespmem:s21+$0xFFFFFFC0]  }
0x209: {  	v11 =	vld [tilespmem:s4+$0x0];
	v5 =	vmul.f32 v5, v8;
	v12 =	vmul.f32 $1.442695020e+00, v4;
	v4 =	vpop (erf)  }
0x20a: {  	v8 =	vld [tilespmem:s20+$0x0];
	v9 =	vmul.f32 v4, v9  }
0x20b: {  	v5 =	vmul.f32 v10, v5;
	v6 =	vmul.f32 v6, v7  }
0x20c: {  	v14, _, _ =	vpop (xrf2);
	v7 =	vld [tilespmem:s21+$0x0];
	v12 =	vbroadcast v12, $0xF;
	[tilespmem:s19+$0x60] =	vst v9  }
0x20d: {  	v10 =	vmax.f32 v14, $-5.000000000e+00;
	(xrf2) =	vadd.scan.msk.f32 $0xffff, v5;
	v6 =	vmul.f32 v13, v6;
	v5 =	vld [tilespmem:s24+$0xA0]  }
0x20e: {  	(erf) = vpow2.f32 v12;
	v9 =	vmin.f32 v10, $5.000000000e+00;
	v10 =	vld [tilespmem:s25+$0x60]  }
0x20f: {  	v8 =	vmul.f32 v8, v11;
	v11, _, _ =	vpop (xrf2);
	v9 =	vmul.f32 $1.442695020e+00, v9  }
0x210: {  	v11 =	vmax.f32 v11, $-5.000000000e+00  }
0x211: {  	(xrf2) =	vadd.scan.msk.f32 $0xffff, v6;
	v7 =	vmul.f32 v7, v8;
	v6, _, _ =	vpop (xrf2);
	v8 =	vmin.f32 v11, $5.000000000e+00;
	v9 =	vbroadcast v9, $0xF  }
0x212: {  	v12 =	vld [tilespmem:s31+$0x60];
	v6 =	vmax.f32 v6, $-5.000000000e+00;
	v8 =	vmul.f32 $1.442695020e+00, v8  }
0x213: {  	v6 =	vmin.f32 v6, $5.000000000e+00;
	(erf) = vpow2.f32 v9;
	v9 =	vld [tilespmem:s24+$0xFFFFFF50];
	v5 =	vmul.f32 v10, v5  }
0x214: {  	(xrf2) =	vadd.scan.msk.f32 $0xffff, v7;
	v6 =	vmul.f32 $1.442695020e+00, v6;
	v7 =	vbroadcast v8, $0xF;
	_ =	sdelay $0x1  }
0x215: {  	v6 =	vbroadcast v6, $0xF  }
0x216: {  	(erf) = vpow2.f32 v7;
	v8 =	vmul.f32 v12, v5;
	v5 =	vpop (erf)  }
0x217: {  	v10 =	vld [tilespmem:s24+$0xFFFFFFD0];
	v7, _, _ =	vpop (xrf2);
	(erf) = vpow2.f32 v6;
	v6 =	vmul.f32 v5, v9  }
0x218: {  	v7 =	vmax.f32 v7, $-5.000000000e+00  }
0x219: {  	v7 =	vmin.f32 v7, $5.000000000e+00  }
0x21a: {  	(xrf2) =	vadd.scan.msk.f32 $0xffff, v8;
	v7 =	vmul.f32 $1.442695020e+00, v7;
	v8, _, _ =	vpop (xrf2)  }
0x21b: {  	[tilespmem:s19+$0xFFFFFF70] =	vst v6;
	v8 =	vmax.f32 v8, $-5.000000000e+00;
	v6 =	vpop (erf)  }
0x21c: {  	v14 =	vld [tilespmem:s4+$0xC0];
	v7 =	vbroadcast v7, $0xF;
	v8 =	vmin.f32 v8, $5.000000000e+00;
	v10 =	vmul.f32 v6, v10  }
0x21d: {  	v17, _, _ =	vpop (xrf2);
	v9 =	vld [tilespmem:s24+$0xFFFFFF20];
	v8 =	vmul.f32 $1.442695020e+00, v8  }
0x21e: {  	v15 =	vld [tilespmem:s25+$0xFFFFFFA0];
	(erf) = vpow2.f32 v7;
	[tilespmem:s19+$0xFFFFFFC0] =	vst v10;
	v10 =	vmax.f32 v17, $-5.000000000e+00  }
0x21f: {  	v7 =	vmin.f32 v10, $5.000000000e+00  }
0x220: {  	v11 =	vld [tilespmem:s24+$0x50];
	v19 =	vbroadcast v8, $0xF  }
0x221: {  	v18 =	vld [tilespmem:s31+$0xFFFFFFA0];
	v8 =	vpop (erf)  }
0x222: {  	v12 =	vld [tilespmem:s4+$0xFFFFFF40];
	(erf) = vpow2.f32 v19;
	v20 =	vmul.f32 $1.442695020e+00, v7;
	v7 =	vpop (erf)  }
0x223: {  	v17 =	vld [tilespmem:s24+$0xFFFFFFA0];
	v9 =	vmul.f32 v15, v9;
	v22 =	vmul.f32 v7, v14  }
0x224: {  	s8 =	simm.s32 $0x10900;
	v10 =	vld [tilespmem:s25+$0xFFFFFFE0];
	v14, _, _ =	vpop (xrf2)  }
0x225: {  	v21 =	vld [tilespmem:s31+$0xFFFFFFE0];
	v11 =	vmul.f32 v8, v11;
	v19 =	vbroadcast v20, $0xF;
	v20 =	vmax.f32 v14, $-5.000000000e+00;
	[tilespmem:s8+$0x50] =	vst v22  }
0x226: {  	v18 =	vmul.f32 v18, v9;
	v20 =	vmin.f32 v20, $5.000000000e+00;
	v22 =	vld [tilespmem:s4+$0x90]  }
0x227: {  	[tilespmem:s19+$0x10] =	vst v11;
	(erf) = vpow2.f32 v19;
	v9 =	vpop (erf);
	v19 =	vmul.f32 $1.442695020e+00, v20;
	v11 =	vld [tilespmem:s20+$0x50]  }
0x228: {  	v13 =	vld [tilespmem:s4+$0xFFFFFFC0];
	v12 =	vmul.f32 v9, v12  }
0x229: {  	v10 =	vmul.f32 v10, v17;
	v17 =	vld [tilespmem:s21+$0x50];
	v15 =	vbroadcast v19, $0xF  }
0x22a: {  	v20 =	vld [tilespmem:s24+$0x20]  }
0x22b: {  	v10 =	vmul.f32 v21, v10;
	v19 =	vld [tilespmem:s25+$0x20];
	(erf) = vpow2.f32 v15  }
0x22c: {  	(xrf2) =	vadd.scan.msk.f32 $0xffff, v18;
	[tilespmem:s8+$0xFFFFFF60] =	vst v12;
	v12 =	vpop (erf);
	v11 =	vmul.f32 v11, v22  }
0x22d: {  	v16 =	vld [tilespmem:s4+$0x40];
	(xrf2) =	vadd.scan.msk.f32 $0xffff, v10;
	v13 =	vmul.f32 v12, v13  }
0x22e: {  	v21 =	vld [tilespmem:s31+$0x20];
	v11 =	vmul.f32 v17, v11  }
0x22f: {  	v10 =	vld [tilespmem:s4+$0xFFFFFF10]  }
0x230: {  	v17 =	vld [tilespmem:s24+$0xE0];
	(xrf2) =	vadd.scan.msk.f32 $0xffff, v11;
	v11 =	vmul.f32 v19, v20  }
0x231: {  	v18 =	vld [tilespmem:s20+$0xFFFFFF90];
	[tilespmem:s8+$0xFFFFFFB0] =	vst v13;
	v13 =	vpop (erf)  }
0x232: {  	v22 =	vld [tilespmem:s4+$0xFFFFFF90];
	v16 =	vmul.f32 v13, v16  }
0x233: {  	v20 =	vld [tilespmem:s21+$0xFFFFFF90]  }
0x234: {  	v19 =	vld [tilespmem:s20+$0xFFFFFFD0];
	[tilespmem:s8+$0x0] =	vst v16;
	v16 =	vmul.f32 v21, v11;
	v11 =	vpop (erf)  }
0x235: {  	v17 =	vmul.f32 v11, v17  }
0x236: {  	v10 =	vmul.f32 v18, v10;
	v18, _, _ =	vpop (xrf2);
	(xrf2) =	vadd.scan.msk.f32 $0xffff, v16;
	v16 =	vld [tilespmem:s21+$0xFFFFFFD0]  }
0x237: {  	v21 =	vld [tilespmem:s4+$0x10];
	[tilespmem:s19+$0x70] =	vst v17;
	v17 =	vmax.f32 v18, $-5.000000000e+00;
	v18, _, _ =	vpop (xrf2)  }
0x238: {  	v10 =	vmul.f32 v20, v10;
	v20 =	vld [tilespmem:s24+$0xB0];
	v18 =	vmax.f32 v18, $-5.000000000e+00  }
0x239: {  	v19 =	vmul.f32 v19, v22;
	v22 =	vld [tilespmem:s25+$0x70];
	v18 =	vmin.f32 v18, $5.000000000e+00  }
0x23a: {  	v24 =	vld [tilespmem:s20+$0x10];
	(xrf2) =	vadd.scan.msk.f32 $0xffff, v10;
	v17 =	vmin.f32 v17, $5.000000000e+00  }
0x23b: {  	s30 =	simm.s32 $0xC8A0;
	v17 =	vmul.f32 $1.442695020e+00, v17;
	v16 =	vmul.f32 v16, v19;
	v19 =	vld [tilespmem:s31+$0x70]  }
0x23c: {  	v29 =	vld [tilespmem:s30+$0x0];
	v10 =	vmul.f32 $1.442695020e+00, v18;
	v18, _, _ =	vpop (xrf2)  }
0x23d: {  	s12 =	simm.s32 $0xA320;
	v25 =	vld [tilespmem:s21+$0x10];
	v17 =	vbroadcast v17, $0xF;
	v18 =	vmax.f32 v18, $-5.000000000e+00  }
0x23e: {  	v50 =	vld [tilespmem:s12+$0xFFFFFF00];
	v28 =	vbroadcast v10, $0xF;
	v20 =	vmul.f32 v22, v20;
	v10 =	vmin.f32 v18, $5.000000000e+00  }
0x23f: {  	(xrf2) =	vadd.scan.msk.f32 $0xffff, v16;
	v16 =	vld [tilespmem:s12+$0x80];
	(erf) = vpow2.f32 v17;
	v18 =	vmul.f32 $1.442695020e+00, v10  }
0x240: {  	s1 =	simm.s32 $0xDCA0;
	v22 =	vld [tilespmem:s30+$0x40];
	v17 =	vmul.f32 v24, v21;
	v21, _, _ =	vpop (xrf2);
	v19 =	vmul.f32 v19, v20  }
0x241: {  	v52 =	vld [tilespmem:s1+$0xFFFFFF80];
	(erf) = vpow2.f32 v28;
	v21 =	vmax.f32 v21, $-5.000000000e+00;
	v18 =	vbroadcast v18, $0xF  }
0x242: {  	v20 =	vld [tilespmem:s1+$0x40];
	v17 =	vmul.f32 v25, v17;
	v21 =	vmin.f32 v21, $5.000000000e+00;
	(xrf2) =	vadd.scan.msk.f32 $0xffff, v19  }
0x243: {  	v23 =	vld [tilespmem:s24+$0xFFFFFF60];
	(erf) = vpow2.f32 v18;
	v18 =	vmul.f32 $1.442695020e+00, v21  }
0x244: {  	v28 =	vld [tilespmem:s30+$0xFFFFFFC0];
	(xrf2) =	vadd.scan.msk.f32 $0xffff, v17;
	v19, _, _ =	vpop (xrf2)  }
0x245: {  	v25 =	vld [tilespmem:s12+$0xFFFFFF80];
	v16 =	vmul.f32 v22, v16;
	v19 =	vmax.f32 v19, $-5.000000000e+00;
	v18 =	vbroadcast v18, $0xF  }
0x246: {  	v14 =	vld [tilespmem:s24+$0xFFFFFFE0]  }
0x247: {  	v24 =	vld [tilespmem:s30+$0xFFFFFF80];
	v16 =	vmul.f32 v20, v16;
	v17 =	vmin.f32 v19, $5.000000000e+00  }
0x248: {  	v22 =	vld [tilespmem:s12+$0x0];
	v17 =	vmul.f32 $1.442695020e+00, v17;
	v19 =	vpop (erf)  }
0x249: {  	v51 =	vld [tilespmem:s4+$0xD0];
	(xrf2) =	vadd.scan.msk.f32 $0xffff, v16;
	(erf) = vpow2.f32 v18;
	v18, _, _ =	vpop (xrf2)  }
0x24a: {  	v53 =	vld [tilespmem:s1+$0xFFFFFFC0];
	v25 =	vmul.f32 v28, v25;
	v17 =	vbroadcast v17, $0xF;
	v20 =	vpop (erf);
	v16 =	vmax.f32 v18, $-5.000000000e+00  }
0x24b: {  	v54 =	vld [tilespmem:s1+$0x0];
	v23 =	vmul.f32 v19, v23;
	v14 =	vmul.f32 v20, v14;
	v16 =	vmin.f32 v16, $5.000000000e+00  }
0x24c: {  	v46 =	vld [tilespmem:s12+$0xC0];
	(erf) = vpow2.f32 v17;
	v55, _, _ =	vpop (xrf2);
	v16 =	vmul.f32 $1.442695020e+00, v16  }
0x24d: {  	v26 =	vld [tilespmem:s4+$0xFFFFFF50];
	v17 =	vmul.f32 v24, v50;
	[tilespmem:s19+$0xFFFFFFD0] =	vst v14;
	v14 =	vmul.f32 v29, v22;
	v21 =	vpop (erf)  }
0x24e: {  	v15 =	vld [tilespmem:s24+$0x60];
	v28, _, _ =	vpop (xrf2);
	v31 =	vmul.f32 v21, v51;
	v16 =	vbroadcast v16, $0xF  }
0x24f: {  	v27 =	vld [tilespmem:s4+$0xFFFFFFD0];
	[tilespmem:s19+$0xFFFFFF80] =	vst v23;
	v23 =	vmax.f32 v55, $-5.000000000e+00;
	v56 =	vmul.f32 v52, v17;
	v28 =	vmax.f32 v28, $-5.000000000e+00  }
0x250: {  	v10 =	vld [tilespmem:s4+$0x50];
	v22 =	vmin.f32 v28, $5.000000000e+00;
	[tilespmem:s8+$0x60] =	vst v31;
	(erf) = vpow2.f32 v16;
	v16 =	vmin.f32 v23, $5.000000000e+00  }
0x251: {  	v22 =	vmul.f32 $1.442695020e+00, v22;
	v57 =	vld [tilespmem:s4+$0xA0];
	v16 =	vmul.f32 $1.442695020e+00, v16  }
0x252: {  	v25 =	vmul.f32 v53, v25;
	(xrf2) =	vadd.scan.msk.f32 $0xffff, v56;
	v58 =	vld [tilespmem:s20+$0x60];
	v31 =	vpop (erf)  }
0x253: {  	v24 =	vld [tilespmem:s12+$0xFFFFFF40];
	v29, _, _ =	vpop (xrf2);
	v15 =	vmul.f32 v31, v15;
	v16 =	vbroadcast v16, $0xF  }
0x254: {  	v14 =	vmul.f32 v54, v14;
	(xrf2) =	vadd.scan.msk.f32 $0xffff, v25;
	v25 =	vld [tilespmem:s21+$0x60];
	v29 =	vmax.f32 v29, $-5.000000000e+00  }
0x255: {  	v18 =	vld [tilespmem:s12+$0xFFFFFFC0];
	[tilespmem:s19+$0x20] =	vst v15;
	v15 =	vbroadcast v22, $0xF;
	v22 =	vpop (erf);
	(erf) = vpow2.f32 v16;
	v16 =	vmin.f32 v29, $5.000000000e+00  }
0x256: {  	v53 =	vld [tilespmem:s31+$0xFFFFFFB0];
	v26 =	vmul.f32 v22, v26;
	v16 =	vmul.f32 $1.442695020e+00, v16  }
0x257: {  	v17 =	vld [tilespmem:s12+$0x40];
	(xrf2) =	vadd.scan.msk.f32 $0xffff, v14;
	v14 =	vmul.f32 v58, v57  }
0x258: {  	v59 =	vld [tilespmem:s24+$0xFFFFFFB0];
	v16 =	vbroadcast v16, $0xF  }
0x259: {  	v55 =	vld [tilespmem:s31+$0xFFFFFFF0];
	(erf) = vpow2.f32 v15;
	v14 =	vmul.f32 v25, v14  }
0x25a: {  	v28 =	vld [tilespmem:s25+$0xFFFFFFB0];
	[tilespmem:s8+$0xFFFFFF70] =	vst v26;
	v26 =	vpop (erf);
	(erf) = vpow2.f32 v16  }
0x25b: {  	v15 =	vld [tilespmem:s4+$0xFFFFFF20];
	(xrf2) =	vadd.scan.msk.f32 $0xffff, v14  }
0x25c: {  	v62 =	vld [tilespmem:s20+$0xFFFFFFA0];
	v27 =	vmul.f32 v26, v27;
	v16, _, _ =	vpop (xrf2)  }
0x25d: {  	v23 =	vld [tilespmem:s24+$0xFFFFFF30];
	v14 =	vmax.f32 v16, $-5.000000000e+00  }
0x25e: {  	v29 =	vld [tilespmem:s25+$0xFFFFFFF0];
	[tilespmem:s8+$0xFFFFFFC0] =	vst v27;
	v14 =	vmin.f32 v14, $5.000000000e+00  }
0x25f: {  	v27 =	vld [tilespmem:s4+$0xFFFFFFA0];
	v16, _, _ =	vpop (xrf2);
	v14 =	vmul.f32 $1.442695020e+00, v14  }
0x260: {  	v2 =	vnsel vm0, $0x0, v2;
	v45 =	vld [tilespmem:s20+$0xFFFFFFE0];
	v16 =	vmax.f32 v16, $-5.000000000e+00;
	v47 =	vpop (erf)  }
0x261: {  	v63 =	vld [tilespmem:s21+$0xFFFFFFA0];
	v34 =	vmul.f32 v62, v15;
	v15, _, _ =	vpop (xrf2);
	v16 =	vmin.f32 v16, $5.000000000e+00;
	v14 =	vbroadcast v14, $0xF  }
0x262: {  	v3 =	vnsel vm0, $0x0, v3;
	v48 =	vld [tilespmem:s21+$0xFFFFFFE0];
	v50 =	vmax.f32 v15, $-5.000000000e+00;
	v42 =	vpop (erf);
	v49 =	vmul.f32 $1.442695020e+00, v16  }
0x263: {  	v60 =	vld [tilespmem:s24+$0x30];
	v52 =	vmin.f32 v50, $5.000000000e+00;
	v43 =	vmul.f32 v42, v10;
	(erf) = vpow2.f32 v14;
	v54 =	vpop (erf)  }
0x264: {  	v2 =	vsel vm1, v2, v4;
	v61 =	vld [tilespmem:s25+$0x30];
	v4 =	vmul.f32 $1.442695020e+00, v52;
	v37 =	vmul.f32 v54, v46  }
0x265: {  	s11 =	simm.s32 $0x10A40;
	v3 =	vsel vm1, v3, v5;
	v57 =	vld [tilespmem:s31+$0x30];
	v51 =	vbroadcast v49, $0xF;
	v27 =	vmul.f32 v45, v27;
	v56, _, _ =	vpop (xrf2)  }
0x266: {  	v25 =	vld [tilespmem:s24+$0xF0];
	v14 =	vmul.f32 v63, v34;
	v4 =	vbroadcast v4, $0xF;
	v34 =	vmax.f32 v56, $-5.000000000e+00;
	[tilespmem:s11+$0x50] =	vst v37  }
0x267: {  	(erf) = vpow2.f32 v51;
	v5 =	vmul.f32 v48, v27;
	v27 =	vmin.f32 v34, $5.000000000e+00;
	v58 =	vld [tilespmem:s12+$0x90]  }
0x268: {  	(xrf2) =	vadd.scan.msk.f32 $0xffff, v14;
	(erf) = vpow2.f32 v4;
	v4 =	vmul.f32 $1.442695020e+00, v27;
	v14 =	vld [tilespmem:s30+$0x50]  }
0x269: {  	v0 =	vnsel vm0, $0x0, v0;
	v1 =	vnsel vm0, $0x0, v1;
	v15 =	vld [tilespmem:s4+$0xFFFFFFE0]  }
0x26a: {  	v0 =	vsel vm1, v0, v6;
	v6 =	vsel vm1, v1, v8;
	[tilespmem:s8+$0x10] =	vst v43;
	v1 =	vbroadcast v4, $0xF;
	v4 =	vld [tilespmem:s1+$0x50]  }
0x26b: {  	v23 =	vmul.f32 v28, v23;
	(xrf2) =	vadd.scan.msk.f32 $0xffff, v5;
	v5 =	vld [tilespmem:s4+$0x20]  }
0x26c: {  	v8 =	vsel vm2, v2, v11;
	v11 =	vmul.f32 v29, v59;
	v27 =	vld [tilespmem:s20+$0x20];
	v28 =	vpop (erf);
	(erf) = vpow2.f32 v1  }
0x26d: {  	v16 =	vld [tilespmem:s4+$0xFFFFFF60];
	v1 =	vsel vm2, v0, v20;
	v0 =	vnsel vm0, $0x0, v7;
	v7 =	vmul.f32 v14, v58  }
0x26e: {  	v2 =	vsel vm2, v3, v19;
	v23 =	vmul.f32 v53, v23;
	v10 =	vld [tilespmem:s24+$0xFFFFFF70];
	v3 =	vmul.f32 v28, v24  }
0x26f: {  	v19 =	vld [tilespmem:s21+$0x20];
	v20 =	vmul.f32 v55, v11;
	v4 =	vmul.f32 v4, v7  }
0x270: {  	v9 =	vnsel vm0, $0x0, v9;
	(xrf2) =	vadd.scan.msk.f32 $0xffff, v23;
	v14 =	vld [tilespmem:s4+$0x60];
	[tilespmem:s11+$0xFFFFFF60] =	vst v3  }
0x271: {  	v5 =	vmul.f32 v27, v5;
	v29 =	vsel vm1, v0, v21;
	v0 =	vsel vm2, v6, v31;
	(xrf2) =	vadd.scan.msk.f32 $0xffff, v20;
	v21 =	vld [tilespmem:s12+$0xFFFFFF10]  }
0x272: {  	v6 =	vsel vm1, v9, v22;
	v9 =	vnsel vm0, $0x0, v12;
	v22 =	vmul.f32 v61, v60;
	v12 =	vld [tilespmem:s30+$0xFFFFFF90];
	v3 =	vpop (erf)  }
0x273: {  	v13 =	vnsel vm0, $0x0, v13;
	v11 =	vld [tilespmem:s24+$0xFFFFFFF0];
	v24 =	vmul.f32 v47, v25;
	(xrf2) =	vadd.scan.msk.f32 $0xffff, v4;
	v7 =	vmul.f32 v3, v18;
	v4, _, _ =	vpop (xrf2)  }
0x274: {  	v5 =	vmul.f32 v19, v5;
	v25 =	vsel vm3, v8, v47;
	v20 =	vld [tilespmem:s4+$0xE0];
	v18 =	vpop (erf);
	v4 =	vmax.f32 v4, $-5.000000000e+00  }
0x275: {  	[tilespmem:s11+$0xFFFFFFB0] =	vst v7;
	v7 =	vsel vm1, v9, v26;
	v9 =	vmul.f32 v18, v17;
	v17, _, _ =	vpop (xrf2);
	v8 =	vmin.f32 v4, $5.000000000e+00;
	v26 =	vld [tilespmem:s1+$0xFFFFFF90]  }
0x276: {  	v4 =	vsel vm1, v13, v42;
	(xrf2) =	vadd.scan.msk.f32 $0xffff, v5;
	v23 =	vld [tilespmem:s12+$0xFFFFFF90];
	v17 =	vmax.f32 v17, $-5.000000000e+00;
	v13 =	vmul.f32 $1.442695020e+00, v8  }
0x277: {  	v5 =	vnsel vm0, $0x0, v3;
	v19 =	vld [tilespmem:s30+$0xFFFFFFD0];
	v3 =	vmul.f32 v12, v21;
	[tilespmem:s11+$0x0] =	vst v9;
	v8 =	vmin.f32 v17, $5.000000000e+00  }
0x278: {  	v59 =	vpop (erf);
	v27 =	vld [tilespmem:s12+$0x10];
	v60 =	vmul.f32 $1.442695020e+00, v8;
	v13 =	vbroadcast v13, $0xF  }
0x279: {  	v20 =	vmul.f32 v59, v20;
	v17 =	vmul.f32 v57, v22;
	v61 =	vld [tilespmem:s30+$0x10]  }
0x27a: {  	v12, _, _ =	vpop (xrf2);
	v22 =	vld [tilespmem:s1+$0xFFFFFFD0];
	v21 =	vbroadcast v60, $0xF;
	(erf) = vpow2.f32 v13  }
0x27b: {  	v12 =	vmax.f32 v12, $-5.000000000e+00;
	v8 =	vnsel vm0, $0x0, v28;
	v28 =	vld [tilespmem:s1+$0x10];
	[tilespmem:s8+$0x70] =	vst v20;
	v26 =	vmul.f32 v26, v3;
	v3, _, _ =	vpop (xrf2)  }
0x27c: {  	v12 =	vmin.f32 v12, $5.000000000e+00;
	v62 =	vld [tilespmem:s4+$0xB0];
	v3 =	vmax.f32 v3, $-5.000000000e+00;
	(erf) = vpow2.f32 v21  }
0x27d: {  	v12 =	vmul.f32 $1.442695020e+00, v12;
	v63 =	vld [tilespmem:s20+$0x70];
	v13 =	vmul.f32 v19, v23;
	v3 =	vmin.f32 v3, $5.000000000e+00  }
0x27e: {  	v20 =	vld [tilespmem:s12+$0xFFFFFF50];
	(xrf2) =	vadd.scan.msk.f32 $0xffff, v26;
	v19 =	vmul.f32 v61, v27;
	v27 =	vmul.f32 $1.442695020e+00, v3  }
0x27f: {  	v9 =	vnsel vm0, $0x0, v54;
	v23 =	vld [tilespmem:s21+$0x70];
	v22 =	vmul.f32 v22, v13;
	v21, _, _ =	vpop (xrf2)  }
0x280: {  	[tilespmem:s19+$0x80] =	vst v24;
	v24 =	vbroadcast v12, $0xF;
	v12 =	vld [tilespmem:s24+$0x70];
	v3 =	vnsel vm0, $0x0, v18;
	v13 =	vmax.f32 v21, $-5.000000000e+00  }
0x281: {  	s29 =	simm.s32 $0xA520;
	s2 =	simm.s32 $0xDCA0;
	v18 =	vld [tilespmem:s12+$0x50];
	v21 =	vmul.f32 v28, v19;
	(xrf2) =	vadd.scan.msk.f32 $0xffff, v22;
	v22 =	vbroadcast v27, $0xF;
	v13 =	vmin.f32 v13, $5.000000000e+00  }
0x282: {  	s22 =	simm.s32 $0x10A40;
	s25 =	simm.s32 $0x8;
	[tilespmem:s19+$0x90] =	vst v25;
	s24 =	simm.s32 $0xC8A0;
	v19 =	vld [tilespmem:s12+$0xFFFFFFD0];
	v26 =	vmul.f32 v63, v62;
	v25 =	vmul.f32 $1.442695020e+00, v13;
	v13 =	vsel vm2, v29, v59;
	v27, _, _ =	vpop (xrf2)  }
.LBB2_5:
0x283: {  	v28 =	vld [tilespmem:s29+$0x80];
	s30 =	sadd.s32 $0x100, s30;
	v27 =	vmax.f32 v27, $-5.000000000e+00;
	v29 =	vpop (erf);
	(erf) = vpow2.f32 v24  }
0x284: {  	v24 =	vld [tilespmem:s30+$0x40];
	v25 =	vbroadcast v25, $0xF;
	v27 =	vmin.f32 v27, $5.000000000e+00;
	v23 =	vmul.f32 v23, v26  }
0x285: {  	s1 =	sadd.s32 $0x100, s1;
	v16 =	vmul.f32 v29, v16;
	v6 =	vsel vm2, v6, v29;
	v26 =	vld [tilespmem:s30+$0xFFFFFF80];
	v31 =	vmul.f32 $1.442695020e+00, v27;
	v29 =	vpop (erf)  }
0x286: {  	v30 =	vld [tilespmem:s1+$0x40];
	(erf) = vpow2.f32 v25;
	v15 =	vmul.f32 v29, v15;
	v7 =	vsel vm2, v7, v29;
	(xrf2) =	vadd.scan.msk.f32 $0xffff, v23  }
0x287: {  	v23 =	vld [tilespmem:s29+$0xFFFFFF80];
	[tilespmem:s8+$0xFFFFFF80] =	vst v16;
	v16 =	vbroadcast v31, $0xF  }
0x288: {  	s25 =	sadd.s32 $0x4, s25;
	v25 =	vld [tilespmem:s30+$0xFFFFFFC0];
	v27, _, _ =	vpop (xrf2);
	[tilespmem:s8+$0xFFFFFFD0] =	vst v15;
	(erf) = vpow2.f32 v22  }
0x289: {  	p0 =	slt.u32 s25, $0x4C;
	v15 =	vld [tilespmem:s29+$0x0];
	v22 =	vmul.f32 v24, v28;
	v24 =	vmax.f32 v27, $-5.000000000e+00;
	(xrf2) =	vadd.scan.msk.f32 $0xffff, v21;
	(erf) = vpow2.f32 v16  }
0x28a: {  	v16 =	vld [tilespmem:s30+$0x0];
	v21 =	vmin.f32 v24, $5.000000000e+00  }
0x28b: {  	v24 =	vld [tilespmem:s29+$0xFFFFFF00];
	v22 =	vmul.f32 v30, v22;
	v21 =	vmul.f32 $1.442695020e+00, v21;
	v27, _, _ =	vpop (xrf2)  }
0x28c: {  	v27 =	vmax.f32 v27, $-5.000000000e+00;
	v28 =	vld [tilespmem:s12+$0xD0];
	v29 =	vpop (erf)  }
0x28d: {  	v30 =	vld [tilespmem:s1+$0xFFFFFF80];
	v25 =	vmul.f32 v25, v23;
	(xrf2) =	vadd.scan.msk.f32 $0xffff, v22;
	v21 =	vbroadcast v21, $0xF;
	v22 =	vmin.f32 v27, $5.000000000e+00  }
0x28e: {  	v31 =	vmul.f32 v29, v10;
	v23 =	vsel vm3, v2, v29;
	v2 =	vmovc v6;
	v27 =	vld [tilespmem:s1+$0xFFFFFFC0];
	v22 =	vmul.f32 $1.442695020e+00, v22  }
0x28f: {  	v6 =	vld [tilespmem:s1+$0x0];
	v15 =	vmul.f32 v16, v15;
	(erf) = vpow2.f32 v21;
	v16 =	vpop (erf);
	[tilespmem:s19+$0xFFFFFFA0] =	vst v23  }
0x290: {  	v32 =	vmul.f32 v26, v24;
	v24 =	vld [tilespmem:s29+$0xFFFFFF40];
	v29 =	vbroadcast v22, $0xF;
	v21 =	vsel vm1, v9, v16;
	v9, _, _ =	vpop (xrf2);
	(xrf2) =	vadd.scan.msk.f32 $0xffff, v17  }
0x291: {  	v23 =	vld [tilespmem:s29+$0xFFFFFFC0];
	v28 =	vmul.f32 v16, v28;
	v9 =	vmax.f32 v9, $-5.000000000e+00;
	[tilespmem:s19+$0xFFFFFF90] =	vst v31;
	v10 =	vpop (erf)  }
0x292: {  	v17 =	vmul.f32 v30, v32;
	v22 =	vld [tilespmem:s29+$0x40];
	(erf) = vpow2.f32 v29;
	v9 =	vmin.f32 v9, $5.000000000e+00;
	v26 =	vpop (erf)  }
0x293: {  	v27 =	vmul.f32 v27, v25;
	[tilespmem:s11+$0x60] =	vst v28;
	v16, _, _ =	vpop (xrf2);
	v28 =	vld [tilespmem:s4+$0xFFFFFF30];
	v25 =	vsel vm2, v4, v26;
	v4 =	vmul.f32 $1.442695020e+00, v9  }
0x294: {  	v14 =	vmul.f32 v26, v14;
	v9 =	vmul.f32 v6, v15;
	(xrf2) =	vadd.scan.msk.f32 $0xffff, v17;
	v6 =	vmax.f32 v16, $-5.000000000e+00;
	v15 =	vld [tilespmem:s12+$0xA0]  }
0x295: {  	v11 =	vmul.f32 v10, v11;
	v6 =	vmin.f32 v6, $5.000000000e+00;
	v16 =	vld [tilespmem:s24+$0x60];
	v4 =	vbroadcast v4, $0xF  }
0x296: {  	v10 =	vsel vm3, v1, v10;
	v1 =	vmov v7;
	v26 =	vmul.f32 $1.442695020e+00, v6;
	v17 =	vld [tilespmem:s20+$0xFFFFFFB0];
	[tilespmem:s8+$0x20] =	vst v14  }
0x297: {  	(xrf2) =	vadd.scan.msk.f32 $0xffff, v27;
	v7, _, _ =	vpop (xrf2);
	v14 =	vld [tilespmem:s2+$0x60];
	(erf) = vpow2.f32 v4;
	[tilespmem:s19+$0xFFFFFFE0] =	vst v11  }
0x298: {  	v4 =	vmax.f32 v7, $-5.000000000e+00;
	v11 =	vbroadcast v26, $0xF;
	v6 =	vpop (erf);
	v26 =	vld [tilespmem:s4+$0xFFFFFFB0];
	[tilespmem:s19+$0xFFFFFFF0] =	vst v10  }
0x299: {  	v4 =	vmin.f32 v4, $5.000000000e+00;
	v20 =	vmul.f32 v6, v20;
	v6 =	vsel vm1, v8, v6;
	v8 =	vld [tilespmem:s20+$0xFFFFFFF0]  }
0x29a: {  	v4 =	vmul.f32 $1.442695020e+00, v4;
	(xrf2) =	vadd.scan.msk.f32 $0xffff, v9;
	v9 =	vmul.f32 v16, v15;
	v10 =	vld [tilespmem:s4+$0x30];
	v15, _, _ =	vpop (xrf2)  }
0x29b: {  	[tilespmem:s11+$0xFFFFFF70] =	vst v20;
	v7 =	vpop (erf);
	v17 =	vmul.f32 v17, v28;
	v16 =	vld [tilespmem:s20+$0x30];
	v15 =	vmax.f32 v15, $-5.000000000e+00;
	s20 =	smov.u32 s24;
	s24 =	smov.u32 s30  }
0x29c: {  	v4 =	vbroadcast v4, $0xF;
	v9 =	vmul.f32 v14, v9;
	v14 =	vld [tilespmem:s4+$0xF0];
	v15 =	vmin.f32 v15, $5.000000000e+00  }
0x29d: {  	v19 =	vmul.f32 v7, v19;
	v7 =	vsel vm1, v5, v7;
	v20 =	vld [tilespmem:s12+$0xFFFFFF20];
	(erf) = vpow2.f32 v11  }
0x29e: {  	v5, _, _ =	vpop (xrf2);
	(erf) = vpow2.f32 v4;
	v4 =	vld [tilespmem:s20+$0xFFFFFFA0];
	(xrf2) =	vadd.scan.msk.f32 $0xffff, v9;
	v8 =	vmul.f32 v8, v26  }
0x29f: {  	v11 =	vmul.f32 $1.442695020e+00, v15;
	v5 =	vmax.f32 v5, $-5.000000000e+00;
	v9 =	vld [tilespmem:s2+$0xFFFFFFA0];
	[tilespmem:s11+$0xFFFFFFC0] =	vst v19  }
0x2a0: {  	v5 =	vmin.f32 v5, $5.000000000e+00;
	v19 =	vld [tilespmem:s12+$0xFFFFFFA0];
	v26 =	vmul.f32 v16, v10;
	v10 =	vpop (erf)  }
0x2a1: {  	v5 =	vmul.f32 $1.442695020e+00, v5;
	v15, _, _ =	vpop (xrf2);
	v27 =	vld [tilespmem:s20+$0xFFFFFFE0];
	v16 =	vmul.f32 v10, v14;
	v10 =	vsel vm3, v13, v10  }
0x2a2: {  	v13 =	vmax.f32 v15, $-5.000000000e+00;
	v28 =	vld [tilespmem:s2+$0xFFFFFFE0];
	[tilespmem:s8+$0x90] =	vst v10;
	v10 =	vbroadcast v11, $0xF  }
0x2a3: {  	v5 =	vbroadcast v5, $0xF;
	v11 =	vmin.f32 v13, $5.000000000e+00;
	v13 =	vld [tilespmem:s29+$0xC0];
	v4 =	vmul.f32 v4, v20;
	[tilespmem:s8+$0x80] =	vst v16  }
0x2a4: {  	v11 =	vmul.f32 $1.442695020e+00, v11;
	v14, _, _ =	vpop (xrf2);
	v16 =	vld [tilespmem:s12+$0xFFFFFF60];
	(erf) = vpow2.f32 v10  }
0x2a5: {  	v10 =	vmax.f32 v14, $-5.000000000e+00;
	(erf) = vpow2.f32 v5;
	v29 =	vmul.f32 v9, v4;
	v15 =	vld [tilespmem:s12+$0xFFFFFFE0]  }
0x2a6: {  	v11 =	vbroadcast v11, $0xF;
	v4 =	vmin.f32 v10, $5.000000000e+00;
	v10 =	vmul.f32 v27, v19;
	v9 =	vpop (erf);
	v14 =	vld [tilespmem:s21+$0xFFFFFFB0]  }
0x2a7: {  	v19 =	vmul.f32 $1.442695020e+00, v4;
	v20 =	vpop (erf);
	v18 =	vmul.f32 v9, v18;
	v4 =	vsel vm1, v3, v9;
	v3 =	vld [tilespmem:s21+$0xFFFFFFF0]  }
0x2a8: {  	v13 =	vmul.f32 v20, v13;
	v9 =	vnsel vm0, $0x0, v20;
	(erf) = vpow2.f32 v11;
	(xrf2) =	vadd.scan.msk.f32 $0xffff, v29;
	v5, _, _ =	vpop (xrf2);
	v11 =	vld [tilespmem:s21+$0x30];
	s21 =	smov.u32 s2;
	s2 =	smov.u32 s1  }
0x2a9: {  	s11 =	sadd.s32 $0x140, s11;
	v20 =	vmul.f32 v28, v10;
	v19 =	vbroadcast v19, $0xF;
	[tilespmem:s22+$0x10] =	vst v18;
	v5 =	vmax.f32 v5, $-5.000000000e+00;
	v10 =	vld [tilespmem:s4+$0xFFFFFF70]  }
0x2aa: {  	[tilespmem:s11+$0x50] =	vst v13;
	v13 =	vld [tilespmem:s12+$0x20];
	v5 =	vmin.f32 v5, $5.000000000e+00  }
0x2ab: {  	v18 =	vld [tilespmem:s29+$0x90];
	(erf) = vpow2.f32 v19;
	v5 =	vmul.f32 $1.442695020e+00, v5;
	(xrf2) =	vadd.scan.msk.f32 $0xffff, v20  }
0x2ac: {  	v14 =	vmul.f32 v14, v17;
	v19 =	vld [tilespmem:s30+$0x50];
	v3 =	vmul.f32 v3, v8  }
0x2ad: {  	v20 =	vld [tilespmem:s20+$0x20];
	v5 =	vbroadcast v5, $0xF;
	v17 =	vmul.f32 v11, v26;
	v8 =	vpop (erf)  }
0x2ae: {  	v26 =	vld [tilespmem:s1+$0x50];
	v11 =	vpop (erf);
	v12 =	vmul.f32 v8, v12;
	v27 =	vsel vm3, v0, v8;
	v0 =	vmov v25  }
0x2af: {  	v24 =	vmul.f32 v11, v24;
	v8 =	vnsel vm0, $0x0, v11;
	v25 =	vld [tilespmem:s21+$0x20];
	(erf) = vpow2.f32 v5;
	(xrf2) =	vadd.scan.msk.f32 $0xffff, v14  }
0x2b0: {  	v14 =	vld [tilespmem:s12+$0x60];
	[tilespmem:s19+$0x30] =	vst v12  }
0x2b1: {  	[tilespmem:s11+$0xFFFFFF60] =	vst v24;
	v12 =	vmul.f32 v19, v18;
	v5 =	vpop (erf);
	v11 =	vld [tilespmem:s4+$0xFFFFFFF0]  }
0x2b2: {  	v18 =	vld [tilespmem:s29+$0xFFFFFF10];
	v24 =	vmul.f32 v5, v23;
	v5 =	vnsel vm0, $0x0, v5;
	v13 =	vmul.f32 v20, v13;
	v20, _, _ =	vpop (xrf2);
	(xrf2) =	vadd.scan.msk.f32 $0xffff, v3  }
0x2b3: {  	v23 =	vld [tilespmem:s30+$0xFFFFFF90];
	v12 =	vmul.f32 v26, v12;
	v3 =	vmax.f32 v20, $-5.000000000e+00;
	[tilespmem:s19+$0x40] =	vst v27;
	s19 =	smov.u32 s8;
	s8 =	smov.u32 s22;
	s22 =	smov.u32 s11  }
0x2b4: {  	[tilespmem:s11+$0xFFFFFFB0] =	vst v24;
	v19 =	vpop (erf);
	v20 =	vmin.f32 v3, $5.000000000e+00;
	v13 =	vmul.f32 v25, v13;
	v24 =	vld [tilespmem:s12+$0xE0]  }
0x2b5: {  	v25 =	vld [tilespmem:s29+$0xFFFFFF90];
	v22 =	vmul.f32 v19, v22;
	v3 =	vnsel vm0, $0x0, v19;
	(xrf2) =	vadd.scan.msk.f32 $0xffff, v12;
	v12 =	vmul.f32 $1.442695020e+00, v20;
	v19, _, _ =	vpop (xrf2)  }
0x2b6: {  	v20 =	vld [tilespmem:s30+$0xFFFFFFD0];
	v19 =	vmax.f32 v19, $-5.000000000e+00  }
0x2b7: {  	v26 =	vld [tilespmem:s1+$0xFFFFFF90];
	[tilespmem:s11+$0x0] =	vst v22;
	v12 =	vbroadcast v12, $0xF;
	v19 =	vmin.f32 v19, $5.000000000e+00  }
0x2b8: {  	v18 =	vmul.f32 v23, v18;
	v22 =	vld [tilespmem:s29+$0x10];
	v19 =	vmul.f32 $1.442695020e+00, v19;
	(xrf2) =	vadd.scan.msk.f32 $0xffff, v13;
	v13 =	vpop (erf)  }
0x2b9: {  	v23 =	vld [tilespmem:s30+$0x10];
	v24 =	vmul.f32 v13, v24;
	v13 =	vsel vm2, v21, v13;
	v21, _, _ =	vpop (xrf2)  }
0x2ba: {  	v27 =	vld [tilespmem:s1+$0xFFFFFFD0];
	v28 =	vbroadcast v19, $0xF;
	(erf) = vpow2.f32 v12;
	v12 =	vmax.f32 v21, $-5.000000000e+00  }
0x2bb: {  	v21 =	vmul.f32 v20, v25;
	v25 =	vld [tilespmem:s1+$0x10];
	[tilespmem:s8+$0x70] =	vst v24;
	v12 =	vmin.f32 v12, $5.000000000e+00  }
0x2bc: {  	v18 =	vmul.f32 v26, v18;
	v26 =	vld [tilespmem:s12+$0xB0];
	(erf) = vpow2.f32 v28;
	v19, _, _ =	vpop (xrf2)  }
0x2bd: {  	v12 =	vmul.f32 $1.442695020e+00, v12;
	v28 =	vld [tilespmem:s20+$0x70];
	v19 =	vmax.f32 v19, $-5.000000000e+00  }
.Ltmp1:
0x2be: {  	v20 =	vld [tilespmem:s29+$0xFFFFFF50];
	v22 =	vmul.f32 v23, v22;
	(xrf2) =	vadd.scan.msk.f32 $0xffff, v18;
	v18 =	vmin.f32 v19, $5.000000000e+00;
	(pc) =	sbr.rel @p0 .LBB2_5-.Ltmp1, $4  }
0x2bf: {  	v30 =	vmul.f32 v27, v21;
	v24, _, _ =	vpop (xrf2);
	v23 =	vld [tilespmem:s21+$0x70];
	v29 =	vmul.f32 $1.442695020e+00, v18  }
0x2c0: {  	v19 =	vld [tilespmem:s29+$0xFFFFFFD0];
	v21 =	vmul.f32 v25, v22;
	v22 =	vmax.f32 v24, $-5.000000000e+00;
	v24 =	vbroadcast v12, $0xF  }
0x2c1: {  	v18 =	vld [tilespmem:s29+$0x50];
	v12 =	vmin.f32 v22, $5.000000000e+00;
	(xrf2) =	vadd.scan.msk.f32 $0xffff, v30;
	v22 =	vbroadcast v29, $0xF  }
0x2c2: {  	v25 =	vmul.f32 $1.442695020e+00, v12;
	v26 =	vmul.f32 v28, v26;
	v27, _, _ =	vpop (xrf2);
	v12 =	vld [tilespmem:s4+$0x70];
	s4 =	smov.u32 s12;
	s12 =	smov.u32 s29;
	s29 =	sadd.s32 $0x200, s29  }
0x2c3: {  	_ = 	snop  }
0x2c4: {  	v23 =	vmul.f32 v23, v26;
	_ =	sdelay $0x1  }
0x2c5: {  	(xrf2) =	vadd.scan.msk.f32 $0xffff, v23;
	_ =	sdelay $0x1  }
0x2c6: {  	(xrf2) =	vadd.scan.msk.f32 $0xffff, v21;
	_ =	sdelay $0x1  }
0x2c7: {  	v43 =	vbroadcast v25, $0xF;
	v45, _, _ =	vpop (xrf2)  }
0x2c8: {  	v44 =	vmax.f32 v27, $-5.000000000e+00;
	(erf) = vpow2.f32 v24;
	v46 =	vmax.f32 v45, $-5.000000000e+00  }
0x2c9: {  	v23 =	vmin.f32 v44, $5.000000000e+00;
	(erf) = vpow2.f32 v43;
	v21 =	vmin.f32 v46, $5.000000000e+00  }
0x2ca: {  	v23 =	vmul.f32 $1.442695020e+00, v23;
	v47, _, _ =	vpop (xrf2);
	v21 =	vmul.f32 $1.442695020e+00, v21  }
0x2cb: {  	v24 =	vmax.f32 v47, $-5.000000000e+00  }
0x2cc: {  	v23 =	vbroadcast v23, $0xF;
	v24 =	vmin.f32 v24, $5.000000000e+00;
	v21 =	vbroadcast v21, $0xF  }
0x2cd: {  	(erf) = vpow2.f32 v22;
	v24 =	vmul.f32 $1.442695020e+00, v24;
	v49, _, _ =	vpop (xrf2)  }
0x2ce: {  	v48 =	vld [tilespmem:s12+$0xD0];
	v22 =	vpop (erf);
	(erf) = vpow2.f32 v23;
	v23 =	vmax.f32 v49, $-5.000000000e+00  }
0x2cf: {  	v24 =	vbroadcast v24, $0xF;
	v50, _, _ =	vpop (xrf2);
	v23 =	vmin.f32 v23, $5.000000000e+00  }
0x2d0: {  	(erf) = vpow2.f32 v21;
	v21 =	vpop (erf);
	v51 =	vmax.f32 v50, $-5.000000000e+00  }
0x2d1: {  	v25 =	vpop (erf);
	(erf) = vpow2.f32 v24;
	v52 =	vmul.f32 $1.442695020e+00, v23;
	v27 =	vmin.f32 v51, $5.000000000e+00  }
0x2d2: {  	v16 =	vmul.f32 v22, v16;
	v27 =	vmul.f32 $1.442695020e+00, v27;
	v23 =	vpop (erf)  }
0x2d3: {  	v24 =	vbroadcast v52, $0xF;
	v26 =	vmul.f32 v23, v48  }
0x2d4: {  	[tilespmem:s8+$0xFFFFFF80] =	vst v16;
	v15 =	vmul.f32 v21, v15;
	v53 =	vbroadcast v27, $0xF  }
0x2d5: {  	v54 =	vld [tilespmem:s4+$0xFFFFFF30];
	(erf) = vpow2.f32 v24  }
0x2d6: {  	v30 =	vld [tilespmem:s20+$0xFFFFFFB0];
	[tilespmem:s8+$0xFFFFFFD0] =	vst v15;
	(erf) = vpow2.f32 v53  }
0x2d7: {  	v39 =	vld [tilespmem:s21+$0xFFFFFFB0];
	[tilespmem:s11+$0x60] =	vst v26;
	v26 =	vpop (erf)  }
0x2d8: {  	v32 =	vld [tilespmem:s4+$0xFFFFFFB0];
	v16 =	vpop (erf)  }
0x2d9: {  	v33 =	vld [tilespmem:s20+$0xFFFFFFF0];
	v24 =	vpop (erf)  }
0x2da: {  	v28 =	vld [tilespmem:s12+$0xA0];
	v20 =	vmul.f32 v24, v20;
	v15 =	vpop (erf)  }
0x2db: {  	v29 =	vld [tilespmem:s24+$0x60];
	v19 =	vmul.f32 v15, v19  }
0x2dc: {  	v31 =	vld [tilespmem:s2+$0x60];
	[tilespmem:s11+$0xFFFFFF70] =	vst v20  }
0x2dd: {  	v34 =	vld [tilespmem:s12+$0xFFFFFF20]  }
0x2de: {  	v35 =	vld [tilespmem:s24+$0xFFFFFFA0];
	[tilespmem:s11+$0xFFFFFFC0] =	vst v19;
	v20 =	vpop (erf)  }
0x2df: {  	v36 =	vld [tilespmem:s12+$0xFFFFFFA0];
	v19 =	vpop (erf)  }
0x2e0: {  	v28 =	vmul.f32 v29, v28;
	v37 =	vld [tilespmem:s24+$0xFFFFFFE0];
	v18 =	vmul.f32 v19, v18  }
0x2e1: {  	v38 =	vld [tilespmem:s2+$0xFFFFFFA0]  }
0x2e2: {  	v56 =	vmul.f32 v31, v28;
	v55 =	vld [tilespmem:s2+$0xFFFFFFE0];
	[tilespmem:s22+$0x10] =	vst v18  }
0x2e3: {  	(xrf2) =	vadd.scan.msk.f32 $0xffff, v17;
	v58 =	vld [tilespmem:s12+$0x20]  }
0x2e4: {  	(xrf2) =	vadd.scan.msk.f32 $0xffff, v56;
	v57 =	vmul.f32 v35, v34;
	v60 =	vld [tilespmem:s24+$0x20]  }
0x2e5: {  	v62 =	vld [tilespmem:s21+$0xFFFFFFF0];
	v59 =	vmul.f32 v37, v36  }
0x2e6: {  	v63 =	vld [tilespmem:s2+$0x20];
	v61 =	vmul.f32 v38, v57  }
0x2e7: {  	v27 =	vmul.f32 v30, v54;
	v17 =	vmul.f32 v55, v59  }
0x2e8: {  	v35 =	vmul.f32 v33, v32;
	(xrf2) =	vadd.scan.msk.f32 $0xffff, v61  }
0x2e9: {  	v36 =	vmul.f32 v39, v27;
	(xrf2) =	vadd.scan.msk.f32 $0xffff, v17;
	v37 =	vmul.f32 v60, v58  }
0x2ea: {  	v18 =	vmul.f32 v62, v35  }
0x2eb: {  	(xrf2) =	vadd.scan.msk.f32 $0xffff, v36;
	v38 =	vmul.f32 v63, v37  }
0x2ec: {  	(xrf2) =	vadd.scan.msk.f32 $0xffff, v18  }
0x2ed: {  	v39, _, _ =	vpop (xrf2);
	(xrf2) =	vadd.scan.msk.f32 $0xffff, v38  }
0x2ee: {  	v17 =	vmax.f32 v39, $-5.000000000e+00;
	v40, _, _ =	vpop (xrf2)  }
0x2ef: {  	v17 =	vmin.f32 v17, $5.000000000e+00;
	v18 =	vmax.f32 v40, $-5.000000000e+00  }
0x2f0: {  	v17 =	vmul.f32 $1.442695020e+00, v17;
	v18 =	vmin.f32 v18, $5.000000000e+00  }
0x2f1: {  	v18 =	vmul.f32 $1.442695020e+00, v18  }
0x2f2: {  	v17 =	vbroadcast v17, $0xF;
	v41, _, _ =	vpop (xrf2)  }
0x2f3: {  	v18 =	vbroadcast v18, $0xF;
	v27 =	vmax.f32 v41, $-5.000000000e+00;
	v42, _, _ =	vpop (xrf2)  }
0x2f4: {  	(erf) = vpow2.f32 v17;
	v27 =	vmin.f32 v27, $5.000000000e+00;
	v28 =	vmax.f32 v42, $-5.000000000e+00  }
0x2f5: {  	(erf) = vpow2.f32 v18;
	v44, _, _ =	vpop (xrf2);
	v27 =	vmul.f32 $1.442695020e+00, v27;
	v28 =	vmin.f32 v28, $5.000000000e+00  }
0x2f6: {  	v46 =	vmax.f32 v44, $-5.000000000e+00;
	v47, _, _ =	vpop (xrf2);
	v43 =	vmul.f32 $1.442695020e+00, v28  }
0x2f7: {  	v28 =	vmax.f32 v47, $-5.000000000e+00;
	v45 =	vbroadcast v27, $0xF;
	v27 =	vmin.f32 v46, $5.000000000e+00;
	v48, _, _ =	vpop (xrf2)  }
0x2f8: {  	v28 =	vmin.f32 v28, $5.000000000e+00;
	v17 =	vbroadcast v43, $0xF;
	v29 =	vmax.f32 v48, $-5.000000000e+00  }
0x2f9: {  	v27 =	vmul.f32 $1.442695020e+00, v27;
	v49 =	vmul.f32 $1.442695020e+00, v28;
	v50 =	vmin.f32 v29, $5.000000000e+00  }
0x2fa: {  	v52 =	vld [tilespmem:s12+$0xE0];
	(erf) = vpow2.f32 v45;
	v28 =	vmul.f32 $1.442695020e+00, v50  }
0x2fb: {  	v14 =	vmul.f32 v16, v14  }
0x2fc: {  	v27 =	vbroadcast v27, $0xF  }
0x2fd: {  	[tilespmem:s8+$0x20] =	vst v14;
	(erf) = vpow2.f32 v17;
	v51 =	vbroadcast v49, $0xF;
	v17 =	vpop (erf)  }
0x2fe: {  	v14 =	vld [tilespmem:s4+$0x30];
	(erf) = vpow2.f32 v27;
	v53 =	vbroadcast v28, $0xF;
	v28 =	vpop (erf)  }
0x2ff: {  	v54 =	vld [tilespmem:s12+$0xFFFFFF60];
	(erf) = vpow2.f32 v51;
	v18 =	vmul.f32 v28, v52  }
0x300: {  	v56 =	vld [tilespmem:s12+$0xFFFFFFE0];
	(erf) = vpow2.f32 v53  }
0x301: {  	v57 =	vld [tilespmem:s21+$0x30]  }
0x302: {  	v55 =	vld [tilespmem:s20+$0x30]  }
0x303: {  	v58 =	vld [tilespmem:s12+$0x60];
	[tilespmem:s22+$0x70] =	vst v18;
	v18 =	vpop (erf)  }
0x304: {  	v59 =	vld [tilespmem:s12+$0xB0];
	v27 =	vmul.f32 v18, v54  }
0x305: {  	v60 =	vld [tilespmem:s24+$0x70]  }
0x306: {  	v61 =	vld [tilespmem:s2+$0x70];
	v34 =	vpop (erf);
	[tilespmem:s22+$0xFFFFFF80] =	vst v27  }
0x307: {  	v36 =	vpop (erf);
	v30 =	vmul.f32 v34, v56;
	v62 =	vld [tilespmem:s12+$0xFFFFFF30]  }
0x308: {  	v44 =	vld [tilespmem:s24+$0xFFFFFFB0];
	v27 =	vpop (erf)  }
0x309: {  	[tilespmem:s22+$0xFFFFFFD0] =	vst v30;
	v47 =	vld [tilespmem:s2+$0xFFFFFFB0];
	v38 =	vpop (erf)  }
0x30a: {  	v40 =	vld [tilespmem:s12+$0xFFFFFFB0];
	v63 =	vmul.f32 v38, v58  }
0x30b: {  	v33 =	vmul.f32 v60, v59;
	v45 =	vld [tilespmem:s24+$0xFFFFFFF0]  }
0x30c: {  	v14 =	vmul.f32 v55, v14;
	v48 =	vld [tilespmem:s2+$0xFFFFFFF0];
	[tilespmem:s22+$0x20] =	vst v63  }
0x30d: {  	v33 =	vmul.f32 v61, v33;
	v41 =	vld [tilespmem:s12+$0x30]  }
0x30e: {  	v14 =	vmul.f32 v57, v14;
	v46 =	vld [tilespmem:s24+$0x30]  }
0x30f: {  	(xrf2) =	vadd.scan.msk.f32 $0xffff, v33;
	v49 =	vmul.f32 v44, v62  }
0x310: {  	(xrf2) =	vadd.scan.msk.f32 $0xffff, v14;
	v50 =	vld [tilespmem:s2+$0x30];
	v51 =	vmul.f32 v45, v40  }
0x311: {  	v29 =	vmul.f32 v47, v49  }
0x312: {  	v14 =	vmul.f32 v48, v51  }
0x313: {  	(xrf2) =	vadd.scan.msk.f32 $0xffff, v29;
	v52 =	vmul.f32 v46, v41  }
0x314: {  	(xrf2) =	vadd.scan.msk.f32 $0xffff, v14  }
0x315: {  	v53 =	vmul.f32 v50, v52;
	_ =	sdelay $0x1  }
0x316: {  	(xrf2) =	vadd.scan.msk.f32 $0xffff, v53;
	_ =	sdelay $0x1  }
0x317: {  	v55, _, _ =	vpop (xrf2)  }
0x318: {  	v56, _, _ =	vpop (xrf2);
	v29 =	vmax.f32 v55, $-5.000000000e+00  }
0x319: {  	v10 =	vmul.f32 v25, v10;
	v57 =	vmin.f32 v29, $5.000000000e+00;
	v58 =	vmax.f32 v56, $-5.000000000e+00  }
0x31a: {  	v2 =	vsel vm3, v2, v25;
	v25 =	vmul.f32 $1.442695020e+00, v57;
	v29 =	vmin.f32 v58, $5.000000000e+00  }
0x31b: {  	v11 =	vmul.f32 v26, v11;
	v1 =	vsel vm3, v1, v26;
	v59 =	vmul.f32 $1.442695020e+00, v29;
	v60, _, _ =	vpop (xrf2)  }
0x31c: {  	v13 =	vsel vm3, v13, v20;
	v54 =	vld [tilespmem:s4+$0xF0];
	v61 =	vbroadcast v25, $0xF;
	v62 =	vmax.f32 v60, $-5.000000000e+00;
	v63, _, _ =	vpop (xrf2)  }
0x31d: {  	[tilespmem:s19+$0xFFFFFFA0] =	vst v2;
	v32 =	vbroadcast v59, $0xF;
	v25 =	vmin.f32 v62, $5.000000000e+00;
	v33 =	vmax.f32 v63, $-5.000000000e+00  }
0x31e: {  	[tilespmem:s19+$0xFFFFFF90] =	vst v10;
	(erf) = vpow2.f32 v61;
	v35 =	vmul.f32 $1.442695020e+00, v25;
	v37 =	vmin.f32 v33, $5.000000000e+00  }
0x31f: {  	[tilespmem:s19+$0xFFFFFFF0] =	vst v1;
	v43 =	vmul.f32 v17, v12;
	v0 =	vsel vm3, v0, v17;
	v41 =	vmul.f32 $1.442695020e+00, v37;
	v39, _, _ =	vpop (xrf2)  }
0x320: {  	[tilespmem:s19+$0xFFFFFFE0] =	vst v11;
	v44 =	vld [tilespmem:s4+$0xFFFFFFF0];
	(erf) = vpow2.f32 v32;
	v10 =	vbroadcast v35, $0xF;
	v42 =	vmax.f32 v39, $-5.000000000e+00  }
0x321: {  	[tilespmem:s19+$0x40] =	vst v0;
	v40 =	vld [tilespmem:s4+$0xFFFFFF70];
	v14 =	vmul.f32 v20, v54;
	v11 =	vbroadcast v41, $0xF;
	v20 =	vmin.f32 v42, $5.000000000e+00  }
0x322: {  	v7 =	vsel vm2, v7, v21;
	[tilespmem:s19+$0x30] =	vst v43;
	(erf) = vpow2.f32 v10;
	v45 =	vmul.f32 $1.442695020e+00, v20  }
0x323: {  	v6 =	vsel vm2, v6, v22;
	[tilespmem:s8+$0x90] =	vst v13;
	v7 =	vsel vm3, v7, v27;
	v46 =	vld [tilespmem:s12+$0xF0]  }
0x324: {  	v6 =	vsel vm3, v6, v36;
	[tilespmem:s8+$0xFFFFFFF0] =	vst v7;
	(erf) = vpow2.f32 v11;
	v47 =	vbroadcast v45, $0xF  }
0x325: {  	[tilespmem:s8+$0xFFFFFFA0] =	vst v6;
	v48 =	vld [tilespmem:s4+$0x70];
	v49 =	vmul.f32 v27, v44  }
0x326: {  	v9 =	vsel vm1, v9, v23;
	v2 =	vmul.f32 v36, v40;
	[tilespmem:s8+$0x80] =	vst v14;
	(erf) = vpow2.f32 v47  }
0x327: {  	v9 =	vsel vm2, v9, v28;
	v51 =	vld [tilespmem:s12+$0xFFFFFF70];
	[tilespmem:s8+$0xFFFFFFE0] =	vst v49;
	v50 =	vpop (erf)  }
0x328: {  	[tilespmem:s8+$0xFFFFFF90] =	vst v2;
	v1 =	vmul.f32 v50, v46;
	v2 =	vsel vm3, v9, v50  }
0x329: {  	v54 =	vsel vm2, v4, v16;
	v53 =	vld [tilespmem:s12+$0xFFFFFFF0];
	v52 =	vpop (erf);
	[tilespmem:s22+$0x90] =	vst v2  }
0x32a: {  	v55 =	vsel vm1, v8, v24;
	v0 =	vmul.f32 v52, v48;
	v2 =	vsel vm3, v54, v52;
	[tilespmem:s22+$0x80] =	vst v1  }
0x32b: {  	v56 =	vld [tilespmem:s12+$0x70];
	v4 =	vsel vm2, v55, v18;
	[tilespmem:s8+$0x40] =	vst v2;
	v57 =	vpop (erf)  }
0x32c: {  	v5 =	vsel vm1, v5, v15;
	[tilespmem:s8+$0x30] =	vst v0;
	v58 =	vmul.f32 v57, v51;
	v0 =	vsel vm3, v4, v57  }
0x32d: {  	v5 =	vsel vm2, v5, v34;
	v59 =	vpop (erf);
	[tilespmem:s22+$0xFFFFFFA0] =	vst v0  }
0x32e: {  	v3 =	vsel vm1, v3, v19;
	v60 =	vmul.f32 v59, v53;
	v4 =	vsel vm3, v5, v59;
	[tilespmem:s22+$0xFFFFFF90] =	vst v58  }
0x32f: {  	v63 =	vsel vm2, v3, v38;
	[tilespmem:s22+$0xFFFFFFF0] =	vst v4;
	v61 =	vpop (erf)  }
0x330: {  	s16 =	sadd.s32 $0x1, s16;
	[tilespmem:s22+$0xFFFFFFE0] =	vst v60;
	v62 =	vmul.f32 v61, v56;
	v1 =	vsel vm3, v63, v61  }
0x331: {  	p0 =	sne.s32 s16, $0x3E;
	[tilespmem:s22+$0x40] =	vst v1  }
.Ltmp2:
0x332: {  	s1 =	simm.s32 $0x10720;
	[tilespmem:s22+$0x30] =	vst v62;
	(pc) =	sbr.rel @p0 .LBB2_2-.Ltmp2, $4  }
0x333: {  	[spmem:s3] =	stream.indirect.scatter.add.f32 [tilespmem:s1], [sflag:$0x3], $0x50, s17, s23, $0xb8;
	[tilespmem:$0x1E820] =	vst v63  }
0x334: {  	_ =	swait.ge [sflag:s18], $0x1900  }
0x335: {  	[sflag:s18] =	ssyncset.done $0x0  }
0x336: {  	[sflag:s18] =	ssyncadd.s32 $0xFFFFE700  }
0x337: {  	_ =	swait.ge [sflag:s0], $0x2800  }
0x338: {  	[sflag:s0] =	ssyncset.done $0x0  }
0x339: {  	[sflag:s0] =	ssyncadd.s32 $0xFFFFD800  }
0x33a: {  	_ =	swait.ge [sflag:s0], $0x1400  }
0x33b: {  	[sflag:s0] =	ssyncset.done $0x0  }
0x33c: {  	[sflag:s0] =	ssyncadd.s32 $0xFFFFEC00  }
0x33d: {  	_ =	swait.ge [sflag:s0], $0x1400  }
0x33e: {  	[sflag:s0] =	ssyncset.done $0x0  }
0x33f: {  	s20 =	simm.s32 $0x4F20;
	[sflag:s0] =	ssyncadd.s32 $0xFFFFEC00  }
0x340: {  	s11 =	simm.s32 $0x76A0;
	v0 =	vld [tilespmem:s20+$0x80]  }
0x341: {  	v1 =	vld [tilespmem:s11+$0x40]  }
0x342: {  	s2 =	simm.s32 $0x8AA0  }
0x343: {  	v2 =	vld [tilespmem:s2+$0x40];
	_ =	sdelay $0x2  }
0x344: {  	v0 =	vmul.f32 v1, v0;
	_ =	sdelay $0x1  }
0x345: {  	v0 =	vmul.f32 v2, v0;
	_ =	sdelay $0x1  }
0x346: {  	(xrf2) =	vadd.scan.msk.f32 $0xffff, v0;
	_ =	sdelay $0x2  }
0x347: {  	v1 =	vld [tilespmem:s20+$0xFFFFFF00]  }
0x348: {  	v0 =	vld [tilespmem:s11+$0xFFFFFF80];
	_ =	sdelay $0x1  }
0x349: {  	v2 =	vld [tilespmem:s2+$0xFFFFFF80]  }
0x34a: {  	v3 =	vld [tilespmem:s20+$0xFFFFFF80]  }
0x34b: {  	v4 =	vld [tilespmem:s11+$0xFFFFFFC0]  }
0x34c: {  	v0 =	vmul.f32 v0, v1  }
0x34d: {  	v7 =	vld [tilespmem:s2+$0xFFFFFFC0];
	v6, _, _ =	vpop (xrf2)  }
0x34e: {  	v5 =	vld [tilespmem:s20+$0x0];
	v0 =	vmul.f32 v2, v0;
	v2 =	vmax.f32 v6, $-5.000000000e+00  }
0x34f: {  	v1 =	vld [tilespmem:s11+$0x0];
	v2 =	vmin.f32 v2, $5.000000000e+00  }
0x350: {  	(xrf2) =	vadd.scan.msk.f32 $0xffff, v0;
	v0 =	vmul.f32 $1.442695020e+00, v2;
	v2 =	vmul.f32 v4, v3  }
0x351: {  	v6 =	vld [tilespmem:s2+$0x0]  }
0x352: {  	v0 =	vbroadcast v0, $0xF;
	v2 =	vmul.f32 v7, v2;
	_ =	sdelay $0x1  }
0x353: {  	v1 =	vmul.f32 v1, v5;
	(erf) = vpow2.f32 v0;
	(xrf2) =	vadd.scan.msk.f32 $0xffff, v2;
	_ =	sdelay $0x1  }
0x354: {  	v0 =	vmul.f32 v6, v1;
	_ =	sdelay $0x1  }
0x355: {  	(xrf2) =	vadd.scan.msk.f32 $0xffff, v0  }
0x356: {  	v0 =	vld [tilespmem:s20+$0xC0]  }
0x357: {  	v1, _, _ =	vpop (xrf2)  }
0x358: {  	v1 =	vmax.f32 v1, $-5.000000000e+00  }
0x359: {  	v1 =	vmin.f32 v1, $5.000000000e+00  }
0x35a: {  	v1 =	vmul.f32 $1.442695020e+00, v1;
	v2 =	vpop (erf)  }
0x35b: {  	v0 =	vmul.f32 v2, v0;
	v3, _, _ =	vpop (xrf2)  }
0x35c: {  	s4 =	simm.s32 $0xEEC0;
	v1 =	vbroadcast v1, $0xF;
	v3 =	vmax.f32 v3, $-5.000000000e+00  }
0x35d: {  	[tilespmem:s4+$0x50] =	vst v0  }
0x35e: {  	(erf) = vpow2.f32 v1;
	v0 =	vmin.f32 v3, $5.000000000e+00;
	v1 =	vld [tilespmem:s20+$0x90]  }
0x35f: {  	v0 =	vmul.f32 $1.442695020e+00, v0;
	v4 =	vld [tilespmem:s11+$0x50];
	v3, _, _ =	vpop (xrf2)  }
0x360: {  	v3 =	vmax.f32 v3, $-5.000000000e+00  }
0x361: {  	v5 =	vld [tilespmem:s2+$0x50];
	v0 =	vbroadcast v0, $0xF;
	v3 =	vmin.f32 v3, $5.000000000e+00  }
0x362: {  	v3 =	vmul.f32 $1.442695020e+00, v3  }
0x363: {  	v6 =	vld [tilespmem:s20+$0xFFFFFF40];
	(erf) = vpow2.f32 v0  }
0x364: {  	v1 =	vmul.f32 v4, v1;
	v0 =	vbroadcast v3, $0xF;
	_ =	sdelay $0x1  }
0x365: {  	(erf) = vpow2.f32 v0;
	v0 =	vmul.f32 v5, v1  }
0x366: {  	v3 =	vpop (erf)  }
0x367: {  	v4 =	vmul.f32 v3, v6;
	(xrf2) =	vadd.scan.msk.f32 $0xffff, v0  }
0x368: {  	v1 =	vld [tilespmem:s20+$0xFFFFFFC0]  }
0x369: {  	v5 =	vld [tilespmem:s20+$0x40];
	[tilespmem:s4+$0xFFFFFF60] =	vst v4  }
0x36a: {  	v4 =	vld [tilespmem:s20+$0xFFFFFF10]  }
0x36b: {  	v6 =	vld [tilespmem:s11+$0xFFFFFF90]  }
0x36c: {  	v0 =	vpop (erf)  }
0x36d: {  	v8 =	vld [tilespmem:s2+$0xFFFFFF90];
	v7 =	vmul.f32 v0, v1  }
0x36e: {  	v1 =	vpop (erf)  }
0x36f: {  	[tilespmem:s4+$0xFFFFFFB0] =	vst v7;
	v5 =	vmul.f32 v1, v5  }
0x370: {  	v7 =	vld [tilespmem:s20+$0xFFFFFF90];
	v4 =	vmul.f32 v6, v4  }
0x371: {  	v9 =	vld [tilespmem:s11+$0xFFFFFFD0];
	[tilespmem:s4+$0x0] =	vst v5;
	v6, _, _ =	vpop (xrf2)  }
0x372: {  	v4 =	vmul.f32 v8, v4;
	v5 =	vld [tilespmem:s20+$0x10];
	v6 =	vmax.f32 v6, $-5.000000000e+00  }
0x373: {  	v8 =	vld [tilespmem:s11+$0x10];
	v6 =	vmin.f32 v6, $5.000000000e+00  }
0x374: {  	v10 =	vld [tilespmem:s2+$0xFFFFFFD0];
	(xrf2) =	vadd.scan.msk.f32 $0xffff, v4;
	v4 =	vmul.f32 $1.442695020e+00, v6  }
0x375: {  	s19 =	simm.s32 $0x77A0;
	v11 =	vld [tilespmem:s2+$0x10]  }
0x376: {  	s8 =	simm.s32 $0x5120;
	v7 =	vmul.f32 v9, v7;
	v9 =	vld [tilespmem:s19+$0x40];
	v4 =	vbroadcast v4, $0xF  }
0x377: {  	v6 =	vld [tilespmem:s8+$0x80]  }
0x378: {  	s17 =	simm.s32 $0x8BA0;
	(erf) = vpow2.f32 v4;
	v4 =	vmul.f32 v8, v5  }
0x379: {  	v7 =	vmul.f32 v10, v7;
	v10 =	vld [tilespmem:s17+$0x40]  }
0x37a: {  	v4 =	vmul.f32 v11, v4  }
0x37b: {  	(xrf2) =	vadd.scan.msk.f32 $0xffff, v7;
	v7 =	vld [tilespmem:s8+$0xFFFFFF80]  }
0x37c: {  	v5 =	vld [tilespmem:s19+$0xFFFFFF80];
	v6 =	vmul.f32 v9, v6  }
0x37d: {  	v8 =	vld [tilespmem:s8+$0xFFFFFF00]  }
0x37e: {  	v9 =	vld [tilespmem:s20+$0xD0];
	v6 =	vmul.f32 v10, v6;
	(xrf2) =	vadd.scan.msk.f32 $0xffff, v4;
	v4, _, _ =	vpop (xrf2)  }
0x37f: {  	v10 =	vld [tilespmem:s17+$0xFFFFFF80];
	v4 =	vmax.f32 v4, $-5.000000000e+00  }
0x380: {  	(xrf2) =	vadd.scan.msk.f32 $0xffff, v6;
	v6 =	vld [tilespmem:s19+$0xFFFFFFC0];
	v4 =	vmin.f32 v4, $5.000000000e+00;
	_ =	sdelay $0x1  }
0x381: {  	v13 =	vld [tilespmem:s17+$0xFFFFFFC0]  }
0x382: {  	v11 =	vld [tilespmem:s8+$0x0];
	v5 =	vmul.f32 v5, v8;
	v12 =	vmul.f32 $1.442695020e+00, v4;
	v4 =	vpop (erf)  }
0x383: {  	v8 =	vld [tilespmem:s19+$0x0];
	v9 =	vmul.f32 v4, v9  }
0x384: {  	v5 =	vmul.f32 v10, v5;
	v6 =	vmul.f32 v6, v7  }
0x385: {  	v14, _, _ =	vpop (xrf2);
	v7 =	vld [tilespmem:s17+$0x0];
	v12 =	vbroadcast v12, $0xF;
	[tilespmem:s4+$0x60] =	vst v9  }
0x386: {  	v10 =	vmax.f32 v14, $-5.000000000e+00;
	(xrf2) =	vadd.scan.msk.f32 $0xffff, v5;
	v6 =	vmul.f32 v13, v6;
	v5 =	vld [tilespmem:s20+$0xA0]  }
0x387: {  	(erf) = vpow2.f32 v12;
	v9 =	vmin.f32 v10, $5.000000000e+00;
	v10 =	vld [tilespmem:s11+$0x60]  }
0x388: {  	v8 =	vmul.f32 v8, v11;
	v11, _, _ =	vpop (xrf2);
	v9 =	vmul.f32 $1.442695020e+00, v9  }
0x389: {  	v11 =	vmax.f32 v11, $-5.000000000e+00  }
0x38a: {  	(xrf2) =	vadd.scan.msk.f32 $0xffff, v6;
	v7 =	vmul.f32 v7, v8;
	v6, _, _ =	vpop (xrf2);
	v8 =	vmin.f32 v11, $5.000000000e+00;
	v9 =	vbroadcast v9, $0xF  }
0x38b: {  	v12 =	vld [tilespmem:s2+$0x60];
	v6 =	vmax.f32 v6, $-5.000000000e+00;
	v8 =	vmul.f32 $1.442695020e+00, v8  }
0x38c: {  	v6 =	vmin.f32 v6, $5.000000000e+00;
	(erf) = vpow2.f32 v9;
	v9 =	vld [tilespmem:s20+$0xFFFFFF50];
	v5 =	vmul.f32 v10, v5  }
0x38d: {  	(xrf2) =	vadd.scan.msk.f32 $0xffff, v7;
	v6 =	vmul.f32 $1.442695020e+00, v6  }
0x38e: {  	v7 =	vbroadcast v8, $0xF  }
0x38f: {  	v6 =	vbroadcast v6, $0xF  }
0x390: {  	(erf) = vpow2.f32 v7;
	v8 =	vmul.f32 v12, v5;
	v5 =	vpop (erf)  }
0x391: {  	v10 =	vld [tilespmem:s20+$0xFFFFFFD0];
	(erf) = vpow2.f32 v6;
	v6 =	vmul.f32 v5, v9  }
0x392: {  	v7, _, _ =	vpop (xrf2)  }
0x393: {  	v7 =	vmax.f32 v7, $-5.000000000e+00  }
0x394: {  	v7 =	vmin.f32 v7, $5.000000000e+00  }
0x395: {  	(xrf2) =	vadd.scan.msk.f32 $0xffff, v8;
	v7 =	vmul.f32 $1.442695020e+00, v7;
	[tilespmem:s4+$0xFFFFFF70] =	vst v6;
	v6 =	vpop (erf)  }
0x396: {  	v13, _, _ =	vpop (xrf2);
	v10 =	vmul.f32 v6, v10  }
0x397: {  	v14 =	vld [tilespmem:s8+$0xC0];
	v13 =	vmax.f32 v13, $-5.000000000e+00;
	v17, _, _ =	vpop (xrf2);
	v7 =	vbroadcast v7, $0xF  }
0x398: {  	v11 =	vld [tilespmem:s20+$0x50];
	v13 =	vmin.f32 v13, $5.000000000e+00;
	[tilespmem:s4+$0xFFFFFFC0] =	vst v10;
	v10 =	vmax.f32 v17, $-5.000000000e+00  }
0x399: {  	v8 =	vld [tilespmem:s8+$0xFFFFFF40];
	v13 =	vmul.f32 $1.442695020e+00, v13;
	(erf) = vpow2.f32 v7;
	v7 =	vmin.f32 v10, $5.000000000e+00  }
0x39a: {  	v15 =	vld [tilespmem:s20+$0xFFFFFF20]  }
0x39b: {  	v16 =	vld [tilespmem:s11+$0xFFFFFFA0];
	v13 =	vbroadcast v13, $0xF;
	v10 =	vpop (erf)  }
0x39c: {  	v18 =	vld [tilespmem:s2+$0xFFFFFFA0];
	v20 =	vmul.f32 $1.442695020e+00, v7;
	v7 =	vpop (erf)  }
0x39d: {  	v17 =	vld [tilespmem:s20+$0xFFFFFFA0];
	v22 =	vmul.f32 v7, v14  }
0x39e: {  	s16 =	simm.s32 $0xF000;
	v19 =	vld [tilespmem:s11+$0xFFFFFFE0];
	(erf) = vpow2.f32 v13  }
0x39f: {  	v21 =	vld [tilespmem:s2+$0xFFFFFFE0];
	v13, _, _ =	vpop (xrf2);
	v20 =	vbroadcast v20, $0xF;
	v11 =	vmul.f32 v10, v11;
	[tilespmem:s16+$0x50] =	vst v22  }
0x3a0: {  	v13 =	vmax.f32 v13, $-5.000000000e+00;
	v22 =	vld [tilespmem:s8+$0x90]  }
0x3a1: {  	v15 =	vmul.f32 v16, v15;
	v13 =	vmin.f32 v13, $5.000000000e+00;
	(erf) = vpow2.f32 v20;
	v16 =	vld [tilespmem:s19+$0x50]  }
0x3a2: {  	v12 =	vld [tilespmem:s8+$0x40];
	v13 =	vmul.f32 $1.442695020e+00, v13  }
0x3a3: {  	v9 =	vld [tilespmem:s8+$0xFFFFFFC0];
	v15 =	vmul.f32 v18, v15;
	[tilespmem:s4+$0x10] =	vst v11;
	v17 =	vmul.f32 v19, v17;
	v11 =	vpop (erf)  }
0x3a4: {  	v13 =	vbroadcast v13, $0xF;
	v18 =	vld [tilespmem:s17+$0x50];
	v8 =	vmul.f32 v11, v8  }
0x3a5: {  	v20 =	vld [tilespmem:s20+$0x20];
	v17 =	vmul.f32 v21, v17  }
0x3a6: {  	v19 =	vld [tilespmem:s11+$0x20];
	(erf) = vpow2.f32 v13;
	[tilespmem:s16+$0xFFFFFF60] =	vst v8;
	v8 =	vmul.f32 v16, v22  }
0x3a7: {  	(xrf2) =	vadd.scan.msk.f32 $0xffff, v15  }
0x3a8: {  	v21 =	vld [tilespmem:s2+$0x20];
	(xrf2) =	vadd.scan.msk.f32 $0xffff, v17;
	v13 =	vpop (erf)  }
0x3a9: {  	v9 =	vmul.f32 v13, v9;
	v18 =	vmul.f32 v18, v8  }
0x3aa: {  	v8 =	vpop (erf)  }
0x3ab: {  	[tilespmem:s16+$0xFFFFFFB0] =	vst v9;
	v9 =	vld [tilespmem:s20+$0xE0];
	(xrf2) =	vadd.scan.msk.f32 $0xffff, v18;
	v18 =	vmul.f32 v19, v20;
	v12 =	vmul.f32 v8, v12  }
0x3ac: {  	v17 =	vld [tilespmem:s19+$0xFFFFFF90]  }
0x3ad: {  	v16 =	vld [tilespmem:s8+$0xFFFFFF10];
	v18 =	vmul.f32 v21, v18;
	_ =	sdelay $0x1  }
0x3ae: {  	v20 =	vld [tilespmem:s17+$0xFFFFFF90];
	[tilespmem:s16+$0x0] =	vst v12;
	v12 =	vpop (erf)  }
0x3af: {  	v9 =	vmul.f32 v12, v9  }
0x3b0: {  	v22 =	vld [tilespmem:s8+$0xFFFFFF90];
	(xrf2) =	vadd.scan.msk.f32 $0xffff, v18;
	v18, _, _ =	vpop (xrf2)  }
0x3b1: {  	v19 =	vld [tilespmem:s19+$0xFFFFFFD0];
	v16 =	vmul.f32 v17, v16;
	[tilespmem:s4+$0x70] =	vst v9;
	v9 =	vmax.f32 v18, $-5.000000000e+00;
	v18, _, _ =	vpop (xrf2)  }
0x3b2: {  	v18 =	vmax.f32 v18, $-5.000000000e+00  }
0x3b3: {  	v17 =	vld [tilespmem:s17+$0xFFFFFFD0];
	v16 =	vmul.f32 v20, v16;
	v18 =	vmin.f32 v18, $5.000000000e+00;
	_ =	sdelay $0x1  }
0x3b4: {  	v21 =	vld [tilespmem:s8+$0x10];
	(xrf2) =	vadd.scan.msk.f32 $0xffff, v16  }
0x3b5: {  	v19 =	vmul.f32 v19, v22;
	v20 =	vld [tilespmem:s20+$0xB0];
	v16 =	vmul.f32 $1.442695020e+00, v18;
	v18, _, _ =	vpop (xrf2)  }
0x3b6: {  	v22 =	vld [tilespmem:s11+$0x70];
	v18 =	vmax.f32 v18, $-5.000000000e+00  }
0x3b7: {  	v24 =	vld [tilespmem:s19+$0x10];
	v17 =	vmul.f32 v17, v19;
	v9 =	vmin.f32 v9, $5.000000000e+00;
	v18 =	vmin.f32 v18, $5.000000000e+00  }
0x3b8: {  	v19 =	vld [tilespmem:s2+$0x70];
	v9 =	vmul.f32 $1.442695020e+00, v9;
	v18 =	vmul.f32 $1.442695020e+00, v18  }
0x3b9: {  	s12 =	simm.s32 $0x5320;
	v25 =	vld [tilespmem:s17+$0x10];
	(xrf2) =	vadd.scan.msk.f32 $0xffff, v17  }
0x3ba: {  	s21 =	simm.s32 $0x78A0;
	v17 =	vld [tilespmem:s12+$0x80];
	v9 =	vbroadcast v9, $0xF;
	v18 =	vbroadcast v18, $0xF  }
0x3bb: {  	v16 =	vbroadcast v16, $0xF;
	v20 =	vmul.f32 v22, v20;
	v22 =	vld [tilespmem:s21+$0x40]  }
0x3bc: {  	s1 =	simm.s32 $0x8CA0;
	v28 =	vld [tilespmem:s21+$0xFFFFFFC0];
	v21 =	vmul.f32 v24, v21;
	(erf) = vpow2.f32 v9;
	v24, _, _ =	vpop (xrf2)  }
0x3bd: {  	(erf) = vpow2.f32 v16;
	v16 =	vmax.f32 v24, $-5.000000000e+00;
	v19 =	vmul.f32 v19, v20;
	v20 =	vld [tilespmem:s1+$0x40]  }
0x3be: {  	v29 =	vld [tilespmem:s21+$0x0];
	v16 =	vmin.f32 v16, $5.000000000e+00;
	(erf) = vpow2.f32 v18;
	v18, _, _ =	vpop (xrf2)  }
0x3bf: {  	v30 =	vld [tilespmem:s12+$0xFFFFFF00];
	v21 =	vmul.f32 v25, v21;
	v16 =	vmul.f32 $1.442695020e+00, v16;
	v18 =	vmax.f32 v18, $-5.000000000e+00  }
0x3c0: {  	v32 =	vld [tilespmem:s1+$0xFFFFFF80];
	(xrf2) =	vadd.scan.msk.f32 $0xffff, v19;
	v17 =	vmul.f32 v22, v17;
	v18 =	vmin.f32 v18, $5.000000000e+00  }
0x3c1: {  	v33 =	vld [tilespmem:s1+$0xFFFFFFC0];
	v16 =	vbroadcast v16, $0xF;
	(xrf2) =	vadd.scan.msk.f32 $0xffff, v21  }
0x3c2: {  	v23 =	vld [tilespmem:s20+$0xFFFFFF60];
	v17 =	vmul.f32 v20, v17  }
0x3c3: {  	v14 =	vld [tilespmem:s20+$0xFFFFFFE0];
	(erf) = vpow2.f32 v16;
	v16 =	vmul.f32 $1.442695020e+00, v18;
	v18, _, _ =	vpop (xrf2)  }
0x3c4: {  	v24 =	vld [tilespmem:s21+$0xFFFFFF80];
	(xrf2) =	vadd.scan.msk.f32 $0xffff, v17;
	v17 =	vmax.f32 v18, $-5.000000000e+00  }
0x3c5: {  	v31 =	vld [tilespmem:s8+$0xD0];
	v17 =	vmin.f32 v17, $5.000000000e+00  }
0x3c6: {  	v34 =	vld [tilespmem:s1+$0x0];
	v19 =	vpop (erf);
	v17 =	vmul.f32 $1.442695020e+00, v17  }
0x3c7: {  	v25 =	vld [tilespmem:s12+$0xFFFFFF80];
	v20 =	vpop (erf);
	v16 =	vbroadcast v16, $0xF  }
0x3c8: {  	v22 =	vld [tilespmem:s12+$0x0];
	v23 =	vmul.f32 v19, v23;
	v14 =	vmul.f32 v20, v14  }
0x3c9: {  	v37 =	vld [tilespmem:s12+$0xC0];
	(erf) = vpow2.f32 v16;
	v21 =	vpop (erf);
	v16 =	vmul.f32 v24, v30  }
0x3ca: {  	v15 =	vld [tilespmem:s20+$0x60];
	[tilespmem:s4+$0xFFFFFF80] =	vst v23;
	v31 =	vmul.f32 v21, v31;
	v44 =	vbroadcast v17, $0xF;
	v17, _, _ =	vpop (xrf2)  }
0x3cb: {  	v26 =	vld [tilespmem:s8+$0xFFFFFF50];
	[tilespmem:s4+$0xFFFFFFD0] =	vst v14;
	v16 =	vmul.f32 v32, v16;
	v45, _, _ =	vpop (xrf2)  }
0x3cc: {  	v27 =	vld [tilespmem:s8+$0xFFFFFFD0];
	v25 =	vmul.f32 v28, v25;
	[tilespmem:s16+$0x60] =	vst v31;
	v30 =	vmax.f32 v45, $-5.000000000e+00  }
0x3cd: {  	v14 =	vmul.f32 v29, v22;
	(xrf2) =	vadd.scan.msk.f32 $0xffff, v16;
	v16 =	vld [tilespmem:s8+$0xA0];
	v23 =	vmax.f32 v17, $-5.000000000e+00;
	v22 =	vmin.f32 v30, $5.000000000e+00  }
0x3ce: {  	v46 =	vpop (erf);
	v47 =	vld [tilespmem:s19+$0x60];
	(erf) = vpow2.f32 v44;
	v23 =	vmin.f32 v23, $5.000000000e+00;
	v22 =	vmul.f32 $1.442695020e+00, v22  }
0x3cf: {  	v9 =	vld [tilespmem:s8+$0x50];
	v48, _, _ =	vpop (xrf2);
	v23 =	vmul.f32 $1.442695020e+00, v23  }
0x3d0: {  	v25 =	vmul.f32 v33, v25;
	v28 =	vld [tilespmem:s20+$0xFFFFFF30];
	v15 =	vmul.f32 v46, v15;
	v30 =	vmax.f32 v48, $-5.000000000e+00  }
0x3d1: {  	v29 =	vld [tilespmem:s11+$0xFFFFFFB0];
	v14 =	vmul.f32 v34, v14;
	v30 =	vmin.f32 v30, $5.000000000e+00;
	v23 =	vbroadcast v23, $0xF  }
0x3d2: {  	[tilespmem:s4+$0x20] =	vst v15;
	(xrf2) =	vadd.scan.msk.f32 $0xffff, v25;
	v25 =	vld [tilespmem:s17+$0x60];
	v30 =	vmul.f32 $1.442695020e+00, v30;
	v15 =	vbroadcast v22, $0xF;
	v22 =	vpop (erf)  }
0x3d3: {  	v55 =	vld [tilespmem:s2+$0xFFFFFFB0];
	(xrf2) =	vadd.scan.msk.f32 $0xffff, v14;
	v14 =	vmul.f32 v47, v16;
	v26 =	vmul.f32 v22, v26  }
0x3d4: {  	v18 =	vld [tilespmem:s12+$0xFFFFFFC0];
	(erf) = vpow2.f32 v23;
	v16 =	vbroadcast v30, $0xF  }
0x3d5: {  	v49 =	vld [tilespmem:s11+$0xFFFFFFF0]  }
0x3d6: {  	v57 =	vld [tilespmem:s2+$0xFFFFFFF0];
	(erf) = vpow2.f32 v15  }
0x3d7: {  	v24 =	vld [tilespmem:s12+$0xFFFFFF40];
	v14 =	vmul.f32 v25, v14;
	[tilespmem:s16+$0xFFFFFF70] =	vst v26;
	v26 =	vpop (erf);
	(erf) = vpow2.f32 v16  }
0x3d8: {  	v15 =	vld [tilespmem:s8+$0xFFFFFF20];
	v16, _, _ =	vpop (xrf2)  }
0x3d9: {  	(xrf2) =	vadd.scan.msk.f32 $0xffff, v14;
	v52 =	vld [tilespmem:s19+$0xFFFFFFA0];
	v14 =	vmax.f32 v16, $-5.000000000e+00  }
0x3da: {  	v50 =	vld [tilespmem:s20+$0x30];
	v27 =	vmul.f32 v26, v27;
	v14 =	vmin.f32 v14, $5.000000000e+00  }
0x3db: {  	v51 =	vld [tilespmem:s11+$0x30];
	v14 =	vmul.f32 $1.442695020e+00, v14  }
0x3dc: {  	v35 =	vld [tilespmem:s17+$0xFFFFFFA0];
	v16, _, _ =	vpop (xrf2);
	[tilespmem:s16+$0xFFFFFFC0] =	vst v27  }
0x3dd: {  	v38 =	vpop (erf);
	v27 =	vld [tilespmem:s8+$0xFFFFFFA0];
	v14 =	vbroadcast v14, $0xF  }
0x3de: {  	v16 =	vmax.f32 v16, $-5.000000000e+00;
	v36 =	vld [tilespmem:s19+$0xFFFFFFE0];
	v30 =	vmul.f32 v52, v15;
	v15, _, _ =	vpop (xrf2)  }
0x3df: {  	v2 =	vnsel vm0, $0x0, v2;
	v59 =	vld [tilespmem:s2+$0x30];
	v16 =	vmin.f32 v16, $5.000000000e+00;
	v42 =	vpop (erf);
	(erf) = vpow2.f32 v14  }
0x3e0: {  	v3 =	vnsel vm0, $0x0, v3;
	v39 =	vld [tilespmem:s17+$0xFFFFFFE0];
	v40 =	vmul.f32 $1.442695020e+00, v16;
	v41 =	vmax.f32 v15, $-5.000000000e+00;
	v56 =	vpop (erf)  }
0x3e1: {  	v0 =	vnsel vm0, $0x0, v0;
	v17 =	vld [tilespmem:s12+$0x40];
	v54 =	vmin.f32 v41, $5.000000000e+00;
	v37 =	vmul.f32 v56, v37  }
0x3e2: {  	v2 =	vsel vm1, v2, v4;
	s11 =	simm.s32 $0xF140;
	v25 =	vld [tilespmem:s20+$0xF0];
	v53 =	vbroadcast v40, $0xF;
	v4 =	vmul.f32 $1.442695020e+00, v54  }
0x3e3: {  	v3 =	vsel vm1, v3, v5;
	v23 =	vld [tilespmem:s20+$0xFFFFFFB0];
	v58, _, _ =	vpop (xrf2);
	v14 =	vmul.f32 v35, v30;
	v27 =	vmul.f32 v36, v27;
	[tilespmem:s11+$0x50] =	vst v37  }
0x3e4: {  	v30 =	vmax.f32 v58, $-5.000000000e+00;
	(erf) = vpow2.f32 v53;
	v4 =	vbroadcast v4, $0xF;
	v60 =	vld [tilespmem:s12+$0x90]  }
0x3e5: {  	v43 =	vmul.f32 v42, v9;
	(xrf2) =	vadd.scan.msk.f32 $0xffff, v14;
	v5 =	vmul.f32 v39, v27;
	v27 =	vmin.f32 v30, $5.000000000e+00;
	v14 =	vld [tilespmem:s21+$0x50]  }
0x3e6: {  	v1 =	vnsel vm0, $0x0, v1;
	v16 =	vld [tilespmem:s8+$0xFFFFFF60];
	(erf) = vpow2.f32 v4;
	v4 =	vmul.f32 $1.442695020e+00, v27  }
0x3e7: {  	v0 =	vsel vm1, v0, v6;
	v6 =	vsel vm1, v1, v10;
	v27 =	vmul.f32 v29, v28;
	(xrf2) =	vadd.scan.msk.f32 $0xffff, v5;
	v10 =	vld [tilespmem:s1+$0x50]  }
0x3e8: {  	v15 =	vld [tilespmem:s8+$0xFFFFFFE0];
	[tilespmem:s16+$0x10] =	vst v43;
	v28 =	vsel vm2, v2, v12;
	v12 =	vmul.f32 v49, v23;
	v4 =	vbroadcast v4, $0xF;
	v29 =	vpop (erf)  }
0x3e9: {  	v1 =	vsel vm2, v3, v19;
	v5 =	vld [tilespmem:s8+$0x20];
	v23 =	vmul.f32 v55, v27;
	v3 =	vmul.f32 v29, v24  }
0x3ea: {  	v27 =	vld [tilespmem:s19+$0x20];
	(erf) = vpow2.f32 v4;
	v4 =	vmul.f32 v14, v60  }
0x3eb: {  	v9 =	vld [tilespmem:s20+$0xFFFFFF70]  }
0x3ec: {  	v19 =	vld [tilespmem:s17+$0x20];
	v2 =	vsel vm2, v0, v20;
	v0 =	vnsel vm0, $0x0, v7;
	v10 =	vmul.f32 v10, v4  }
0x3ed: {  	v11 =	vnsel vm0, $0x0, v11;
	v20 =	vsel vm1, v0, v21;
	v7 =	vmul.f32 v57, v12;
	v12 =	vld [tilespmem:s20+$0xFFFFFFF0];
	[tilespmem:s11+$0xFFFFFF60] =	vst v3;
	v3 =	vpop (erf)  }
0x3ee: {  	v0 =	vsel vm2, v6, v46;
	v6 =	vnsel vm0, $0x0, v13;
	(xrf2) =	vadd.scan.msk.f32 $0xffff, v23;
	v21 =	vld [tilespmem:s12+$0xFFFFFF10];
	v18 =	vmul.f32 v3, v18  }
0x3ef: {  	v8 =	vnsel vm0, $0x0, v8;
	v6 =	vsel vm1, v6, v26;
	(xrf2) =	vadd.scan.msk.f32 $0xffff, v7;
	v5 =	vmul.f32 v27, v5;
	v7 =	vld [tilespmem:s21+$0xFFFFFF90];
	v13 =	vpop (erf)  }
0x3f0: {  	v4 =	vsel vm1, v11, v22;
	v11 =	vmul.f32 v51, v50;
	(xrf2) =	vadd.scan.msk.f32 $0xffff, v10;
	[tilespmem:s11+$0xFFFFFFB0] =	vst v18;
	v18 =	vld [tilespmem:s8+$0xE0];
	v10, _, _ =	vpop (xrf2)  }
0x3f1: {  	v26 =	vld [tilespmem:s1+$0xFFFFFF90];
	v5 =	vmul.f32 v19, v5;
	v17 =	vmul.f32 v13, v17;
	v10 =	vmax.f32 v10, $-5.000000000e+00;
	v19, _, _ =	vpop (xrf2)  }
0x3f2: {  	v22 =	vmul.f32 v38, v25;
	v23 =	vld [tilespmem:s12+$0xFFFFFF90];
	v10 =	vmin.f32 v10, $5.000000000e+00;
	v19 =	vmax.f32 v19, $-5.000000000e+00  }
0x3f3: {  	v25 =	vld [tilespmem:s21+$0xFFFFFFD0];
	[tilespmem:s11+$0x0] =	vst v17;
	v17 =	vmul.f32 v59, v11;
	v11 =	vmul.f32 $1.442695020e+00, v10;
	v10 =	vmin.f32 v19, $5.000000000e+00  }
0x3f4: {  	(xrf2) =	vadd.scan.msk.f32 $0xffff, v5;
	v27 =	vpop (erf);
	v5 =	vsel vm1, v8, v42;
	v62 =	vld [tilespmem:s1+$0xFFFFFFD0];
	v8 =	vmul.f32 $1.442695020e+00, v10  }
0x3f5: {  	v24 =	vsel vm3, v28, v38;
	v28 =	vld [tilespmem:s21+$0x10];
	v18 =	vmul.f32 v27, v18;
	v61 =	vbroadcast v11, $0xF  }
0x3f6: {  	v19 =	vld [tilespmem:s12+$0x10];
	v8 =	vbroadcast v8, $0xF  }
0x3f7: {  	v21 =	vmul.f32 v7, v21;
	[tilespmem:s16+$0x70] =	vst v18;
	v18 =	vld [tilespmem:s1+$0x10];
	(erf) = vpow2.f32 v61  }
0x3f8: {  	v11 =	vsel vm2, v20, v27;
	v20, _, _ =	vpop (xrf2);
	v23 =	vmul.f32 v25, v23;
	v27 =	vld [tilespmem:s8+$0xB0]  }
0x3f9: {  	v20 =	vmax.f32 v20, $-5.000000000e+00;
	v25 =	vmul.f32 v26, v21;
	(erf) = vpow2.f32 v8;
	v26 =	vld [tilespmem:s19+$0x70]  }
0x3fa: {  	v14 =	vld [tilespmem:s8+$0x60];
	v7 =	vnsel vm0, $0x0, v29;
	v10 =	vnsel vm0, $0x0, v56;
	v20 =	vmin.f32 v20, $5.000000000e+00;
	v8, _, _ =	vpop (xrf2)  }
0x3fb: {  	v29 =	vmul.f32 $1.442695020e+00, v20;
	v20 =	vld [tilespmem:s12+$0xFFFFFF50];
	v19 =	vmul.f32 v28, v19;
	(xrf2) =	vadd.scan.msk.f32 $0xffff, v25;
	v8 =	vmax.f32 v8, $-5.000000000e+00;
	v21, _, _ =	vpop (xrf2)  }
0x3fc: {  	[tilespmem:s4+$0x90] =	vst v24;
	v28 =	vmul.f32 v62, v23;
	v23 =	vld [tilespmem:s17+$0x70];
	v8 =	vmin.f32 v8, $5.000000000e+00;
	v24 =	vmax.f32 v21, $-5.000000000e+00  }
0x3fd: {  	[tilespmem:s4+$0x80] =	vst v22;
	v21 =	vmul.f32 v18, v19;
	v19 =	vld [tilespmem:s12+$0xFFFFFFD0];
	v22 =	vmul.f32 $1.442695020e+00, v8;
	v63 =	vmin.f32 v24, $5.000000000e+00  }
0x3fe: {  	s25 =	simm.s32 $0x5520;
	s22 =	simm.s32 $0x78A0;
	(xrf2) =	vadd.scan.msk.f32 $0xffff, v28;
	v18 =	vld [tilespmem:s12+$0x50];
	v8 =	vnsel vm0, $0x0, v3;
	v24 =	vbroadcast v29, $0xF;
	v26 =	vmul.f32 v26, v27  }
0x3ff: {  	s24 =	simm.s32 $0x8;
	s2 =	simm.s32 $0x8CA0;
	v3 =	vnsel vm0, $0x0, v13;
	v27, _, _ =	vpop (xrf2);
	v13 =	vld [tilespmem:s20+$0x70];
	s20 =	simm.s32 $0xF140;
	v25 =	vmul.f32 $1.442695020e+00, v63;
	v22 =	vbroadcast v22, $0xF  }
.LBB2_8:
0x400: {  	v28 =	vld [tilespmem:s25+$0x80];
	s21 =	sadd.s32 $0x100, s21;
	v27 =	vmax.f32 v27, $-5.000000000e+00;
	v29 =	vpop (erf);
	(erf) = vpow2.f32 v24  }
0x401: {  	v24 =	vld [tilespmem:s21+$0x40];
	v25 =	vbroadcast v25, $0xF;
	v27 =	vmin.f32 v27, $5.000000000e+00;
	v23 =	vmul.f32 v23, v26  }
0x402: {  	s1 =	sadd.s32 $0x100, s1;
	v16 =	vmul.f32 v29, v16;
	v4 =	vsel vm2, v4, v29;
	v26 =	vld [tilespmem:s21+$0xFFFFFF80];
	v31 =	vmul.f32 $1.442695020e+00, v27;
	v29 =	vpop (erf)  }
0x403: {  	v30 =	vld [tilespmem:s1+$0x40];
	(erf) = vpow2.f32 v25;
	v15 =	vmul.f32 v29, v15;
	v6 =	vsel vm2, v6, v29;
	(xrf2) =	vadd.scan.msk.f32 $0xffff, v23  }
0x404: {  	v23 =	vld [tilespmem:s25+$0xFFFFFF80];
	[tilespmem:s16+$0xFFFFFF80] =	vst v16;
	v16 =	vbroadcast v31, $0xF  }
0x405: {  	s24 =	sadd.s32 $0x4, s24;
	v25 =	vld [tilespmem:s21+$0xFFFFFFC0];
	v27, _, _ =	vpop (xrf2);
	[tilespmem:s16+$0xFFFFFFD0] =	vst v15;
	(erf) = vpow2.f32 v22  }
0x406: {  	p0 =	slt.u32 s24, $0x4C;
	v15 =	vld [tilespmem:s25+$0x0];
	v22 =	vmul.f32 v24, v28;
	v24 =	vmax.f32 v27, $-5.000000000e+00;
	(xrf2) =	vadd.scan.msk.f32 $0xffff, v21;
	(erf) = vpow2.f32 v16  }
0x407: {  	v16 =	vld [tilespmem:s21+$0x0];
	v21 =	vmin.f32 v24, $5.000000000e+00  }
0x408: {  	v24 =	vld [tilespmem:s25+$0xFFFFFF00];
	v22 =	vmul.f32 v30, v22;
	v21 =	vmul.f32 $1.442695020e+00, v21;
	v27, _, _ =	vpop (xrf2)  }
0x409: {  	v27 =	vmax.f32 v27, $-5.000000000e+00;
	v28 =	vld [tilespmem:s12+$0xD0];
	v29 =	vpop (erf)  }
0x40a: {  	v30 =	vld [tilespmem:s1+$0xFFFFFF80];
	v25 =	vmul.f32 v25, v23;
	(xrf2) =	vadd.scan.msk.f32 $0xffff, v22;
	v21 =	vbroadcast v21, $0xF;
	v22 =	vmin.f32 v27, $5.000000000e+00  }
0x40b: {  	v31 =	vmul.f32 v29, v9;
	v23 =	vsel vm3, v1, v29;
	v1 =	vmovc v4;
	v27 =	vld [tilespmem:s1+$0xFFFFFFC0];
	v22 =	vmul.f32 $1.442695020e+00, v22  }
0x40c: {  	v4 =	vld [tilespmem:s1+$0x0];
	v15 =	vmul.f32 v16, v15;
	(erf) = vpow2.f32 v21;
	v16 =	vpop (erf);
	[tilespmem:s4+$0xFFFFFFA0] =	vst v23  }
0x40d: {  	v32 =	vmul.f32 v26, v24;
	v24 =	vld [tilespmem:s25+$0xFFFFFF40];
	v29 =	vbroadcast v22, $0xF;
	v21 =	vsel vm1, v10, v16;
	v10, _, _ =	vpop (xrf2);
	(xrf2) =	vadd.scan.msk.f32 $0xffff, v17  }
0x40e: {  	v23 =	vld [tilespmem:s25+$0xFFFFFFC0];
	v28 =	vmul.f32 v16, v28;
	v10 =	vmax.f32 v10, $-5.000000000e+00;
	[tilespmem:s4+$0xFFFFFF90] =	vst v31;
	v9 =	vpop (erf)  }
0x40f: {  	v17 =	vmul.f32 v30, v32;
	v22 =	vld [tilespmem:s25+$0x40];
	(erf) = vpow2.f32 v29;
	v10 =	vmin.f32 v10, $5.000000000e+00;
	v26 =	vpop (erf)  }
0x410: {  	v27 =	vmul.f32 v27, v25;
	[tilespmem:s11+$0x60] =	vst v28;
	v16, _, _ =	vpop (xrf2);
	v28 =	vld [tilespmem:s8+$0xFFFFFF30];
	v25 =	vsel vm2, v5, v26;
	v5 =	vmul.f32 $1.442695020e+00, v10  }
0x411: {  	v14 =	vmul.f32 v26, v14;
	v10 =	vmul.f32 v4, v15;
	(xrf2) =	vadd.scan.msk.f32 $0xffff, v17;
	v4 =	vmax.f32 v16, $-5.000000000e+00;
	v15 =	vld [tilespmem:s12+$0xA0]  }
0x412: {  	v12 =	vmul.f32 v9, v12;
	v4 =	vmin.f32 v4, $5.000000000e+00;
	v16 =	vld [tilespmem:s22+$0x60];
	v5 =	vbroadcast v5, $0xF  }
0x413: {  	v9 =	vsel vm3, v2, v9;
	v2 =	vmov v6;
	v26 =	vmul.f32 $1.442695020e+00, v4;
	v17 =	vld [tilespmem:s19+$0xFFFFFFB0];
	[tilespmem:s16+$0x20] =	vst v14  }
0x414: {  	(xrf2) =	vadd.scan.msk.f32 $0xffff, v27;
	v6, _, _ =	vpop (xrf2);
	v14 =	vld [tilespmem:s2+$0x60];
	(erf) = vpow2.f32 v5;
	[tilespmem:s4+$0xFFFFFFE0] =	vst v12  }
0x415: {  	v5 =	vmax.f32 v6, $-5.000000000e+00;
	v12 =	vbroadcast v26, $0xF;
	v4 =	vpop (erf);
	v26 =	vld [tilespmem:s8+$0xFFFFFFB0];
	[tilespmem:s4+$0xFFFFFFF0] =	vst v9  }
0x416: {  	v5 =	vmin.f32 v5, $5.000000000e+00;
	v20 =	vmul.f32 v4, v20;
	v4 =	vsel vm1, v7, v4;
	v7 =	vld [tilespmem:s19+$0xFFFFFFF0]  }
0x417: {  	v5 =	vmul.f32 $1.442695020e+00, v5;
	(xrf2) =	vadd.scan.msk.f32 $0xffff, v10;
	v9 =	vmul.f32 v16, v15;
	v10 =	vld [tilespmem:s8+$0x30];
	v15, _, _ =	vpop (xrf2)  }
0x418: {  	[tilespmem:s11+$0xFFFFFF70] =	vst v20;
	v6 =	vpop (erf);
	v17 =	vmul.f32 v17, v28;
	v16 =	vld [tilespmem:s19+$0x30];
	v15 =	vmax.f32 v15, $-5.000000000e+00;
	s19 =	smov.u32 s22;
	s22 =	smov.u32 s21  }
0x419: {  	v5 =	vbroadcast v5, $0xF;
	v9 =	vmul.f32 v14, v9;
	v14 =	vld [tilespmem:s8+$0xF0];
	v15 =	vmin.f32 v15, $5.000000000e+00  }
0x41a: {  	v19 =	vmul.f32 v6, v19;
	v6 =	vsel vm1, v8, v6;
	v20 =	vld [tilespmem:s12+$0xFFFFFF20];
	(erf) = vpow2.f32 v12  }
0x41b: {  	v8, _, _ =	vpop (xrf2);
	(erf) = vpow2.f32 v5;
	v5 =	vld [tilespmem:s19+$0xFFFFFFA0];
	(xrf2) =	vadd.scan.msk.f32 $0xffff, v9;
	v7 =	vmul.f32 v7, v26  }
0x41c: {  	v12 =	vmul.f32 $1.442695020e+00, v15;
	v8 =	vmax.f32 v8, $-5.000000000e+00;
	v9 =	vld [tilespmem:s2+$0xFFFFFFA0];
	[tilespmem:s11+$0xFFFFFFC0] =	vst v19  }
0x41d: {  	v8 =	vmin.f32 v8, $5.000000000e+00;
	v19 =	vld [tilespmem:s12+$0xFFFFFFA0];
	v26 =	vmul.f32 v16, v10;
	v10 =	vpop (erf)  }
0x41e: {  	v8 =	vmul.f32 $1.442695020e+00, v8;
	v15, _, _ =	vpop (xrf2);
	v27 =	vld [tilespmem:s19+$0xFFFFFFE0];
	v16 =	vmul.f32 v10, v14;
	v10 =	vsel vm3, v11, v10  }
0x41f: {  	v11 =	vmax.f32 v15, $-5.000000000e+00;
	v28 =	vld [tilespmem:s2+$0xFFFFFFE0];
	[tilespmem:s16+$0x90] =	vst v10;
	v10 =	vbroadcast v12, $0xF  }
0x420: {  	v8 =	vbroadcast v8, $0xF;
	v11 =	vmin.f32 v11, $5.000000000e+00;
	v12 =	vld [tilespmem:s25+$0xC0];
	v5 =	vmul.f32 v5, v20;
	[tilespmem:s16+$0x80] =	vst v16  }
0x421: {  	v11 =	vmul.f32 $1.442695020e+00, v11;
	v14, _, _ =	vpop (xrf2);
	v16 =	vld [tilespmem:s12+$0xFFFFFF60];
	(erf) = vpow2.f32 v10  }
0x422: {  	v14 =	vmax.f32 v14, $-5.000000000e+00;
	(erf) = vpow2.f32 v8;
	v29 =	vmul.f32 v9, v5;
	v15 =	vld [tilespmem:s12+$0xFFFFFFE0]  }
0x423: {  	v9 =	vbroadcast v11, $0xF;
	v5 =	vmin.f32 v14, $5.000000000e+00;
	v11 =	vmul.f32 v27, v19;
	v10 =	vpop (erf);
	v14 =	vld [tilespmem:s17+$0xFFFFFFB0]  }
0x424: {  	v19 =	vmul.f32 $1.442695020e+00, v5;
	v20 =	vpop (erf);
	v18 =	vmul.f32 v10, v18;
	v5 =	vsel vm1, v3, v10;
	v3 =	vld [tilespmem:s17+$0xFFFFFFF0]  }
0x425: {  	v12 =	vmul.f32 v20, v12;
	v10 =	vnsel vm0, $0x0, v20;
	(erf) = vpow2.f32 v9;
	(xrf2) =	vadd.scan.msk.f32 $0xffff, v29;
	v8, _, _ =	vpop (xrf2);
	v20 =	vld [tilespmem:s17+$0x30];
	s17 =	smov.u32 s2;
	s2 =	smov.u32 s1  }
0x426: {  	s11 =	sadd.s32 $0x140, s11;
	v11 =	vmul.f32 v28, v11;
	v19 =	vbroadcast v19, $0xF;
	[tilespmem:s20+$0x10] =	vst v18;
	v8 =	vmax.f32 v8, $-5.000000000e+00;
	v9 =	vld [tilespmem:s8+$0xFFFFFF70]  }
0x427: {  	[tilespmem:s11+$0x50] =	vst v12;
	v18 =	vld [tilespmem:s12+$0x20];
	v8 =	vmin.f32 v8, $5.000000000e+00  }
0x428: {  	v12 =	vld [tilespmem:s25+$0x90];
	(erf) = vpow2.f32 v19;
	v8 =	vmul.f32 $1.442695020e+00, v8;
	(xrf2) =	vadd.scan.msk.f32 $0xffff, v11  }
0x429: {  	v14 =	vmul.f32 v14, v17;
	v11 =	vld [tilespmem:s21+$0x50];
	v3 =	vmul.f32 v3, v7  }
0x42a: {  	v19 =	vld [tilespmem:s19+$0x20];
	v8 =	vbroadcast v8, $0xF;
	v17 =	vmul.f32 v20, v26;
	v7 =	vpop (erf)  }
0x42b: {  	v20 =	vld [tilespmem:s1+$0x50];
	v26 =	vpop (erf);
	v13 =	vmul.f32 v7, v13;
	v27 =	vsel vm3, v0, v7;
	v0 =	vmov v25  }
0x42c: {  	v24 =	vmul.f32 v26, v24;
	v7 =	vnsel vm0, $0x0, v26;
	v25 =	vld [tilespmem:s17+$0x20];
	(erf) = vpow2.f32 v8;
	(xrf2) =	vadd.scan.msk.f32 $0xffff, v14  }
0x42d: {  	v14 =	vld [tilespmem:s12+$0x60];
	[tilespmem:s4+$0x30] =	vst v13  }
0x42e: {  	[tilespmem:s11+$0xFFFFFF60] =	vst v24;
	v11 =	vmul.f32 v11, v12;
	v8 =	vpop (erf);
	v12 =	vld [tilespmem:s8+$0xFFFFFFF0]  }
0x42f: {  	v13 =	vld [tilespmem:s25+$0xFFFFFF10];
	v23 =	vmul.f32 v8, v23;
	v8 =	vnsel vm0, $0x0, v8;
	v18 =	vmul.f32 v19, v18;
	v19, _, _ =	vpop (xrf2);
	(xrf2) =	vadd.scan.msk.f32 $0xffff, v3  }
0x430: {  	v24 =	vld [tilespmem:s21+$0xFFFFFF90];
	v11 =	vmul.f32 v20, v11;
	v3 =	vmax.f32 v19, $-5.000000000e+00;
	[tilespmem:s4+$0x40] =	vst v27;
	s4 =	smov.u32 s16;
	s16 =	smov.u32 s20;
	s20 =	smov.u32 s11  }
0x431: {  	[tilespmem:s11+$0xFFFFFFB0] =	vst v23;
	v19 =	vpop (erf);
	v20 =	vmin.f32 v3, $5.000000000e+00;
	v18 =	vmul.f32 v25, v18;
	v23 =	vld [tilespmem:s12+$0xE0]  }
0x432: {  	v25 =	vld [tilespmem:s25+$0xFFFFFF90];
	v22 =	vmul.f32 v19, v22;
	v3 =	vnsel vm0, $0x0, v19;
	(xrf2) =	vadd.scan.msk.f32 $0xffff, v11;
	v28 =	vmul.f32 $1.442695020e+00, v20;
	v19, _, _ =	vpop (xrf2)  }
0x433: {  	v20 =	vld [tilespmem:s21+$0xFFFFFFD0];
	v19 =	vmax.f32 v19, $-5.000000000e+00  }
0x434: {  	v26 =	vld [tilespmem:s1+$0xFFFFFF90];
	[tilespmem:s11+$0x0] =	vst v22;
	v22 =	vbroadcast v28, $0xF;
	v27 =	vmin.f32 v19, $5.000000000e+00  }
0x435: {  	v13 =	vmul.f32 v24, v13;
	v19 =	vld [tilespmem:s25+$0x10];
	v24 =	vmul.f32 $1.442695020e+00, v27;
	(xrf2) =	vadd.scan.msk.f32 $0xffff, v18;
	v11 =	vpop (erf)  }
0x436: {  	v18 =	vld [tilespmem:s21+$0x10];
	v23 =	vmul.f32 v11, v23;
	v11 =	vsel vm2, v21, v11;
	v21, _, _ =	vpop (xrf2)  }
0x437: {  	v27 =	vld [tilespmem:s1+$0xFFFFFFD0];
	v24 =	vbroadcast v24, $0xF;
	(erf) = vpow2.f32 v22;
	v28 =	vmax.f32 v21, $-5.000000000e+00  }
0x438: {  	v22 =	vmul.f32 v20, v25;
	v25 =	vld [tilespmem:s1+$0x10];
	[tilespmem:s16+$0x70] =	vst v23;
	v20 =	vmin.f32 v28, $5.000000000e+00  }
0x439: {  	v13 =	vmul.f32 v26, v13;
	v26 =	vld [tilespmem:s12+$0xB0];
	(erf) = vpow2.f32 v24;
	v21, _, _ =	vpop (xrf2)  }
0x43a: {  	v24 =	vmul.f32 $1.442695020e+00, v20;
	v28 =	vld [tilespmem:s19+$0x70];
	v21 =	vmax.f32 v21, $-5.000000000e+00  }
.Ltmp3:
0x43b: {  	v20 =	vld [tilespmem:s25+$0xFFFFFF50];
	v18 =	vmul.f32 v18, v19;
	(xrf2) =	vadd.scan.msk.f32 $0xffff, v13;
	v13 =	vmin.f32 v21, $5.000000000e+00;
	(pc) =	sbr.rel @p0 .LBB2_8-.Ltmp3, $4  }
0x43c: {  	v22 =	vmul.f32 v27, v22;
	v27, _, _ =	vpop (xrf2);
	v23 =	vld [tilespmem:s17+$0x70];
	v13 =	vmul.f32 $1.442695020e+00, v13  }
0x43d: {  	v24 =	vbroadcast v24, $0xF;
	v19 =	vld [tilespmem:s25+$0xFFFFFFD0];
	v21 =	vmul.f32 v25, v18;
	v25 =	vmax.f32 v27, $-5.000000000e+00  }
0x43e: {  	v18 =	vld [tilespmem:s25+$0x50];
	v25 =	vmin.f32 v25, $5.000000000e+00;
	(xrf2) =	vadd.scan.msk.f32 $0xffff, v22;
	v22 =	vbroadcast v13, $0xF  }
0x43f: {  	v25 =	vmul.f32 $1.442695020e+00, v25;
	v26 =	vmul.f32 v28, v26;
	v27, _, _ =	vpop (xrf2);
	v13 =	vld [tilespmem:s8+$0x70];
	s8 =	smov.u32 s12;
	s12 =	smov.u32 s25;
	s25 =	sadd.s32 $0x200, s25  }
0x440: {  	_ = 	snop  }
0x441: {  	v23 =	vmul.f32 v23, v26;
	_ =	sdelay $0x1  }
0x442: {  	(xrf2) =	vadd.scan.msk.f32 $0xffff, v23;
	_ =	sdelay $0x1  }
0x443: {  	(xrf2) =	vadd.scan.msk.f32 $0xffff, v21;
	_ =	sdelay $0x1  }
0x444: {  	v46 =	vbroadcast v25, $0xF;
	v48, _, _ =	vpop (xrf2)  }
0x445: {  	v47 =	vmax.f32 v27, $-5.000000000e+00;
	(erf) = vpow2.f32 v24;
	v49 =	vmax.f32 v48, $-5.000000000e+00  }
0x446: {  	v23 =	vmin.f32 v47, $5.000000000e+00;
	(erf) = vpow2.f32 v46;
	v21 =	vmin.f32 v49, $5.000000000e+00  }
0x447: {  	v23 =	vmul.f32 $1.442695020e+00, v23;
	v21 =	vmul.f32 $1.442695020e+00, v21  }
0x448: {  	v50, _, _ =	vpop (xrf2)  }
0x449: {  	v23 =	vbroadcast v23, $0xF;
	v24 =	vmax.f32 v50, $-5.000000000e+00;
	v21 =	vbroadcast v21, $0xF  }
0x44a: {  	(erf) = vpow2.f32 v22;
	v24 =	vmin.f32 v24, $5.000000000e+00;
	v52, _, _ =	vpop (xrf2)  }
0x44b: {  	v51 =	vld [tilespmem:s12+$0xD0];
	v22 =	vpop (erf);
	(erf) = vpow2.f32 v23;
	v24 =	vmul.f32 $1.442695020e+00, v24;
	v23 =	vmax.f32 v52, $-5.000000000e+00  }
0x44c: {  	v53, _, _ =	vpop (xrf2);
	v23 =	vmin.f32 v23, $5.000000000e+00  }
0x44d: {  	(erf) = vpow2.f32 v21;
	v24 =	vbroadcast v24, $0xF;
	v21 =	vpop (erf)  }
0x44e: {  	v16 =	vmul.f32 v22, v16;
	v54 =	vmax.f32 v53, $-5.000000000e+00;
	v25 =	vpop (erf)  }
0x44f: {  	(erf) = vpow2.f32 v24;
	v55 =	vmul.f32 $1.442695020e+00, v23;
	v27 =	vmin.f32 v54, $5.000000000e+00;
	v23 =	vpop (erf)  }
0x450: {  	v27 =	vmul.f32 $1.442695020e+00, v27;
	v26 =	vmul.f32 v23, v51  }
0x451: {  	v24 =	vbroadcast v55, $0xF  }
0x452: {  	[tilespmem:s16+$0xFFFFFF80] =	vst v16;
	v56 =	vbroadcast v27, $0xF  }
0x453: {  	v57 =	vld [tilespmem:s8+$0xFFFFFF30];
	v15 =	vmul.f32 v21, v15;
	(erf) = vpow2.f32 v24  }
0x454: {  	v30 =	vld [tilespmem:s19+$0xFFFFFFB0];
	[tilespmem:s11+$0x60] =	vst v26;
	(erf) = vpow2.f32 v56;
	v26 =	vpop (erf)  }
0x455: {  	v39 =	vld [tilespmem:s17+$0xFFFFFFB0];
	[tilespmem:s16+$0xFFFFFFD0] =	vst v15;
	v16 =	vpop (erf)  }
0x456: {  	v32 =	vld [tilespmem:s8+$0xFFFFFFB0];
	v24 =	vpop (erf)  }
0x457: {  	v28 =	vld [tilespmem:s12+$0xA0];
	v20 =	vmul.f32 v24, v20  }
0x458: {  	v29 =	vld [tilespmem:s22+$0x60];
	v15 =	vpop (erf)  }
0x459: {  	v31 =	vld [tilespmem:s2+$0x60];
	v19 =	vmul.f32 v15, v19;
	[tilespmem:s11+$0xFFFFFF70] =	vst v20  }
0x45a: {  	v34 =	vld [tilespmem:s12+$0xFFFFFF20]  }
0x45b: {  	v35 =	vld [tilespmem:s22+$0xFFFFFFA0]  }
0x45c: {  	[tilespmem:s11+$0xFFFFFFC0] =	vst v19;
	v38 =	vld [tilespmem:s2+$0xFFFFFFA0];
	v20 =	vpop (erf)  }
0x45d: {  	v36 =	vld [tilespmem:s12+$0xFFFFFFA0];
	v19 =	vpop (erf)  }
0x45e: {  	v28 =	vmul.f32 v29, v28;
	v37 =	vld [tilespmem:s22+$0xFFFFFFE0];
	v18 =	vmul.f32 v19, v18  }
0x45f: {  	v33 =	vld [tilespmem:s19+$0xFFFFFFF0]  }
0x460: {  	v59 =	vmul.f32 v31, v28;
	v58 =	vld [tilespmem:s2+$0xFFFFFFE0];
	[tilespmem:s20+$0x10] =	vst v18  }
0x461: {  	(xrf2) =	vadd.scan.msk.f32 $0xffff, v17;
	v60 =	vmul.f32 v35, v34;
	v61 =	vld [tilespmem:s12+$0x20]  }
0x462: {  	(xrf2) =	vadd.scan.msk.f32 $0xffff, v59;
	v63 =	vld [tilespmem:s22+$0x20]  }
0x463: {  	v62 =	vmul.f32 v37, v36;
	v36 =	vld [tilespmem:s17+$0xFFFFFFF0];
	v35 =	vmul.f32 v38, v60  }
0x464: {  	v27 =	vmul.f32 v30, v57;
	v37 =	vld [tilespmem:s2+$0x20]  }
0x465: {  	v17 =	vmul.f32 v58, v62;
	(xrf2) =	vadd.scan.msk.f32 $0xffff, v35  }
0x466: {  	v40 =	vmul.f32 v39, v27;
	v38 =	vmul.f32 v33, v32  }
0x467: {  	(xrf2) =	vadd.scan.msk.f32 $0xffff, v17;
	v41 =	vmul.f32 v63, v61  }
0x468: {  	v18 =	vmul.f32 v36, v38;
	(xrf2) =	vadd.scan.msk.f32 $0xffff, v40  }
0x469: {  	v42 =	vmul.f32 v37, v41  }
0x46a: {  	(xrf2) =	vadd.scan.msk.f32 $0xffff, v18  }
0x46b: {  	v43, _, _ =	vpop (xrf2);
	(xrf2) =	vadd.scan.msk.f32 $0xffff, v42  }
0x46c: {  	v17 =	vmax.f32 v43, $-5.000000000e+00;
	v44, _, _ =	vpop (xrf2)  }
0x46d: {  	v17 =	vmin.f32 v17, $5.000000000e+00;
	v18 =	vmax.f32 v44, $-5.000000000e+00  }
0x46e: {  	v17 =	vmul.f32 $1.442695020e+00, v17;
	v18 =	vmin.f32 v18, $5.000000000e+00  }
0x46f: {  	v18 =	vmul.f32 $1.442695020e+00, v18;
	v45, _, _ =	vpop (xrf2)  }
0x470: {  	v17 =	vbroadcast v17, $0xF;
	v27 =	vmax.f32 v45, $-5.000000000e+00  }
0x471: {  	v14 =	vmul.f32 v16, v14;
	v18 =	vbroadcast v18, $0xF;
	v46, _, _ =	vpop (xrf2);
	v27 =	vmin.f32 v27, $5.000000000e+00  }
0x472: {  	(erf) = vpow2.f32 v17;
	v48, _, _ =	vpop (xrf2);
	v27 =	vmul.f32 $1.442695020e+00, v27  }
0x473: {  	(erf) = vpow2.f32 v18;
	v28 =	vmax.f32 v46, $-5.000000000e+00;
	v50 =	vmax.f32 v48, $-5.000000000e+00  }
0x474: {  	v28 =	vmin.f32 v28, $5.000000000e+00;
	v51, _, _ =	vpop (xrf2);
	v49 =	vbroadcast v27, $0xF;
	v27 =	vmin.f32 v50, $5.000000000e+00  }
0x475: {  	v47 =	vmul.f32 $1.442695020e+00, v28;
	v28 =	vmax.f32 v51, $-5.000000000e+00;
	v52, _, _ =	vpop (xrf2);
	v27 =	vmul.f32 $1.442695020e+00, v27  }
0x476: {  	v28 =	vmin.f32 v28, $5.000000000e+00;
	v29 =	vmax.f32 v52, $-5.000000000e+00;
	(erf) = vpow2.f32 v49  }
0x477: {  	v17 =	vbroadcast v47, $0xF;
	v53 =	vmul.f32 $1.442695020e+00, v28;
	v54 =	vmin.f32 v29, $5.000000000e+00  }
0x478: {  	v57 =	vld [tilespmem:s12+$0xE0];
	v27 =	vbroadcast v27, $0xF;
	v28 =	vmul.f32 $1.442695020e+00, v54  }
0x479: {  	[tilespmem:s16+$0x20] =	vst v14;
	(erf) = vpow2.f32 v17;
	v55 =	vbroadcast v53, $0xF  }
0x47a: {  	v14 =	vld [tilespmem:s19+$0x30];
	(erf) = vpow2.f32 v27;
	v56 =	vbroadcast v28, $0xF  }
0x47b: {  	v58 =	vld [tilespmem:s12+$0xFFFFFF60];
	v18 =	vpop (erf);
	(erf) = vpow2.f32 v55  }
0x47c: {  	v59 =	vld [tilespmem:s12+$0xFFFFFFE0];
	(erf) = vpow2.f32 v56;
	v28 =	vpop (erf)  }
0x47d: {  	v60 =	vld [tilespmem:s12+$0x60];
	v17 =	vmul.f32 v28, v57  }
0x47e: {  	v62 =	vld [tilespmem:s8+$0x30]  }
0x47f: {  	v61 =	vld [tilespmem:s17+$0x30];
	v31 =	vpop (erf);
	[tilespmem:s20+$0x70] =	vst v17  }
0x480: {  	v63 =	vld [tilespmem:s12+$0xB0];
	v27 =	vmul.f32 v31, v58  }
0x481: {  	v44 =	vld [tilespmem:s22+$0x70]  }
0x482: {  	v33 =	vpop (erf);
	v45 =	vld [tilespmem:s2+$0x70];
	[tilespmem:s20+$0xFFFFFF80] =	vst v27  }
0x483: {  	v29 =	vmul.f32 v33, v59;
	v17 =	vpop (erf);
	v47 =	vld [tilespmem:s22+$0xFFFFFFB0]  }
0x484: {  	v36 =	vpop (erf);
	v40 =	vld [tilespmem:s12+$0xFFFFFF30]  }
0x485: {  	[tilespmem:s20+$0xFFFFFFD0] =	vst v29;
	v52 =	vld [tilespmem:s2+$0xFFFFFFB0];
	v38 =	vpop (erf)  }
0x486: {  	v48 =	vld [tilespmem:s22+$0xFFFFFFF0];
	v46 =	vmul.f32 v38, v60  }
0x487: {  	v50 =	vld [tilespmem:s12+$0xFFFFFFB0];
	v35 =	vmul.f32 v44, v63  }
0x488: {  	v14 =	vmul.f32 v14, v62;
	v53 =	vld [tilespmem:s2+$0xFFFFFFF0];
	[tilespmem:s20+$0x20] =	vst v46  }
0x489: {  	v35 =	vmul.f32 v45, v35;
	v49 =	vld [tilespmem:s22+$0x30]  }
0x48a: {  	v14 =	vmul.f32 v61, v14;
	v51 =	vld [tilespmem:s12+$0x30]  }
0x48b: {  	v55 =	vmul.f32 v47, v40;
	(xrf2) =	vadd.scan.msk.f32 $0xffff, v35  }
0x48c: {  	v54 =	vld [tilespmem:s2+$0x30];
	v27 =	vmul.f32 v48, v50;
	(xrf2) =	vadd.scan.msk.f32 $0xffff, v14  }
0x48d: {  	v14 =	vmul.f32 v52, v55  }
0x48e: {  	v27 =	vmul.f32 v53, v27  }
0x48f: {  	(xrf2) =	vadd.scan.msk.f32 $0xffff, v14;
	v56 =	vmul.f32 v49, v51  }
0x490: {  	(xrf2) =	vadd.scan.msk.f32 $0xffff, v27  }
0x491: {  	v57 =	vmul.f32 v54, v56;
	_ =	sdelay $0x1  }
0x492: {  	(xrf2) =	vadd.scan.msk.f32 $0xffff, v57;
	_ =	sdelay $0x1  }
0x493: {  	v58, _, _ =	vpop (xrf2)  }
0x494: {  	v59, _, _ =	vpop (xrf2);
	v14 =	vmax.f32 v58, $-5.000000000e+00  }
0x495: {  	v14 =	vmin.f32 v14, $5.000000000e+00;
	v27 =	vmax.f32 v59, $-5.000000000e+00  }
0x496: {  	v9 =	vmul.f32 v25, v9;
	v14 =	vmul.f32 $1.442695020e+00, v14;
	v27 =	vmin.f32 v27, $5.000000000e+00  }
0x497: {  	v1 =	vsel vm3, v1, v25;
	v12 =	vmul.f32 v26, v12;
	v60, _, _ =	vpop (xrf2);
	v27 =	vmul.f32 $1.442695020e+00, v27  }
0x498: {  	v2 =	vsel vm3, v2, v26;
	v25 =	vmax.f32 v60, $-5.000000000e+00;
	v62, _, _ =	vpop (xrf2);
	v14 =	vbroadcast v14, $0xF  }
0x499: {  	[tilespmem:s4+$0xFFFFFFA0] =	vst v1;
	v39 =	vld [tilespmem:s8+$0xFFFFFFF0];
	v29 =	vmin.f32 v25, $5.000000000e+00;
	v30 =	vmax.f32 v62, $-5.000000000e+00;
	v61 =	vbroadcast v27, $0xF  }
0x49a: {  	[tilespmem:s4+$0xFFFFFF90] =	vst v9;
	v37 =	vld [tilespmem:s8+$0xFFFFFF70];
	v32 =	vmul.f32 $1.442695020e+00, v29;
	v34 =	vmin.f32 v30, $5.000000000e+00;
	(erf) = vpow2.f32 v14  }
0x49b: {  	[tilespmem:s4+$0xFFFFFFF0] =	vst v2;
	v13 =	vmul.f32 v18, v13;
	v0 =	vsel vm3, v0, v18;
	v14 =	vmul.f32 $1.442695020e+00, v34;
	v35, _, _ =	vpop (xrf2)  }
0x49c: {  	[tilespmem:s4+$0xFFFFFFE0] =	vst v12;
	v63 =	vld [tilespmem:s8+$0xF0];
	(erf) = vpow2.f32 v61;
	v9 =	vbroadcast v32, $0xF;
	v25 =	vmax.f32 v35, $-5.000000000e+00  }
0x49d: {  	v4 =	vsel vm2, v4, v22;
	[tilespmem:s4+$0x40] =	vst v0;
	v40 =	vbroadcast v14, $0xF;
	v25 =	vmin.f32 v25, $5.000000000e+00  }
0x49e: {  	[tilespmem:s4+$0x30] =	vst v13;
	v4 =	vsel vm3, v4, v17;
	(erf) = vpow2.f32 v9;
	v41 =	vmul.f32 $1.442695020e+00, v25  }
0x49f: {  	v43 =	vsel vm3, v11, v20;
	[tilespmem:s16+$0xFFFFFFA0] =	vst v4;
	v2 =	vmul.f32 v36, v39;
	v44 =	vld [tilespmem:s12+$0xF0];
	v47 =	vmul.f32 v17, v37  }
0x4a0: {  	[tilespmem:s16+$0x90] =	vst v43;
	(erf) = vpow2.f32 v40;
	v45 =	vbroadcast v41, $0xF  }
0x4a1: {  	[tilespmem:s16+$0xFFFFFFE0] =	vst v2;
	v46 =	vld [tilespmem:s8+$0x70];
	v48 =	vsel vm2, v6, v21;
	v42 =	vmul.f32 v20, v63  }
0x4a2: {  	[tilespmem:s16+$0xFFFFFF90] =	vst v47;
	v4 =	vsel vm3, v48, v36;
	v49 =	vsel vm1, v10, v23;
	(erf) = vpow2.f32 v45  }
0x4a3: {  	[tilespmem:s16+$0xFFFFFFF0] =	vst v4;
	v51 =	vld [tilespmem:s12+$0xFFFFFF70];
	v6 =	vsel vm2, v49, v28;
	v50 =	vpop (erf)  }
0x4a4: {  	[tilespmem:s16+$0x80] =	vst v42;
	v1 =	vmul.f32 v50, v44;
	v0 =	vsel vm3, v6, v50  }
0x4a5: {  	v5 =	vsel vm2, v5, v16;
	v53 =	vld [tilespmem:s12+$0xFFFFFFF0];
	v52 =	vpop (erf);
	[tilespmem:s20+$0x90] =	vst v0  }
0x4a6: {  	v7 =	vsel vm1, v7, v24;
	v54 =	vmul.f32 v52, v46;
	v4 =	vsel vm3, v5, v52;
	[tilespmem:s20+$0x80] =	vst v1  }
0x4a7: {  	v55 =	vld [tilespmem:s12+$0x70];
	v56 =	vsel vm2, v7, v31;
	v57 =	vpop (erf);
	[tilespmem:s16+$0x40] =	vst v4  }
0x4a8: {  	v59 =	vsel vm1, v8, v15;
	[tilespmem:s16+$0x30] =	vst v54;
	v2 =	vmul.f32 v57, v51;
	v0 =	vsel vm3, v56, v57  }
0x4a9: {  	v4 =	vsel vm2, v59, v33;
	v58 =	vpop (erf);
	[tilespmem:s20+$0xFFFFFFA0] =	vst v0  }
0x4aa: {  	v3 =	vsel vm1, v3, v19;
	v60 =	vmul.f32 v58, v53;
	v1 =	vsel vm3, v4, v58;
	[tilespmem:s20+$0xFFFFFF90] =	vst v2  }
0x4ab: {  	v3 =	vsel vm2, v3, v38;
	[tilespmem:s20+$0xFFFFFFF0] =	vst v1;
	v61 =	vpop (erf)  }
0x4ac: {  	[tilespmem:s20+$0xFFFFFFE0] =	vst v60;
	v62 =	vmul.f32 v61, v55;
	v63 =	vsel vm3, v3, v61  }
0x4ad: {  	[tilespmem:s20+$0x40] =	vst v63  }
0x4ae: {  	s1 =	simm.s32 $0x4DD0;
	[tilespmem:s20+$0x30] =	vst v62  }
0x4af: {  	[spmem:s3] =	stream.indirect.scatter.add.f32 [tilespmem:s9], [sflag:$0x3], $0x50, s1, s23, $0xb8;
	[tilespmem:$0x1E820] =	vst v63  }
0x4b0: {  	_ =	swait.ge [sflag:s18], $0x1900  }
0x4b1: {  	[sflag:s18] =	ssyncset.done $0x0  }
0x4b2: {  	[sflag:s18] =	ssyncadd.s32 $0xFFFFE700  }
0x4b3: {  	[bflag:$0x0] =	sbarrier.arrive $0xFFFF  }
0x4b4: {  	s11 =	rddreg [dreg:$0x7]  }
0x4b5: {  	s12 =	rddreg [dreg:$0x8]  }
0x4b6: {  	s17 =	rddreg [dreg:$0xc]  }
0x4b7: {  	s19 =	rddreg [dreg:$0xd];
	s16 =	sadd.s32 s12, s11  }
0x4b8: {  	s21 =	simm.s32 $0xA;
	s20 =	simm.s32 $0x10;
	[dreg:$0xf] =	wrdreg s16  }
0x4b9: {  	[hbm:s16@s20], [sflag:s17] =	dma.strided [spmem:s19@s21], $0x1900, s0, $0xa   }
0x4ba: {  	_ =	swait.ge [sflag:s18], $0x1900  }
0x4bb: {  	[sflag:s18] =	ssyncset.done $0x0  }
0x4bc: {  	s22 =	rddreg [dreg:$0x4];
	[sflag:s18] =	ssyncadd.s32 $0xFFFFE700  }
0x4bd: {  	[spmem:s19], [sflag:s17] =	dma.local [hbm:s22], $0x1900  }
0x4be: {  	_ =	swait.ge [sflag:s18], $0x1900  }
0x4bf: {  	[sflag:s18] =	ssyncset.done $0x0  }
0x4c0: {  	[sflag:s18] =	ssyncadd.s32 $0xFFFFE700  }
0x4c1: {  	s24 =	simm.s32 $0x4E20;
	s17 =	simm.s32 $0x0;
	[bflag:$0x0] =	sbarrier.arrive $0xFFFF  }
0x4c2: {  	[tilespmem:s24], [sflag:$0x1] =	stream.indirect.gather [hbm4b:s14+s23], $0x80, s17, s23, $0xb8;
	[tilespmem:$0x1E820] =	vst v63  }
0x4c3: {  	s25 =	simm.s32 $0x2710;
	s29 =	simm.s32 $0x7620  }
0x4c4: {  	[tilespmem:s29], [sflag:$0x1] =	stream.indirect.gather [hbm4b:s15+s23], $0x40, s25, s23, $0xb8;
	[tilespmem:$0x1E820] =	vst v63  }
0x4c5: {  	s31 =	simm.s32 $0x8A20;
	s30 =	rddreg [dreg:$0x9]  }
0x4c6: {  	[tilespmem:s31], [sflag:$0x1] =	stream.strided.gather [hbm4b:s30+s26], $0x1400, s28, s26, $0x38;
	[tilespmem:$0x1E820] =	vst v63  }
.LBB2_10:
0x4c7: {  	s20 =	smul.u32 $0xA0, s17;
	_ =	sdelay $0x1  }
0x4c8: {  	s2 =	simm.s32 $0x9E20;
	s1 =	sadd.s32 $0x50, s20  }
0x4c9: {  	[tilespmem:s2], [sflag:$0x2] =	stream.indirect.gather [hbm4b:s14+s23], $0x80, s1, s23, $0xb8;
	[tilespmem:$0x1E820] =	vst v63  }
0x4ca: {  	s1 =	sadd.s32 s5, s1  }
0x4cb: {  	s22 =	simm.s32 $0xC620;
	s19 =	sadd.s32 $0x2760, s20;
	s1 =	sshll.u32 s1, $0x4  }
0x4cc: {  	[tilespmem:s22], [sflag:$0x2] =	stream.indirect.gather [hbm4b:s15+s23], $0x40, s19, s23, $0xb8;
	[tilespmem:$0x1E820] =	vst v63  }
0x4cd: {  	s1 =	sand.u32 $0x1FFFFF00, s1  }
0x4ce: {  	s24 =	simm.s32 $0xDA20;
	s1 =	sadd.s32 s1, s13  }
0x4cf: {  	[tilespmem:s24], [sflag:$0x2] =	stream.strided.gather [hbm4b:s1+s26], $0x1400, s28, s26, $0x38;
	[tilespmem:$0x1E820] =	vst v63  }
0x4d0: {  	_ =	swait.ge [sflag:s0], $0x2800  }
0x4d1: {  	[sflag:s0] =	ssyncset.done $0x0  }
0x4d2: {  	[sflag:s0] =	ssyncadd.s32 $0xFFFFD800  }
0x4d3: {  	_ =	swait.ge [sflag:s0], $0x1400  }
0x4d4: {  	[sflag:s0] =	ssyncset.done $0x0  }
0x4d5: {  	[sflag:s0] =	ssyncadd.s32 $0xFFFFEC00  }
0x4d6: {  	_ =	swait.ge [sflag:s0], $0x1400  }
0x4d7: {  	[sflag:s0] =	ssyncset.done $0x0  }
0x4d8: {  	s30 =	simm.s32 $0x4F20;
	[sflag:s0] =	ssyncadd.s32 $0xFFFFEC00  }
0x4d9: {  	s11 =	simm.s32 $0x76A0;
	v0 =	vld [tilespmem:s30+$0x80]  }
0x4da: {  	v1 =	vld [tilespmem:s11+$0x40]  }
0x4db: {  	s25 =	simm.s32 $0x8AA0  }
0x4dc: {  	v2 =	vld [tilespmem:s25+$0x40];
	_ =	sdelay $0x2  }
0x4dd: {  	v0 =	vmul.f32 v1, v0;
	_ =	sdelay $0x1  }
0x4de: {  	v0 =	vmul.f32 v2, v0;
	_ =	sdelay $0x1  }
0x4df: {  	(xrf2) =	vadd.scan.msk.f32 $0xffff, v0;
	_ =	sdelay $0x2  }
0x4e0: {  	v1 =	vld [tilespmem:s30+$0xFFFFFF00]  }
0x4e1: {  	v0 =	vld [tilespmem:s11+$0xFFFFFF80];
	_ =	sdelay $0x1  }
0x4e2: {  	v2 =	vld [tilespmem:s25+$0xFFFFFF80]  }
0x4e3: {  	v3 =	vld [tilespmem:s30+$0xFFFFFF80]  }
0x4e4: {  	v4 =	vld [tilespmem:s11+$0xFFFFFFC0]  }
0x4e5: {  	v0 =	vmul.f32 v0, v1  }
0x4e6: {  	v7 =	vld [tilespmem:s25+$0xFFFFFFC0];
	v6, _, _ =	vpop (xrf2)  }
0x4e7: {  	v5 =	vld [tilespmem:s30+$0x0];
	v0 =	vmul.f32 v2, v0;
	v2 =	vmax.f32 v6, $-5.000000000e+00  }
0x4e8: {  	v1 =	vld [tilespmem:s11+$0x0];
	v2 =	vmin.f32 v2, $5.000000000e+00  }
0x4e9: {  	(xrf2) =	vadd.scan.msk.f32 $0xffff, v0;
	v0 =	vmul.f32 $1.442695020e+00, v2;
	v2 =	vmul.f32 v4, v3  }
0x4ea: {  	v6 =	vld [tilespmem:s25+$0x0]  }
0x4eb: {  	v0 =	vbroadcast v0, $0xF;
	v2 =	vmul.f32 v7, v2;
	_ =	sdelay $0x1  }
0x4ec: {  	v1 =	vmul.f32 v1, v5;
	(erf) = vpow2.f32 v0;
	(xrf2) =	vadd.scan.msk.f32 $0xffff, v2;
	_ =	sdelay $0x1  }
0x4ed: {  	v0 =	vmul.f32 v6, v1;
	_ =	sdelay $0x1  }
0x4ee: {  	(xrf2) =	vadd.scan.msk.f32 $0xffff, v0  }
0x4ef: {  	v0 =	vld [tilespmem:s30+$0xC0]  }
0x4f0: {  	v1, _, _ =	vpop (xrf2)  }
0x4f1: {  	v1 =	vmax.f32 v1, $-5.000000000e+00  }
0x4f2: {  	v1 =	vmin.f32 v1, $5.000000000e+00  }
0x4f3: {  	v1 =	vmul.f32 $1.442695020e+00, v1;
	v2 =	vpop (erf)  }
0x4f4: {  	v0 =	vmul.f32 v2, v0;
	v3, _, _ =	vpop (xrf2)  }
0x4f5: {  	s4 =	simm.s32 $0xEEC0;
	v1 =	vbroadcast v1, $0xF;
	v3 =	vmax.f32 v3, $-5.000000000e+00  }
0x4f6: {  	[tilespmem:s4+$0x50] =	vst v0  }
0x4f7: {  	(erf) = vpow2.f32 v1;
	v0 =	vmin.f32 v3, $5.000000000e+00;
	v1 =	vld [tilespmem:s30+$0x90]  }
0x4f8: {  	v0 =	vmul.f32 $1.442695020e+00, v0;
	v4 =	vld [tilespmem:s11+$0x50];
	v3, _, _ =	vpop (xrf2)  }
0x4f9: {  	v3 =	vmax.f32 v3, $-5.000000000e+00  }
0x4fa: {  	v5 =	vld [tilespmem:s25+$0x50];
	v0 =	vbroadcast v0, $0xF;
	v3 =	vmin.f32 v3, $5.000000000e+00  }
0x4fb: {  	v3 =	vmul.f32 $1.442695020e+00, v3  }
0x4fc: {  	v6 =	vld [tilespmem:s30+$0xFFFFFF40];
	(erf) = vpow2.f32 v0  }
0x4fd: {  	v1 =	vmul.f32 v4, v1;
	v0 =	vbroadcast v3, $0xF;
	_ =	sdelay $0x1  }
0x4fe: {  	(erf) = vpow2.f32 v0;
	v0 =	vmul.f32 v5, v1  }
0x4ff: {  	v3 =	vpop (erf)  }
0x500: {  	v4 =	vmul.f32 v3, v6;
	(xrf2) =	vadd.scan.msk.f32 $0xffff, v0  }
0x501: {  	v1 =	vld [tilespmem:s30+$0xFFFFFFC0]  }
0x502: {  	v5 =	vld [tilespmem:s30+$0x40];
	[tilespmem:s4+$0xFFFFFF60] =	vst v4  }
0x503: {  	v4 =	vld [tilespmem:s30+$0xFFFFFF10]  }
0x504: {  	v6 =	vld [tilespmem:s11+$0xFFFFFF90]  }
0x505: {  	v0 =	vpop (erf)  }
0x506: {  	v8 =	vld [tilespmem:s25+$0xFFFFFF90];
	v7 =	vmul.f32 v0, v1  }
0x507: {  	v1 =	vpop (erf)  }
0x508: {  	[tilespmem:s4+$0xFFFFFFB0] =	vst v7;
	v5 =	vmul.f32 v1, v5  }
0x509: {  	v7 =	vld [tilespmem:s30+$0xFFFFFF90];
	v4 =	vmul.f32 v6, v4  }
0x50a: {  	v9 =	vld [tilespmem:s11+$0xFFFFFFD0];
	[tilespmem:s4+$0x0] =	vst v5;
	v6, _, _ =	vpop (xrf2)  }
0x50b: {  	v4 =	vmul.f32 v8, v4;
	v5 =	vld [tilespmem:s30+$0x10];
	v6 =	vmax.f32 v6, $-5.000000000e+00  }
0x50c: {  	v8 =	vld [tilespmem:s11+$0x10];
	v6 =	vmin.f32 v6, $5.000000000e+00  }
0x50d: {  	v10 =	vld [tilespmem:s25+$0xFFFFFFD0];
	(xrf2) =	vadd.scan.msk.f32 $0xffff, v4;
	v4 =	vmul.f32 $1.442695020e+00, v6  }
0x50e: {  	s22 =	simm.s32 $0x77A0;
	v11 =	vld [tilespmem:s25+$0x10]  }
0x50f: {  	s8 =	simm.s32 $0x5120;
	v7 =	vmul.f32 v9, v7;
	v9 =	vld [tilespmem:s22+$0x40];
	v4 =	vbroadcast v4, $0xF  }
0x510: {  	v6 =	vld [tilespmem:s8+$0x80]  }
0x511: {  	s16 =	simm.s32 $0x8BA0;
	(erf) = vpow2.f32 v4;
	v4 =	vmul.f32 v8, v5  }
0x512: {  	v7 =	vmul.f32 v10, v7;
	v10 =	vld [tilespmem:s16+$0x40]  }
0x513: {  	v4 =	vmul.f32 v11, v4  }
0x514: {  	(xrf2) =	vadd.scan.msk.f32 $0xffff, v7;
	v7 =	vld [tilespmem:s8+$0xFFFFFF80]  }
0x515: {  	v5 =	vld [tilespmem:s22+$0xFFFFFF80];
	v6 =	vmul.f32 v9, v6  }
0x516: {  	v8 =	vld [tilespmem:s8+$0xFFFFFF00]  }
0x517: {  	v9 =	vld [tilespmem:s30+$0xD0];
	v6 =	vmul.f32 v10, v6;
	(xrf2) =	vadd.scan.msk.f32 $0xffff, v4;
	v4, _, _ =	vpop (xrf2)  }
0x518: {  	v10 =	vld [tilespmem:s16+$0xFFFFFF80];
	v4 =	vmax.f32 v4, $-5.000000000e+00  }
0x519: {  	(xrf2) =	vadd.scan.msk.f32 $0xffff, v6;
	v6 =	vld [tilespmem:s22+$0xFFFFFFC0];
	v4 =	vmin.f32 v4, $5.000000000e+00;
	_ =	sdelay $0x1  }
0x51a: {  	v13 =	vld [tilespmem:s16+$0xFFFFFFC0]  }
0x51b: {  	v11 =	vld [tilespmem:s8+$0x0];
	v5 =	vmul.f32 v5, v8;
	v12 =	vmul.f32 $1.442695020e+00, v4;
	v4 =	vpop (erf)  }
0x51c: {  	v8 =	vld [tilespmem:s22+$0x0];
	v9 =	vmul.f32 v4, v9  }
0x51d: {  	v5 =	vmul.f32 v10, v5;
	v6 =	vmul.f32 v6, v7  }
0x51e: {  	v14, _, _ =	vpop (xrf2);
	v7 =	vld [tilespmem:s16+$0x0];
	v12 =	vbroadcast v12, $0xF;
	[tilespmem:s4+$0x60] =	vst v9  }
0x51f: {  	v10 =	vmax.f32 v14, $-5.000000000e+00;
	(xrf2) =	vadd.scan.msk.f32 $0xffff, v5;
	v6 =	vmul.f32 v13, v6;
	v5 =	vld [tilespmem:s30+$0xA0]  }
0x520: {  	(erf) = vpow2.f32 v12;
	v9 =	vmin.f32 v10, $5.000000000e+00;
	v10 =	vld [tilespmem:s11+$0x60]  }
0x521: {  	v8 =	vmul.f32 v8, v11;
	v11, _, _ =	vpop (xrf2);
	v9 =	vmul.f32 $1.442695020e+00, v9  }
0x522: {  	v11 =	vmax.f32 v11, $-5.000000000e+00  }
0x523: {  	(xrf2) =	vadd.scan.msk.f32 $0xffff, v6;
	v7 =	vmul.f32 v7, v8;
	v6, _, _ =	vpop (xrf2);
	v8 =	vmin.f32 v11, $5.000000000e+00;
	v9 =	vbroadcast v9, $0xF  }
0x524: {  	v12 =	vld [tilespmem:s25+$0x60];
	v6 =	vmax.f32 v6, $-5.000000000e+00;
	v8 =	vmul.f32 $1.442695020e+00, v8  }
0x525: {  	v6 =	vmin.f32 v6, $5.000000000e+00;
	(erf) = vpow2.f32 v9;
	v9 =	vld [tilespmem:s30+$0xFFFFFF50];
	v5 =	vmul.f32 v10, v5  }
0x526: {  	(xrf2) =	vadd.scan.msk.f32 $0xffff, v7;
	v6 =	vmul.f32 $1.442695020e+00, v6  }
0x527: {  	v7 =	vbroadcast v8, $0xF  }
0x528: {  	v6 =	vbroadcast v6, $0xF  }
0x529: {  	(erf) = vpow2.f32 v7;
	v8 =	vmul.f32 v12, v5;
	v5 =	vpop (erf)  }
0x52a: {  	v10 =	vld [tilespmem:s30+$0xFFFFFFD0];
	(erf) = vpow2.f32 v6;
	v6 =	vmul.f32 v5, v9  }
0x52b: {  	v7, _, _ =	vpop (xrf2)  }
0x52c: {  	v7 =	vmax.f32 v7, $-5.000000000e+00  }
0x52d: {  	(xrf2) =	vadd.scan.msk.f32 $0xffff, v8;
	v7 =	vmin.f32 v7, $5.000000000e+00;
	v9, _, _ =	vpop (xrf2)  }
0x52e: {  	v7 =	vmul.f32 $1.442695020e+00, v7;
	v9 =	vmax.f32 v9, $-5.000000000e+00;
	[tilespmem:s4+$0xFFFFFF70] =	vst v6;
	v6 =	vpop (erf)  }
0x52f: {  	v9 =	vmin.f32 v9, $5.000000000e+00;
	v10 =	vmul.f32 v6, v10  }
0x530: {  	v13 =	vld [tilespmem:s8+$0xC0];
	v14, _, _ =	vpop (xrf2);
	v7 =	vbroadcast v7, $0xF;
	v9 =	vmul.f32 $1.442695020e+00, v9  }
0x531: {  	v11 =	vld [tilespmem:s30+$0x50];
	[tilespmem:s4+$0xFFFFFFC0] =	vst v10;
	v10 =	vmax.f32 v14, $-5.000000000e+00  }
0x532: {  	v12 =	vld [tilespmem:s30+$0xFFFFFF20];
	(erf) = vpow2.f32 v7;
	v7 =	vmin.f32 v10, $5.000000000e+00  }
0x533: {  	v15 =	vld [tilespmem:s11+$0xFFFFFFA0];
	v14 =	vbroadcast v9, $0xF  }
0x534: {  	v9 =	vpop (erf)  }
0x535: {  	v8 =	vld [tilespmem:s8+$0xFFFFFF40];
	v20 =	vmul.f32 $1.442695020e+00, v7;
	v7 =	vpop (erf)  }
0x536: {  	v18 =	vld [tilespmem:s25+$0xFFFFFFA0];
	v13 =	vmul.f32 v7, v13  }
0x537: {  	s21 =	simm.s32 $0xF000;
	v19 =	vld [tilespmem:s30+$0xFFFFFFA0];
	v11 =	vmul.f32 v9, v11;
	(erf) = vpow2.f32 v14;
	v14, _, _ =	vpop (xrf2)  }
0x538: {  	v10 =	vld [tilespmem:s11+$0xFFFFFFE0];
	v12 =	vmul.f32 v15, v12;
	v20 =	vbroadcast v20, $0xF;
	v23 =	vmax.f32 v14, $-5.000000000e+00;
	[tilespmem:s21+$0x50] =	vst v13  }
0x539: {  	v13 =	vmin.f32 v23, $5.000000000e+00;
	v23 =	vld [tilespmem:s8+$0x90]  }
0x53a: {  	[tilespmem:s4+$0x10] =	vst v11;
	(erf) = vpow2.f32 v20;
	v11 =	vld [tilespmem:s22+$0x50]  }
0x53b: {  	v16 =	vld [tilespmem:s8+$0xFFFFFFC0];
	v13 =	vmul.f32 $1.442695020e+00, v13  }
0x53c: {  	v21 =	vld [tilespmem:s25+$0xFFFFFFE0];
	v15 =	vmul.f32 v18, v12;
	v12 =	vpop (erf)  }
0x53d: {  	v17 =	vld [tilespmem:s8+$0x40];
	v8 =	vmul.f32 v12, v8;
	v13 =	vbroadcast v13, $0xF  }
0x53e: {  	v10 =	vmul.f32 v10, v19;
	v18 =	vld [tilespmem:s16+$0x50]  }
0x53f: {  	v20 =	vld [tilespmem:s30+$0x20];
	[tilespmem:s21+$0xFFFFFF60] =	vst v8;
	(erf) = vpow2.f32 v13;
	v8 =	vmul.f32 v11, v23  }
0x540: {  	v19 =	vld [tilespmem:s11+$0x20]  }
0x541: {  	(xrf2) =	vadd.scan.msk.f32 $0xffff, v15;
	v10 =	vmul.f32 v21, v10;
	v13 =	vpop (erf)  }
0x542: {  	v21 =	vld [tilespmem:s25+$0x20];
	v11 =	vmul.f32 v13, v16  }
0x543: {  	(xrf2) =	vadd.scan.msk.f32 $0xffff, v10;
	v10 =	vld [tilespmem:s8+$0xFFFFFF10];
	v18 =	vmul.f32 v18, v8;
	v8 =	vpop (erf)  }
0x544: {  	v23 =	vld [tilespmem:s30+$0xE0];
	[tilespmem:s21+$0xFFFFFFB0] =	vst v11;
	v11 =	vmul.f32 v8, v17  }
0x545: {  	v16 =	vld [tilespmem:s22+$0xFFFFFF90];
	v17 =	vmul.f32 v19, v20  }
0x546: {  	(xrf2) =	vadd.scan.msk.f32 $0xffff, v18;
	v24 =	vld [tilespmem:s8+$0xFFFFFF90]  }
0x547: {  	v18 =	vld [tilespmem:s22+$0xFFFFFFD0];
	v17 =	vmul.f32 v21, v17  }
0x548: {  	[tilespmem:s21+$0x0] =	vst v11;
	v11 =	vpop (erf)  }
0x549: {  	v19 =	vld [tilespmem:s16+$0xFFFFFF90];
	v23 =	vmul.f32 v11, v23  }
0x54a: {  	v10 =	vmul.f32 v16, v10;
	v16 =	vld [tilespmem:s16+$0xFFFFFFD0];
	(xrf2) =	vadd.scan.msk.f32 $0xffff, v17  }
0x54b: {  	v17, _, _ =	vpop (xrf2)  }
0x54c: {  	v20 =	vld [tilespmem:s8+$0x10];
	v18 =	vmul.f32 v18, v24;
	v17 =	vmax.f32 v17, $-5.000000000e+00  }
0x54d: {  	v21 =	vld [tilespmem:s22+$0x10];
	[tilespmem:s4+$0x70] =	vst v23;
	v17 =	vmin.f32 v17, $5.000000000e+00;
	v23, _, _ =	vpop (xrf2)  }
0x54e: {  	v10 =	vmul.f32 v19, v10;
	v19 =	vld [tilespmem:s30+$0xB0];
	v17 =	vmul.f32 $1.442695020e+00, v17;
	v23 =	vmax.f32 v23, $-5.000000000e+00  }
0x54f: {  	v16 =	vmul.f32 v16, v18;
	v24 =	vld [tilespmem:s11+$0x70];
	v23 =	vmin.f32 v23, $5.000000000e+00  }
0x550: {  	v25 =	vld [tilespmem:s16+$0x10];
	(xrf2) =	vadd.scan.msk.f32 $0xffff, v10;
	v18, _, _ =	vpop (xrf2);
	v17 =	vbroadcast v17, $0xF;
	v10 =	vmul.f32 $1.442695020e+00, v23  }
0x551: {  	s31 =	simm.s32 $0x78A0;
	v18 =	vmax.f32 v18, $-5.000000000e+00;
	v23 =	vld [tilespmem:s25+$0x70]  }
0x552: {  	s12 =	simm.s32 $0x5320;
	v29 =	vld [tilespmem:s31+$0x0];
	(erf) = vpow2.f32 v17;
	v28 =	vbroadcast v10, $0xF;
	v10 =	vmin.f32 v18, $5.000000000e+00  }
0x553: {  	(xrf2) =	vadd.scan.msk.f32 $0xffff, v16;
	v16 =	vld [tilespmem:s12+$0x80];
	v17 =	vmul.f32 v21, v20;
	v18 =	vmul.f32 $1.442695020e+00, v10  }
0x554: {  	v19 =	vmul.f32 v24, v19;
	v24 =	vld [tilespmem:s31+$0x40];
	v20, _, _ =	vpop (xrf2)  }
0x555: {  	s1 =	simm.s32 $0x8CA0;
	v30 =	vld [tilespmem:s12+$0xFFFFFF00];
	v20 =	vmax.f32 v20, $-5.000000000e+00;
	v17 =	vmul.f32 v25, v17;
	v18 =	vbroadcast v18, $0xF  }
0x556: {  	v21 =	vld [tilespmem:s1+$0x40];
	(erf) = vpow2.f32 v28;
	v20 =	vmin.f32 v20, $5.000000000e+00;
	v19 =	vmul.f32 v23, v19  }
0x557: {  	v32 =	vld [tilespmem:s1+$0xFFFFFF80];
	(erf) = vpow2.f32 v18;
	v18 =	vmul.f32 $1.442695020e+00, v20  }
0x558: {  	v33 =	vld [tilespmem:s1+$0xFFFFFFC0];
	(xrf2) =	vadd.scan.msk.f32 $0xffff, v19  }
0x559: {  	v25 =	vld [tilespmem:s12+$0xFFFFFF80];
	v16 =	vmul.f32 v24, v16;
	(xrf2) =	vadd.scan.msk.f32 $0xffff, v17;
	v18 =	vbroadcast v18, $0xF  }
0x55a: {  	v28 =	vld [tilespmem:s31+$0xFFFFFFC0];
	v19, _, _ =	vpop (xrf2)  }
0x55b: {  	v22 =	vld [tilespmem:s30+$0xFFFFFF60];
	v16 =	vmul.f32 v21, v16;
	v19 =	vmax.f32 v19, $-5.000000000e+00  }
0x55c: {  	v23 =	vld [tilespmem:s31+$0xFFFFFF80];
	v17 =	vmin.f32 v19, $5.000000000e+00  }
0x55d: {  	v14 =	vld [tilespmem:s30+$0xFFFFFFE0];
	(xrf2) =	vadd.scan.msk.f32 $0xffff, v16;
	(erf) = vpow2.f32 v18;
	v17 =	vmul.f32 $1.442695020e+00, v17;
	v18, _, _ =	vpop (xrf2)  }
0x55e: {  	v31 =	vld [tilespmem:s8+$0xD0];
	v16 =	vmax.f32 v18, $-5.000000000e+00  }
0x55f: {  	v34 =	vld [tilespmem:s1+$0x0];
	v25 =	vmul.f32 v28, v25;
	v19 =	vpop (erf);
	v17 =	vbroadcast v17, $0xF;
	v16 =	vmin.f32 v16, $5.000000000e+00  }
0x560: {  	v24 =	vld [tilespmem:s12+$0x0];
	v22 =	vmul.f32 v19, v22;
	v20 =	vpop (erf);
	v16 =	vmul.f32 $1.442695020e+00, v16  }
0x561: {  	v37 =	vld [tilespmem:s12+$0xC0];
	(erf) = vpow2.f32 v17;
	v21 =	vpop (erf);
	v17 =	vmul.f32 v23, v30  }
0x562: {  	v15 =	vld [tilespmem:s30+$0x60];
	v14 =	vmul.f32 v20, v14;
	v44, _, _ =	vpop (xrf2);
	v16 =	vbroadcast v16, $0xF  }
0x563: {  	v26 =	vld [tilespmem:s8+$0xFFFFFF50];
	[tilespmem:s4+$0xFFFFFF80] =	vst v22;
	v31 =	vmul.f32 v21, v31;
	v22 =	vmax.f32 v44, $-5.000000000e+00;
	v45 =	vmul.f32 v32, v17;
	v28, _, _ =	vpop (xrf2)  }
0x564: {  	v27 =	vld [tilespmem:s8+$0xFFFFFFD0];
	[tilespmem:s4+$0xFFFFFFD0] =	vst v14;
	v28 =	vmax.f32 v28, $-5.000000000e+00;
	(erf) = vpow2.f32 v16;
	v16 =	vmin.f32 v22, $5.000000000e+00  }
0x565: {  	v10 =	vld [tilespmem:s8+$0x50];
	v14 =	vmul.f32 v29, v24;
	[tilespmem:s21+$0x60] =	vst v31;
	v24 =	vmin.f32 v28, $5.000000000e+00;
	v16 =	vmul.f32 $1.442695020e+00, v16  }
0x566: {  	(xrf2) =	vadd.scan.msk.f32 $0xffff, v45;
	v46 =	vld [tilespmem:s8+$0xA0];
	v47 =	vpop (erf);
	v24 =	vmul.f32 $1.442695020e+00, v24  }
0x567: {  	v25 =	vmul.f32 v33, v25;
	v48 =	vld [tilespmem:s22+$0x60];
	v29, _, _ =	vpop (xrf2);
	v16 =	vbroadcast v16, $0xF  }
0x568: {  	v18 =	vld [tilespmem:s12+$0xFFFFFFC0];
	v15 =	vmul.f32 v47, v15;
	v29 =	vmax.f32 v29, $-5.000000000e+00  }
0x569: {  	v14 =	vmul.f32 v34, v14;
	(xrf2) =	vadd.scan.msk.f32 $0xffff, v25;
	v25 =	vld [tilespmem:s16+$0x60];
	(erf) = vpow2.f32 v16;
	v16 =	vmin.f32 v29, $5.000000000e+00  }
0x56a: {  	v23 =	vld [tilespmem:s12+$0xFFFFFF40];
	[tilespmem:s4+$0x20] =	vst v15;
	v15 =	vbroadcast v24, $0xF;
	v24 =	vpop (erf);
	v16 =	vmul.f32 $1.442695020e+00, v16  }
0x56b: {  	v55 =	vld [tilespmem:s25+$0xFFFFFFB0];
	v26 =	vmul.f32 v24, v26  }
0x56c: {  	v17 =	vld [tilespmem:s12+$0x40];
	(xrf2) =	vadd.scan.msk.f32 $0xffff, v14;
	v14 =	vmul.f32 v48, v46;
	v16 =	vbroadcast v16, $0xF  }
0x56d: {  	v49 =	vld [tilespmem:s30+$0xFFFFFFB0]  }
0x56e: {  	v57 =	vld [tilespmem:s25+$0xFFFFFFF0];
	(erf) = vpow2.f32 v15;
	v14 =	vmul.f32 v25, v14  }
0x56f: {  	v22 =	vld [tilespmem:s30+$0xFFFFFF30];
	[tilespmem:s21+$0xFFFFFF70] =	vst v26;
	v26 =	vpop (erf);
	(erf) = vpow2.f32 v16  }
0x570: {  	v15 =	vld [tilespmem:s8+$0xFFFFFF20];
	(xrf2) =	vadd.scan.msk.f32 $0xffff, v14;
	v16, _, _ =	vpop (xrf2)  }
0x571: {  	v52 =	vld [tilespmem:s22+$0xFFFFFFA0];
	v27 =	vmul.f32 v26, v27;
	v14 =	vmax.f32 v16, $-5.000000000e+00  }
0x572: {  	v28 =	vld [tilespmem:s11+$0xFFFFFFB0];
	v14 =	vmin.f32 v14, $5.000000000e+00  }
0x573: {  	v50 =	vld [tilespmem:s30+$0x30];
	[tilespmem:s21+$0xFFFFFFC0] =	vst v27;
	v14 =	vmul.f32 $1.442695020e+00, v14  }
0x574: {  	v16, _, _ =	vpop (xrf2);
	v27 =	vld [tilespmem:s8+$0xFFFFFFA0]  }
0x575: {  	v2 =	vnsel vm0, $0x0, v2;
	v36 =	vld [tilespmem:s22+$0xFFFFFFE0];
	v38 =	vpop (erf);
	v14 =	vbroadcast v14, $0xF  }
0x576: {  	v3 =	vnsel vm0, $0x0, v3;
	v35 =	vld [tilespmem:s16+$0xFFFFFFA0];
	v16 =	vmax.f32 v16, $-5.000000000e+00;
	v34 =	vmul.f32 v52, v15;
	v15, _, _ =	vpop (xrf2)  }
0x577: {  	v39 =	vld [tilespmem:s16+$0xFFFFFFE0];
	v16 =	vmin.f32 v16, $5.000000000e+00;
	v41 =	vmax.f32 v15, $-5.000000000e+00;
	v42 =	vpop (erf);
	(erf) = vpow2.f32 v14  }
0x578: {  	v51 =	vld [tilespmem:s11+$0x30];
	v40 =	vmul.f32 $1.442695020e+00, v16;
	v54 =	vmin.f32 v41, $5.000000000e+00;
	v43 =	vmul.f32 v42, v10;
	v56 =	vpop (erf)  }
0x579: {  	v2 =	vsel vm1, v2, v4;
	v59 =	vld [tilespmem:s25+$0x30];
	v4 =	vmul.f32 $1.442695020e+00, v54;
	v37 =	vmul.f32 v56, v37  }
0x57a: {  	v3 =	vsel vm1, v3, v5;
	v29 =	vld [tilespmem:s11+$0xFFFFFFF0];
	s11 =	simm.s32 $0xF140;
	v53 =	vbroadcast v40, $0xF;
	v27 =	vmul.f32 v36, v27;
	v58, _, _ =	vpop (xrf2)  }
0x57b: {  	v25 =	vld [tilespmem:s30+$0xF0];
	v14 =	vmul.f32 v35, v34;
	v4 =	vbroadcast v4, $0xF;
	v34 =	vmax.f32 v58, $-5.000000000e+00;
	[tilespmem:s11+$0x50] =	vst v37  }
0x57c: {  	(erf) = vpow2.f32 v53;
	v5 =	vmul.f32 v39, v27;
	v27 =	vmin.f32 v34, $5.000000000e+00;
	v60 =	vld [tilespmem:s12+$0x90]  }
0x57d: {  	[tilespmem:s21+$0x10] =	vst v43;
	(xrf2) =	vadd.scan.msk.f32 $0xffff, v14;
	(erf) = vpow2.f32 v4;
	v4 =	vmul.f32 $1.442695020e+00, v27;
	v14 =	vld [tilespmem:s31+$0x50]  }
0x57e: {  	v0 =	vnsel vm0, $0x0, v0;
	v1 =	vnsel vm0, $0x0, v1;
	v27 =	vld [tilespmem:s22+$0x20]  }
0x57f: {  	v0 =	vsel vm1, v0, v6;
	v6 =	vsel vm1, v1, v9;
	(xrf2) =	vadd.scan.msk.f32 $0xffff, v5;
	v1 =	vbroadcast v4, $0xF;
	v4 =	vld [tilespmem:s1+$0x50]  }
0x580: {  	v9 =	vsel vm2, v2, v11;
	v22 =	vmul.f32 v28, v22;
	v11 =	vmul.f32 v29, v49;
	v5 =	vld [tilespmem:s8+$0x20];
	v28 =	vpop (erf)  }
0x581: {  	v2 =	vsel vm2, v3, v19;
	v15 =	vld [tilespmem:s8+$0xFFFFFFE0];
	(erf) = vpow2.f32 v1;
	v3 =	vmul.f32 v28, v23  }
0x582: {  	v16 =	vld [tilespmem:s8+$0xFFFFFF60];
	v1 =	vsel vm2, v0, v20;
	v0 =	vnsel vm0, $0x0, v7;
	v7 =	vmul.f32 v14, v60  }
0x583: {  	v22 =	vmul.f32 v55, v22;
	v10 =	vld [tilespmem:s30+$0xFFFFFF70]  }
0x584: {  	v19 =	vld [tilespmem:s16+$0x20];
	v20 =	vsel vm1, v0, v21;
	v21 =	vmul.f32 v57, v11;
	v7 =	vmul.f32 v4, v7;
	[tilespmem:s11+$0xFFFFFF60] =	vst v3  }
0x585: {  	v12 =	vnsel vm0, $0x0, v12;
	v8 =	vnsel vm0, $0x0, v8;
	(xrf2) =	vadd.scan.msk.f32 $0xffff, v22;
	v5 =	vmul.f32 v27, v5;
	v22 =	vld [tilespmem:s12+$0xFFFFFF10];
	v3 =	vpop (erf)  }
0x586: {  	v0 =	vsel vm2, v6, v47;
	v6 =	vnsel vm0, $0x0, v13;
	(xrf2) =	vadd.scan.msk.f32 $0xffff, v21;
	v21 =	vld [tilespmem:s31+$0xFFFFFF90];
	v18 =	vmul.f32 v3, v18  }
0x587: {  	v13 =	vld [tilespmem:s8+$0xE0];
	v4 =	vsel vm1, v12, v24;
	v12 =	vmul.f32 v51, v50;
	v6 =	vsel vm1, v6, v26;
	v27 =	vpop (erf)  }
0x588: {  	(xrf2) =	vadd.scan.msk.f32 $0xffff, v7;
	v7, _, _ =	vpop (xrf2);
	v17 =	vmul.f32 v27, v17;
	[tilespmem:s11+$0xFFFFFFB0] =	vst v18;
	v18 =	vmul.f32 v38, v25;
	v25 =	vld [tilespmem:s1+$0xFFFFFF90]  }
0x589: {  	v24 =	vsel vm3, v9, v38;
	v5 =	vmul.f32 v19, v5;
	v7 =	vmax.f32 v7, $-5.000000000e+00;
	v9, _, _ =	vpop (xrf2);
	v23 =	vld [tilespmem:s12+$0xFFFFFF90]  }
0x58a: {  	v7 =	vmin.f32 v7, $5.000000000e+00;
	v9 =	vmax.f32 v9, $-5.000000000e+00;
	v19 =	vld [tilespmem:s31+$0xFFFFFFD0];
	[tilespmem:s11+$0x0] =	vst v17;
	v17 =	vmul.f32 v59, v12  }
0x58b: {  	v7 =	vmul.f32 $1.442695020e+00, v7;
	v9 =	vmin.f32 v9, $5.000000000e+00;
	v26 =	vpop (erf);
	v21 =	vmul.f32 v21, v22;
	v22 =	vld [tilespmem:s1+$0xFFFFFFD0]  }
0x58c: {  	(xrf2) =	vadd.scan.msk.f32 $0xffff, v5;
	v5 =	vsel vm1, v8, v42;
	v12 =	vld [tilespmem:s12+$0x10];
	v8 =	vmul.f32 $1.442695020e+00, v9;
	v61 =	vmul.f32 v26, v13  }
0x58d: {  	v29 =	vld [tilespmem:s31+$0x10];
	v62 =	vbroadcast v7, $0xF  }
0x58e: {  	v13 =	vsel vm2, v20, v26;
	v26 =	vld [tilespmem:s1+$0x10];
	v8 =	vbroadcast v8, $0xF;
	[tilespmem:s21+$0x70] =	vst v61  }
0x58f: {  	v7 =	vnsel vm0, $0x0, v28;
	(erf) = vpow2.f32 v62;
	v28 =	vld [tilespmem:s8+$0xB0]  }
0x590: {  	v20, _, _ =	vpop (xrf2);
	v25 =	vmul.f32 v25, v21;
	v30 =	vld [tilespmem:s22+$0x70]  }
0x591: {  	v14 =	vld [tilespmem:s8+$0x60];
	v20 =	vmax.f32 v20, $-5.000000000e+00;
	v19 =	vmul.f32 v19, v23;
	(erf) = vpow2.f32 v8  }
0x592: {  	v11 =	vld [tilespmem:s30+$0xFFFFFFF0];
	[tilespmem:s4+$0x80] =	vst v18;
	v20 =	vmin.f32 v20, $5.000000000e+00;
	v12 =	vmul.f32 v29, v12;
	v8, _, _ =	vpop (xrf2)  }
0x593: {  	v18 =	vld [tilespmem:s12+$0x50];
	v63 =	vmul.f32 $1.442695020e+00, v20;
	(xrf2) =	vadd.scan.msk.f32 $0xffff, v25;
	v22 =	vmul.f32 v22, v19;
	v8 =	vmax.f32 v8, $-5.000000000e+00;
	v21, _, _ =	vpop (xrf2)  }
0x594: {  	[tilespmem:s4+$0x90] =	vst v24;
	v23 =	vld [tilespmem:s16+$0x70];
	v8 =	vmin.f32 v8, $5.000000000e+00;
	v24 =	vmax.f32 v21, $-5.000000000e+00;
	v21 =	vmul.f32 v26, v12  }
0x595: {  	v9 =	vnsel vm0, $0x0, v56;
	v20 =	vld [tilespmem:s12+$0xFFFFFF50];
	v26 =	vmul.f32 v30, v28;
	v29 =	vmul.f32 $1.442695020e+00, v8  }
0x596: {  	s29 =	simm.s32 $0x5520;
	s2 =	simm.s32 $0x8CA0;
	v19 =	vld [tilespmem:s12+$0xFFFFFFD0];
	(xrf2) =	vadd.scan.msk.f32 $0xffff, v22;
	v12 =	vmin.f32 v24, $5.000000000e+00;
	v8 =	vnsel vm0, $0x0, v3;
	v24 =	vbroadcast v63, $0xF  }
0x597: {  	s24 =	simm.s32 $0x78A0;
	s25 =	simm.s32 $0x8;
	v3 =	vnsel vm0, $0x0, v27;
	v27, _, _ =	vpop (xrf2);
	v25 =	vmul.f32 $1.442695020e+00, v12;
	v12 =	vld [tilespmem:s30+$0x70];
	s30 =	simm.s32 $0xF140;
	v22 =	vbroadcast v29, $0xF  }
.LBB2_11:
0x598: {  	v28 =	vld [tilespmem:s29+$0x80];
	s31 =	sadd.s32 $0x100, s31;
	v27 =	vmax.f32 v27, $-5.000000000e+00;
	v29 =	vpop (erf);
	(erf) = vpow2.f32 v24  }
0x599: {  	v24 =	vld [tilespmem:s31+$0x40];
	v25 =	vbroadcast v25, $0xF;
	v27 =	vmin.f32 v27, $5.000000000e+00;
	v23 =	vmul.f32 v23, v26  }
0x59a: {  	s1 =	sadd.s32 $0x100, s1;
	v16 =	vmul.f32 v29, v16;
	v4 =	vsel vm2, v4, v29;
	v26 =	vld [tilespmem:s31+$0xFFFFFF80];
	v31 =	vmul.f32 $1.442695020e+00, v27;
	v29 =	vpop (erf)  }
0x59b: {  	v30 =	vld [tilespmem:s1+$0x40];
	(erf) = vpow2.f32 v25;
	v15 =	vmul.f32 v29, v15;
	v6 =	vsel vm2, v6, v29;
	(xrf2) =	vadd.scan.msk.f32 $0xffff, v23  }
0x59c: {  	v23 =	vld [tilespmem:s29+$0xFFFFFF80];
	[tilespmem:s21+$0xFFFFFF80] =	vst v16;
	v16 =	vbroadcast v31, $0xF  }
0x59d: {  	s25 =	sadd.s32 $0x4, s25;
	v25 =	vld [tilespmem:s31+$0xFFFFFFC0];
	v27, _, _ =	vpop (xrf2);
	[tilespmem:s21+$0xFFFFFFD0] =	vst v15;
	(erf) = vpow2.f32 v22  }
0x59e: {  	p0 =	slt.u32 s25, $0x4C;
	v15 =	vld [tilespmem:s29+$0x0];
	v22 =	vmul.f32 v24, v28;
	v24 =	vmax.f32 v27, $-5.000000000e+00;
	(xrf2) =	vadd.scan.msk.f32 $0xffff, v21;
	(erf) = vpow2.f32 v16  }
0x59f: {  	v16 =	vld [tilespmem:s31+$0x0];
	v21 =	vmin.f32 v24, $5.000000000e+00  }
0x5a0: {  	v24 =	vld [tilespmem:s29+$0xFFFFFF00];
	v22 =	vmul.f32 v30, v22;
	v21 =	vmul.f32 $1.442695020e+00, v21;
	v27, _, _ =	vpop (xrf2)  }
0x5a1: {  	v27 =	vmax.f32 v27, $-5.000000000e+00;
	v28 =	vld [tilespmem:s12+$0xD0];
	v29 =	vpop (erf)  }
0x5a2: {  	v30 =	vld [tilespmem:s1+$0xFFFFFF80];
	v25 =	vmul.f32 v25, v23;
	(xrf2) =	vadd.scan.msk.f32 $0xffff, v22;
	v21 =	vbroadcast v21, $0xF;
	v22 =	vmin.f32 v27, $5.000000000e+00  }
0x5a3: {  	v31 =	vmul.f32 v29, v10;
	v23 =	vsel vm3, v2, v29;
	v2 =	vmovc v4;
	v27 =	vld [tilespmem:s1+$0xFFFFFFC0];
	v22 =	vmul.f32 $1.442695020e+00, v22  }
0x5a4: {  	v4 =	vld [tilespmem:s1+$0x0];
	v15 =	vmul.f32 v16, v15;
	(erf) = vpow2.f32 v21;
	v16 =	vpop (erf);
	[tilespmem:s4+$0xFFFFFFA0] =	vst v23  }
0x5a5: {  	v32 =	vmul.f32 v26, v24;
	v24 =	vld [tilespmem:s29+$0xFFFFFF40];
	v29 =	vbroadcast v22, $0xF;
	v21 =	vsel vm1, v9, v16;
	v9, _, _ =	vpop (xrf2);
	(xrf2) =	vadd.scan.msk.f32 $0xffff, v17  }
0x5a6: {  	v23 =	vld [tilespmem:s29+$0xFFFFFFC0];
	v28 =	vmul.f32 v16, v28;
	v9 =	vmax.f32 v9, $-5.000000000e+00;
	[tilespmem:s4+$0xFFFFFF90] =	vst v31;
	v10 =	vpop (erf)  }
0x5a7: {  	v17 =	vmul.f32 v30, v32;
	v22 =	vld [tilespmem:s29+$0x40];
	(erf) = vpow2.f32 v29;
	v9 =	vmin.f32 v9, $5.000000000e+00;
	v26 =	vpop (erf)  }
0x5a8: {  	v27 =	vmul.f32 v27, v25;
	[tilespmem:s11+$0x60] =	vst v28;
	v16, _, _ =	vpop (xrf2);
	v28 =	vld [tilespmem:s8+$0xFFFFFF30];
	v25 =	vsel vm2, v5, v26;
	v5 =	vmul.f32 $1.442695020e+00, v9  }
0x5a9: {  	v14 =	vmul.f32 v26, v14;
	v9 =	vmul.f32 v4, v15;
	(xrf2) =	vadd.scan.msk.f32 $0xffff, v17;
	v4 =	vmax.f32 v16, $-5.000000000e+00;
	v15 =	vld [tilespmem:s12+$0xA0]  }
0x5aa: {  	v11 =	vmul.f32 v10, v11;
	v4 =	vmin.f32 v4, $5.000000000e+00;
	v16 =	vld [tilespmem:s24+$0x60];
	v5 =	vbroadcast v5, $0xF  }
0x5ab: {  	v10 =	vsel vm3, v1, v10;
	v1 =	vmov v6;
	v26 =	vmul.f32 $1.442695020e+00, v4;
	v17 =	vld [tilespmem:s22+$0xFFFFFFB0];
	[tilespmem:s21+$0x20] =	vst v14  }
0x5ac: {  	(xrf2) =	vadd.scan.msk.f32 $0xffff, v27;
	v6, _, _ =	vpop (xrf2);
	v14 =	vld [tilespmem:s2+$0x60];
	(erf) = vpow2.f32 v5;
	[tilespmem:s4+$0xFFFFFFE0] =	vst v11  }
0x5ad: {  	v5 =	vmax.f32 v6, $-5.000000000e+00;
	v11 =	vbroadcast v26, $0xF;
	v4 =	vpop (erf);
	v26 =	vld [tilespmem:s8+$0xFFFFFFB0];
	[tilespmem:s4+$0xFFFFFFF0] =	vst v10  }
0x5ae: {  	v5 =	vmin.f32 v5, $5.000000000e+00;
	v20 =	vmul.f32 v4, v20;
	v4 =	vsel vm1, v7, v4;
	v7 =	vld [tilespmem:s22+$0xFFFFFFF0]  }
0x5af: {  	v5 =	vmul.f32 $1.442695020e+00, v5;
	(xrf2) =	vadd.scan.msk.f32 $0xffff, v9;
	v9 =	vmul.f32 v16, v15;
	v10 =	vld [tilespmem:s8+$0x30];
	v15, _, _ =	vpop (xrf2)  }
0x5b0: {  	[tilespmem:s11+$0xFFFFFF70] =	vst v20;
	v6 =	vpop (erf);
	v17 =	vmul.f32 v17, v28;
	v16 =	vld [tilespmem:s22+$0x30];
	v15 =	vmax.f32 v15, $-5.000000000e+00;
	s22 =	smov.u32 s24;
	s24 =	smov.u32 s31  }
0x5b1: {  	v5 =	vbroadcast v5, $0xF;
	v9 =	vmul.f32 v14, v9;
	v14 =	vld [tilespmem:s8+$0xF0];
	v15 =	vmin.f32 v15, $5.000000000e+00  }
0x5b2: {  	v19 =	vmul.f32 v6, v19;
	v6 =	vsel vm1, v8, v6;
	v20 =	vld [tilespmem:s12+$0xFFFFFF20];
	(erf) = vpow2.f32 v11  }
0x5b3: {  	v8, _, _ =	vpop (xrf2);
	(erf) = vpow2.f32 v5;
	v5 =	vld [tilespmem:s22+$0xFFFFFFA0];
	(xrf2) =	vadd.scan.msk.f32 $0xffff, v9;
	v7 =	vmul.f32 v7, v26  }
0x5b4: {  	v11 =	vmul.f32 $1.442695020e+00, v15;
	v8 =	vmax.f32 v8, $-5.000000000e+00;
	v9 =	vld [tilespmem:s2+$0xFFFFFFA0];
	[tilespmem:s11+$0xFFFFFFC0] =	vst v19  }
0x5b5: {  	v8 =	vmin.f32 v8, $5.000000000e+00;
	v19 =	vld [tilespmem:s12+$0xFFFFFFA0];
	v26 =	vmul.f32 v16, v10;
	v10 =	vpop (erf)  }
0x5b6: {  	v8 =	vmul.f32 $1.442695020e+00, v8;
	v15, _, _ =	vpop (xrf2);
	v27 =	vld [tilespmem:s22+$0xFFFFFFE0];
	v16 =	vmul.f32 v10, v14;
	v10 =	vsel vm3, v13, v10  }
0x5b7: {  	v13 =	vmax.f32 v15, $-5.000000000e+00;
	v28 =	vld [tilespmem:s2+$0xFFFFFFE0];
	[tilespmem:s21+$0x90] =	vst v10;
	v10 =	vbroadcast v11, $0xF  }
0x5b8: {  	v8 =	vbroadcast v8, $0xF;
	v11 =	vmin.f32 v13, $5.000000000e+00;
	v13 =	vld [tilespmem:s29+$0xC0];
	v5 =	vmul.f32 v5, v20;
	[tilespmem:s21+$0x80] =	vst v16  }
0x5b9: {  	v11 =	vmul.f32 $1.442695020e+00, v11;
	v14, _, _ =	vpop (xrf2);
	v16 =	vld [tilespmem:s12+$0xFFFFFF60];
	(erf) = vpow2.f32 v10  }
0x5ba: {  	v10 =	vmax.f32 v14, $-5.000000000e+00;
	(erf) = vpow2.f32 v8;
	v29 =	vmul.f32 v9, v5;
	v15 =	vld [tilespmem:s12+$0xFFFFFFE0]  }
0x5bb: {  	v11 =	vbroadcast v11, $0xF;
	v5 =	vmin.f32 v10, $5.000000000e+00;
	v10 =	vmul.f32 v27, v19;
	v9 =	vpop (erf);
	v14 =	vld [tilespmem:s16+$0xFFFFFFB0]  }
0x5bc: {  	v19 =	vmul.f32 $1.442695020e+00, v5;
	v20 =	vpop (erf);
	v18 =	vmul.f32 v9, v18;
	v5 =	vsel vm1, v3, v9;
	v3 =	vld [tilespmem:s16+$0xFFFFFFF0]  }
0x5bd: {  	v13 =	vmul.f32 v20, v13;
	v9 =	vnsel vm0, $0x0, v20;
	(erf) = vpow2.f32 v11;
	(xrf2) =	vadd.scan.msk.f32 $0xffff, v29;
	v8, _, _ =	vpop (xrf2);
	v11 =	vld [tilespmem:s16+$0x30];
	s16 =	smov.u32 s2;
	s2 =	smov.u32 s1  }
0x5be: {  	s11 =	sadd.s32 $0x140, s11;
	v20 =	vmul.f32 v28, v10;
	v19 =	vbroadcast v19, $0xF;
	[tilespmem:s30+$0x10] =	vst v18;
	v8 =	vmax.f32 v8, $-5.000000000e+00;
	v10 =	vld [tilespmem:s8+$0xFFFFFF70]  }
0x5bf: {  	[tilespmem:s11+$0x50] =	vst v13;
	v13 =	vld [tilespmem:s12+$0x20];
	v8 =	vmin.f32 v8, $5.000000000e+00  }
0x5c0: {  	v18 =	vld [tilespmem:s29+$0x90];
	(erf) = vpow2.f32 v19;
	v8 =	vmul.f32 $1.442695020e+00, v8;
	(xrf2) =	vadd.scan.msk.f32 $0xffff, v20  }
0x5c1: {  	v14 =	vmul.f32 v14, v17;
	v19 =	vld [tilespmem:s31+$0x50];
	v3 =	vmul.f32 v3, v7  }
0x5c2: {  	v20 =	vld [tilespmem:s22+$0x20];
	v8 =	vbroadcast v8, $0xF;
	v17 =	vmul.f32 v11, v26;
	v7 =	vpop (erf)  }
0x5c3: {  	v26 =	vld [tilespmem:s1+$0x50];
	v11 =	vpop (erf);
	v12 =	vmul.f32 v7, v12;
	v27 =	vsel vm3, v0, v7;
	v0 =	vmov v25  }
0x5c4: {  	v24 =	vmul.f32 v11, v24;
	v7 =	vnsel vm0, $0x0, v11;
	v25 =	vld [tilespmem:s16+$0x20];
	(erf) = vpow2.f32 v8;
	(xrf2) =	vadd.scan.msk.f32 $0xffff, v14  }
0x5c5: {  	v14 =	vld [tilespmem:s12+$0x60];
	[tilespmem:s4+$0x30] =	vst v12  }
0x5c6: {  	[tilespmem:s11+$0xFFFFFF60] =	vst v24;
	v12 =	vmul.f32 v19, v18;
	v8 =	vpop (erf);
	v11 =	vld [tilespmem:s8+$0xFFFFFFF0]  }
0x5c7: {  	v18 =	vld [tilespmem:s29+$0xFFFFFF10];
	v24 =	vmul.f32 v8, v23;
	v8 =	vnsel vm0, $0x0, v8;
	v13 =	vmul.f32 v20, v13;
	v20, _, _ =	vpop (xrf2);
	(xrf2) =	vadd.scan.msk.f32 $0xffff, v3  }
0x5c8: {  	v23 =	vld [tilespmem:s31+$0xFFFFFF90];
	v12 =	vmul.f32 v26, v12;
	v3 =	vmax.f32 v20, $-5.000000000e+00;
	[tilespmem:s4+$0x40] =	vst v27;
	s4 =	smov.u32 s21;
	s21 =	smov.u32 s30;
	s30 =	smov.u32 s11  }
0x5c9: {  	[tilespmem:s11+$0xFFFFFFB0] =	vst v24;
	v19 =	vpop (erf);
	v20 =	vmin.f32 v3, $5.000000000e+00;
	v13 =	vmul.f32 v25, v13;
	v24 =	vld [tilespmem:s12+$0xE0]  }
0x5ca: {  	v25 =	vld [tilespmem:s29+$0xFFFFFF90];
	v22 =	vmul.f32 v19, v22;
	v3 =	vnsel vm0, $0x0, v19;
	(xrf2) =	vadd.scan.msk.f32 $0xffff, v12;
	v12 =	vmul.f32 $1.442695020e+00, v20;
	v19, _, _ =	vpop (xrf2)  }
0x5cb: {  	v20 =	vld [tilespmem:s31+$0xFFFFFFD0];
	v19 =	vmax.f32 v19, $-5.000000000e+00  }
0x5cc: {  	v26 =	vld [tilespmem:s1+$0xFFFFFF90];
	[tilespmem:s11+$0x0] =	vst v22;
	v12 =	vbroadcast v12, $0xF;
	v19 =	vmin.f32 v19, $5.000000000e+00  }
0x5cd: {  	v18 =	vmul.f32 v23, v18;
	v22 =	vld [tilespmem:s29+$0x10];
	v19 =	vmul.f32 $1.442695020e+00, v19;
	(xrf2) =	vadd.scan.msk.f32 $0xffff, v13;
	v13 =	vpop (erf)  }
0x5ce: {  	v23 =	vld [tilespmem:s31+$0x10];
	v24 =	vmul.f32 v13, v24;
	v13 =	vsel vm2, v21, v13;
	v21, _, _ =	vpop (xrf2)  }
0x5cf: {  	v27 =	vld [tilespmem:s1+$0xFFFFFFD0];
	v28 =	vbroadcast v19, $0xF;
	(erf) = vpow2.f32 v12;
	v12 =	vmax.f32 v21, $-5.000000000e+00  }
0x5d0: {  	v21 =	vmul.f32 v20, v25;
	v25 =	vld [tilespmem:s1+$0x10];
	[tilespmem:s21+$0x70] =	vst v24;
	v12 =	vmin.f32 v12, $5.000000000e+00  }
0x5d1: {  	v18 =	vmul.f32 v26, v18;
	v26 =	vld [tilespmem:s12+$0xB0];
	(erf) = vpow2.f32 v28;
	v19, _, _ =	vpop (xrf2)  }
0x5d2: {  	v12 =	vmul.f32 $1.442695020e+00, v12;
	v28 =	vld [tilespmem:s22+$0x70];
	v19 =	vmax.f32 v19, $-5.000000000e+00  }
.Ltmp4:
0x5d3: {  	v20 =	vld [tilespmem:s29+$0xFFFFFF50];
	v22 =	vmul.f32 v23, v22;
	(xrf2) =	vadd.scan.msk.f32 $0xffff, v18;
	v18 =	vmin.f32 v19, $5.000000000e+00;
	(pc) =	sbr.rel @p0 .LBB2_11-.Ltmp4, $4  }
0x5d4: {  	v30 =	vmul.f32 v27, v21;
	v24, _, _ =	vpop (xrf2);
	v23 =	vld [tilespmem:s16+$0x70];
	v29 =	vmul.f32 $1.442695020e+00, v18  }
0x5d5: {  	v19 =	vld [tilespmem:s29+$0xFFFFFFD0];
	v21 =	vmul.f32 v25, v22;
	v22 =	vmax.f32 v24, $-5.000000000e+00;
	v24 =	vbroadcast v12, $0xF  }
0x5d6: {  	v18 =	vld [tilespmem:s29+$0x50];
	v12 =	vmin.f32 v22, $5.000000000e+00;
	(xrf2) =	vadd.scan.msk.f32 $0xffff, v30;
	v22 =	vbroadcast v29, $0xF  }
0x5d7: {  	v25 =	vmul.f32 $1.442695020e+00, v12;
	v26 =	vmul.f32 v28, v26;
	v27, _, _ =	vpop (xrf2);
	v12 =	vld [tilespmem:s8+$0x70];
	s8 =	smov.u32 s12;
	s12 =	smov.u32 s29;
	s29 =	sadd.s32 $0x200, s29  }
0x5d8: {  	_ = 	snop  }
0x5d9: {  	v23 =	vmul.f32 v23, v26;
	_ =	sdelay $0x1  }
0x5da: {  	(xrf2) =	vadd.scan.msk.f32 $0xffff, v23;
	_ =	sdelay $0x1  }
0x5db: {  	v23 =	vmax.f32 v27, $-5.000000000e+00;
	(xrf2) =	vadd.scan.msk.f32 $0xffff, v21  }
0x5dc: {  	v21 =	vbroadcast v25, $0xF;
	v23 =	vmin.f32 v23, $5.000000000e+00  }
0x5dd: {  	(erf) = vpow2.f32 v24;
	v24, _, _ =	vpop (xrf2);
	v23 =	vmul.f32 $1.442695020e+00, v23  }
0x5de: {  	(erf) = vpow2.f32 v21;
	v21 =	vmax.f32 v24, $-5.000000000e+00  }
0x5df: {  	v21 =	vmin.f32 v21, $5.000000000e+00;
	v23 =	vbroadcast v23, $0xF  }
0x5e0: {  	v24, _, _ =	vpop (xrf2);
	v21 =	vmul.f32 $1.442695020e+00, v21  }
0x5e1: {  	v24 =	vmax.f32 v24, $-5.000000000e+00  }
0x5e2: {  	(erf) = vpow2.f32 v22;
	v22 =	vpop (erf);
	v24 =	vmin.f32 v24, $5.000000000e+00;
	v21 =	vbroadcast v21, $0xF  }
0x5e3: {  	(erf) = vpow2.f32 v23;
	v24 =	vmul.f32 $1.442695020e+00, v24;
	v23, _, _ =	vpop (xrf2)  }
0x5e4: {  	v26 =	vld [tilespmem:s12+$0xD0];
	v23 =	vmax.f32 v23, $-5.000000000e+00  }
0x5e5: {  	v24 =	vbroadcast v24, $0xF;
	v25, _, _ =	vpop (xrf2);
	v23 =	vmin.f32 v23, $5.000000000e+00  }
0x5e6: {  	(erf) = vpow2.f32 v21;
	v21 =	vpop (erf);
	v27 =	vmax.f32 v25, $-5.000000000e+00  }
0x5e7: {  	v16 =	vmul.f32 v22, v16;
	v25 =	vpop (erf);
	(erf) = vpow2.f32 v24;
	v27 =	vmin.f32 v27, $5.000000000e+00  }
0x5e8: {  	v24 =	vmul.f32 $1.442695020e+00, v23;
	v27 =	vmul.f32 $1.442695020e+00, v27;
	v23 =	vpop (erf)  }
0x5e9: {  	v26 =	vmul.f32 v23, v26  }
0x5ea: {  	[tilespmem:s21+$0xFFFFFF80] =	vst v16;
	v24 =	vbroadcast v24, $0xF;
	v16 =	vbroadcast v27, $0xF;
	_ =	sdelay $0x1  }
0x5eb: {  	v15 =	vmul.f32 v21, v15;
	(erf) = vpow2.f32 v24  }
0x5ec: {  	v30 =	vld [tilespmem:s22+$0xFFFFFFB0];
	[tilespmem:s11+$0x60] =	vst v26;
	(erf) = vpow2.f32 v16;
	v26 =	vpop (erf)  }
0x5ed: {  	v39 =	vld [tilespmem:s16+$0xFFFFFFB0];
	[tilespmem:s21+$0xFFFFFFD0] =	vst v15;
	v16 =	vpop (erf)  }
0x5ee: {  	v32 =	vld [tilespmem:s8+$0xFFFFFFB0];
	v24 =	vpop (erf)  }
0x5ef: {  	v28 =	vld [tilespmem:s12+$0xA0];
	v20 =	vmul.f32 v24, v20  }
0x5f0: {  	v29 =	vld [tilespmem:s24+$0x60];
	v15 =	vpop (erf)  }
0x5f1: {  	v31 =	vld [tilespmem:s2+$0x60];
	v19 =	vmul.f32 v15, v19;
	[tilespmem:s11+$0xFFFFFF70] =	vst v20  }
0x5f2: {  	v34 =	vld [tilespmem:s12+$0xFFFFFF20]  }
0x5f3: {  	v35 =	vld [tilespmem:s24+$0xFFFFFFA0];
	[tilespmem:s11+$0xFFFFFFC0] =	vst v19  }
0x5f4: {  	v36 =	vld [tilespmem:s12+$0xFFFFFFA0];
	v20 =	vpop (erf)  }
0x5f5: {  	v37 =	vld [tilespmem:s24+$0xFFFFFFE0];
	v19 =	vpop (erf)  }
0x5f6: {  	v38 =	vld [tilespmem:s2+$0xFFFFFFA0];
	v18 =	vmul.f32 v19, v18  }
0x5f7: {  	v28 =	vmul.f32 v29, v28;
	v29 =	vld [tilespmem:s2+$0xFFFFFFE0]  }
0x5f8: {  	v27 =	vld [tilespmem:s8+$0xFFFFFF30];
	[tilespmem:s30+$0x10] =	vst v18  }
0x5f9: {  	v18 =	vmul.f32 v31, v28;
	v28 =	vmul.f32 v35, v34;
	v49 =	vld [tilespmem:s12+$0x20]  }
0x5fa: {  	(xrf2) =	vadd.scan.msk.f32 $0xffff, v17;
	v17 =	vmul.f32 v37, v36;
	v50 =	vld [tilespmem:s24+$0x20]  }
0x5fb: {  	v33 =	vld [tilespmem:s22+$0xFFFFFFF0];
	(xrf2) =	vadd.scan.msk.f32 $0xffff, v18;
	v18 =	vmul.f32 v38, v28  }
0x5fc: {  	v17 =	vmul.f32 v29, v17;
	v29 =	vld [tilespmem:s2+$0x20]  }
0x5fd: {  	v27 =	vmul.f32 v30, v27;
	v28 =	vld [tilespmem:s16+$0xFFFFFFF0];
	(xrf2) =	vadd.scan.msk.f32 $0xffff, v18  }
0x5fe: {  	(xrf2) =	vadd.scan.msk.f32 $0xffff, v17  }
0x5ff: {  	v17 =	vmul.f32 v39, v27;
	v27 =	vmul.f32 v50, v49  }
0x600: {  	v18 =	vmul.f32 v33, v32  }
0x601: {  	(xrf2) =	vadd.scan.msk.f32 $0xffff, v17;
	v17 =	vmul.f32 v29, v27  }
0x602: {  	v18 =	vmul.f32 v28, v18;
	_ =	sdelay $0x1  }
0x603: {  	(xrf2) =	vadd.scan.msk.f32 $0xffff, v18  }
0x604: {  	(xrf2) =	vadd.scan.msk.f32 $0xffff, v17;
	v17, _, _ =	vpop (xrf2)  }
0x605: {  	v18, _, _ =	vpop (xrf2)  }
0x606: {  	v17 =	vmax.f32 v17, $-5.000000000e+00;
	v27, _, _ =	vpop (xrf2)  }
0x607: {  	v17 =	vmin.f32 v17, $5.000000000e+00;
	v18 =	vmax.f32 v18, $-5.000000000e+00;
	v28, _, _ =	vpop (xrf2)  }
0x608: {  	v17 =	vmul.f32 $1.442695020e+00, v17;
	v18 =	vmin.f32 v18, $5.000000000e+00;
	v28 =	vmax.f32 v28, $-5.000000000e+00  }
0x609: {  	v27 =	vmax.f32 v27, $-5.000000000e+00;
	v18 =	vmul.f32 $1.442695020e+00, v18;
	v28 =	vmin.f32 v28, $5.000000000e+00  }
0x60a: {  	v27 =	vmin.f32 v27, $5.000000000e+00;
	v17 =	vbroadcast v17, $0xF  }
0x60b: {  	v27 =	vmul.f32 $1.442695020e+00, v27;
	v18 =	vbroadcast v18, $0xF  }
0x60c: {  	(erf) = vpow2.f32 v17;
	v17 =	vmul.f32 $1.442695020e+00, v28;
	v28, _, _ =	vpop (xrf2)  }
0x60d: {  	(erf) = vpow2.f32 v18;
	v18 =	vbroadcast v27, $0xF;
	v27 =	vmax.f32 v28, $-5.000000000e+00;
	v28, _, _ =	vpop (xrf2)  }
0x60e: {  	v28 =	vmax.f32 v28, $-5.000000000e+00  }
0x60f: {  	v17 =	vbroadcast v17, $0xF;
	v28 =	vmin.f32 v28, $5.000000000e+00  }
0x610: {  	v27 =	vmin.f32 v27, $5.000000000e+00;
	v29, _, _ =	vpop (xrf2);
	(erf) = vpow2.f32 v18;
	v18 =	vmul.f32 $1.442695020e+00, v28  }
0x611: {  	v27 =	vmul.f32 $1.442695020e+00, v27;
	v29 =	vmax.f32 v29, $-5.000000000e+00  }
0x612: {  	(erf) = vpow2.f32 v17;
	v28 =	vmin.f32 v29, $5.000000000e+00;
	v17 =	vbroadcast v18, $0xF  }
0x613: {  	v27 =	vbroadcast v27, $0xF;
	v28 =	vmul.f32 $1.442695020e+00, v28;
	v18 =	vld [tilespmem:s12+$0xE0];
	_ =	sdelay $0x1  }
0x614: {  	(erf) = vpow2.f32 v27  }
0x615: {  	v27 =	vbroadcast v28, $0xF;
	(erf) = vpow2.f32 v17;
	v17 =	vpop (erf)  }
0x616: {  	v14 =	vmul.f32 v16, v14;
	v28 =	vpop (erf)  }
0x617: {  	(erf) = vpow2.f32 v27;
	v27 =	vld [tilespmem:s12+$0xFFFFFF60];
	v18 =	vmul.f32 v28, v18  }
0x618: {  	[tilespmem:s21+$0x20] =	vst v14  }
0x619: {  	v14 =	vld [tilespmem:s8+$0x30]  }
0x61a: {  	v51 =	vld [tilespmem:s12+$0xFFFFFFE0]  }
0x61b: {  	v53 =	vld [tilespmem:s12+$0x60];
	[tilespmem:s30+$0x70] =	vst v18;
	v18 =	vpop (erf)  }
0x61c: {  	v29 =	vld [tilespmem:s22+$0x30];
	v27 =	vmul.f32 v18, v27  }
0x61d: {  	v54 =	vld [tilespmem:s12+$0xB0]  }
0x61e: {  	v56 =	vld [tilespmem:s24+$0x70];
	v55 =	vpop (erf)  }
0x61f: {  	v52 =	vld [tilespmem:s16+$0x30];
	v57 =	vpop (erf)  }
0x620: {  	v58 =	vld [tilespmem:s2+$0x70];
	[tilespmem:s30+$0xFFFFFF80] =	vst v27;
	v27 =	vpop (erf)  }
0x621: {  	v30 =	vmul.f32 v55, v51;
	v60 =	vld [tilespmem:s12+$0xFFFFFF30];
	v59 =	vpop (erf)  }
0x622: {  	v62 =	vld [tilespmem:s24+$0xFFFFFFB0];
	v61 =	vmul.f32 v59, v53  }
0x623: {  	v14 =	vmul.f32 v29, v14;
	[tilespmem:s30+$0xFFFFFFD0] =	vst v30;
	v33 =	vmul.f32 v56, v54;
	v29 =	vld [tilespmem:s2+$0xFFFFFFB0]  }
0x624: {  	v40 =	vld [tilespmem:s12+$0xFFFFFFB0];
	[tilespmem:s30+$0x20] =	vst v61  }
0x625: {  	v33 =	vmul.f32 v58, v33;
	v41 =	vld [tilespmem:s12+$0x30]  }
0x626: {  	v14 =	vmul.f32 v52, v14;
	v44 =	vld [tilespmem:s24+$0x30]  }
0x627: {  	v63 =	vld [tilespmem:s24+$0xFFFFFFF0];
	(xrf2) =	vadd.scan.msk.f32 $0xffff, v33  }
0x628: {  	(xrf2) =	vadd.scan.msk.f32 $0xffff, v14;
	v47 =	vld [tilespmem:s2+$0x30]  }
0x629: {  	v45 =	vld [tilespmem:s2+$0xFFFFFFF0];
	v46 =	vmul.f32 v62, v60;
	_ =	sdelay $0x1  }
0x62a: {  	v29 =	vmul.f32 v29, v46;
	v48 =	vmul.f32 v44, v41  }
0x62b: {  	v14 =	vmul.f32 v63, v40  }
0x62c: {  	(xrf2) =	vadd.scan.msk.f32 $0xffff, v29;
	v29 =	vmul.f32 v47, v48  }
0x62d: {  	v14 =	vmul.f32 v45, v14;
	_ =	sdelay $0x1  }
0x62e: {  	(xrf2) =	vadd.scan.msk.f32 $0xffff, v14  }
0x62f: {  	(xrf2) =	vadd.scan.msk.f32 $0xffff, v29;
	v29, _, _ =	vpop (xrf2)  }
0x630: {  	v10 =	vmul.f32 v25, v10;
	v29 =	vmax.f32 v29, $-5.000000000e+00;
	v49, _, _ =	vpop (xrf2)  }
0x631: {  	v2 =	vsel vm3, v2, v25;
	v14 =	vld [tilespmem:s8+$0xF0];
	v25 =	vmin.f32 v29, $5.000000000e+00;
	v29 =	vmax.f32 v49, $-5.000000000e+00  }
0x632: {  	v29 =	vmin.f32 v29, $5.000000000e+00;
	_ =	sdelay $0x1  }
0x633: {  	v11 =	vmul.f32 v26, v11;
	v25 =	vmul.f32 $1.442695020e+00, v25  }
0x634: {  	v1 =	vsel vm3, v1, v26;
	v13 =	vsel vm3, v13, v20;
	v26 =	vmul.f32 $1.442695020e+00, v29;
	v29, _, _ =	vpop (xrf2)  }
0x635: {  	v14 =	vmul.f32 v20, v14;
	v20 =	vbroadcast v25, $0xF;
	v25 =	vmax.f32 v29, $-5.000000000e+00  }
0x636: {  	v25 =	vmin.f32 v25, $5.000000000e+00  }
0x637: {  	v29, _, _ =	vpop (xrf2)  }
0x638: {  	[tilespmem:s4+$0xFFFFFFA0] =	vst v2;
	v2 =	vbroadcast v26, $0xF;
	v26 =	vmax.f32 v29, $-5.000000000e+00  }
0x639: {  	[tilespmem:s4+$0xFFFFFF90] =	vst v10;
	(erf) = vpow2.f32 v20;
	v10 =	vmul.f32 $1.442695020e+00, v25;
	v20 =	vmin.f32 v26, $5.000000000e+00;
	v25, _, _ =	vpop (xrf2)  }
0x63a: {  	(erf) = vpow2.f32 v2;
	v2 =	vmul.f32 $1.442695020e+00, v20;
	v20 =	vmax.f32 v25, $-5.000000000e+00  }
0x63b: {  	v10 =	vbroadcast v10, $0xF;
	v20 =	vmin.f32 v20, $5.000000000e+00  }
0x63c: {  	[tilespmem:s21+$0x90] =	vst v13;
	v2 =	vbroadcast v2, $0xF;
	v13 =	vmul.f32 $1.442695020e+00, v20  }
0x63d: {  	[tilespmem:s4+$0xFFFFFFF0] =	vst v1;
	v1 =	vmul.f32 v17, v12;
	(erf) = vpow2.f32 v10  }
0x63e: {  	v12 =	vld [tilespmem:s8+$0xFFFFFFF0];
	(erf) = vpow2.f32 v2;
	v2 =	vbroadcast v13, $0xF  }
0x63f: {  	v0 =	vsel vm3, v0, v17  }
0x640: {  	[tilespmem:s4+$0x40] =	vst v0;
	v0 =	vld [tilespmem:s8+$0x70];
	(erf) = vpow2.f32 v2;
	v2 =	vsel vm2, v6, v21;
	v6 =	vsel vm1, v9, v23  }
0x641: {  	v4 =	vsel vm2, v4, v22;
	[tilespmem:s4+$0x30] =	vst v1;
	v1 =	vld [tilespmem:s12+$0xF0];
	v6 =	vsel vm2, v6, v28  }
0x642: {  	[tilespmem:s4+$0xFFFFFFE0] =	vst v11;
	v4 =	vsel vm3, v4, v57  }
0x643: {  	v11 =	vld [tilespmem:s8+$0xFFFFFF70];
	[tilespmem:s21+$0xFFFFFFA0] =	vst v4;
	v4 =	vmul.f32 v27, v12;
	v9 =	vpop (erf);
	v2 =	vsel vm3, v2, v27  }
0x644: {  	[tilespmem:s21+$0xFFFFFFF0] =	vst v2;
	v2 =	vsel vm3, v6, v9;
	v6 =	vpop (erf)  }
0x645: {  	[tilespmem:s21+$0xFFFFFFE0] =	vst v4;
	v4 =	vld [tilespmem:s12+$0xFFFFFF70];
	v0 =	vmul.f32 v6, v0  }
0x646: {  	v1 =	vmul.f32 v9, v1  }
0x647: {  	[tilespmem:s30+$0x90] =	vst v2  }
0x648: {  	v9 =	vld [tilespmem:s12+$0xFFFFFFF0];
	v2 =	vsel vm2, v5, v16;
	[tilespmem:s30+$0x80] =	vst v1  }
0x649: {  	v2 =	vsel vm3, v2, v6;
	[tilespmem:s21+$0x30] =	vst v0;
	v0 =	vpop (erf)  }
0x64a: {  	v10 =	vmul.f32 v57, v11;
	v5 =	vsel vm1, v7, v24;
	v1 =	vld [tilespmem:s12+$0x70];
	[tilespmem:s21+$0x40] =	vst v2;
	v2 =	vmul.f32 v0, v4  }
0x64b: {  	[tilespmem:s21+$0x80] =	vst v14;
	v5 =	vsel vm2, v5, v18  }
0x64c: {  	[tilespmem:s21+$0xFFFFFF90] =	vst v10;
	v0 =	vsel vm3, v5, v0;
	v4 =	vpop (erf)  }
0x64d: {  	v5 =	vsel vm1, v8, v15;
	[tilespmem:s30+$0xFFFFFFA0] =	vst v0;
	v0 =	vmul.f32 v4, v9  }
0x64e: {  	v5 =	vsel vm2, v5, v55;
	[tilespmem:s30+$0xFFFFFF90] =	vst v2;
	v2 =	vpop (erf)  }
0x64f: {  	s1 =	smul.u32 $0x280, s17;
	v3 =	vsel vm1, v3, v19;
	v4 =	vsel vm3, v5, v4;
	[tilespmem:s30+$0xFFFFFFE0] =	vst v0;
	v0 =	vmul.f32 v2, v1  }
0x650: {  	[tilespmem:s30+$0xFFFFFFF0] =	vst v4;
	v1 =	vsel vm2, v3, v59  }
0x651: {  	s1 =	sshra.s32 s1, $0x2;
	v1 =	vsel vm3, v1, v2;
	[tilespmem:s30+$0x30] =	vst v0  }
0x652: {  	s1 =	sadd.s32 $0x2710, s1;
	[tilespmem:s30+$0x40] =	vst v1  }
0x653: {  	[spmem:s3] =	stream.indirect.scatter.add.f32 [tilespmem:s9], [sflag:$0x3], $0x50, s1, s23, $0xb8;
	[tilespmem:$0x1E820] =	vst v63  }
0x654: {  	s12 =	sadd.s32 $0xA0, s20;
	_ =	swait.ge [sflag:s18], $0x1900  }
0x655: {  	s1 =	sadd.s32 s5, s12;
	[sflag:s18] =	ssyncset.done $0x0  }
0x656: {  	s16 =	simm.s32 $0x4E20;
	s1 =	sshll.u32 s1, $0x4;
	[sflag:s18] =	ssyncadd.s32 $0xFFFFE700  }
0x657: {  	[tilespmem:s16], [sflag:$0x1] =	stream.indirect.gather [hbm4b:s14+s23], $0x80, s12, s23, $0xb8;
	[tilespmem:$0x1E820] =	vst v63  }
0x658: {  	s20 =	sadd.s32 $0x27B0, s20;
	s21 =	simm.s32 $0x7620;
	s1 =	sand.u32 $0x1FFFFF00, s1  }
0x659: {  	[tilespmem:s21], [sflag:$0x1] =	stream.indirect.gather [hbm4b:s15+s23], $0x40, s20, s23, $0xb8;
	[tilespmem:$0x1E820] =	vst v63  }
0x65a: {  	s22 =	simm.s32 $0x8A20;
	s1 =	sadd.s32 s1, s13  }
0x65b: {  	[tilespmem:s22], [sflag:$0x1] =	stream.strided.gather [hbm4b:s1+s26], $0x1400, s28, s26, $0x38;
	[tilespmem:$0x1E820] =	vst v63  }
0x65c: {  	_ =	swait.ge [sflag:s10], $0x2800  }
0x65d: {  	[sflag:s10] =	ssyncset.done $0x0  }
0x65e: {  	[sflag:s10] =	ssyncadd.s32 $0xFFFFD800  }
0x65f: {  	_ =	swait.ge [sflag:s10], $0x1400  }
0x660: {  	[sflag:s10] =	ssyncset.done $0x0  }
0x661: {  	[sflag:s10] =	ssyncadd.s32 $0xFFFFEC00  }
0x662: {  	_ =	swait.ge [sflag:s10], $0x1400  }
0x663: {  	[sflag:s10] =	ssyncset.done $0x0  }
0x664: {  	s24 =	simm.s32 $0x9F20;
	[sflag:s10] =	ssyncadd.s32 $0xFFFFEC00  }
0x665: {  	s25 =	simm.s32 $0xC6A0;
	v0 =	vld [tilespmem:s24+$0x80]  }
0x666: {  	v1 =	vld [tilespmem:s25+$0x40]  }
0x667: {  	s31 =	simm.s32 $0xDAA0  }
0x668: {  	v2 =	vld [tilespmem:s31+$0x40];
	_ =	sdelay $0x2  }
0x669: {  	v0 =	vmul.f32 v1, v0;
	_ =	sdelay $0x1  }
0x66a: {  	v0 =	vmul.f32 v2, v0;
	_ =	sdelay $0x1  }
0x66b: {  	(xrf2) =	vadd.scan.msk.f32 $0xffff, v0;
	_ =	sdelay $0x2  }
0x66c: {  	v1 =	vld [tilespmem:s24+$0xFFFFFF00]  }
0x66d: {  	v0 =	vld [tilespmem:s25+$0xFFFFFF80];
	_ =	sdelay $0x1  }
0x66e: {  	v2 =	vld [tilespmem:s31+$0xFFFFFF80]  }
0x66f: {  	v3 =	vld [tilespmem:s24+$0xFFFFFF80]  }
0x670: {  	v4 =	vld [tilespmem:s25+$0xFFFFFFC0]  }
0x671: {  	v0 =	vmul.f32 v0, v1  }
0x672: {  	v7 =	vld [tilespmem:s31+$0xFFFFFFC0];
	v6, _, _ =	vpop (xrf2)  }
0x673: {  	v5 =	vld [tilespmem:s24+$0x0];
	v0 =	vmul.f32 v2, v0;
	v2 =	vmax.f32 v6, $-5.000000000e+00  }
0x674: {  	v1 =	vld [tilespmem:s25+$0x0];
	v2 =	vmin.f32 v2, $5.000000000e+00  }
0x675: {  	(xrf2) =	vadd.scan.msk.f32 $0xffff, v0;
	v0 =	vmul.f32 $1.442695020e+00, v2;
	v2 =	vmul.f32 v4, v3  }
0x676: {  	v6 =	vld [tilespmem:s31+$0x0]  }
0x677: {  	v0 =	vbroadcast v0, $0xF;
	v2 =	vmul.f32 v7, v2;
	_ =	sdelay $0x1  }
0x678: {  	v1 =	vmul.f32 v1, v5;
	(erf) = vpow2.f32 v0;
	(xrf2) =	vadd.scan.msk.f32 $0xffff, v2;
	_ =	sdelay $0x1  }
0x679: {  	v0 =	vmul.f32 v6, v1;
	_ =	sdelay $0x1  }
0x67a: {  	(xrf2) =	vadd.scan.msk.f32 $0xffff, v0  }
0x67b: {  	v0 =	vld [tilespmem:s24+$0xC0]  }
0x67c: {  	v1, _, _ =	vpop (xrf2)  }
0x67d: {  	v1 =	vmax.f32 v1, $-5.000000000e+00  }
0x67e: {  	v1 =	vmin.f32 v1, $5.000000000e+00  }
0x67f: {  	v1 =	vmul.f32 $1.442695020e+00, v1;
	v2 =	vpop (erf)  }
0x680: {  	v0 =	vmul.f32 v2, v0;
	v3, _, _ =	vpop (xrf2)  }
0x681: {  	s4 =	simm.s32 $0x107C0;
	v1 =	vbroadcast v1, $0xF;
	v3 =	vmax.f32 v3, $-5.000000000e+00  }
0x682: {  	[tilespmem:s4+$0x50] =	vst v0  }
0x683: {  	(erf) = vpow2.f32 v1;
	v0 =	vmin.f32 v3, $5.000000000e+00;
	v1 =	vld [tilespmem:s24+$0x90]  }
0x684: {  	v0 =	vmul.f32 $1.442695020e+00, v0;
	v4 =	vld [tilespmem:s25+$0x50];
	v3, _, _ =	vpop (xrf2)  }
0x685: {  	v3 =	vmax.f32 v3, $-5.000000000e+00  }
0x686: {  	v5 =	vld [tilespmem:s31+$0x50];
	v0 =	vbroadcast v0, $0xF;
	v3 =	vmin.f32 v3, $5.000000000e+00  }
0x687: {  	v3 =	vmul.f32 $1.442695020e+00, v3  }
0x688: {  	v6 =	vld [tilespmem:s24+$0xFFFFFF40];
	(erf) = vpow2.f32 v0  }
0x689: {  	v1 =	vmul.f32 v4, v1;
	v0 =	vbroadcast v3, $0xF;
	_ =	sdelay $0x1  }
0x68a: {  	(erf) = vpow2.f32 v0;
	v0 =	vmul.f32 v5, v1  }
0x68b: {  	v3 =	vpop (erf)  }
0x68c: {  	v4 =	vmul.f32 v3, v6;
	(xrf2) =	vadd.scan.msk.f32 $0xffff, v0  }
0x68d: {  	v1 =	vld [tilespmem:s24+$0xFFFFFFC0]  }
0x68e: {  	v5 =	vld [tilespmem:s24+$0x40];
	[tilespmem:s4+$0xFFFFFF60] =	vst v4  }
0x68f: {  	v4 =	vld [tilespmem:s24+$0xFFFFFF10]  }
0x690: {  	v6 =	vld [tilespmem:s25+$0xFFFFFF90]  }
0x691: {  	v0 =	vpop (erf)  }
0x692: {  	v8 =	vld [tilespmem:s31+$0xFFFFFF90];
	v7 =	vmul.f32 v0, v1  }
0x693: {  	v1 =	vpop (erf)  }
0x694: {  	[tilespmem:s4+$0xFFFFFFB0] =	vst v7;
	v5 =	vmul.f32 v1, v5  }
0x695: {  	v7 =	vld [tilespmem:s24+$0xFFFFFF90];
	v4 =	vmul.f32 v6, v4  }
0x696: {  	v9 =	vld [tilespmem:s25+$0xFFFFFFD0];
	[tilespmem:s4+$0x0] =	vst v5;
	v6, _, _ =	vpop (xrf2)  }
0x697: {  	v4 =	vmul.f32 v8, v4;
	v5 =	vld [tilespmem:s24+$0x10];
	v6 =	vmax.f32 v6, $-5.000000000e+00  }
0x698: {  	v8 =	vld [tilespmem:s25+$0x10];
	v6 =	vmin.f32 v6, $5.000000000e+00  }
0x699: {  	v10 =	vld [tilespmem:s31+$0xFFFFFFD0];
	(xrf2) =	vadd.scan.msk.f32 $0xffff, v4;
	v4 =	vmul.f32 $1.442695020e+00, v6  }
0x69a: {  	s21 =	simm.s32 $0xC7A0;
	v11 =	vld [tilespmem:s31+$0x10]  }
0x69b: {  	s8 =	simm.s32 $0xA120;
	v7 =	vmul.f32 v9, v7;
	v9 =	vld [tilespmem:s21+$0x40];
	v4 =	vbroadcast v4, $0xF  }
0x69c: {  	v6 =	vld [tilespmem:s8+$0x80]  }
0x69d: {  	s16 =	simm.s32 $0xDBA0;
	(erf) = vpow2.f32 v4;
	v4 =	vmul.f32 v8, v5  }
0x69e: {  	v7 =	vmul.f32 v10, v7;
	v10 =	vld [tilespmem:s16+$0x40]  }
0x69f: {  	v4 =	vmul.f32 v11, v4  }
0x6a0: {  	(xrf2) =	vadd.scan.msk.f32 $0xffff, v7;
	v7 =	vld [tilespmem:s8+$0xFFFFFF80]  }
0x6a1: {  	v5 =	vld [tilespmem:s21+$0xFFFFFF80];
	v6 =	vmul.f32 v9, v6  }
0x6a2: {  	v8 =	vld [tilespmem:s8+$0xFFFFFF00]  }
0x6a3: {  	v9 =	vld [tilespmem:s24+$0xD0];
	v6 =	vmul.f32 v10, v6;
	(xrf2) =	vadd.scan.msk.f32 $0xffff, v4;
	v4, _, _ =	vpop (xrf2)  }
0x6a4: {  	v10 =	vld [tilespmem:s16+$0xFFFFFF80];
	v4 =	vmax.f32 v4, $-5.000000000e+00  }
0x6a5: {  	(xrf2) =	vadd.scan.msk.f32 $0xffff, v6;
	v6 =	vld [tilespmem:s21+$0xFFFFFFC0];
	v4 =	vmin.f32 v4, $5.000000000e+00;
	_ =	sdelay $0x1  }
0x6a6: {  	v13 =	vld [tilespmem:s16+$0xFFFFFFC0]  }
0x6a7: {  	v11 =	vld [tilespmem:s8+$0x0];
	v5 =	vmul.f32 v5, v8;
	v12 =	vmul.f32 $1.442695020e+00, v4;
	v4 =	vpop (erf)  }
0x6a8: {  	v8 =	vld [tilespmem:s21+$0x0];
	v9 =	vmul.f32 v4, v9  }
0x6a9: {  	v5 =	vmul.f32 v10, v5;
	v6 =	vmul.f32 v6, v7  }
0x6aa: {  	v14, _, _ =	vpop (xrf2);
	v7 =	vld [tilespmem:s16+$0x0];
	v12 =	vbroadcast v12, $0xF;
	[tilespmem:s4+$0x60] =	vst v9  }
0x6ab: {  	v10 =	vmax.f32 v14, $-5.000000000e+00;
	(xrf2) =	vadd.scan.msk.f32 $0xffff, v5;
	v6 =	vmul.f32 v13, v6;
	v5 =	vld [tilespmem:s24+$0xA0]  }
0x6ac: {  	(erf) = vpow2.f32 v12;
	v9 =	vmin.f32 v10, $5.000000000e+00;
	v10 =	vld [tilespmem:s25+$0x60]  }
0x6ad: {  	v8 =	vmul.f32 v8, v11;
	v11, _, _ =	vpop (xrf2);
	v9 =	vmul.f32 $1.442695020e+00, v9  }
0x6ae: {  	v11 =	vmax.f32 v11, $-5.000000000e+00  }
0x6af: {  	(xrf2) =	vadd.scan.msk.f32 $0xffff, v6;
	v7 =	vmul.f32 v7, v8;
	v6, _, _ =	vpop (xrf2);
	v8 =	vmin.f32 v11, $5.000000000e+00;
	v9 =	vbroadcast v9, $0xF  }
0x6b0: {  	v12 =	vld [tilespmem:s31+$0x60];
	v6 =	vmax.f32 v6, $-5.000000000e+00;
	v8 =	vmul.f32 $1.442695020e+00, v8  }
0x6b1: {  	v6 =	vmin.f32 v6, $5.000000000e+00;
	(erf) = vpow2.f32 v9;
	v9 =	vld [tilespmem:s24+$0xFFFFFF50];
	v5 =	vmul.f32 v10, v5  }
0x6b2: {  	(xrf2) =	vadd.scan.msk.f32 $0xffff, v7;
	v6 =	vmul.f32 $1.442695020e+00, v6;
	v7 =	vbroadcast v8, $0xF;
	_ =	sdelay $0x1  }
0x6b3: {  	v6 =	vbroadcast v6, $0xF  }
0x6b4: {  	(erf) = vpow2.f32 v7;
	v8 =	vmul.f32 v12, v5;
	v5 =	vpop (erf)  }
0x6b5: {  	v10 =	vld [tilespmem:s24+$0xFFFFFFD0];
	v7, _, _ =	vpop (xrf2);
	(erf) = vpow2.f32 v6;
	v6 =	vmul.f32 v5, v9  }
0x6b6: {  	v7 =	vmax.f32 v7, $-5.000000000e+00  }
0x6b7: {  	v7 =	vmin.f32 v7, $5.000000000e+00  }
0x6b8: {  	(xrf2) =	vadd.scan.msk.f32 $0xffff, v8;
	v7 =	vmul.f32 $1.442695020e+00, v7;
	v8, _, _ =	vpop (xrf2)  }
0x6b9: {  	[tilespmem:s4+$0xFFFFFF70] =	vst v6;
	v8 =	vmax.f32 v8, $-5.000000000e+00;
	v6 =	vpop (erf)  }
0x6ba: {  	v14 =	vld [tilespmem:s8+$0xC0];
	v7 =	vbroadcast v7, $0xF;
	v8 =	vmin.f32 v8, $5.000000000e+00;
	v10 =	vmul.f32 v6, v10  }
0x6bb: {  	v17, _, _ =	vpop (xrf2);
	v9 =	vld [tilespmem:s24+$0xFFFFFF20];
	v8 =	vmul.f32 $1.442695020e+00, v8  }
0x6bc: {  	v15 =	vld [tilespmem:s25+$0xFFFFFFA0];
	(erf) = vpow2.f32 v7;
	[tilespmem:s4+$0xFFFFFFC0] =	vst v10;
	v10 =	vmax.f32 v17, $-5.000000000e+00  }
0x6bd: {  	v7 =	vmin.f32 v10, $5.000000000e+00  }
0x6be: {  	v11 =	vld [tilespmem:s24+$0x50];
	v19 =	vbroadcast v8, $0xF  }
0x6bf: {  	v18 =	vld [tilespmem:s31+$0xFFFFFFA0];
	v8 =	vpop (erf)  }
0x6c0: {  	v12 =	vld [tilespmem:s8+$0xFFFFFF40];
	(erf) = vpow2.f32 v19;
	v20 =	vmul.f32 $1.442695020e+00, v7;
	v7 =	vpop (erf)  }
0x6c1: {  	v17 =	vld [tilespmem:s24+$0xFFFFFFA0];
	v9 =	vmul.f32 v15, v9;
	v22 =	vmul.f32 v7, v14  }
0x6c2: {  	s20 =	simm.s32 $0x10900;
	v10 =	vld [tilespmem:s25+$0xFFFFFFE0];
	v14, _, _ =	vpop (xrf2)  }
0x6c3: {  	v21 =	vld [tilespmem:s31+$0xFFFFFFE0];
	v11 =	vmul.f32 v8, v11;
	v19 =	vbroadcast v20, $0xF;
	v20 =	vmax.f32 v14, $-5.000000000e+00;
	[tilespmem:s20+$0x50] =	vst v22  }
0x6c4: {  	v18 =	vmul.f32 v18, v9;
	v20 =	vmin.f32 v20, $5.000000000e+00;
	v22 =	vld [tilespmem:s8+$0x90]  }
0x6c5: {  	[tilespmem:s4+$0x10] =	vst v11;
	(erf) = vpow2.f32 v19;
	v9 =	vpop (erf);
	v19 =	vmul.f32 $1.442695020e+00, v20;
	v11 =	vld [tilespmem:s21+$0x50]  }
0x6c6: {  	v13 =	vld [tilespmem:s8+$0xFFFFFFC0];
	v12 =	vmul.f32 v9, v12  }
0x6c7: {  	v10 =	vmul.f32 v10, v17;
	v17 =	vld [tilespmem:s16+$0x50];
	v15 =	vbroadcast v19, $0xF  }
0x6c8: {  	v20 =	vld [tilespmem:s24+$0x20]  }
0x6c9: {  	v10 =	vmul.f32 v21, v10;
	v19 =	vld [tilespmem:s25+$0x20];
	(erf) = vpow2.f32 v15  }
0x6ca: {  	(xrf2) =	vadd.scan.msk.f32 $0xffff, v18;
	[tilespmem:s20+$0xFFFFFF60] =	vst v12;
	v12 =	vpop (erf);
	v11 =	vmul.f32 v11, v22  }
0x6cb: {  	v16 =	vld [tilespmem:s8+$0x40];
	(xrf2) =	vadd.scan.msk.f32 $0xffff, v10;
	v13 =	vmul.f32 v12, v13  }
0x6cc: {  	v21 =	vld [tilespmem:s31+$0x20];
	v11 =	vmul.f32 v17, v11  }
0x6cd: {  	v10 =	vld [tilespmem:s8+$0xFFFFFF10]  }
0x6ce: {  	v17 =	vld [tilespmem:s24+$0xE0];
	(xrf2) =	vadd.scan.msk.f32 $0xffff, v11;
	v11 =	vmul.f32 v19, v20  }
0x6cf: {  	v18 =	vld [tilespmem:s21+$0xFFFFFF90];
	[tilespmem:s20+$0xFFFFFFB0] =	vst v13;
	v13 =	vpop (erf)  }
0x6d0: {  	v22 =	vld [tilespmem:s8+$0xFFFFFF90];
	v16 =	vmul.f32 v13, v16  }
0x6d1: {  	v20 =	vld [tilespmem:s16+$0xFFFFFF90]  }
0x6d2: {  	v19 =	vld [tilespmem:s21+$0xFFFFFFD0];
	[tilespmem:s20+$0x0] =	vst v16;
	v16 =	vmul.f32 v21, v11;
	v11 =	vpop (erf)  }
0x6d3: {  	v17 =	vmul.f32 v11, v17  }
0x6d4: {  	v10 =	vmul.f32 v18, v10;
	v18, _, _ =	vpop (xrf2);
	(xrf2) =	vadd.scan.msk.f32 $0xffff, v16;
	v16 =	vld [tilespmem:s16+$0xFFFFFFD0]  }
0x6d5: {  	v21 =	vld [tilespmem:s8+$0x10];
	[tilespmem:s4+$0x70] =	vst v17;
	v17 =	vmax.f32 v18, $-5.000000000e+00;
	v18, _, _ =	vpop (xrf2)  }
0x6d6: {  	v10 =	vmul.f32 v20, v10;
	v20 =	vld [tilespmem:s24+$0xB0];
	v18 =	vmax.f32 v18, $-5.000000000e+00  }
0x6d7: {  	v19 =	vmul.f32 v19, v22;
	v22 =	vld [tilespmem:s25+$0x70];
	v18 =	vmin.f32 v18, $5.000000000e+00  }
0x6d8: {  	v24 =	vld [tilespmem:s21+$0x10];
	(xrf2) =	vadd.scan.msk.f32 $0xffff, v10;
	v17 =	vmin.f32 v17, $5.000000000e+00  }
0x6d9: {  	s30 =	simm.s32 $0xC8A0;
	v17 =	vmul.f32 $1.442695020e+00, v17;
	v16 =	vmul.f32 v16, v19;
	v19 =	vld [tilespmem:s31+$0x70]  }
0x6da: {  	v29 =	vld [tilespmem:s30+$0x0];
	v10 =	vmul.f32 $1.442695020e+00, v18;
	v18, _, _ =	vpop (xrf2)  }
0x6db: {  	s12 =	simm.s32 $0xA320;
	v25 =	vld [tilespmem:s16+$0x10];
	v17 =	vbroadcast v17, $0xF;
	v18 =	vmax.f32 v18, $-5.000000000e+00  }
0x6dc: {  	v50 =	vld [tilespmem:s12+$0xFFFFFF00];
	v28 =	vbroadcast v10, $0xF;
	v20 =	vmul.f32 v22, v20;
	v10 =	vmin.f32 v18, $5.000000000e+00  }
0x6dd: {  	(xrf2) =	vadd.scan.msk.f32 $0xffff, v16;
	v16 =	vld [tilespmem:s12+$0x80];
	(erf) = vpow2.f32 v17;
	v18 =	vmul.f32 $1.442695020e+00, v10  }
0x6de: {  	s1 =	simm.s32 $0xDCA0;
	v22 =	vld [tilespmem:s30+$0x40];
	v17 =	vmul.f32 v24, v21;
	v21, _, _ =	vpop (xrf2);
	v19 =	vmul.f32 v19, v20  }
0x6df: {  	v52 =	vld [tilespmem:s1+$0xFFFFFF80];
	(erf) = vpow2.f32 v28;
	v21 =	vmax.f32 v21, $-5.000000000e+00;
	v18 =	vbroadcast v18, $0xF  }
0x6e0: {  	v20 =	vld [tilespmem:s1+$0x40];
	v17 =	vmul.f32 v25, v17;
	v21 =	vmin.f32 v21, $5.000000000e+00;
	(xrf2) =	vadd.scan.msk.f32 $0xffff, v19  }
0x6e1: {  	v23 =	vld [tilespmem:s24+$0xFFFFFF60];
	(erf) = vpow2.f32 v18;
	v18 =	vmul.f32 $1.442695020e+00, v21  }
0x6e2: {  	v28 =	vld [tilespmem:s30+$0xFFFFFFC0];
	(xrf2) =	vadd.scan.msk.f32 $0xffff, v17;
	v19, _, _ =	vpop (xrf2)  }
0x6e3: {  	v25 =	vld [tilespmem:s12+$0xFFFFFF80];
	v16 =	vmul.f32 v22, v16;
	v19 =	vmax.f32 v19, $-5.000000000e+00;
	v18 =	vbroadcast v18, $0xF  }
0x6e4: {  	v14 =	vld [tilespmem:s24+$0xFFFFFFE0]  }
0x6e5: {  	v24 =	vld [tilespmem:s30+$0xFFFFFF80];
	v16 =	vmul.f32 v20, v16;
	v17 =	vmin.f32 v19, $5.000000000e+00  }
0x6e6: {  	v22 =	vld [tilespmem:s12+$0x0];
	v17 =	vmul.f32 $1.442695020e+00, v17;
	v19 =	vpop (erf)  }
0x6e7: {  	v51 =	vld [tilespmem:s8+$0xD0];
	(xrf2) =	vadd.scan.msk.f32 $0xffff, v16;
	(erf) = vpow2.f32 v18;
	v18, _, _ =	vpop (xrf2)  }
0x6e8: {  	v53 =	vld [tilespmem:s1+$0xFFFFFFC0];
	v25 =	vmul.f32 v28, v25;
	v17 =	vbroadcast v17, $0xF;
	v20 =	vpop (erf);
	v16 =	vmax.f32 v18, $-5.000000000e+00  }
0x6e9: {  	v54 =	vld [tilespmem:s1+$0x0];
	v23 =	vmul.f32 v19, v23;
	v14 =	vmul.f32 v20, v14;
	v16 =	vmin.f32 v16, $5.000000000e+00  }
0x6ea: {  	v46 =	vld [tilespmem:s12+$0xC0];
	(erf) = vpow2.f32 v17;
	v55, _, _ =	vpop (xrf2);
	v16 =	vmul.f32 $1.442695020e+00, v16  }
0x6eb: {  	v26 =	vld [tilespmem:s8+$0xFFFFFF50];
	v17 =	vmul.f32 v24, v50;
	[tilespmem:s4+$0xFFFFFFD0] =	vst v14;
	v14 =	vmul.f32 v29, v22;
	v21 =	vpop (erf)  }
0x6ec: {  	v15 =	vld [tilespmem:s24+$0x60];
	v28, _, _ =	vpop (xrf2);
	v31 =	vmul.f32 v21, v51;
	v16 =	vbroadcast v16, $0xF  }
0x6ed: {  	v27 =	vld [tilespmem:s8+$0xFFFFFFD0];
	[tilespmem:s4+$0xFFFFFF80] =	vst v23;
	v23 =	vmax.f32 v55, $-5.000000000e+00;
	v56 =	vmul.f32 v52, v17;
	v28 =	vmax.f32 v28, $-5.000000000e+00  }
0x6ee: {  	v10 =	vld [tilespmem:s8+$0x50];
	v22 =	vmin.f32 v28, $5.000000000e+00;
	[tilespmem:s20+$0x60] =	vst v31;
	(erf) = vpow2.f32 v16;
	v16 =	vmin.f32 v23, $5.000000000e+00  }
0x6ef: {  	v22 =	vmul.f32 $1.442695020e+00, v22;
	v57 =	vld [tilespmem:s8+$0xA0];
	v16 =	vmul.f32 $1.442695020e+00, v16  }
0x6f0: {  	v25 =	vmul.f32 v53, v25;
	(xrf2) =	vadd.scan.msk.f32 $0xffff, v56;
	v58 =	vld [tilespmem:s21+$0x60];
	v31 =	vpop (erf)  }
0x6f1: {  	v24 =	vld [tilespmem:s12+$0xFFFFFF40];
	v29, _, _ =	vpop (xrf2);
	v15 =	vmul.f32 v31, v15;
	v16 =	vbroadcast v16, $0xF  }
0x6f2: {  	v14 =	vmul.f32 v54, v14;
	(xrf2) =	vadd.scan.msk.f32 $0xffff, v25;
	v25 =	vld [tilespmem:s16+$0x60];
	v29 =	vmax.f32 v29, $-5.000000000e+00  }
0x6f3: {  	v18 =	vld [tilespmem:s12+$0xFFFFFFC0];
	[tilespmem:s4+$0x20] =	vst v15;
	v15 =	vbroadcast v22, $0xF;
	v22 =	vpop (erf);
	(erf) = vpow2.f32 v16;
	v16 =	vmin.f32 v29, $5.000000000e+00  }
0x6f4: {  	v53 =	vld [tilespmem:s31+$0xFFFFFFB0];
	v26 =	vmul.f32 v22, v26;
	v16 =	vmul.f32 $1.442695020e+00, v16  }
0x6f5: {  	v17 =	vld [tilespmem:s12+$0x40];
	(xrf2) =	vadd.scan.msk.f32 $0xffff, v14;
	v14 =	vmul.f32 v58, v57  }
0x6f6: {  	v59 =	vld [tilespmem:s24+$0xFFFFFFB0];
	v16 =	vbroadcast v16, $0xF  }
0x6f7: {  	v55 =	vld [tilespmem:s31+$0xFFFFFFF0];
	(erf) = vpow2.f32 v15;
	v14 =	vmul.f32 v25, v14  }
0x6f8: {  	v28 =	vld [tilespmem:s25+$0xFFFFFFB0];
	[tilespmem:s20+$0xFFFFFF70] =	vst v26;
	v26 =	vpop (erf);
	(erf) = vpow2.f32 v16  }
0x6f9: {  	v15 =	vld [tilespmem:s8+$0xFFFFFF20];
	(xrf2) =	vadd.scan.msk.f32 $0xffff, v14  }
0x6fa: {  	v62 =	vld [tilespmem:s21+$0xFFFFFFA0];
	v27 =	vmul.f32 v26, v27;
	v16, _, _ =	vpop (xrf2)  }
0x6fb: {  	v23 =	vld [tilespmem:s24+$0xFFFFFF30];
	v14 =	vmax.f32 v16, $-5.000000000e+00  }
0x6fc: {  	v29 =	vld [tilespmem:s25+$0xFFFFFFF0];
	[tilespmem:s20+$0xFFFFFFC0] =	vst v27;
	v14 =	vmin.f32 v14, $5.000000000e+00  }
0x6fd: {  	v27 =	vld [tilespmem:s8+$0xFFFFFFA0];
	v16, _, _ =	vpop (xrf2);
	v14 =	vmul.f32 $1.442695020e+00, v14  }
0x6fe: {  	v2 =	vnsel vm0, $0x0, v2;
	v45 =	vld [tilespmem:s21+$0xFFFFFFE0];
	v16 =	vmax.f32 v16, $-5.000000000e+00;
	v47 =	vpop (erf)  }
0x6ff: {  	v63 =	vld [tilespmem:s16+$0xFFFFFFA0];
	v34 =	vmul.f32 v62, v15;
	v15, _, _ =	vpop (xrf2);
	v16 =	vmin.f32 v16, $5.000000000e+00;
	v14 =	vbroadcast v14, $0xF  }
0x700: {  	v3 =	vnsel vm0, $0x0, v3;
	v48 =	vld [tilespmem:s16+$0xFFFFFFE0];
	v50 =	vmax.f32 v15, $-5.000000000e+00;
	v42 =	vpop (erf);
	v49 =	vmul.f32 $1.442695020e+00, v16  }
0x701: {  	v60 =	vld [tilespmem:s24+$0x30];
	v52 =	vmin.f32 v50, $5.000000000e+00;
	v43 =	vmul.f32 v42, v10;
	(erf) = vpow2.f32 v14;
	v54 =	vpop (erf)  }
0x702: {  	v2 =	vsel vm1, v2, v4;
	v61 =	vld [tilespmem:s25+$0x30];
	v4 =	vmul.f32 $1.442695020e+00, v52;
	v37 =	vmul.f32 v54, v46  }
0x703: {  	s11 =	simm.s32 $0x10A40;
	v3 =	vsel vm1, v3, v5;
	v57 =	vld [tilespmem:s31+$0x30];
	v51 =	vbroadcast v49, $0xF;
	v27 =	vmul.f32 v45, v27;
	v56, _, _ =	vpop (xrf2)  }
0x704: {  	v25 =	vld [tilespmem:s24+$0xF0];
	v14 =	vmul.f32 v63, v34;
	v4 =	vbroadcast v4, $0xF;
	v34 =	vmax.f32 v56, $-5.000000000e+00;
	[tilespmem:s11+$0x50] =	vst v37  }
0x705: {  	(erf) = vpow2.f32 v51;
	v5 =	vmul.f32 v48, v27;
	v27 =	vmin.f32 v34, $5.000000000e+00;
	v58 =	vld [tilespmem:s12+$0x90]  }
0x706: {  	(xrf2) =	vadd.scan.msk.f32 $0xffff, v14;
	(erf) = vpow2.f32 v4;
	v4 =	vmul.f32 $1.442695020e+00, v27;
	v14 =	vld [tilespmem:s30+$0x50]  }
0x707: {  	v0 =	vnsel vm0, $0x0, v0;
	v1 =	vnsel vm0, $0x0, v1;
	v15 =	vld [tilespmem:s8+$0xFFFFFFE0]  }
0x708: {  	v0 =	vsel vm1, v0, v6;
	v6 =	vsel vm1, v1, v8;
	[tilespmem:s20+$0x10] =	vst v43;
	v1 =	vbroadcast v4, $0xF;
	v4 =	vld [tilespmem:s1+$0x50]  }
0x709: {  	v23 =	vmul.f32 v28, v23;
	(xrf2) =	vadd.scan.msk.f32 $0xffff, v5;
	v5 =	vld [tilespmem:s8+$0x20]  }
0x70a: {  	v8 =	vsel vm2, v2, v11;
	v11 =	vmul.f32 v29, v59;
	v27 =	vld [tilespmem:s21+$0x20];
	v28 =	vpop (erf);
	(erf) = vpow2.f32 v1  }
0x70b: {  	v16 =	vld [tilespmem:s8+$0xFFFFFF60];
	v1 =	vsel vm2, v0, v20;
	v0 =	vnsel vm0, $0x0, v7;
	v7 =	vmul.f32 v14, v58  }
0x70c: {  	v2 =	vsel vm2, v3, v19;
	v23 =	vmul.f32 v53, v23;
	v10 =	vld [tilespmem:s24+$0xFFFFFF70];
	v3 =	vmul.f32 v28, v24  }
0x70d: {  	v19 =	vld [tilespmem:s16+$0x20];
	v20 =	vmul.f32 v55, v11;
	v4 =	vmul.f32 v4, v7  }
0x70e: {  	v9 =	vnsel vm0, $0x0, v9;
	(xrf2) =	vadd.scan.msk.f32 $0xffff, v23;
	v14 =	vld [tilespmem:s8+$0x60];
	[tilespmem:s11+$0xFFFFFF60] =	vst v3  }
0x70f: {  	v5 =	vmul.f32 v27, v5;
	v29 =	vsel vm1, v0, v21;
	v0 =	vsel vm2, v6, v31;
	(xrf2) =	vadd.scan.msk.f32 $0xffff, v20;
	v21 =	vld [tilespmem:s12+$0xFFFFFF10]  }
0x710: {  	v6 =	vsel vm1, v9, v22;
	v9 =	vnsel vm0, $0x0, v12;
	v22 =	vmul.f32 v61, v60;
	v12 =	vld [tilespmem:s30+$0xFFFFFF90];
	v3 =	vpop (erf)  }
0x711: {  	v13 =	vnsel vm0, $0x0, v13;
	v11 =	vld [tilespmem:s24+$0xFFFFFFF0];
	v24 =	vmul.f32 v47, v25;
	(xrf2) =	vadd.scan.msk.f32 $0xffff, v4;
	v7 =	vmul.f32 v3, v18;
	v4, _, _ =	vpop (xrf2)  }
0x712: {  	v5 =	vmul.f32 v19, v5;
	v25 =	vsel vm3, v8, v47;
	v20 =	vld [tilespmem:s8+$0xE0];
	v18 =	vpop (erf);
	v4 =	vmax.f32 v4, $-5.000000000e+00  }
0x713: {  	[tilespmem:s11+$0xFFFFFFB0] =	vst v7;
	v7 =	vsel vm1, v9, v26;
	v9 =	vmul.f32 v18, v17;
	v17, _, _ =	vpop (xrf2);
	v8 =	vmin.f32 v4, $5.000000000e+00;
	v26 =	vld [tilespmem:s1+$0xFFFFFF90]  }
0x714: {  	v4 =	vsel vm1, v13, v42;
	(xrf2) =	vadd.scan.msk.f32 $0xffff, v5;
	v23 =	vld [tilespmem:s12+$0xFFFFFF90];
	v17 =	vmax.f32 v17, $-5.000000000e+00;
	v13 =	vmul.f32 $1.442695020e+00, v8  }
0x715: {  	v5 =	vnsel vm0, $0x0, v3;
	v19 =	vld [tilespmem:s30+$0xFFFFFFD0];
	v3 =	vmul.f32 v12, v21;
	[tilespmem:s11+$0x0] =	vst v9;
	v8 =	vmin.f32 v17, $5.000000000e+00  }
0x716: {  	v59 =	vpop (erf);
	v27 =	vld [tilespmem:s12+$0x10];
	v60 =	vmul.f32 $1.442695020e+00, v8;
	v13 =	vbroadcast v13, $0xF  }
0x717: {  	v20 =	vmul.f32 v59, v20;
	v17 =	vmul.f32 v57, v22;
	v61 =	vld [tilespmem:s30+$0x10]  }
0x718: {  	v12, _, _ =	vpop (xrf2);
	v22 =	vld [tilespmem:s1+$0xFFFFFFD0];
	v21 =	vbroadcast v60, $0xF;
	(erf) = vpow2.f32 v13  }
0x719: {  	v12 =	vmax.f32 v12, $-5.000000000e+00;
	v8 =	vnsel vm0, $0x0, v28;
	v28 =	vld [tilespmem:s1+$0x10];
	[tilespmem:s20+$0x70] =	vst v20;
	v26 =	vmul.f32 v26, v3;
	v3, _, _ =	vpop (xrf2)  }
0x71a: {  	v12 =	vmin.f32 v12, $5.000000000e+00;
	v62 =	vld [tilespmem:s8+$0xB0];
	v3 =	vmax.f32 v3, $-5.000000000e+00;
	(erf) = vpow2.f32 v21  }
0x71b: {  	v12 =	vmul.f32 $1.442695020e+00, v12;
	v63 =	vld [tilespmem:s21+$0x70];
	v13 =	vmul.f32 v19, v23;
	v3 =	vmin.f32 v3, $5.000000000e+00  }
0x71c: {  	v20 =	vld [tilespmem:s12+$0xFFFFFF50];
	(xrf2) =	vadd.scan.msk.f32 $0xffff, v26;
	v19 =	vmul.f32 v61, v27;
	v27 =	vmul.f32 $1.442695020e+00, v3  }
0x71d: {  	v9 =	vnsel vm0, $0x0, v54;
	v23 =	vld [tilespmem:s16+$0x70];
	v22 =	vmul.f32 v22, v13;
	v21, _, _ =	vpop (xrf2)  }
0x71e: {  	[tilespmem:s4+$0x80] =	vst v24;
	v24 =	vbroadcast v12, $0xF;
	v12 =	vld [tilespmem:s24+$0x70];
	v3 =	vnsel vm0, $0x0, v18;
	v13 =	vmax.f32 v21, $-5.000000000e+00  }
0x71f: {  	s29 =	simm.s32 $0xA520;
	s2 =	simm.s32 $0xDCA0;
	v18 =	vld [tilespmem:s12+$0x50];
	v21 =	vmul.f32 v28, v19;
	(xrf2) =	vadd.scan.msk.f32 $0xffff, v22;
	v22 =	vbroadcast v27, $0xF;
	v13 =	vmin.f32 v13, $5.000000000e+00  }
0x720: {  	s22 =	simm.s32 $0x10A40;
	s25 =	simm.s32 $0x8;
	[tilespmem:s4+$0x90] =	vst v25;
	s24 =	simm.s32 $0xC8A0;
	v19 =	vld [tilespmem:s12+$0xFFFFFFD0];
	v26 =	vmul.f32 v63, v62;
	v25 =	vmul.f32 $1.442695020e+00, v13;
	v13 =	vsel vm2, v29, v59;
	v27, _, _ =	vpop (xrf2)  }
.LBB2_13:
0x721: {  	v28 =	vld [tilespmem:s29+$0x80];
	s30 =	sadd.s32 $0x100, s30;
	v27 =	vmax.f32 v27, $-5.000000000e+00;
	v29 =	vpop (erf);
	(erf) = vpow2.f32 v24  }
0x722: {  	v24 =	vld [tilespmem:s30+$0x40];
	v25 =	vbroadcast v25, $0xF;
	v27 =	vmin.f32 v27, $5.000000000e+00;
	v23 =	vmul.f32 v23, v26  }
0x723: {  	s1 =	sadd.s32 $0x100, s1;
	v16 =	vmul.f32 v29, v16;
	v6 =	vsel vm2, v6, v29;
	v26 =	vld [tilespmem:s30+$0xFFFFFF80];
	v31 =	vmul.f32 $1.442695020e+00, v27;
	v29 =	vpop (erf)  }
0x724: {  	v30 =	vld [tilespmem:s1+$0x40];
	(erf) = vpow2.f32 v25;
	v15 =	vmul.f32 v29, v15;
	v7 =	vsel vm2, v7, v29;
	(xrf2) =	vadd.scan.msk.f32 $0xffff, v23  }
0x725: {  	v23 =	vld [tilespmem:s29+$0xFFFFFF80];
	[tilespmem:s20+$0xFFFFFF80] =	vst v16;
	v16 =	vbroadcast v31, $0xF  }
0x726: {  	s25 =	sadd.s32 $0x4, s25;
	v25 =	vld [tilespmem:s30+$0xFFFFFFC0];
	v27, _, _ =	vpop (xrf2);
	[tilespmem:s20+$0xFFFFFFD0] =	vst v15;
	(erf) = vpow2.f32 v22  }
0x727: {  	p0 =	slt.u32 s25, $0x4C;
	v15 =	vld [tilespmem:s29+$0x0];
	v22 =	vmul.f32 v24, v28;
	v24 =	vmax.f32 v27, $-5.000000000e+00;
	(xrf2) =	vadd.scan.msk.f32 $0xffff, v21;
	(erf) = vpow2.f32 v16  }
0x728: {  	v16 =	vld [tilespmem:s30+$0x0];
	v21 =	vmin.f32 v24, $5.000000000e+00  }
0x729: {  	v24 =	vld [tilespmem:s29+$0xFFFFFF00];
	v22 =	vmul.f32 v30, v22;
	v21 =	vmul.f32 $1.442695020e+00, v21;
	v27, _, _ =	vpop (xrf2)  }
0x72a: {  	v27 =	vmax.f32 v27, $-5.000000000e+00;
	v28 =	vld [tilespmem:s12+$0xD0];
	v29 =	vpop (erf)  }
0x72b: {  	v30 =	vld [tilespmem:s1+$0xFFFFFF80];
	v25 =	vmul.f32 v25, v23;
	(xrf2) =	vadd.scan.msk.f32 $0xffff, v22;
	v21 =	vbroadcast v21, $0xF;
	v22 =	vmin.f32 v27, $5.000000000e+00  }
0x72c: {  	v31 =	vmul.f32 v29, v10;
	v23 =	vsel vm3, v2, v29;
	v2 =	vmovc v6;
	v27 =	vld [tilespmem:s1+$0xFFFFFFC0];
	v22 =	vmul.f32 $1.442695020e+00, v22  }
0x72d: {  	v6 =	vld [tilespmem:s1+$0x0];
	v15 =	vmul.f32 v16, v15;
	(erf) = vpow2.f32 v21;
	v16 =	vpop (erf);
	[tilespmem:s4+$0xFFFFFFA0] =	vst v23  }
0x72e: {  	v32 =	vmul.f32 v26, v24;
	v24 =	vld [tilespmem:s29+$0xFFFFFF40];
	v29 =	vbroadcast v22, $0xF;
	v21 =	vsel vm1, v9, v16;
	v9, _, _ =	vpop (xrf2);
	(xrf2) =	vadd.scan.msk.f32 $0xffff, v17  }
0x72f: {  	v23 =	vld [tilespmem:s29+$0xFFFFFFC0];
	v28 =	vmul.f32 v16, v28;
	v9 =	vmax.f32 v9, $-5.000000000e+00;
	[tilespmem:s4+$0xFFFFFF90] =	vst v31;
	v10 =	vpop (erf)  }
0x730: {  	v17 =	vmul.f32 v30, v32;
	v22 =	vld [tilespmem:s29+$0x40];
	(erf) = vpow2.f32 v29;
	v9 =	vmin.f32 v9, $5.000000000e+00;
	v26 =	vpop (erf)  }
0x731: {  	v27 =	vmul.f32 v27, v25;
	[tilespmem:s11+$0x60] =	vst v28;
	v16, _, _ =	vpop (xrf2);
	v28 =	vld [tilespmem:s8+$0xFFFFFF30];
	v25 =	vsel vm2, v4, v26;
	v4 =	vmul.f32 $1.442695020e+00, v9  }
0x732: {  	v14 =	vmul.f32 v26, v14;
	v9 =	vmul.f32 v6, v15;
	(xrf2) =	vadd.scan.msk.f32 $0xffff, v17;
	v6 =	vmax.f32 v16, $-5.000000000e+00;
	v15 =	vld [tilespmem:s12+$0xA0]  }
0x733: {  	v11 =	vmul.f32 v10, v11;
	v6 =	vmin.f32 v6, $5.000000000e+00;
	v16 =	vld [tilespmem:s24+$0x60];
	v4 =	vbroadcast v4, $0xF  }
0x734: {  	v10 =	vsel vm3, v1, v10;
	v1 =	vmov v7;
	v26 =	vmul.f32 $1.442695020e+00, v6;
	v17 =	vld [tilespmem:s21+$0xFFFFFFB0];
	[tilespmem:s20+$0x20] =	vst v14  }
0x735: {  	(xrf2) =	vadd.scan.msk.f32 $0xffff, v27;
	v7, _, _ =	vpop (xrf2);
	v14 =	vld [tilespmem:s2+$0x60];
	(erf) = vpow2.f32 v4;
	[tilespmem:s4+$0xFFFFFFE0] =	vst v11  }
0x736: {  	v4 =	vmax.f32 v7, $-5.000000000e+00;
	v11 =	vbroadcast v26, $0xF;
	v6 =	vpop (erf);
	v26 =	vld [tilespmem:s8+$0xFFFFFFB0];
	[tilespmem:s4+$0xFFFFFFF0] =	vst v10  }
0x737: {  	v4 =	vmin.f32 v4, $5.000000000e+00;
	v20 =	vmul.f32 v6, v20;
	v6 =	vsel vm1, v8, v6;
	v8 =	vld [tilespmem:s21+$0xFFFFFFF0]  }
0x738: {  	v4 =	vmul.f32 $1.442695020e+00, v4;
	(xrf2) =	vadd.scan.msk.f32 $0xffff, v9;
	v9 =	vmul.f32 v16, v15;
	v10 =	vld [tilespmem:s8+$0x30];
	v15, _, _ =	vpop (xrf2)  }
0x739: {  	[tilespmem:s11+$0xFFFFFF70] =	vst v20;
	v7 =	vpop (erf);
	v17 =	vmul.f32 v17, v28;
	v16 =	vld [tilespmem:s21+$0x30];
	v15 =	vmax.f32 v15, $-5.000000000e+00;
	s21 =	smov.u32 s24;
	s24 =	smov.u32 s30  }
0x73a: {  	v4 =	vbroadcast v4, $0xF;
	v9 =	vmul.f32 v14, v9;
	v14 =	vld [tilespmem:s8+$0xF0];
	v15 =	vmin.f32 v15, $5.000000000e+00  }
0x73b: {  	v19 =	vmul.f32 v7, v19;
	v7 =	vsel vm1, v5, v7;
	v20 =	vld [tilespmem:s12+$0xFFFFFF20];
	(erf) = vpow2.f32 v11  }
0x73c: {  	v5, _, _ =	vpop (xrf2);
	(erf) = vpow2.f32 v4;
	v4 =	vld [tilespmem:s21+$0xFFFFFFA0];
	(xrf2) =	vadd.scan.msk.f32 $0xffff, v9;
	v8 =	vmul.f32 v8, v26  }
0x73d: {  	v11 =	vmul.f32 $1.442695020e+00, v15;
	v5 =	vmax.f32 v5, $-5.000000000e+00;
	v9 =	vld [tilespmem:s2+$0xFFFFFFA0];
	[tilespmem:s11+$0xFFFFFFC0] =	vst v19  }
0x73e: {  	v5 =	vmin.f32 v5, $5.000000000e+00;
	v19 =	vld [tilespmem:s12+$0xFFFFFFA0];
	v26 =	vmul.f32 v16, v10;
	v10 =	vpop (erf)  }
0x73f: {  	v5 =	vmul.f32 $1.442695020e+00, v5;
	v15, _, _ =	vpop (xrf2);
	v27 =	vld [tilespmem:s21+$0xFFFFFFE0];
	v16 =	vmul.f32 v10, v14;
	v10 =	vsel vm3, v13, v10  }
0x740: {  	v13 =	vmax.f32 v15, $-5.000000000e+00;
	v28 =	vld [tilespmem:s2+$0xFFFFFFE0];
	[tilespmem:s20+$0x90] =	vst v10;
	v10 =	vbroadcast v11, $0xF  }
0x741: {  	v5 =	vbroadcast v5, $0xF;
	v11 =	vmin.f32 v13, $5.000000000e+00;
	v13 =	vld [tilespmem:s29+$0xC0];
	v4 =	vmul.f32 v4, v20;
	[tilespmem:s20+$0x80] =	vst v16  }
0x742: {  	v11 =	vmul.f32 $1.442695020e+00, v11;
	v14, _, _ =	vpop (xrf2);
	v16 =	vld [tilespmem:s12+$0xFFFFFF60];
	(erf) = vpow2.f32 v10  }
0x743: {  	v10 =	vmax.f32 v14, $-5.000000000e+00;
	(erf) = vpow2.f32 v5;
	v29 =	vmul.f32 v9, v4;
	v15 =	vld [tilespmem:s12+$0xFFFFFFE0]  }
0x744: {  	v11 =	vbroadcast v11, $0xF;
	v4 =	vmin.f32 v10, $5.000000000e+00;
	v10 =	vmul.f32 v27, v19;
	v9 =	vpop (erf);
	v14 =	vld [tilespmem:s16+$0xFFFFFFB0]  }
0x745: {  	v19 =	vmul.f32 $1.442695020e+00, v4;
	v20 =	vpop (erf);
	v18 =	vmul.f32 v9, v18;
	v4 =	vsel vm1, v3, v9;
	v3 =	vld [tilespmem:s16+$0xFFFFFFF0]  }
0x746: {  	v13 =	vmul.f32 v20, v13;
	v9 =	vnsel vm0, $0x0, v20;
	(erf) = vpow2.f32 v11;
	(xrf2) =	vadd.scan.msk.f32 $0xffff, v29;
	v5, _, _ =	vpop (xrf2);
	v11 =	vld [tilespmem:s16+$0x30];
	s16 =	smov.u32 s2;
	s2 =	smov.u32 s1  }
0x747: {  	s11 =	sadd.s32 $0x140, s11;
	v20 =	vmul.f32 v28, v10;
	v19 =	vbroadcast v19, $0xF;
	[tilespmem:s22+$0x10] =	vst v18;
	v5 =	vmax.f32 v5, $-5.000000000e+00;
	v10 =	vld [tilespmem:s8+$0xFFFFFF70]  }
0x748: {  	[tilespmem:s11+$0x50] =	vst v13;
	v13 =	vld [tilespmem:s12+$0x20];
	v5 =	vmin.f32 v5, $5.000000000e+00  }
0x749: {  	v18 =	vld [tilespmem:s29+$0x90];
	(erf) = vpow2.f32 v19;
	v5 =	vmul.f32 $1.442695020e+00, v5;
	(xrf2) =	vadd.scan.msk.f32 $0xffff, v20  }
0x74a: {  	v14 =	vmul.f32 v14, v17;
	v19 =	vld [tilespmem:s30+$0x50];
	v3 =	vmul.f32 v3, v8  }
0x74b: {  	v20 =	vld [tilespmem:s21+$0x20];
	v5 =	vbroadcast v5, $0xF;
	v17 =	vmul.f32 v11, v26;
	v8 =	vpop (erf)  }
0x74c: {  	v26 =	vld [tilespmem:s1+$0x50];
	v11 =	vpop (erf);
	v12 =	vmul.f32 v8, v12;
	v27 =	vsel vm3, v0, v8;
	v0 =	vmov v25  }
0x74d: {  	v24 =	vmul.f32 v11, v24;
	v8 =	vnsel vm0, $0x0, v11;
	v25 =	vld [tilespmem:s16+$0x20];
	(erf) = vpow2.f32 v5;
	(xrf2) =	vadd.scan.msk.f32 $0xffff, v14  }
0x74e: {  	v14 =	vld [tilespmem:s12+$0x60];
	[tilespmem:s4+$0x30] =	vst v12  }
0x74f: {  	[tilespmem:s11+$0xFFFFFF60] =	vst v24;
	v12 =	vmul.f32 v19, v18;
	v5 =	vpop (erf);
	v11 =	vld [tilespmem:s8+$0xFFFFFFF0]  }
0x750: {  	v18 =	vld [tilespmem:s29+$0xFFFFFF10];
	v24 =	vmul.f32 v5, v23;
	v5 =	vnsel vm0, $0x0, v5;
	v13 =	vmul.f32 v20, v13;
	v20, _, _ =	vpop (xrf2);
	(xrf2) =	vadd.scan.msk.f32 $0xffff, v3  }
0x751: {  	v23 =	vld [tilespmem:s30+$0xFFFFFF90];
	v12 =	vmul.f32 v26, v12;
	v3 =	vmax.f32 v20, $-5.000000000e+00;
	[tilespmem:s4+$0x40] =	vst v27;
	s4 =	smov.u32 s20;
	s20 =	smov.u32 s22;
	s22 =	smov.u32 s11  }
0x752: {  	[tilespmem:s11+$0xFFFFFFB0] =	vst v24;
	v19 =	vpop (erf);
	v20 =	vmin.f32 v3, $5.000000000e+00;
	v13 =	vmul.f32 v25, v13;
	v24 =	vld [tilespmem:s12+$0xE0]  }
0x753: {  	v25 =	vld [tilespmem:s29+$0xFFFFFF90];
	v22 =	vmul.f32 v19, v22;
	v3 =	vnsel vm0, $0x0, v19;
	(xrf2) =	vadd.scan.msk.f32 $0xffff, v12;
	v12 =	vmul.f32 $1.442695020e+00, v20;
	v19, _, _ =	vpop (xrf2)  }
0x754: {  	v20 =	vld [tilespmem:s30+$0xFFFFFFD0];
	v19 =	vmax.f32 v19, $-5.000000000e+00  }
0x755: {  	v26 =	vld [tilespmem:s1+$0xFFFFFF90];
	[tilespmem:s11+$0x0] =	vst v22;
	v12 =	vbroadcast v12, $0xF;
	v19 =	vmin.f32 v19, $5.000000000e+00  }
0x756: {  	v18 =	vmul.f32 v23, v18;
	v22 =	vld [tilespmem:s29+$0x10];
	v19 =	vmul.f32 $1.442695020e+00, v19;
	(xrf2) =	vadd.scan.msk.f32 $0xffff, v13;
	v13 =	vpop (erf)  }
0x757: {  	v23 =	vld [tilespmem:s30+$0x10];
	v24 =	vmul.f32 v13, v24;
	v13 =	vsel vm2, v21, v13;
	v21, _, _ =	vpop (xrf2)  }
0x758: {  	v27 =	vld [tilespmem:s1+$0xFFFFFFD0];
	v28 =	vbroadcast v19, $0xF;
	(erf) = vpow2.f32 v12;
	v12 =	vmax.f32 v21, $-5.000000000e+00  }
0x759: {  	v21 =	vmul.f32 v20, v25;
	v25 =	vld [tilespmem:s1+$0x10];
	[tilespmem:s20+$0x70] =	vst v24;
	v12 =	vmin.f32 v12, $5.000000000e+00  }
0x75a: {  	v18 =	vmul.f32 v26, v18;
	v26 =	vld [tilespmem:s12+$0xB0];
	(erf) = vpow2.f32 v28;
	v19, _, _ =	vpop (xrf2)  }
0x75b: {  	v12 =	vmul.f32 $1.442695020e+00, v12;
	v28 =	vld [tilespmem:s21+$0x70];
	v19 =	vmax.f32 v19, $-5.000000000e+00  }
.Ltmp5:
0x75c: {  	v20 =	vld [tilespmem:s29+$0xFFFFFF50];
	v22 =	vmul.f32 v23, v22;
	(xrf2) =	vadd.scan.msk.f32 $0xffff, v18;
	v18 =	vmin.f32 v19, $5.000000000e+00;
	(pc) =	sbr.rel @p0 .LBB2_13-.Ltmp5, $4  }
0x75d: {  	v30 =	vmul.f32 v27, v21;
	v24, _, _ =	vpop (xrf2);
	v23 =	vld [tilespmem:s16+$0x70];
	v29 =	vmul.f32 $1.442695020e+00, v18  }
0x75e: {  	v19 =	vld [tilespmem:s29+$0xFFFFFFD0];
	v21 =	vmul.f32 v25, v22;
	v22 =	vmax.f32 v24, $-5.000000000e+00;
	v24 =	vbroadcast v12, $0xF  }
0x75f: {  	v18 =	vld [tilespmem:s29+$0x50];
	v12 =	vmin.f32 v22, $5.000000000e+00;
	(xrf2) =	vadd.scan.msk.f32 $0xffff, v30;
	v22 =	vbroadcast v29, $0xF  }
0x760: {  	v25 =	vmul.f32 $1.442695020e+00, v12;
	v26 =	vmul.f32 v28, v26;
	v27, _, _ =	vpop (xrf2);
	v12 =	vld [tilespmem:s8+$0x70];
	s8 =	smov.u32 s12;
	s12 =	smov.u32 s29;
	s29 =	sadd.s32 $0x200, s29  }
0x761: {  	_ = 	snop  }
0x762: {  	v23 =	vmul.f32 v23, v26;
	_ =	sdelay $0x1  }
0x763: {  	(xrf2) =	vadd.scan.msk.f32 $0xffff, v23;
	_ =	sdelay $0x1  }
0x764: {  	(xrf2) =	vadd.scan.msk.f32 $0xffff, v21;
	_ =	sdelay $0x1  }
0x765: {  	v43 =	vbroadcast v25, $0xF;
	v45, _, _ =	vpop (xrf2)  }
0x766: {  	v44 =	vmax.f32 v27, $-5.000000000e+00;
	(erf) = vpow2.f32 v24;
	v46 =	vmax.f32 v45, $-5.000000000e+00  }
0x767: {  	v23 =	vmin.f32 v44, $5.000000000e+00;
	(erf) = vpow2.f32 v43;
	v21 =	vmin.f32 v46, $5.000000000e+00  }
0x768: {  	v23 =	vmul.f32 $1.442695020e+00, v23;
	v47, _, _ =	vpop (xrf2);
	v21 =	vmul.f32 $1.442695020e+00, v21  }
0x769: {  	v24 =	vmax.f32 v47, $-5.000000000e+00  }
0x76a: {  	v23 =	vbroadcast v23, $0xF;
	v24 =	vmin.f32 v24, $5.000000000e+00;
	v21 =	vbroadcast v21, $0xF  }
0x76b: {  	(erf) = vpow2.f32 v22;
	v24 =	vmul.f32 $1.442695020e+00, v24;
	v49, _, _ =	vpop (xrf2)  }
0x76c: {  	v48 =	vld [tilespmem:s12+$0xD0];
	v22 =	vpop (erf);
	(erf) = vpow2.f32 v23;
	v23 =	vmax.f32 v49, $-5.000000000e+00  }
0x76d: {  	v24 =	vbroadcast v24, $0xF;
	v50, _, _ =	vpop (xrf2);
	v23 =	vmin.f32 v23, $5.000000000e+00  }
0x76e: {  	(erf) = vpow2.f32 v21;
	v21 =	vpop (erf);
	v51 =	vmax.f32 v50, $-5.000000000e+00  }
0x76f: {  	v25 =	vpop (erf);
	(erf) = vpow2.f32 v24;
	v52 =	vmul.f32 $1.442695020e+00, v23;
	v27 =	vmin.f32 v51, $5.000000000e+00  }
0x770: {  	v16 =	vmul.f32 v22, v16;
	v27 =	vmul.f32 $1.442695020e+00, v27;
	v23 =	vpop (erf)  }
0x771: {  	v24 =	vbroadcast v52, $0xF;
	v26 =	vmul.f32 v23, v48  }
0x772: {  	[tilespmem:s20+$0xFFFFFF80] =	vst v16;
	v15 =	vmul.f32 v21, v15;
	v53 =	vbroadcast v27, $0xF  }
0x773: {  	v54 =	vld [tilespmem:s8+$0xFFFFFF30];
	(erf) = vpow2.f32 v24  }
0x774: {  	v30 =	vld [tilespmem:s21+$0xFFFFFFB0];
	[tilespmem:s20+$0xFFFFFFD0] =	vst v15;
	(erf) = vpow2.f32 v53  }
0x775: {  	v39 =	vld [tilespmem:s16+$0xFFFFFFB0];
	[tilespmem:s11+$0x60] =	vst v26;
	v26 =	vpop (erf)  }
0x776: {  	v32 =	vld [tilespmem:s8+$0xFFFFFFB0];
	v16 =	vpop (erf)  }
0x777: {  	v33 =	vld [tilespmem:s21+$0xFFFFFFF0];
	v24 =	vpop (erf)  }
0x778: {  	v28 =	vld [tilespmem:s12+$0xA0];
	v20 =	vmul.f32 v24, v20;
	v15 =	vpop (erf)  }
0x779: {  	v29 =	vld [tilespmem:s24+$0x60];
	v19 =	vmul.f32 v15, v19  }
0x77a: {  	v31 =	vld [tilespmem:s2+$0x60];
	[tilespmem:s11+$0xFFFFFF70] =	vst v20  }
0x77b: {  	v34 =	vld [tilespmem:s12+$0xFFFFFF20]  }
0x77c: {  	v35 =	vld [tilespmem:s24+$0xFFFFFFA0];
	[tilespmem:s11+$0xFFFFFFC0] =	vst v19;
	v20 =	vpop (erf)  }
0x77d: {  	v36 =	vld [tilespmem:s12+$0xFFFFFFA0];
	v19 =	vpop (erf)  }
0x77e: {  	v28 =	vmul.f32 v29, v28;
	v37 =	vld [tilespmem:s24+$0xFFFFFFE0];
	v18 =	vmul.f32 v19, v18  }
0x77f: {  	v38 =	vld [tilespmem:s2+$0xFFFFFFA0]  }
0x780: {  	v56 =	vmul.f32 v31, v28;
	v55 =	vld [tilespmem:s2+$0xFFFFFFE0];
	[tilespmem:s22+$0x10] =	vst v18  }
0x781: {  	(xrf2) =	vadd.scan.msk.f32 $0xffff, v17;
	v58 =	vld [tilespmem:s12+$0x20]  }
0x782: {  	(xrf2) =	vadd.scan.msk.f32 $0xffff, v56;
	v57 =	vmul.f32 v35, v34;
	v60 =	vld [tilespmem:s24+$0x20]  }
0x783: {  	v62 =	vld [tilespmem:s16+$0xFFFFFFF0];
	v59 =	vmul.f32 v37, v36  }
0x784: {  	v63 =	vld [tilespmem:s2+$0x20];
	v61 =	vmul.f32 v38, v57  }
0x785: {  	v27 =	vmul.f32 v30, v54;
	v17 =	vmul.f32 v55, v59  }
0x786: {  	v35 =	vmul.f32 v33, v32;
	(xrf2) =	vadd.scan.msk.f32 $0xffff, v61  }
0x787: {  	v36 =	vmul.f32 v39, v27;
	(xrf2) =	vadd.scan.msk.f32 $0xffff, v17;
	v37 =	vmul.f32 v60, v58  }
0x788: {  	v18 =	vmul.f32 v62, v35  }
0x789: {  	(xrf2) =	vadd.scan.msk.f32 $0xffff, v36;
	v38 =	vmul.f32 v63, v37  }
0x78a: {  	(xrf2) =	vadd.scan.msk.f32 $0xffff, v18  }
0x78b: {  	v39, _, _ =	vpop (xrf2);
	(xrf2) =	vadd.scan.msk.f32 $0xffff, v38  }
0x78c: {  	v17 =	vmax.f32 v39, $-5.000000000e+00;
	v40, _, _ =	vpop (xrf2)  }
0x78d: {  	v17 =	vmin.f32 v17, $5.000000000e+00;
	v18 =	vmax.f32 v40, $-5.000000000e+00  }
0x78e: {  	v17 =	vmul.f32 $1.442695020e+00, v17;
	v18 =	vmin.f32 v18, $5.000000000e+00  }
0x78f: {  	v18 =	vmul.f32 $1.442695020e+00, v18  }
0x790: {  	v17 =	vbroadcast v17, $0xF;
	v41, _, _ =	vpop (xrf2)  }
0x791: {  	v18 =	vbroadcast v18, $0xF;
	v27 =	vmax.f32 v41, $-5.000000000e+00;
	v42, _, _ =	vpop (xrf2)  }
0x792: {  	(erf) = vpow2.f32 v17;
	v27 =	vmin.f32 v27, $5.000000000e+00;
	v28 =	vmax.f32 v42, $-5.000000000e+00  }
0x793: {  	(erf) = vpow2.f32 v18;
	v44, _, _ =	vpop (xrf2);
	v27 =	vmul.f32 $1.442695020e+00, v27;
	v28 =	vmin.f32 v28, $5.000000000e+00  }
0x794: {  	v46 =	vmax.f32 v44, $-5.000000000e+00;
	v47, _, _ =	vpop (xrf2);
	v43 =	vmul.f32 $1.442695020e+00, v28  }
0x795: {  	v28 =	vmax.f32 v47, $-5.000000000e+00;
	v45 =	vbroadcast v27, $0xF;
	v27 =	vmin.f32 v46, $5.000000000e+00;
	v48, _, _ =	vpop (xrf2)  }
0x796: {  	v28 =	vmin.f32 v28, $5.000000000e+00;
	v17 =	vbroadcast v43, $0xF;
	v29 =	vmax.f32 v48, $-5.000000000e+00  }
0x797: {  	v27 =	vmul.f32 $1.442695020e+00, v27;
	v49 =	vmul.f32 $1.442695020e+00, v28;
	v50 =	vmin.f32 v29, $5.000000000e+00  }
0x798: {  	v52 =	vld [tilespmem:s12+$0xE0];
	(erf) = vpow2.f32 v45;
	v28 =	vmul.f32 $1.442695020e+00, v50  }
0x799: {  	v14 =	vmul.f32 v16, v14  }
0x79a: {  	v27 =	vbroadcast v27, $0xF  }
0x79b: {  	[tilespmem:s20+$0x20] =	vst v14;
	(erf) = vpow2.f32 v17;
	v51 =	vbroadcast v49, $0xF;
	v17 =	vpop (erf)  }
0x79c: {  	v14 =	vld [tilespmem:s8+$0x30];
	(erf) = vpow2.f32 v27;
	v53 =	vbroadcast v28, $0xF;
	v28 =	vpop (erf)  }
0x79d: {  	v54 =	vld [tilespmem:s12+$0xFFFFFF60];
	(erf) = vpow2.f32 v51;
	v18 =	vmul.f32 v28, v52  }
0x79e: {  	v56 =	vld [tilespmem:s12+$0xFFFFFFE0];
	(erf) = vpow2.f32 v53  }
0x79f: {  	v57 =	vld [tilespmem:s16+$0x30]  }
0x7a0: {  	v55 =	vld [tilespmem:s21+$0x30]  }
0x7a1: {  	v58 =	vld [tilespmem:s12+$0x60];
	[tilespmem:s22+$0x70] =	vst v18;
	v18 =	vpop (erf)  }
0x7a2: {  	v59 =	vld [tilespmem:s12+$0xB0];
	v27 =	vmul.f32 v18, v54  }
0x7a3: {  	v60 =	vld [tilespmem:s24+$0x70]  }
0x7a4: {  	v61 =	vld [tilespmem:s2+$0x70];
	v34 =	vpop (erf);
	[tilespmem:s22+$0xFFFFFF80] =	vst v27  }
0x7a5: {  	v36 =	vpop (erf);
	v30 =	vmul.f32 v34, v56;
	v62 =	vld [tilespmem:s12+$0xFFFFFF30]  }
0x7a6: {  	v44 =	vld [tilespmem:s24+$0xFFFFFFB0];
	v27 =	vpop (erf)  }
0x7a7: {  	[tilespmem:s22+$0xFFFFFFD0] =	vst v30;
	v47 =	vld [tilespmem:s2+$0xFFFFFFB0];
	v38 =	vpop (erf)  }
0x7a8: {  	v40 =	vld [tilespmem:s12+$0xFFFFFFB0];
	v63 =	vmul.f32 v38, v58  }
0x7a9: {  	v33 =	vmul.f32 v60, v59;
	v45 =	vld [tilespmem:s24+$0xFFFFFFF0]  }
0x7aa: {  	v14 =	vmul.f32 v55, v14;
	v48 =	vld [tilespmem:s2+$0xFFFFFFF0];
	[tilespmem:s22+$0x20] =	vst v63  }
0x7ab: {  	v33 =	vmul.f32 v61, v33;
	v41 =	vld [tilespmem:s12+$0x30]  }
0x7ac: {  	v14 =	vmul.f32 v57, v14;
	v46 =	vld [tilespmem:s24+$0x30]  }
0x7ad: {  	(xrf2) =	vadd.scan.msk.f32 $0xffff, v33;
	v49 =	vmul.f32 v44, v62  }
0x7ae: {  	(xrf2) =	vadd.scan.msk.f32 $0xffff, v14;
	v50 =	vld [tilespmem:s2+$0x30];
	v51 =	vmul.f32 v45, v40  }
0x7af: {  	v29 =	vmul.f32 v47, v49  }
0x7b0: {  	v14 =	vmul.f32 v48, v51  }
0x7b1: {  	(xrf2) =	vadd.scan.msk.f32 $0xffff, v29;
	v52 =	vmul.f32 v46, v41  }
0x7b2: {  	(xrf2) =	vadd.scan.msk.f32 $0xffff, v14  }
0x7b3: {  	v53 =	vmul.f32 v50, v52;
	_ =	sdelay $0x1  }
0x7b4: {  	(xrf2) =	vadd.scan.msk.f32 $0xffff, v53;
	_ =	sdelay $0x1  }
0x7b5: {  	v55, _, _ =	vpop (xrf2)  }
0x7b6: {  	v56, _, _ =	vpop (xrf2);
	v29 =	vmax.f32 v55, $-5.000000000e+00  }
0x7b7: {  	v10 =	vmul.f32 v25, v10;
	v57 =	vmin.f32 v29, $5.000000000e+00;
	v58 =	vmax.f32 v56, $-5.000000000e+00  }
0x7b8: {  	v2 =	vsel vm3, v2, v25;
	v25 =	vmul.f32 $1.442695020e+00, v57;
	v29 =	vmin.f32 v58, $5.000000000e+00  }
0x7b9: {  	v11 =	vmul.f32 v26, v11;
	v1 =	vsel vm3, v1, v26;
	v59 =	vmul.f32 $1.442695020e+00, v29;
	v60, _, _ =	vpop (xrf2)  }
0x7ba: {  	v13 =	vsel vm3, v13, v20;
	v54 =	vld [tilespmem:s8+$0xF0];
	v61 =	vbroadcast v25, $0xF;
	v62 =	vmax.f32 v60, $-5.000000000e+00;
	v63, _, _ =	vpop (xrf2)  }
0x7bb: {  	[tilespmem:s4+$0xFFFFFFA0] =	vst v2;
	v32 =	vbroadcast v59, $0xF;
	v25 =	vmin.f32 v62, $5.000000000e+00;
	v33 =	vmax.f32 v63, $-5.000000000e+00  }
0x7bc: {  	[tilespmem:s4+$0xFFFFFF90] =	vst v10;
	(erf) = vpow2.f32 v61;
	v35 =	vmul.f32 $1.442695020e+00, v25;
	v37 =	vmin.f32 v33, $5.000000000e+00  }
0x7bd: {  	[tilespmem:s4+$0xFFFFFFF0] =	vst v1;
	v43 =	vmul.f32 v17, v12;
	v0 =	vsel vm3, v0, v17;
	v41 =	vmul.f32 $1.442695020e+00, v37;
	v39, _, _ =	vpop (xrf2)  }
0x7be: {  	[tilespmem:s4+$0xFFFFFFE0] =	vst v11;
	v44 =	vld [tilespmem:s8+$0xFFFFFFF0];
	(erf) = vpow2.f32 v32;
	v10 =	vbroadcast v35, $0xF;
	v42 =	vmax.f32 v39, $-5.000000000e+00  }
0x7bf: {  	[tilespmem:s4+$0x40] =	vst v0;
	v40 =	vld [tilespmem:s8+$0xFFFFFF70];
	v14 =	vmul.f32 v20, v54;
	v11 =	vbroadcast v41, $0xF;
	v20 =	vmin.f32 v42, $5.000000000e+00  }
0x7c0: {  	v7 =	vsel vm2, v7, v21;
	[tilespmem:s4+$0x30] =	vst v43;
	(erf) = vpow2.f32 v10;
	v45 =	vmul.f32 $1.442695020e+00, v20  }
0x7c1: {  	v6 =	vsel vm2, v6, v22;
	[tilespmem:s20+$0x90] =	vst v13;
	v7 =	vsel vm3, v7, v27;
	v46 =	vld [tilespmem:s12+$0xF0]  }
0x7c2: {  	v6 =	vsel vm3, v6, v36;
	[tilespmem:s20+$0xFFFFFFF0] =	vst v7;
	(erf) = vpow2.f32 v11;
	v47 =	vbroadcast v45, $0xF  }
0x7c3: {  	[tilespmem:s20+$0xFFFFFFA0] =	vst v6;
	v48 =	vld [tilespmem:s8+$0x70];
	v49 =	vmul.f32 v27, v44  }
0x7c4: {  	v9 =	vsel vm1, v9, v23;
	v2 =	vmul.f32 v36, v40;
	[tilespmem:s20+$0x80] =	vst v14;
	(erf) = vpow2.f32 v47  }
0x7c5: {  	v9 =	vsel vm2, v9, v28;
	v51 =	vld [tilespmem:s12+$0xFFFFFF70];
	[tilespmem:s20+$0xFFFFFFE0] =	vst v49;
	v50 =	vpop (erf)  }
0x7c6: {  	[tilespmem:s20+$0xFFFFFF90] =	vst v2;
	v1 =	vmul.f32 v50, v46;
	v2 =	vsel vm3, v9, v50  }
0x7c7: {  	v54 =	vsel vm2, v4, v16;
	v53 =	vld [tilespmem:s12+$0xFFFFFFF0];
	v52 =	vpop (erf);
	[tilespmem:s22+$0x90] =	vst v2  }
0x7c8: {  	v55 =	vsel vm1, v8, v24;
	v0 =	vmul.f32 v52, v48;
	v2 =	vsel vm3, v54, v52;
	[tilespmem:s22+$0x80] =	vst v1  }
0x7c9: {  	v56 =	vld [tilespmem:s12+$0x70];
	v4 =	vsel vm2, v55, v18;
	[tilespmem:s20+$0x40] =	vst v2;
	v57 =	vpop (erf)  }
0x7ca: {  	v5 =	vsel vm1, v5, v15;
	[tilespmem:s20+$0x30] =	vst v0;
	v58 =	vmul.f32 v57, v51;
	v0 =	vsel vm3, v4, v57  }
0x7cb: {  	v5 =	vsel vm2, v5, v34;
	v59 =	vpop (erf);
	[tilespmem:s22+$0xFFFFFFA0] =	vst v0  }
0x7cc: {  	v3 =	vsel vm1, v3, v19;
	v60 =	vmul.f32 v59, v53;
	v4 =	vsel vm3, v5, v59;
	[tilespmem:s22+$0xFFFFFF90] =	vst v58  }
0x7cd: {  	v63 =	vsel vm2, v3, v38;
	[tilespmem:s22+$0xFFFFFFF0] =	vst v4;
	v61 =	vpop (erf)  }
0x7ce: {  	s17 =	sadd.s32 $0x1, s17;
	[tilespmem:s22+$0xFFFFFFE0] =	vst v60;
	v62 =	vmul.f32 v61, v56;
	v1 =	vsel vm3, v63, v61  }
0x7cf: {  	p0 =	sne.s32 s17, $0x3E;
	[tilespmem:s22+$0x40] =	vst v1  }
.Ltmp6:
0x7d0: {  	s1 =	simm.s32 $0x10720;
	[tilespmem:s22+$0x30] =	vst v62;
	(pc) =	sbr.rel @p0 .LBB2_10-.Ltmp6, $4  }
0x7d1: {  	[spmem:s3] =	stream.indirect.scatter.add.f32 [tilespmem:s1], [sflag:$0x3], $0x50, s19, s23, $0xb8;
	[tilespmem:$0x1E820] =	vst v63  }
0x7d2: {  	_ =	swait.ge [sflag:s18], $0x1900  }
0x7d3: {  	[sflag:s18] =	ssyncset.done $0x0  }
0x7d4: {  	[sflag:s18] =	ssyncadd.s32 $0xFFFFE700  }
0x7d5: {  	_ =	swait.ge [sflag:s0], $0x2800  }
0x7d6: {  	[sflag:s0] =	ssyncset.done $0x0  }
0x7d7: {  	[sflag:s0] =	ssyncadd.s32 $0xFFFFD800  }
0x7d8: {  	_ =	swait.ge [sflag:s0], $0x1400  }
0x7d9: {  	[sflag:s0] =	ssyncset.done $0x0  }
0x7da: {  	[sflag:s0] =	ssyncadd.s32 $0xFFFFEC00  }
0x7db: {  	_ =	swait.ge [sflag:s0], $0x1400  }
0x7dc: {  	[sflag:s0] =	ssyncset.done $0x0  }
0x7dd: {  	s20 =	simm.s32 $0x4F20;
	[sflag:s0] =	ssyncadd.s32 $0xFFFFEC00  }
0x7de: {  	s11 =	simm.s32 $0x76A0;
	v0 =	vld [tilespmem:s20+$0x80]  }
0x7df: {  	v1 =	vld [tilespmem:s11+$0x40]  }
0x7e0: {  	s2 =	simm.s32 $0x8AA0  }
0x7e1: {  	v2 =	vld [tilespmem:s2+$0x40];
	_ =	sdelay $0x2  }
0x7e2: {  	v0 =	vmul.f32 v1, v0;
	_ =	sdelay $0x1  }
0x7e3: {  	v0 =	vmul.f32 v2, v0;
	_ =	sdelay $0x1  }
0x7e4: {  	(xrf2) =	vadd.scan.msk.f32 $0xffff, v0;
	_ =	sdelay $0x2  }
0x7e5: {  	v1 =	vld [tilespmem:s20+$0xFFFFFF00]  }
0x7e6: {  	v0 =	vld [tilespmem:s11+$0xFFFFFF80];
	_ =	sdelay $0x1  }
0x7e7: {  	v2 =	vld [tilespmem:s2+$0xFFFFFF80]  }
0x7e8: {  	v3 =	vld [tilespmem:s20+$0xFFFFFF80]  }
0x7e9: {  	v4 =	vld [tilespmem:s11+$0xFFFFFFC0]  }
0x7ea: {  	v0 =	vmul.f32 v0, v1  }
0x7eb: {  	v7 =	vld [tilespmem:s2+$0xFFFFFFC0];
	v6, _, _ =	vpop (xrf2)  }
0x7ec: {  	v5 =	vld [tilespmem:s20+$0x0];
	v0 =	vmul.f32 v2, v0;
	v2 =	vmax.f32 v6, $-5.000000000e+00  }
0x7ed: {  	v1 =	vld [tilespmem:s11+$0x0];
	v2 =	vmin.f32 v2, $5.000000000e+00  }
0x7ee: {  	(xrf2) =	vadd.scan.msk.f32 $0xffff, v0;
	v0 =	vmul.f32 $1.442695020e+00, v2;
	v2 =	vmul.f32 v4, v3  }
0x7ef: {  	v6 =	vld [tilespmem:s2+$0x0]  }
0x7f0: {  	v0 =	vbroadcast v0, $0xF;
	v2 =	vmul.f32 v7, v2;
	_ =	sdelay $0x1  }
0x7f1: {  	v1 =	vmul.f32 v1, v5;
	(erf) = vpow2.f32 v0;
	(xrf2) =	vadd.scan.msk.f32 $0xffff, v2;
	_ =	sdelay $0x1  }
0x7f2: {  	v0 =	vmul.f32 v6, v1;
	_ =	sdelay $0x1  }
0x7f3: {  	(xrf2) =	vadd.scan.msk.f32 $0xffff, v0  }
0x7f4: {  	v0 =	vld [tilespmem:s20+$0xC0]  }
0x7f5: {  	v1, _, _ =	vpop (xrf2)  }
0x7f6: {  	v1 =	vmax.f32 v1, $-5.000000000e+00  }
0x7f7: {  	v1 =	vmin.f32 v1, $5.000000000e+00  }
0x7f8: {  	v1 =	vmul.f32 $1.442695020e+00, v1;
	v2 =	vpop (erf)  }
0x7f9: {  	v0 =	vmul.f32 v2, v0;
	v3, _, _ =	vpop (xrf2)  }
0x7fa: {  	s4 =	simm.s32 $0xEEC0;
	v1 =	vbroadcast v1, $0xF;
	v3 =	vmax.f32 v3, $-5.000000000e+00  }
0x7fb: {  	[tilespmem:s4+$0x50] =	vst v0  }
0x7fc: {  	(erf) = vpow2.f32 v1;
	v0 =	vmin.f32 v3, $5.000000000e+00;
	v1 =	vld [tilespmem:s20+$0x90]  }
0x7fd: {  	v0 =	vmul.f32 $1.442695020e+00, v0;
	v4 =	vld [tilespmem:s11+$0x50];
	v3, _, _ =	vpop (xrf2)  }
0x7fe: {  	v3 =	vmax.f32 v3, $-5.000000000e+00  }
0x7ff: {  	v5 =	vld [tilespmem:s2+$0x50];
	v0 =	vbroadcast v0, $0xF;
	v3 =	vmin.f32 v3, $5.000000000e+00  }
0x800: {  	v3 =	vmul.f32 $1.442695020e+00, v3  }
0x801: {  	v6 =	vld [tilespmem:s20+$0xFFFFFF40];
	(erf) = vpow2.f32 v0  }
0x802: {  	v1 =	vmul.f32 v4, v1;
	v0 =	vbroadcast v3, $0xF;
	_ =	sdelay $0x1  }
0x803: {  	(erf) = vpow2.f32 v0;
	v0 =	vmul.f32 v5, v1  }
0x804: {  	v3 =	vpop (erf)  }
0x805: {  	v4 =	vmul.f32 v3, v6;
	(xrf2) =	vadd.scan.msk.f32 $0xffff, v0  }
0x806: {  	v1 =	vld [tilespmem:s20+$0xFFFFFFC0]  }
0x807: {  	v5 =	vld [tilespmem:s20+$0x40];
	[tilespmem:s4+$0xFFFFFF60] =	vst v4  }
0x808: {  	v4 =	vld [tilespmem:s20+$0xFFFFFF10]  }
0x809: {  	v6 =	vld [tilespmem:s11+$0xFFFFFF90]  }
0x80a: {  	v0 =	vpop (erf)  }
0x80b: {  	v8 =	vld [tilespmem:s2+$0xFFFFFF90];
	v7 =	vmul.f32 v0, v1  }
0x80c: {  	v1 =	vpop (erf)  }
0x80d: {  	[tilespmem:s4+$0xFFFFFFB0] =	vst v7;
	v5 =	vmul.f32 v1, v5  }
0x80e: {  	v7 =	vld [tilespmem:s20+$0xFFFFFF90];
	v4 =	vmul.f32 v6, v4  }
0x80f: {  	v9 =	vld [tilespmem:s11+$0xFFFFFFD0];
	[tilespmem:s4+$0x0] =	vst v5;
	v6, _, _ =	vpop (xrf2)  }
0x810: {  	v4 =	vmul.f32 v8, v4;
	v5 =	vld [tilespmem:s20+$0x10];
	v6 =	vmax.f32 v6, $-5.000000000e+00  }
0x811: {  	v8 =	vld [tilespmem:s11+$0x10];
	v6 =	vmin.f32 v6, $5.000000000e+00  }
0x812: {  	v10 =	vld [tilespmem:s2+$0xFFFFFFD0];
	(xrf2) =	vadd.scan.msk.f32 $0xffff, v4;
	v4 =	vmul.f32 $1.442695020e+00, v6  }
0x813: {  	s19 =	simm.s32 $0x77A0;
	v11 =	vld [tilespmem:s2+$0x10]  }
0x814: {  	s8 =	simm.s32 $0x5120;
	v7 =	vmul.f32 v9, v7;
	v9 =	vld [tilespmem:s19+$0x40];
	v4 =	vbroadcast v4, $0xF  }
0x815: {  	v6 =	vld [tilespmem:s8+$0x80]  }
0x816: {  	s16 =	simm.s32 $0x8BA0;
	(erf) = vpow2.f32 v4;
	v4 =	vmul.f32 v8, v5  }
0x817: {  	v7 =	vmul.f32 v10, v7;
	v10 =	vld [tilespmem:s16+$0x40]  }
0x818: {  	v4 =	vmul.f32 v11, v4  }
0x819: {  	(xrf2) =	vadd.scan.msk.f32 $0xffff, v7;
	v7 =	vld [tilespmem:s8+$0xFFFFFF80]  }
0x81a: {  	v5 =	vld [tilespmem:s19+$0xFFFFFF80];
	v6 =	vmul.f32 v9, v6  }
0x81b: {  	v8 =	vld [tilespmem:s8+$0xFFFFFF00]  }
0x81c: {  	v9 =	vld [tilespmem:s20+$0xD0];
	v6 =	vmul.f32 v10, v6;
	(xrf2) =	vadd.scan.msk.f32 $0xffff, v4;
	v4, _, _ =	vpop (xrf2)  }
0x81d: {  	v10 =	vld [tilespmem:s16+$0xFFFFFF80];
	v4 =	vmax.f32 v4, $-5.000000000e+00  }
0x81e: {  	(xrf2) =	vadd.scan.msk.f32 $0xffff, v6;
	v6 =	vld [tilespmem:s19+$0xFFFFFFC0];
	v4 =	vmin.f32 v4, $5.000000000e+00;
	_ =	sdelay $0x1  }
0x81f: {  	v13 =	vld [tilespmem:s16+$0xFFFFFFC0]  }
0x820: {  	v11 =	vld [tilespmem:s8+$0x0];
	v5 =	vmul.f32 v5, v8;
	v12 =	vmul.f32 $1.442695020e+00, v4;
	v4 =	vpop (erf)  }
0x821: {  	v8 =	vld [tilespmem:s19+$0x0];
	v9 =	vmul.f32 v4, v9  }
0x822: {  	v5 =	vmul.f32 v10, v5;
	v6 =	vmul.f32 v6, v7  }
0x823: {  	v14, _, _ =	vpop (xrf2);
	v7 =	vld [tilespmem:s16+$0x0];
	v12 =	vbroadcast v12, $0xF;
	[tilespmem:s4+$0x60] =	vst v9  }
0x824: {  	v10 =	vmax.f32 v14, $-5.000000000e+00;
	(xrf2) =	vadd.scan.msk.f32 $0xffff, v5;
	v6 =	vmul.f32 v13, v6;
	v5 =	vld [tilespmem:s20+$0xA0]  }
0x825: {  	(erf) = vpow2.f32 v12;
	v9 =	vmin.f32 v10, $5.000000000e+00;
	v10 =	vld [tilespmem:s11+$0x60]  }
0x826: {  	v8 =	vmul.f32 v8, v11;
	v11, _, _ =	vpop (xrf2);
	v9 =	vmul.f32 $1.442695020e+00, v9  }
0x827: {  	v11 =	vmax.f32 v11, $-5.000000000e+00  }
0x828: {  	(xrf2) =	vadd.scan.msk.f32 $0xffff, v6;
	v7 =	vmul.f32 v7, v8;
	v6, _, _ =	vpop (xrf2);
	v8 =	vmin.f32 v11, $5.000000000e+00;
	v9 =	vbroadcast v9, $0xF  }
0x829: {  	v12 =	vld [tilespmem:s2+$0x60];
	v6 =	vmax.f32 v6, $-5.000000000e+00;
	v8 =	vmul.f32 $1.442695020e+00, v8  }
0x82a: {  	v6 =	vmin.f32 v6, $5.000000000e+00;
	(erf) = vpow2.f32 v9;
	v9 =	vld [tilespmem:s20+$0xFFFFFF50];
	v5 =	vmul.f32 v10, v5  }
0x82b: {  	(xrf2) =	vadd.scan.msk.f32 $0xffff, v7;
	v6 =	vmul.f32 $1.442695020e+00, v6  }
0x82c: {  	v7 =	vbroadcast v8, $0xF  }
0x82d: {  	v6 =	vbroadcast v6, $0xF  }
0x82e: {  	(erf) = vpow2.f32 v7;
	v8 =	vmul.f32 v12, v5;
	v5 =	vpop (erf)  }
0x82f: {  	v10 =	vld [tilespmem:s20+$0xFFFFFFD0];
	(erf) = vpow2.f32 v6;
	v6 =	vmul.f32 v5, v9  }
0x830: {  	v7, _, _ =	vpop (xrf2)  }
0x831: {  	v7 =	vmax.f32 v7, $-5.000000000e+00  }
0x832: {  	(xrf2) =	vadd.scan.msk.f32 $0xffff, v8;
	v7 =	vmin.f32 v7, $5.000000000e+00;
	v9, _, _ =	vpop (xrf2)  }
0x833: {  	v7 =	vmul.f32 $1.442695020e+00, v7;
	v9 =	vmax.f32 v9, $-5.000000000e+00;
	[tilespmem:s4+$0xFFFFFF70] =	vst v6;
	v6 =	vpop (erf)  }
0x834: {  	v9 =	vmin.f32 v9, $5.000000000e+00;
	v10 =	vmul.f32 v6, v10  }
0x835: {  	v13 =	vld [tilespmem:s8+$0xC0];
	v14, _, _ =	vpop (xrf2);
	v7 =	vbroadcast v7, $0xF;
	v9 =	vmul.f32 $1.442695020e+00, v9  }
0x836: {  	v11 =	vld [tilespmem:s20+$0x50];
	[tilespmem:s4+$0xFFFFFFC0] =	vst v10;
	v10 =	vmax.f32 v14, $-5.000000000e+00  }
0x837: {  	v12 =	vld [tilespmem:s20+$0xFFFFFF20];
	(erf) = vpow2.f32 v7;
	v7 =	vmin.f32 v10, $5.000000000e+00  }
0x838: {  	v15 =	vld [tilespmem:s11+$0xFFFFFFA0];
	v14 =	vbroadcast v9, $0xF  }
0x839: {  	v9 =	vpop (erf)  }
0x83a: {  	v8 =	vld [tilespmem:s8+$0xFFFFFF40];
	v20 =	vmul.f32 $1.442695020e+00, v7;
	v7 =	vpop (erf)  }
0x83b: {  	v18 =	vld [tilespmem:s2+$0xFFFFFFA0];
	v13 =	vmul.f32 v7, v13  }
0x83c: {  	s17 =	simm.s32 $0xF000;
	v19 =	vld [tilespmem:s20+$0xFFFFFFA0];
	v11 =	vmul.f32 v9, v11;
	(erf) = vpow2.f32 v14;
	v14, _, _ =	vpop (xrf2)  }
0x83d: {  	v10 =	vld [tilespmem:s11+$0xFFFFFFE0];
	v12 =	vmul.f32 v15, v12;
	v20 =	vbroadcast v20, $0xF;
	v23 =	vmax.f32 v14, $-5.000000000e+00;
	[tilespmem:s17+$0x50] =	vst v13  }
0x83e: {  	v13 =	vmin.f32 v23, $5.000000000e+00;
	v23 =	vld [tilespmem:s8+$0x90]  }
0x83f: {  	[tilespmem:s4+$0x10] =	vst v11;
	(erf) = vpow2.f32 v20;
	v11 =	vld [tilespmem:s19+$0x50]  }
0x840: {  	v16 =	vld [tilespmem:s8+$0xFFFFFFC0];
	v13 =	vmul.f32 $1.442695020e+00, v13  }
0x841: {  	v21 =	vld [tilespmem:s2+$0xFFFFFFE0];
	v15 =	vmul.f32 v18, v12;
	v12 =	vpop (erf)  }
0x842: {  	v17 =	vld [tilespmem:s8+$0x40];
	v8 =	vmul.f32 v12, v8;
	v13 =	vbroadcast v13, $0xF  }
0x843: {  	v10 =	vmul.f32 v10, v19;
	v18 =	vld [tilespmem:s16+$0x50]  }
0x844: {  	v20 =	vld [tilespmem:s20+$0x20];
	[tilespmem:s17+$0xFFFFFF60] =	vst v8;
	(erf) = vpow2.f32 v13;
	v8 =	vmul.f32 v11, v23  }
0x845: {  	v19 =	vld [tilespmem:s11+$0x20]  }
0x846: {  	(xrf2) =	vadd.scan.msk.f32 $0xffff, v15;
	v10 =	vmul.f32 v21, v10;
	v13 =	vpop (erf)  }
0x847: {  	v21 =	vld [tilespmem:s2+$0x20];
	v11 =	vmul.f32 v13, v16  }
0x848: {  	(xrf2) =	vadd.scan.msk.f32 $0xffff, v10;
	v10 =	vld [tilespmem:s8+$0xFFFFFF10];
	v18 =	vmul.f32 v18, v8;
	v8 =	vpop (erf)  }
0x849: {  	v23 =	vld [tilespmem:s20+$0xE0];
	[tilespmem:s17+$0xFFFFFFB0] =	vst v11;
	v11 =	vmul.f32 v8, v17  }
0x84a: {  	v16 =	vld [tilespmem:s19+$0xFFFFFF90];
	v17 =	vmul.f32 v19, v20  }
0x84b: {  	(xrf2) =	vadd.scan.msk.f32 $0xffff, v18;
	v24 =	vld [tilespmem:s8+$0xFFFFFF90]  }
0x84c: {  	v18 =	vld [tilespmem:s19+$0xFFFFFFD0];
	v17 =	vmul.f32 v21, v17  }
0x84d: {  	[tilespmem:s17+$0x0] =	vst v11;
	v11 =	vpop (erf)  }
0x84e: {  	v19 =	vld [tilespmem:s16+$0xFFFFFF90];
	v23 =	vmul.f32 v11, v23  }
0x84f: {  	v10 =	vmul.f32 v16, v10;
	v16 =	vld [tilespmem:s16+$0xFFFFFFD0];
	(xrf2) =	vadd.scan.msk.f32 $0xffff, v17  }
0x850: {  	v17, _, _ =	vpop (xrf2)  }
0x851: {  	v20 =	vld [tilespmem:s8+$0x10];
	v18 =	vmul.f32 v18, v24;
	v17 =	vmax.f32 v17, $-5.000000000e+00  }
0x852: {  	v21 =	vld [tilespmem:s19+$0x10];
	[tilespmem:s4+$0x70] =	vst v23;
	v17 =	vmin.f32 v17, $5.000000000e+00;
	v23, _, _ =	vpop (xrf2)  }
0x853: {  	v10 =	vmul.f32 v19, v10;
	v19 =	vld [tilespmem:s20+$0xB0];
	v17 =	vmul.f32 $1.442695020e+00, v17;
	v23 =	vmax.f32 v23, $-5.000000000e+00  }
0x854: {  	v16 =	vmul.f32 v16, v18;
	v24 =	vld [tilespmem:s11+$0x70];
	v23 =	vmin.f32 v23, $5.000000000e+00  }
0x855: {  	v25 =	vld [tilespmem:s16+$0x10];
	(xrf2) =	vadd.scan.msk.f32 $0xffff, v10;
	v18, _, _ =	vpop (xrf2);
	v17 =	vbroadcast v17, $0xF;
	v10 =	vmul.f32 $1.442695020e+00, v23  }
0x856: {  	s21 =	simm.s32 $0x78A0;
	v18 =	vmax.f32 v18, $-5.000000000e+00;
	v23 =	vld [tilespmem:s2+$0x70]  }
0x857: {  	s12 =	simm.s32 $0x5320;
	v29 =	vld [tilespmem:s21+$0x0];
	(erf) = vpow2.f32 v17;
	v28 =	vbroadcast v10, $0xF;
	v10 =	vmin.f32 v18, $5.000000000e+00  }
0x858: {  	(xrf2) =	vadd.scan.msk.f32 $0xffff, v16;
	v16 =	vld [tilespmem:s12+$0x80];
	v17 =	vmul.f32 v21, v20;
	v18 =	vmul.f32 $1.442695020e+00, v10  }
0x859: {  	v19 =	vmul.f32 v24, v19;
	v24 =	vld [tilespmem:s21+$0x40];
	v20, _, _ =	vpop (xrf2)  }
0x85a: {  	s1 =	simm.s32 $0x8CA0;
	v30 =	vld [tilespmem:s12+$0xFFFFFF00];
	v20 =	vmax.f32 v20, $-5.000000000e+00;
	v17 =	vmul.f32 v25, v17;
	v18 =	vbroadcast v18, $0xF  }
0x85b: {  	v21 =	vld [tilespmem:s1+$0x40];
	(erf) = vpow2.f32 v28;
	v20 =	vmin.f32 v20, $5.000000000e+00;
	v19 =	vmul.f32 v23, v19  }
0x85c: {  	v32 =	vld [tilespmem:s1+$0xFFFFFF80];
	(erf) = vpow2.f32 v18;
	v18 =	vmul.f32 $1.442695020e+00, v20  }
0x85d: {  	v33 =	vld [tilespmem:s1+$0xFFFFFFC0];
	(xrf2) =	vadd.scan.msk.f32 $0xffff, v19  }
0x85e: {  	v25 =	vld [tilespmem:s12+$0xFFFFFF80];
	v16 =	vmul.f32 v24, v16;
	(xrf2) =	vadd.scan.msk.f32 $0xffff, v17;
	v18 =	vbroadcast v18, $0xF  }
0x85f: {  	v28 =	vld [tilespmem:s21+$0xFFFFFFC0];
	v19, _, _ =	vpop (xrf2)  }
0x860: {  	v22 =	vld [tilespmem:s20+$0xFFFFFF60];
	v16 =	vmul.f32 v21, v16;
	v19 =	vmax.f32 v19, $-5.000000000e+00  }
0x861: {  	v23 =	vld [tilespmem:s21+$0xFFFFFF80];
	v17 =	vmin.f32 v19, $5.000000000e+00  }
0x862: {  	v14 =	vld [tilespmem:s20+$0xFFFFFFE0];
	(xrf2) =	vadd.scan.msk.f32 $0xffff, v16;
	(erf) = vpow2.f32 v18;
	v17 =	vmul.f32 $1.442695020e+00, v17;
	v18, _, _ =	vpop (xrf2)  }
0x863: {  	v31 =	vld [tilespmem:s8+$0xD0];
	v16 =	vmax.f32 v18, $-5.000000000e+00  }
0x864: {  	v34 =	vld [tilespmem:s1+$0x0];
	v25 =	vmul.f32 v28, v25;
	v19 =	vpop (erf);
	v17 =	vbroadcast v17, $0xF;
	v16 =	vmin.f32 v16, $5.000000000e+00  }
0x865: {  	v24 =	vld [tilespmem:s12+$0x0];
	v22 =	vmul.f32 v19, v22;
	v20 =	vpop (erf);
	v16 =	vmul.f32 $1.442695020e+00, v16  }
0x866: {  	v37 =	vld [tilespmem:s12+$0xC0];
	(erf) = vpow2.f32 v17;
	v21 =	vpop (erf);
	v17 =	vmul.f32 v23, v30  }
0x867: {  	v15 =	vld [tilespmem:s20+$0x60];
	v14 =	vmul.f32 v20, v14;
	v44, _, _ =	vpop (xrf2);
	v16 =	vbroadcast v16, $0xF  }
0x868: {  	v26 =	vld [tilespmem:s8+$0xFFFFFF50];
	[tilespmem:s4+$0xFFFFFF80] =	vst v22;
	v31 =	vmul.f32 v21, v31;
	v22 =	vmax.f32 v44, $-5.000000000e+00;
	v45 =	vmul.f32 v32, v17;
	v28, _, _ =	vpop (xrf2)  }
0x869: {  	v27 =	vld [tilespmem:s8+$0xFFFFFFD0];
	[tilespmem:s4+$0xFFFFFFD0] =	vst v14;
	v28 =	vmax.f32 v28, $-5.000000000e+00;
	(erf) = vpow2.f32 v16;
	v16 =	vmin.f32 v22, $5.000000000e+00  }
0x86a: {  	v10 =	vld [tilespmem:s8+$0x50];
	v14 =	vmul.f32 v29, v24;
	[tilespmem:s17+$0x60] =	vst v31;
	v24 =	vmin.f32 v28, $5.000000000e+00;
	v16 =	vmul.f32 $1.442695020e+00, v16  }
0x86b: {  	(xrf2) =	vadd.scan.msk.f32 $0xffff, v45;
	v46 =	vld [tilespmem:s8+$0xA0];
	v47 =	vpop (erf);
	v24 =	vmul.f32 $1.442695020e+00, v24  }
0x86c: {  	v25 =	vmul.f32 v33, v25;
	v48 =	vld [tilespmem:s19+$0x60];
	v29, _, _ =	vpop (xrf2);
	v16 =	vbroadcast v16, $0xF  }
0x86d: {  	v18 =	vld [tilespmem:s12+$0xFFFFFFC0];
	v15 =	vmul.f32 v47, v15;
	v29 =	vmax.f32 v29, $-5.000000000e+00  }
0x86e: {  	v14 =	vmul.f32 v34, v14;
	(xrf2) =	vadd.scan.msk.f32 $0xffff, v25;
	v25 =	vld [tilespmem:s16+$0x60];
	(erf) = vpow2.f32 v16;
	v16 =	vmin.f32 v29, $5.000000000e+00  }
0x86f: {  	v23 =	vld [tilespmem:s12+$0xFFFFFF40];
	[tilespmem:s4+$0x20] =	vst v15;
	v15 =	vbroadcast v24, $0xF;
	v24 =	vpop (erf);
	v16 =	vmul.f32 $1.442695020e+00, v16  }
0x870: {  	v55 =	vld [tilespmem:s2+$0xFFFFFFB0];
	v26 =	vmul.f32 v24, v26  }
0x871: {  	v17 =	vld [tilespmem:s12+$0x40];
	(xrf2) =	vadd.scan.msk.f32 $0xffff, v14;
	v14 =	vmul.f32 v48, v46;
	v16 =	vbroadcast v16, $0xF  }
0x872: {  	v49 =	vld [tilespmem:s20+$0xFFFFFFB0]  }
0x873: {  	v57 =	vld [tilespmem:s2+$0xFFFFFFF0];
	(erf) = vpow2.f32 v15;
	v14 =	vmul.f32 v25, v14  }
0x874: {  	v22 =	vld [tilespmem:s20+$0xFFFFFF30];
	[tilespmem:s17+$0xFFFFFF70] =	vst v26;
	v26 =	vpop (erf);
	(erf) = vpow2.f32 v16  }
0x875: {  	v15 =	vld [tilespmem:s8+$0xFFFFFF20];
	(xrf2) =	vadd.scan.msk.f32 $0xffff, v14;
	v16, _, _ =	vpop (xrf2)  }
0x876: {  	v52 =	vld [tilespmem:s19+$0xFFFFFFA0];
	v27 =	vmul.f32 v26, v27;
	v14 =	vmax.f32 v16, $-5.000000000e+00  }
0x877: {  	v28 =	vld [tilespmem:s11+$0xFFFFFFB0];
	v14 =	vmin.f32 v14, $5.000000000e+00  }
0x878: {  	v50 =	vld [tilespmem:s20+$0x30];
	[tilespmem:s17+$0xFFFFFFC0] =	vst v27;
	v14 =	vmul.f32 $1.442695020e+00, v14  }
0x879: {  	v16, _, _ =	vpop (xrf2);
	v27 =	vld [tilespmem:s8+$0xFFFFFFA0]  }
0x87a: {  	v2 =	vnsel vm0, $0x0, v2;
	v36 =	vld [tilespmem:s19+$0xFFFFFFE0];
	v38 =	vpop (erf);
	v14 =	vbroadcast v14, $0xF  }
0x87b: {  	v3 =	vnsel vm0, $0x0, v3;
	v35 =	vld [tilespmem:s16+$0xFFFFFFA0];
	v16 =	vmax.f32 v16, $-5.000000000e+00;
	v34 =	vmul.f32 v52, v15;
	v15, _, _ =	vpop (xrf2)  }
0x87c: {  	v39 =	vld [tilespmem:s16+$0xFFFFFFE0];
	v16 =	vmin.f32 v16, $5.000000000e+00;
	v41 =	vmax.f32 v15, $-5.000000000e+00;
	v42 =	vpop (erf);
	(erf) = vpow2.f32 v14  }
0x87d: {  	v51 =	vld [tilespmem:s11+$0x30];
	v40 =	vmul.f32 $1.442695020e+00, v16;
	v54 =	vmin.f32 v41, $5.000000000e+00;
	v43 =	vmul.f32 v42, v10;
	v56 =	vpop (erf)  }
0x87e: {  	v2 =	vsel vm1, v2, v4;
	v59 =	vld [tilespmem:s2+$0x30];
	v4 =	vmul.f32 $1.442695020e+00, v54;
	v37 =	vmul.f32 v56, v37  }
0x87f: {  	v3 =	vsel vm1, v3, v5;
	v29 =	vld [tilespmem:s11+$0xFFFFFFF0];
	s11 =	simm.s32 $0xF140;
	v53 =	vbroadcast v40, $0xF;
	v27 =	vmul.f32 v36, v27;
	v58, _, _ =	vpop (xrf2)  }
0x880: {  	v25 =	vld [tilespmem:s20+$0xF0];
	v14 =	vmul.f32 v35, v34;
	v4 =	vbroadcast v4, $0xF;
	v34 =	vmax.f32 v58, $-5.000000000e+00;
	[tilespmem:s11+$0x50] =	vst v37  }
0x881: {  	(erf) = vpow2.f32 v53;
	v5 =	vmul.f32 v39, v27;
	v27 =	vmin.f32 v34, $5.000000000e+00;
	v60 =	vld [tilespmem:s12+$0x90]  }
0x882: {  	[tilespmem:s17+$0x10] =	vst v43;
	(xrf2) =	vadd.scan.msk.f32 $0xffff, v14;
	(erf) = vpow2.f32 v4;
	v4 =	vmul.f32 $1.442695020e+00, v27;
	v14 =	vld [tilespmem:s21+$0x50]  }
0x883: {  	v0 =	vnsel vm0, $0x0, v0;
	v1 =	vnsel vm0, $0x0, v1;
	v27 =	vld [tilespmem:s19+$0x20]  }
0x884: {  	v0 =	vsel vm1, v0, v6;
	v6 =	vsel vm1, v1, v9;
	(xrf2) =	vadd.scan.msk.f32 $0xffff, v5;
	v1 =	vbroadcast v4, $0xF;
	v4 =	vld [tilespmem:s1+$0x50]  }
0x885: {  	v9 =	vsel vm2, v2, v11;
	v22 =	vmul.f32 v28, v22;
	v11 =	vmul.f32 v29, v49;
	v5 =	vld [tilespmem:s8+$0x20];
	v28 =	vpop (erf)  }
0x886: {  	v2 =	vsel vm2, v3, v19;
	v15 =	vld [tilespmem:s8+$0xFFFFFFE0];
	(erf) = vpow2.f32 v1;
	v3 =	vmul.f32 v28, v23  }
0x887: {  	v16 =	vld [tilespmem:s8+$0xFFFFFF60];
	v1 =	vsel vm2, v0, v20;
	v0 =	vnsel vm0, $0x0, v7;
	v7 =	vmul.f32 v14, v60  }
0x888: {  	v22 =	vmul.f32 v55, v22;
	v10 =	vld [tilespmem:s20+$0xFFFFFF70]  }
0x889: {  	v19 =	vld [tilespmem:s16+$0x20];
	v20 =	vsel vm1, v0, v21;
	v21 =	vmul.f32 v57, v11;
	v7 =	vmul.f32 v4, v7;
	[tilespmem:s11+$0xFFFFFF60] =	vst v3  }
0x88a: {  	v12 =	vnsel vm0, $0x0, v12;
	v8 =	vnsel vm0, $0x0, v8;
	(xrf2) =	vadd.scan.msk.f32 $0xffff, v22;
	v5 =	vmul.f32 v27, v5;
	v22 =	vld [tilespmem:s12+$0xFFFFFF10];
	v3 =	vpop (erf)  }
0x88b: {  	v0 =	vsel vm2, v6, v47;
	v6 =	vnsel vm0, $0x0, v13;
	(xrf2) =	vadd.scan.msk.f32 $0xffff, v21;
	v21 =	vld [tilespmem:s21+$0xFFFFFF90];
	v18 =	vmul.f32 v3, v18  }
0x88c: {  	v13 =	vld [tilespmem:s8+$0xE0];
	v4 =	vsel vm1, v12, v24;
	v12 =	vmul.f32 v51, v50;
	v6 =	vsel vm1, v6, v26;
	v27 =	vpop (erf)  }
0x88d: {  	(xrf2) =	vadd.scan.msk.f32 $0xffff, v7;
	v7, _, _ =	vpop (xrf2);
	v17 =	vmul.f32 v27, v17;
	[tilespmem:s11+$0xFFFFFFB0] =	vst v18;
	v18 =	vmul.f32 v38, v25;
	v25 =	vld [tilespmem:s1+$0xFFFFFF90]  }
0x88e: {  	v24 =	vsel vm3, v9, v38;
	v5 =	vmul.f32 v19, v5;
	v7 =	vmax.f32 v7, $-5.000000000e+00;
	v9, _, _ =	vpop (xrf2);
	v23 =	vld [tilespmem:s12+$0xFFFFFF90]  }
0x88f: {  	v7 =	vmin.f32 v7, $5.000000000e+00;
	v9 =	vmax.f32 v9, $-5.000000000e+00;
	v19 =	vld [tilespmem:s21+$0xFFFFFFD0];
	[tilespmem:s11+$0x0] =	vst v17;
	v17 =	vmul.f32 v59, v12  }
0x890: {  	v7 =	vmul.f32 $1.442695020e+00, v7;
	v9 =	vmin.f32 v9, $5.000000000e+00;
	v26 =	vpop (erf);
	v21 =	vmul.f32 v21, v22;
	v22 =	vld [tilespmem:s1+$0xFFFFFFD0]  }
0x891: {  	(xrf2) =	vadd.scan.msk.f32 $0xffff, v5;
	v5 =	vsel vm1, v8, v42;
	v12 =	vld [tilespmem:s12+$0x10];
	v8 =	vmul.f32 $1.442695020e+00, v9;
	v61 =	vmul.f32 v26, v13  }
0x892: {  	v29 =	vld [tilespmem:s21+$0x10];
	v62 =	vbroadcast v7, $0xF  }
0x893: {  	v13 =	vsel vm2, v20, v26;
	v26 =	vld [tilespmem:s1+$0x10];
	v8 =	vbroadcast v8, $0xF;
	[tilespmem:s17+$0x70] =	vst v61  }
0x894: {  	v7 =	vnsel vm0, $0x0, v28;
	(erf) = vpow2.f32 v62;
	v28 =	vld [tilespmem:s8+$0xB0]  }
0x895: {  	v20, _, _ =	vpop (xrf2);
	v25 =	vmul.f32 v25, v21;
	v30 =	vld [tilespmem:s19+$0x70]  }
0x896: {  	v14 =	vld [tilespmem:s8+$0x60];
	v20 =	vmax.f32 v20, $-5.000000000e+00;
	v19 =	vmul.f32 v19, v23;
	(erf) = vpow2.f32 v8  }
0x897: {  	v11 =	vld [tilespmem:s20+$0xFFFFFFF0];
	[tilespmem:s4+$0x80] =	vst v18;
	v20 =	vmin.f32 v20, $5.000000000e+00;
	v12 =	vmul.f32 v29, v12;
	v8, _, _ =	vpop (xrf2)  }
0x898: {  	v18 =	vld [tilespmem:s12+$0x50];
	v63 =	vmul.f32 $1.442695020e+00, v20;
	(xrf2) =	vadd.scan.msk.f32 $0xffff, v25;
	v22 =	vmul.f32 v22, v19;
	v8 =	vmax.f32 v8, $-5.000000000e+00;
	v21, _, _ =	vpop (xrf2)  }
0x899: {  	[tilespmem:s4+$0x90] =	vst v24;
	v23 =	vld [tilespmem:s16+$0x70];
	v8 =	vmin.f32 v8, $5.000000000e+00;
	v24 =	vmax.f32 v21, $-5.000000000e+00;
	v21 =	vmul.f32 v26, v12  }
0x89a: {  	v9 =	vnsel vm0, $0x0, v56;
	v20 =	vld [tilespmem:s12+$0xFFFFFF50];
	v26 =	vmul.f32 v30, v28;
	v29 =	vmul.f32 $1.442695020e+00, v8  }
0x89b: {  	s25 =	simm.s32 $0x5520;
	s22 =	simm.s32 $0x78A0;
	v19 =	vld [tilespmem:s12+$0xFFFFFFD0];
	(xrf2) =	vadd.scan.msk.f32 $0xffff, v22;
	v12 =	vmin.f32 v24, $5.000000000e+00;
	v8 =	vnsel vm0, $0x0, v3;
	v24 =	vbroadcast v63, $0xF  }
0x89c: {  	s24 =	simm.s32 $0x8;
	s2 =	simm.s32 $0x8CA0;
	v3 =	vnsel vm0, $0x0, v27;
	v27, _, _ =	vpop (xrf2);
	v25 =	vmul.f32 $1.442695020e+00, v12;
	v12 =	vld [tilespmem:s20+$0x70];
	s20 =	simm.s32 $0xF140;
	v22 =	vbroadcast v29, $0xF  }
.LBB2_16:
0x89d: {  	v28 =	vld [tilespmem:s25+$0x80];
	s21 =	sadd.s32 $0x100, s21;
	v27 =	vmax.f32 v27, $-5.000000000e+00;
	v29 =	vpop (erf);
	(erf) = vpow2.f32 v24  }
0x89e: {  	v24 =	vld [tilespmem:s21+$0x40];
	v25 =	vbroadcast v25, $0xF;
	v27 =	vmin.f32 v27, $5.000000000e+00;
	v23 =	vmul.f32 v23, v26  }
0x89f: {  	s1 =	sadd.s32 $0x100, s1;
	v16 =	vmul.f32 v29, v16;
	v4 =	vsel vm2, v4, v29;
	v26 =	vld [tilespmem:s21+$0xFFFFFF80];
	v31 =	vmul.f32 $1.442695020e+00, v27;
	v29 =	vpop (erf)  }
0x8a0: {  	v30 =	vld [tilespmem:s1+$0x40];
	(erf) = vpow2.f32 v25;
	v15 =	vmul.f32 v29, v15;
	v6 =	vsel vm2, v6, v29;
	(xrf2) =	vadd.scan.msk.f32 $0xffff, v23  }
0x8a1: {  	v23 =	vld [tilespmem:s25+$0xFFFFFF80];
	[tilespmem:s17+$0xFFFFFF80] =	vst v16;
	v16 =	vbroadcast v31, $0xF  }
0x8a2: {  	s24 =	sadd.s32 $0x4, s24;
	v25 =	vld [tilespmem:s21+$0xFFFFFFC0];
	v27, _, _ =	vpop (xrf2);
	[tilespmem:s17+$0xFFFFFFD0] =	vst v15;
	(erf) = vpow2.f32 v22  }
0x8a3: {  	p0 =	slt.u32 s24, $0x4C;
	v15 =	vld [tilespmem:s25+$0x0];
	v22 =	vmul.f32 v24, v28;
	v24 =	vmax.f32 v27, $-5.000000000e+00;
	(xrf2) =	vadd.scan.msk.f32 $0xffff, v21;
	(erf) = vpow2.f32 v16  }
0x8a4: {  	v16 =	vld [tilespmem:s21+$0x0];
	v21 =	vmin.f32 v24, $5.000000000e+00  }
0x8a5: {  	v24 =	vld [tilespmem:s25+$0xFFFFFF00];
	v22 =	vmul.f32 v30, v22;
	v21 =	vmul.f32 $1.442695020e+00, v21;
	v27, _, _ =	vpop (xrf2)  }
0x8a6: {  	v27 =	vmax.f32 v27, $-5.000000000e+00;
	v28 =	vld [tilespmem:s12+$0xD0];
	v29 =	vpop (erf)  }
0x8a7: {  	v30 =	vld [tilespmem:s1+$0xFFFFFF80];
	v25 =	vmul.f32 v25, v23;
	(xrf2) =	vadd.scan.msk.f32 $0xffff, v22;
	v21 =	vbroadcast v21, $0xF;
	v22 =	vmin.f32 v27, $5.000000000e+00  }
0x8a8: {  	v31 =	vmul.f32 v29, v10;
	v23 =	vsel vm3, v2, v29;
	v2 =	vmovc v4;
	v27 =	vld [tilespmem:s1+$0xFFFFFFC0];
	v22 =	vmul.f32 $1.442695020e+00, v22  }
0x8a9: {  	v4 =	vld [tilespmem:s1+$0x0];
	v15 =	vmul.f32 v16, v15;
	(erf) = vpow2.f32 v21;
	v16 =	vpop (erf);
	[tilespmem:s4+$0xFFFFFFA0] =	vst v23  }
0x8aa: {  	v32 =	vmul.f32 v26, v24;
	v24 =	vld [tilespmem:s25+$0xFFFFFF40];
	v29 =	vbroadcast v22, $0xF;
	v21 =	vsel vm1, v9, v16;
	v9, _, _ =	vpop (xrf2);
	(xrf2) =	vadd.scan.msk.f32 $0xffff, v17  }
0x8ab: {  	v23 =	vld [tilespmem:s25+$0xFFFFFFC0];
	v28 =	vmul.f32 v16, v28;
	v9 =	vmax.f32 v9, $-5.000000000e+00;
	[tilespmem:s4+$0xFFFFFF90] =	vst v31;
	v10 =	vpop (erf)  }
0x8ac: {  	v17 =	vmul.f32 v30, v32;
	v22 =	vld [tilespmem:s25+$0x40];
	(erf) = vpow2.f32 v29;
	v9 =	vmin.f32 v9, $5.000000000e+00;
	v26 =	vpop (erf)  }
0x8ad: {  	v27 =	vmul.f32 v27, v25;
	[tilespmem:s11+$0x60] =	vst v28;
	v16, _, _ =	vpop (xrf2);
	v28 =	vld [tilespmem:s8+$0xFFFFFF30];
	v25 =	vsel vm2, v5, v26;
	v5 =	vmul.f32 $1.442695020e+00, v9  }
0x8ae: {  	v14 =	vmul.f32 v26, v14;
	v9 =	vmul.f32 v4, v15;
	(xrf2) =	vadd.scan.msk.f32 $0xffff, v17;
	v4 =	vmax.f32 v16, $-5.000000000e+00;
	v15 =	vld [tilespmem:s12+$0xA0]  }
0x8af: {  	v11 =	vmul.f32 v10, v11;
	v4 =	vmin.f32 v4, $5.000000000e+00;
	v16 =	vld [tilespmem:s22+$0x60];
	v5 =	vbroadcast v5, $0xF  }
0x8b0: {  	v10 =	vsel vm3, v1, v10;
	v1 =	vmov v6;
	v26 =	vmul.f32 $1.442695020e+00, v4;
	v17 =	vld [tilespmem:s19+$0xFFFFFFB0];
	[tilespmem:s17+$0x20] =	vst v14  }
0x8b1: {  	(xrf2) =	vadd.scan.msk.f32 $0xffff, v27;
	v6, _, _ =	vpop (xrf2);
	v14 =	vld [tilespmem:s2+$0x60];
	(erf) = vpow2.f32 v5;
	[tilespmem:s4+$0xFFFFFFE0] =	vst v11  }
0x8b2: {  	v5 =	vmax.f32 v6, $-5.000000000e+00;
	v11 =	vbroadcast v26, $0xF;
	v4 =	vpop (erf);
	v26 =	vld [tilespmem:s8+$0xFFFFFFB0];
	[tilespmem:s4+$0xFFFFFFF0] =	vst v10  }
0x8b3: {  	v5 =	vmin.f32 v5, $5.000000000e+00;
	v20 =	vmul.f32 v4, v20;
	v4 =	vsel vm1, v7, v4;
	v7 =	vld [tilespmem:s19+$0xFFFFFFF0]  }
0x8b4: {  	v5 =	vmul.f32 $1.442695020e+00, v5;
	(xrf2) =	vadd.scan.msk.f32 $0xffff, v9;
	v9 =	vmul.f32 v16, v15;
	v10 =	vld [tilespmem:s8+$0x30];
	v15, _, _ =	vpop (xrf2)  }
0x8b5: {  	[tilespmem:s11+$0xFFFFFF70] =	vst v20;
	v6 =	vpop (erf);
	v17 =	vmul.f32 v17, v28;
	v16 =	vld [tilespmem:s19+$0x30];
	v15 =	vmax.f32 v15, $-5.000000000e+00;
	s19 =	smov.u32 s22;
	s22 =	smov.u32 s21  }
0x8b6: {  	v5 =	vbroadcast v5, $0xF;
	v9 =	vmul.f32 v14, v9;
	v14 =	vld [tilespmem:s8+$0xF0];
	v15 =	vmin.f32 v15, $5.000000000e+00  }
0x8b7: {  	v19 =	vmul.f32 v6, v19;
	v6 =	vsel vm1, v8, v6;
	v20 =	vld [tilespmem:s12+$0xFFFFFF20];
	(erf) = vpow2.f32 v11  }
0x8b8: {  	v8, _, _ =	vpop (xrf2);
	(erf) = vpow2.f32 v5;
	v5 =	vld [tilespmem:s19+$0xFFFFFFA0];
	(xrf2) =	vadd.scan.msk.f32 $0xffff, v9;
	v7 =	vmul.f32 v7, v26  }
0x8b9: {  	v11 =	vmul.f32 $1.442695020e+00, v15;
	v8 =	vmax.f32 v8, $-5.000000000e+00;
	v9 =	vld [tilespmem:s2+$0xFFFFFFA0];
	[tilespmem:s11+$0xFFFFFFC0] =	vst v19  }
0x8ba: {  	v8 =	vmin.f32 v8, $5.000000000e+00;
	v19 =	vld [tilespmem:s12+$0xFFFFFFA0];
	v26 =	vmul.f32 v16, v10;
	v10 =	vpop (erf)  }
0x8bb: {  	v8 =	vmul.f32 $1.442695020e+00, v8;
	v15, _, _ =	vpop (xrf2);
	v27 =	vld [tilespmem:s19+$0xFFFFFFE0];
	v16 =	vmul.f32 v10, v14;
	v10 =	vsel vm3, v13, v10  }
0x8bc: {  	v13 =	vmax.f32 v15, $-5.000000000e+00;
	v28 =	vld [tilespmem:s2+$0xFFFFFFE0];
	[tilespmem:s17+$0x90] =	vst v10;
	v10 =	vbroadcast v11, $0xF  }
0x8bd: {  	v8 =	vbroadcast v8, $0xF;
	v11 =	vmin.f32 v13, $5.000000000e+00;
	v13 =	vld [tilespmem:s25+$0xC0];
	v5 =	vmul.f32 v5, v20;
	[tilespmem:s17+$0x80] =	vst v16  }
0x8be: {  	v11 =	vmul.f32 $1.442695020e+00, v11;
	v14, _, _ =	vpop (xrf2);
	v16 =	vld [tilespmem:s12+$0xFFFFFF60];
	(erf) = vpow2.f32 v10  }
0x8bf: {  	v10 =	vmax.f32 v14, $-5.000000000e+00;
	(erf) = vpow2.f32 v8;
	v29 =	vmul.f32 v9, v5;
	v15 =	vld [tilespmem:s12+$0xFFFFFFE0]  }
0x8c0: {  	v11 =	vbroadcast v11, $0xF;
	v5 =	vmin.f32 v10, $5.000000000e+00;
	v10 =	vmul.f32 v27, v19;
	v9 =	vpop (erf);
	v14 =	vld [tilespmem:s16+$0xFFFFFFB0]  }
0x8c1: {  	v19 =	vmul.f32 $1.442695020e+00, v5;
	v20 =	vpop (erf);
	v18 =	vmul.f32 v9, v18;
	v5 =	vsel vm1, v3, v9;
	v3 =	vld [tilespmem:s16+$0xFFFFFFF0]  }
0x8c2: {  	v13 =	vmul.f32 v20, v13;
	v9 =	vnsel vm0, $0x0, v20;
	(erf) = vpow2.f32 v11;
	(xrf2) =	vadd.scan.msk.f32 $0xffff, v29;
	v8, _, _ =	vpop (xrf2);
	v11 =	vld [tilespmem:s16+$0x30];
	s16 =	smov.u32 s2;
	s2 =	smov.u32 s1  }
0x8c3: {  	s11 =	sadd.s32 $0x140, s11;
	v20 =	vmul.f32 v28, v10;
	v19 =	vbroadcast v19, $0xF;
	[tilespmem:s20+$0x10] =	vst v18;
	v8 =	vmax.f32 v8, $-5.000000000e+00;
	v10 =	vld [tilespmem:s8+$0xFFFFFF70]  }
0x8c4: {  	[tilespmem:s11+$0x50] =	vst v13;
	v13 =	vld [tilespmem:s12+$0x20];
	v8 =	vmin.f32 v8, $5.000000000e+00  }
0x8c5: {  	v18 =	vld [tilespmem:s25+$0x90];
	(erf) = vpow2.f32 v19;
	v8 =	vmul.f32 $1.442695020e+00, v8;
	(xrf2) =	vadd.scan.msk.f32 $0xffff, v20  }
0x8c6: {  	v14 =	vmul.f32 v14, v17;
	v19 =	vld [tilespmem:s21+$0x50];
	v3 =	vmul.f32 v3, v7  }
0x8c7: {  	v20 =	vld [tilespmem:s19+$0x20];
	v8 =	vbroadcast v8, $0xF;
	v17 =	vmul.f32 v11, v26;
	v7 =	vpop (erf)  }
0x8c8: {  	v26 =	vld [tilespmem:s1+$0x50];
	v11 =	vpop (erf);
	v12 =	vmul.f32 v7, v12;
	v27 =	vsel vm3, v0, v7;
	v0 =	vmov v25  }
0x8c9: {  	v24 =	vmul.f32 v11, v24;
	v7 =	vnsel vm0, $0x0, v11;
	v25 =	vld [tilespmem:s16+$0x20];
	(erf) = vpow2.f32 v8;
	(xrf2) =	vadd.scan.msk.f32 $0xffff, v14  }
0x8ca: {  	v14 =	vld [tilespmem:s12+$0x60];
	[tilespmem:s4+$0x30] =	vst v12  }
0x8cb: {  	[tilespmem:s11+$0xFFFFFF60] =	vst v24;
	v12 =	vmul.f32 v19, v18;
	v8 =	vpop (erf);
	v11 =	vld [tilespmem:s8+$0xFFFFFFF0]  }
0x8cc: {  	v18 =	vld [tilespmem:s25+$0xFFFFFF10];
	v24 =	vmul.f32 v8, v23;
	v8 =	vnsel vm0, $0x0, v8;
	v13 =	vmul.f32 v20, v13;
	v20, _, _ =	vpop (xrf2);
	(xrf2) =	vadd.scan.msk.f32 $0xffff, v3  }
0x8cd: {  	v23 =	vld [tilespmem:s21+$0xFFFFFF90];
	v12 =	vmul.f32 v26, v12;
	v3 =	vmax.f32 v20, $-5.000000000e+00;
	[tilespmem:s4+$0x40] =	vst v27;
	s4 =	smov.u32 s17;
	s17 =	smov.u32 s20;
	s20 =	smov.u32 s11  }
0x8ce: {  	[tilespmem:s11+$0xFFFFFFB0] =	vst v24;
	v19 =	vpop (erf);
	v20 =	vmin.f32 v3, $5.000000000e+00;
	v13 =	vmul.f32 v25, v13;
	v24 =	vld [tilespmem:s12+$0xE0]  }
0x8cf: {  	v25 =	vld [tilespmem:s25+$0xFFFFFF90];
	v22 =	vmul.f32 v19, v22;
	v3 =	vnsel vm0, $0x0, v19;
	(xrf2) =	vadd.scan.msk.f32 $0xffff, v12;
	v12 =	vmul.f32 $1.442695020e+00, v20;
	v19, _, _ =	vpop (xrf2)  }
0x8d0: {  	v20 =	vld [tilespmem:s21+$0xFFFFFFD0];
	v19 =	vmax.f32 v19, $-5.000000000e+00  }
0x8d1: {  	v26 =	vld [tilespmem:s1+$0xFFFFFF90];
	[tilespmem:s11+$0x0] =	vst v22;
	v12 =	vbroadcast v12, $0xF;
	v19 =	vmin.f32 v19, $5.000000000e+00  }
0x8d2: {  	v18 =	vmul.f32 v23, v18;
	v22 =	vld [tilespmem:s25+$0x10];
	v19 =	vmul.f32 $1.442695020e+00, v19;
	(xrf2) =	vadd.scan.msk.f32 $0xffff, v13;
	v13 =	vpop (erf)  }
0x8d3: {  	v23 =	vld [tilespmem:s21+$0x10];
	v24 =	vmul.f32 v13, v24;
	v13 =	vsel vm2, v21, v13;
	v21, _, _ =	vpop (xrf2)  }
0x8d4: {  	v27 =	vld [tilespmem:s1+$0xFFFFFFD0];
	v28 =	vbroadcast v19, $0xF;
	(erf) = vpow2.f32 v12;
	v12 =	vmax.f32 v21, $-5.000000000e+00  }
0x8d5: {  	v21 =	vmul.f32 v20, v25;
	v25 =	vld [tilespmem:s1+$0x10];
	[tilespmem:s17+$0x70] =	vst v24;
	v12 =	vmin.f32 v12, $5.000000000e+00  }
0x8d6: {  	v18 =	vmul.f32 v26, v18;
	v26 =	vld [tilespmem:s12+$0xB0];
	(erf) = vpow2.f32 v28;
	v19, _, _ =	vpop (xrf2)  }
0x8d7: {  	v12 =	vmul.f32 $1.442695020e+00, v12;
	v28 =	vld [tilespmem:s19+$0x70];
	v19 =	vmax.f32 v19, $-5.000000000e+00  }
.Ltmp7:
0x8d8: {  	v20 =	vld [tilespmem:s25+$0xFFFFFF50];
	v22 =	vmul.f32 v23, v22;
	(xrf2) =	vadd.scan.msk.f32 $0xffff, v18;
	v18 =	vmin.f32 v19, $5.000000000e+00;
	(pc) =	sbr.rel @p0 .LBB2_16-.Ltmp7, $4  }
0x8d9: {  	v30 =	vmul.f32 v27, v21;
	v24, _, _ =	vpop (xrf2);
	v23 =	vld [tilespmem:s16+$0x70];
	v29 =	vmul.f32 $1.442695020e+00, v18  }
0x8da: {  	v19 =	vld [tilespmem:s25+$0xFFFFFFD0];
	v21 =	vmul.f32 v25, v22;
	v22 =	vmax.f32 v24, $-5.000000000e+00;
	v24 =	vbroadcast v12, $0xF  }
0x8db: {  	v18 =	vld [tilespmem:s25+$0x50];
	v12 =	vmin.f32 v22, $5.000000000e+00;
	(xrf2) =	vadd.scan.msk.f32 $0xffff, v30;
	v22 =	vbroadcast v29, $0xF  }
0x8dc: {  	v25 =	vmul.f32 $1.442695020e+00, v12;
	v26 =	vmul.f32 v28, v26;
	v27, _, _ =	vpop (xrf2);
	v12 =	vld [tilespmem:s8+$0x70];
	s8 =	smov.u32 s12;
	s12 =	smov.u32 s25;
	s25 =	sadd.s32 $0x200, s25  }
0x8dd: {  	_ = 	snop  }
0x8de: {  	v23 =	vmul.f32 v23, v26;
	_ =	sdelay $0x1  }
0x8df: {  	(xrf2) =	vadd.scan.msk.f32 $0xffff, v23;
	_ =	sdelay $0x1  }
0x8e0: {  	(xrf2) =	vadd.scan.msk.f32 $0xffff, v21;
	_ =	sdelay $0x1  }
0x8e1: {  	v43 =	vbroadcast v25, $0xF;
	v45, _, _ =	vpop (xrf2)  }
0x8e2: {  	v44 =	vmax.f32 v27, $-5.000000000e+00;
	(erf) = vpow2.f32 v24;
	v46 =	vmax.f32 v45, $-5.000000000e+00  }
0x8e3: {  	v23 =	vmin.f32 v44, $5.000000000e+00;
	(erf) = vpow2.f32 v43;
	v21 =	vmin.f32 v46, $5.000000000e+00  }
0x8e4: {  	v23 =	vmul.f32 $1.442695020e+00, v23;
	v47, _, _ =	vpop (xrf2);
	v21 =	vmul.f32 $1.442695020e+00, v21  }
0x8e5: {  	v24 =	vmax.f32 v47, $-5.000000000e+00  }
0x8e6: {  	v23 =	vbroadcast v23, $0xF;
	v24 =	vmin.f32 v24, $5.000000000e+00;
	v21 =	vbroadcast v21, $0xF  }
0x8e7: {  	(erf) = vpow2.f32 v22;
	v24 =	vmul.f32 $1.442695020e+00, v24;
	v49, _, _ =	vpop (xrf2)  }
0x8e8: {  	v48 =	vld [tilespmem:s12+$0xD0];
	v22 =	vpop (erf);
	(erf) = vpow2.f32 v23;
	v23 =	vmax.f32 v49, $-5.000000000e+00  }
0x8e9: {  	v24 =	vbroadcast v24, $0xF;
	v50, _, _ =	vpop (xrf2);
	v23 =	vmin.f32 v23, $5.000000000e+00  }
0x8ea: {  	(erf) = vpow2.f32 v21;
	v21 =	vpop (erf);
	v51 =	vmax.f32 v50, $-5.000000000e+00  }
0x8eb: {  	v25 =	vpop (erf);
	(erf) = vpow2.f32 v24;
	v52 =	vmul.f32 $1.442695020e+00, v23;
	v27 =	vmin.f32 v51, $5.000000000e+00  }
0x8ec: {  	v16 =	vmul.f32 v22, v16;
	v27 =	vmul.f32 $1.442695020e+00, v27;
	v23 =	vpop (erf)  }
0x8ed: {  	v24 =	vbroadcast v52, $0xF;
	v26 =	vmul.f32 v23, v48  }
0x8ee: {  	[tilespmem:s17+$0xFFFFFF80] =	vst v16;
	v15 =	vmul.f32 v21, v15;
	v53 =	vbroadcast v27, $0xF  }
0x8ef: {  	v54 =	vld [tilespmem:s8+$0xFFFFFF30];
	(erf) = vpow2.f32 v24  }
0x8f0: {  	v30 =	vld [tilespmem:s19+$0xFFFFFFB0];
	[tilespmem:s17+$0xFFFFFFD0] =	vst v15;
	(erf) = vpow2.f32 v53  }
0x8f1: {  	v39 =	vld [tilespmem:s16+$0xFFFFFFB0];
	[tilespmem:s11+$0x60] =	vst v26;
	v26 =	vpop (erf)  }
0x8f2: {  	v32 =	vld [tilespmem:s8+$0xFFFFFFB0];
	v16 =	vpop (erf)  }
0x8f3: {  	v33 =	vld [tilespmem:s19+$0xFFFFFFF0];
	v24 =	vpop (erf)  }
0x8f4: {  	v28 =	vld [tilespmem:s12+$0xA0];
	v20 =	vmul.f32 v24, v20;
	v15 =	vpop (erf)  }
0x8f5: {  	v29 =	vld [tilespmem:s22+$0x60];
	v19 =	vmul.f32 v15, v19  }
0x8f6: {  	v31 =	vld [tilespmem:s2+$0x60];
	[tilespmem:s11+$0xFFFFFF70] =	vst v20  }
0x8f7: {  	v34 =	vld [tilespmem:s12+$0xFFFFFF20]  }
0x8f8: {  	v35 =	vld [tilespmem:s22+$0xFFFFFFA0];
	[tilespmem:s11+$0xFFFFFFC0] =	vst v19;
	v20 =	vpop (erf)  }
0x8f9: {  	v36 =	vld [tilespmem:s12+$0xFFFFFFA0];
	v19 =	vpop (erf)  }
0x8fa: {  	v28 =	vmul.f32 v29, v28;
	v37 =	vld [tilespmem:s22+$0xFFFFFFE0];
	v18 =	vmul.f32 v19, v18  }
0x8fb: {  	v38 =	vld [tilespmem:s2+$0xFFFFFFA0]  }
0x8fc: {  	v56 =	vmul.f32 v31, v28;
	v55 =	vld [tilespmem:s2+$0xFFFFFFE0];
	[tilespmem:s20+$0x10] =	vst v18  }
0x8fd: {  	(xrf2) =	vadd.scan.msk.f32 $0xffff, v17;
	v58 =	vld [tilespmem:s12+$0x20]  }
0x8fe: {  	(xrf2) =	vadd.scan.msk.f32 $0xffff, v56;
	v57 =	vmul.f32 v35, v34;
	v60 =	vld [tilespmem:s22+$0x20]  }
0x8ff: {  	v62 =	vld [tilespmem:s16+$0xFFFFFFF0];
	v59 =	vmul.f32 v37, v36  }
0x900: {  	v63 =	vld [tilespmem:s2+$0x20];
	v61 =	vmul.f32 v38, v57  }
0x901: {  	v27 =	vmul.f32 v30, v54;
	v17 =	vmul.f32 v55, v59  }
0x902: {  	v35 =	vmul.f32 v33, v32;
	(xrf2) =	vadd.scan.msk.f32 $0xffff, v61  }
0x903: {  	v36 =	vmul.f32 v39, v27;
	(xrf2) =	vadd.scan.msk.f32 $0xffff, v17;
	v37 =	vmul.f32 v60, v58  }
0x904: {  	v18 =	vmul.f32 v62, v35  }
0x905: {  	(xrf2) =	vadd.scan.msk.f32 $0xffff, v36;
	v38 =	vmul.f32 v63, v37  }
0x906: {  	(xrf2) =	vadd.scan.msk.f32 $0xffff, v18  }
0x907: {  	v39, _, _ =	vpop (xrf2);
	(xrf2) =	vadd.scan.msk.f32 $0xffff, v38  }
0x908: {  	v17 =	vmax.f32 v39, $-5.000000000e+00;
	v40, _, _ =	vpop (xrf2)  }
0x909: {  	v17 =	vmin.f32 v17, $5.000000000e+00;
	v18 =	vmax.f32 v40, $-5.000000000e+00  }
0x90a: {  	v17 =	vmul.f32 $1.442695020e+00, v17;
	v18 =	vmin.f32 v18, $5.000000000e+00  }
0x90b: {  	v18 =	vmul.f32 $1.442695020e+00, v18  }
0x90c: {  	v17 =	vbroadcast v17, $0xF;
	v41, _, _ =	vpop (xrf2)  }
0x90d: {  	v18 =	vbroadcast v18, $0xF;
	v27 =	vmax.f32 v41, $-5.000000000e+00;
	v42, _, _ =	vpop (xrf2)  }
0x90e: {  	(erf) = vpow2.f32 v17;
	v27 =	vmin.f32 v27, $5.000000000e+00;
	v28 =	vmax.f32 v42, $-5.000000000e+00  }
0x90f: {  	(erf) = vpow2.f32 v18;
	v44, _, _ =	vpop (xrf2);
	v27 =	vmul.f32 $1.442695020e+00, v27;
	v28 =	vmin.f32 v28, $5.000000000e+00  }
0x910: {  	v46 =	vmax.f32 v44, $-5.000000000e+00;
	v47, _, _ =	vpop (xrf2);
	v43 =	vmul.f32 $1.442695020e+00, v28  }
0x911: {  	v28 =	vmax.f32 v47, $-5.000000000e+00;
	v45 =	vbroadcast v27, $0xF;
	v27 =	vmin.f32 v46, $5.000000000e+00;
	v48, _, _ =	vpop (xrf2)  }
0x912: {  	v28 =	vmin.f32 v28, $5.000000000e+00;
	v17 =	vbroadcast v43, $0xF;
	v29 =	vmax.f32 v48, $-5.000000000e+00  }
0x913: {  	v27 =	vmul.f32 $1.442695020e+00, v27;
	v49 =	vmul.f32 $1.442695020e+00, v28;
	v50 =	vmin.f32 v29, $5.000000000e+00  }
0x914: {  	v52 =	vld [tilespmem:s12+$0xE0];
	(erf) = vpow2.f32 v45;
	v28 =	vmul.f32 $1.442695020e+00, v50  }
0x915: {  	v14 =	vmul.f32 v16, v14  }
0x916: {  	v27 =	vbroadcast v27, $0xF  }
0x917: {  	[tilespmem:s17+$0x20] =	vst v14;
	(erf) = vpow2.f32 v17;
	v51 =	vbroadcast v49, $0xF;
	v17 =	vpop (erf)  }
0x918: {  	v14 =	vld [tilespmem:s8+$0x30];
	(erf) = vpow2.f32 v27;
	v53 =	vbroadcast v28, $0xF;
	v28 =	vpop (erf)  }
0x919: {  	v54 =	vld [tilespmem:s12+$0xFFFFFF60];
	(erf) = vpow2.f32 v51;
	v18 =	vmul.f32 v28, v52  }
0x91a: {  	v56 =	vld [tilespmem:s12+$0xFFFFFFE0];
	(erf) = vpow2.f32 v53  }
0x91b: {  	v57 =	vld [tilespmem:s16+$0x30]  }
0x91c: {  	v55 =	vld [tilespmem:s19+$0x30]  }
0x91d: {  	v58 =	vld [tilespmem:s12+$0x60];
	[tilespmem:s20+$0x70] =	vst v18;
	v18 =	vpop (erf)  }
0x91e: {  	v59 =	vld [tilespmem:s12+$0xB0];
	v27 =	vmul.f32 v18, v54  }
0x91f: {  	v60 =	vld [tilespmem:s22+$0x70]  }
0x920: {  	v61 =	vld [tilespmem:s2+$0x70];
	v34 =	vpop (erf);
	[tilespmem:s20+$0xFFFFFF80] =	vst v27  }
0x921: {  	v36 =	vpop (erf);
	v30 =	vmul.f32 v34, v56;
	v62 =	vld [tilespmem:s12+$0xFFFFFF30]  }
0x922: {  	v44 =	vld [tilespmem:s22+$0xFFFFFFB0];
	v27 =	vpop (erf)  }
0x923: {  	[tilespmem:s20+$0xFFFFFFD0] =	vst v30;
	v47 =	vld [tilespmem:s2+$0xFFFFFFB0];
	v38 =	vpop (erf)  }
0x924: {  	v40 =	vld [tilespmem:s12+$0xFFFFFFB0];
	v63 =	vmul.f32 v38, v58  }
0x925: {  	v33 =	vmul.f32 v60, v59;
	v45 =	vld [tilespmem:s22+$0xFFFFFFF0]  }
0x926: {  	v14 =	vmul.f32 v55, v14;
	v48 =	vld [tilespmem:s2+$0xFFFFFFF0];
	[tilespmem:s20+$0x20] =	vst v63  }
0x927: {  	v33 =	vmul.f32 v61, v33;
	v41 =	vld [tilespmem:s12+$0x30]  }
0x928: {  	v14 =	vmul.f32 v57, v14;
	v46 =	vld [tilespmem:s22+$0x30]  }
0x929: {  	(xrf2) =	vadd.scan.msk.f32 $0xffff, v33;
	v49 =	vmul.f32 v44, v62  }
0x92a: {  	(xrf2) =	vadd.scan.msk.f32 $0xffff, v14;
	v50 =	vld [tilespmem:s2+$0x30];
	v51 =	vmul.f32 v45, v40  }
0x92b: {  	v29 =	vmul.f32 v47, v49  }
0x92c: {  	v14 =	vmul.f32 v48, v51  }
0x92d: {  	(xrf2) =	vadd.scan.msk.f32 $0xffff, v29;
	v52 =	vmul.f32 v46, v41  }
0x92e: {  	(xrf2) =	vadd.scan.msk.f32 $0xffff, v14  }
0x92f: {  	v53 =	vmul.f32 v50, v52;
	_ =	sdelay $0x1  }
0x930: {  	(xrf2) =	vadd.scan.msk.f32 $0xffff, v53;
	_ =	sdelay $0x1  }
0x931: {  	v55, _, _ =	vpop (xrf2)  }
0x932: {  	v56, _, _ =	vpop (xrf2);
	v29 =	vmax.f32 v55, $-5.000000000e+00  }
0x933: {  	v10 =	vmul.f32 v25, v10;
	v57 =	vmin.f32 v29, $5.000000000e+00;
	v58 =	vmax.f32 v56, $-5.000000000e+00  }
0x934: {  	v2 =	vsel vm3, v2, v25;
	v25 =	vmul.f32 $1.442695020e+00, v57;
	v29 =	vmin.f32 v58, $5.000000000e+00  }
0x935: {  	v11 =	vmul.f32 v26, v11;
	v1 =	vsel vm3, v1, v26;
	v59 =	vmul.f32 $1.442695020e+00, v29;
	v60, _, _ =	vpop (xrf2)  }
0x936: {  	v13 =	vsel vm3, v13, v20;
	v54 =	vld [tilespmem:s8+$0xF0];
	v61 =	vbroadcast v25, $0xF;
	v62 =	vmax.f32 v60, $-5.000000000e+00;
	v63, _, _ =	vpop (xrf2)  }
0x937: {  	[tilespmem:s4+$0xFFFFFFA0] =	vst v2;
	v31 =	vbroadcast v59, $0xF;
	v25 =	vmin.f32 v62, $5.000000000e+00;
	v32 =	vmax.f32 v63, $-5.000000000e+00  }
0x938: {  	[tilespmem:s4+$0xFFFFFF90] =	vst v10;
	v39 =	vld [tilespmem:s8+$0xFFFFFF70];
	(erf) = vpow2.f32 v61;
	v33 =	vmul.f32 $1.442695020e+00, v25;
	v35 =	vmin.f32 v32, $5.000000000e+00  }
0x939: {  	[tilespmem:s4+$0xFFFFFFF0] =	vst v1;
	v42 =	vmul.f32 v17, v12;
	v0 =	vsel vm3, v0, v17;
	v40 =	vmul.f32 $1.442695020e+00, v35;
	v37, _, _ =	vpop (xrf2)  }
0x93a: {  	[tilespmem:s4+$0xFFFFFFE0] =	vst v11;
	v43 =	vld [tilespmem:s8+$0xFFFFFFF0];
	(erf) = vpow2.f32 v31;
	v10 =	vbroadcast v33, $0xF;
	v41 =	vmax.f32 v37, $-5.000000000e+00  }
0x93b: {  	[tilespmem:s4+$0x40] =	vst v0;
	v14 =	vmul.f32 v20, v54;
	v11 =	vbroadcast v40, $0xF;
	v20 =	vmin.f32 v41, $5.000000000e+00  }
0x93c: {  	v4 =	vsel vm2, v4, v22;
	[tilespmem:s4+$0x30] =	vst v42;
	(erf) = vpow2.f32 v10;
	v44 =	vmul.f32 $1.442695020e+00, v20  }
0x93d: {  	[tilespmem:s17+$0x90] =	vst v13;
	v2 =	vmul.f32 v36, v39;
	v4 =	vsel vm3, v4, v36;
	v45 =	vld [tilespmem:s12+$0xF0]  }
0x93e: {  	v6 =	vsel vm2, v6, v21;
	[tilespmem:s17+$0xFFFFFFA0] =	vst v4;
	(erf) = vpow2.f32 v11;
	v46 =	vbroadcast v44, $0xF  }
0x93f: {  	[tilespmem:s17+$0xFFFFFF90] =	vst v2;
	v6 =	vsel vm3, v6, v27;
	v47 =	vld [tilespmem:s8+$0x70];
	v48 =	vmul.f32 v27, v43  }
0x940: {  	v9 =	vsel vm1, v9, v23;
	[tilespmem:s17+$0xFFFFFFF0] =	vst v6;
	(erf) = vpow2.f32 v46  }
0x941: {  	v9 =	vsel vm2, v9, v28;
	[tilespmem:s17+$0xFFFFFFE0] =	vst v48;
	v50 =	vld [tilespmem:s12+$0xFFFFFF70];
	v49 =	vpop (erf)  }
0x942: {  	[tilespmem:s17+$0x80] =	vst v14;
	v1 =	vmul.f32 v49, v45;
	v2 =	vsel vm3, v9, v49  }
0x943: {  	v52 =	vld [tilespmem:s12+$0xFFFFFFF0];
	v53 =	vsel vm2, v5, v16;
	v51 =	vpop (erf);
	[tilespmem:s20+$0x90] =	vst v2  }
0x944: {  	v54 =	vsel vm1, v7, v24;
	v0 =	vmul.f32 v51, v47;
	v2 =	vsel vm3, v53, v51;
	[tilespmem:s20+$0x80] =	vst v1  }
0x945: {  	v55 =	vld [tilespmem:s12+$0x70];
	v5 =	vsel vm2, v54, v18;
	[tilespmem:s17+$0x40] =	vst v2;
	v56 =	vpop (erf)  }
0x946: {  	v59 =	vsel vm1, v8, v15;
	[tilespmem:s17+$0x30] =	vst v0;
	v57 =	vmul.f32 v56, v50;
	v0 =	vsel vm3, v5, v56  }
0x947: {  	v58 =	vpop (erf);
	v5 =	vsel vm2, v59, v34;
	[tilespmem:s20+$0xFFFFFFA0] =	vst v0  }
0x948: {  	v3 =	vsel vm1, v3, v19;
	v60 =	vmul.f32 v58, v52;
	v4 =	vsel vm3, v5, v58;
	[tilespmem:s20+$0xFFFFFF90] =	vst v57  }
0x949: {  	v63 =	vsel vm2, v3, v38;
	[tilespmem:s20+$0xFFFFFFF0] =	vst v4;
	v61 =	vpop (erf)  }
0x94a: {  	[tilespmem:s20+$0xFFFFFFE0] =	vst v60;
	v62 =	vmul.f32 v61, v55;
	v1 =	vsel vm3, v63, v61  }
0x94b: {  	[tilespmem:s20+$0x40] =	vst v1  }
0x94c: {  	s1 =	simm.s32 $0x4DD0;
	[tilespmem:s20+$0x30] =	vst v62  }
0x94d: {  	[spmem:s3] =	stream.indirect.scatter.add.f32 [tilespmem:s9], [sflag:$0x3], $0x50, s1, s23, $0xb8;
	[tilespmem:$0x1E820] =	vst v63  }
0x94e: {  	_ =	swait.ge [sflag:s18], $0x1900  }
0x94f: {  	[sflag:s18] =	ssyncset.done $0x0  }
0x950: {  	[sflag:s18] =	ssyncadd.s32 $0xFFFFE700  }
0x951: {  	[bflag:$0x0] =	sbarrier.arrive $0xFFFF  }
0x952: {  	s24 =	rddreg [dreg:$0xf]  }
0x953: {  	s25 =	simm.s32 $0x10;
	s11 =	rddreg [dreg:$0xc]  }
0x954: {  	s29 =	simm.s32 $0xA;
	s8 =	rddreg [dreg:$0xd];
	s1 =	sadd.s32 $0x28000, s24  }
0x955: {  	[hbm:s1@s25], [sflag:s11] =	dma.strided [spmem:s8@s29], $0x1900, s0, $0xa   }
0x956: {  	_ =	swait.ge [sflag:s18], $0x1900  }
0x957: {  	s30 =	rddreg [dreg:$0xe]  }
0x958: {  	s31 =	rddreg [dreg:$0xa];
	s2 =	sadd.s32 $0x1, s30  }
0x959: {  	p0 =	sne.s32 s2, s31  }
.Ltmp8:
0x95a: {  	_ = 	snop;
	(pc) =	sbr.rel @p0 .LBB2_1-.Ltmp8, $3  }
0x95b: {  	_ =	sdelay $0x1  }
0x95c: {  	[sflag:s18] =	ssyncset.done $0x0  }
0x95d: {  	[sflag:s18] =	ssyncadd.s32 $0xFFFFE700  }
0x95e: {  	_ =	sfence.sel $0x180000  }
0x95f: {  	[bflag:$0x0] =	sbarrier.arrive $0xFFFF  }
0x960: {  	_ =	strace $0x90000047  }
0x961: {  	s0 =	stileid.u32;
	[bflag:$0x2] =	sbarrier.arrive $0xFFFF  }
0x962: {  	p0 =	sne.s32 s0, $0x0;
	s0 =	rddreg [dreg:$0x3]  }
0x963: {  	s0 =	sadd.s32 @!p0 $0x100000, s0  }
0x964: {  	[sflag:s0] =	ssyncadd.tile.s32 @!p0 $0x1;
	_ =	shalt  }
.Lfunc_end2:
_tile_overlayer_lowered:
.L_overlay_start_2:
0x965: {  	(tag) =	ssettag $0x2  }
0x966: {  	s0 =	rddreg [dreg:$0x0];
	s2 =	stileid.u32  }
0x967: {  	s1 =	rddreg [dreg:$0x1];
	p0 =	sne.s32 s2, $0x0  }
0x968: {  	s3 =	rddreg [dreg:$0x2];
	[bflag:$0x3] =	sbarrier.arrive $0xFFFF;
	s2 =	simm.s32 @!p0 $0x1C03  }
0x969: {  	[timem:s3], [sflag:s2] =	dma.local @!p0 [hbm:s0], s1  }
0x96a: {  	s0 =	simm.s32 @!p0 $0x3  }
0x96b: {  	_ =	swait.ge @!p0 [sflag:s0], s1  }
0x96c: {  	s1 =	ssub.s32 @!p0 $0x0, s1;
	[sflag:s0] =	ssyncset.done @!p0 $0x0  }
0x96d: {  	[sflag:s0] =	ssyncadd.s32 @!p0 s1  }
0x96e: {  	[bflag:$0x3] =	sbarrier.arrive $0xFFFF  }
0x96f: {  	_ =	shalt  }

</sc_bundles>
